<compile_context>
chip_gen: v7x
topology: tpu7x:2x2x1
jax: 0.10.2.dev20260603
libtpu: 0.0.44.dev20260713+nightly
codegen_flags: <defaults>
</compile_context>

<pallas_src>
import functools

import jax
import jax.numpy as jnp
from jax import lax
from jax.experimental import pallas as pl
from jax.experimental.pallas import tpu as pltpu
from jax.experimental.pallas import tpu_sc as plsc

_NC = 2
_NS = 16
_NW = _NC * _NS
_L = 16
_C = 128
_NCH = 80
_NEG = 0.2
_EPS = 1e-5


def _proj_body(ncr, x_ref, wl_ref, wr_ref, ei_ref, xl_ref, xr_ref,
               src2_ref, dst2_ref):
    x = x_ref[...]
    dn = (((1,), (1,)), ((), ()))
    xl_ref[...] = lax.dot_general(x, wl_ref[...], dn,
                                  preferred_element_type=jnp.float32)
    xr_ref[...] = lax.dot_general(x, wr_ref[...], dn,
                                  preferred_element_type=jnp.float32)
    npad = src2_ref.shape[0] - ncr
    zpad = jax.lax.broadcasted_iota(jnp.int32, (npad, 128), 1)
    src2_ref[...] = jnp.concatenate([ei_ref[0], zpad], axis=0)
    dst2_ref[...] = jnp.concatenate([ei_ref[1], zpad], axis=0)


def _norm_body(n, p_ref, bias_ref, gw_ref, gb_ref, gms_ref, m_ref):
    h = p_ref[0:n, :] + p_ref[n:2 * n, :] + bias_ref[...]
    mu = jnp.mean(h, axis=0, keepdims=True)
    o = h - gms_ref[...] * mu
    var = jnp.mean(o * o, axis=0, keepdims=True)
    m_ref[...] = o * lax.rsqrt(var + _EPS) * gw_ref[...] + gb_ref[...]


def _dadd_body(a_ref, b_ref, o_ref):
    o_ref[...] = a_ref[...] + b_ref[...]


def _sc1_body(ncr, zs, src_hbm, dst_hbm, xl_hbm, xr_hbm, att_hbm,
              ex_hbm, d0_hbm, d1_hbm,
              sall, dall, ga0, gb0, ga1, gb1, attv, logv, exv0, exv1, zv,
              dn_sh, semg0, semg1):
    cid = lax.axis_index("c")
    sid = lax.axis_index("s")
    wid = cid * _NS + sid
    base = wid * _NCH

    def _zb(i, _):
        zv[pl.ds(i * _L, _L)] = jnp.zeros((_L,), jnp.float32)
        return 0
    lax.fori_loop(0, zs // _L, _zb, 0)
    pltpu.sync_copy(zv, dn_sh.at[pl.ds(pl.multiple_of(sid * zs, 8), zs)])
    pltpu.sync_copy(att_hbm, attv)
    pltpu.sync_copy(src_hbm.at[pl.ds(pl.multiple_of(base, 8), _NCH)], sall)
    pltpu.sync_copy(dst_hbm.at[pl.ds(pl.multiple_of(base, 8), _NCH)], dall)
    plsc.subcore_barrier()

    last = lax.iota(jnp.int32, _L) == (_L - 1)

    def _compute(k, ga, gb, exv):
        @plsc.parallel_loop(0, _C, unroll=16)
        def _edge(e):
            acc = jnp.zeros((_L,), jnp.float32)
            for t in range(8):
                sl = pl.ds(t * _L, _L)
                s = ga[e, sl] + gb[e, sl]
                s = jnp.where(s > 0, s, _NEG * s)
                acc = acc + s * attv[sl]
            cum = plsc.cumsum(acc)
            plsc.store_scatter(logv, [jnp.full((_L,), e, jnp.int32)], cum,
                               mask=last)

        real = (base + k) < ncr

        @plsc.parallel_loop(0, _C // _L, unroll=8)
        def _expg(g):
            sl = pl.ds(g * _L, _L)
            exv[sl] = jnp.where(real, jnp.exp(logv[sl]), 0.0)

    def _store(k, exv):
        eb = pl.multiple_of((base + k) * _C, _C)
        pltpu.sync_copy(exv, ex_hbm.at[pl.ds(eb, _C)])
        pltpu.sync_copy(exv, dn_sh.at[dall.at[k]], add=True)

    def _pair(i, _):
        k0 = 2 * i
        k1 = k0 + 1
        cpsa = [pltpu.async_copy(xl_hbm.at[sall.at[k0]], ga0, semg0),
                pltpu.async_copy(xr_hbm.at[dall.at[k0]], gb0, semg0)]
        cpsb = [pltpu.async_copy(xl_hbm.at[sall.at[k1]], ga1, semg1),
                pltpu.async_copy(xr_hbm.at[dall.at[k1]], gb1, semg1)]
        for cp in cpsa:
            cp.wait()
        _compute(k0, ga0, gb0, exv0)
        _store(k0, exv0)
        for cp in cpsb:
            cp.wait()
        _compute(k1, ga1, gb1, exv1)
        _store(k1, exv1)
        return 0
    lax.fori_loop(0, _NCH // 2, _pair, 0)

    plsc.subcore_barrier()
    off = pl.multiple_of(sid * zs, 8)

    @pl.when(cid == 0)
    def _():
        pltpu.sync_copy(dn_sh.at[pl.ds(off, zs)], d0_hbm.at[pl.ds(off, zs)])

    @pl.when(cid == 1)
    def _():
        pltpu.sync_copy(dn_sh.at[pl.ds(off, zs)], d1_hbm.at[pl.ds(off, zs)])


def _sc2_body(nchunks, n, src_hbm, dst_hbm, ex_hbm, dc_hbm, xl_hbm,
              alpha_hbm, outp_hbm,
              sbuf, dbuf, rows_a, exv, dvc, av, zrow, out_sh, sem):
    c2 = 256
    kb2 = 2
    cid = lax.axis_index("c")
    sid = lax.axis_index("s")
    wid = cid * _NS + sid
    rpt = 632
    tail_lo = rpt - 4 * 128
    tail_hi = n - 15 * rpt - 4 * 128
    zbase = pl.multiple_of(sid * rpt, 8)

    def _zb(i, _):
        zrow[i // 8, pl.ds((i % 8) * _L, _L)] = jnp.zeros((_L,), jnp.float32)
        return 0
    lax.fori_loop(0, 128 * 8, _zb, 0)
    for i in range(4):
        pltpu.sync_copy(zrow, out_sh.at[pl.ds(zbase + i * 128, 128)])

    @pl.when(sid < _NS - 1)
    def _():
        pltpu.sync_copy(zrow.at[pl.ds(0, tail_lo)],
                        out_sh.at[pl.ds(zbase + 512, tail_lo)])

    @pl.when(sid == _NS - 1)
    def _():
        pltpu.sync_copy(zrow.at[pl.ds(0, tail_hi)],
                        out_sh.at[pl.ds(zbase + 512, tail_hi)])

    plsc.subcore_barrier()
    nmine = (nchunks - wid + _NW - 1) // _NW

    def _chunk(k, _):
        ci = wid + k * _NW
        eb = pl.multiple_of(ci * c2, c2)
        pltpu.sync_copy(src_hbm.at[pl.ds(ci * kb2, kb2)], sbuf)
        pltpu.sync_copy(dst_hbm.at[pl.ds(ci * kb2, kb2)], dbuf)
        pltpu.sync_copy(ex_hbm.at[pl.ds(eb, c2)], exv)
        cps = []
        for j in range(kb2):
            sl = pl.ds(j * 128, 128)
            cps.append(pltpu.async_copy(
                xl_hbm.at[sbuf.at[j]], rows_a.at[sl], sem))
            cps.append(pltpu.async_copy(dc_hbm.at[dbuf.at[j]], dvc.at[sl],
                                        sem))
        for cp in cps:
            cp.wait()

        @plsc.parallel_loop(0, c2 // _L, unroll=8)
        def _ag(g):
            sl = pl.ds(g * _L, _L)
            av[sl] = exv[sl] / jnp.maximum(dvc[sl], 1e-30)
        pltpu.sync_copy(av, alpha_hbm.at[pl.ds(eb, c2)])

        @plsc.parallel_loop(0, c2, unroll=16)
        def _edge(e):
            ab = plsc.load_gather(av, [jnp.full((_L,), e, jnp.int32)])
            for t in range(8):
                sl = pl.ds(t * _L, _L)
                rows_a[e, sl] = rows_a[e, sl] * ab
        for j in range(kb2):
            pltpu.sync_copy(rows_a.at[pl.ds(j * 128, 128)],
                            out_sh.at[dbuf.at[j]], add=True)
        return 0
    lax.fori_loop(0, nmine, _chunk, 0)

    plsc.subcore_barrier()
    obase = pl.multiple_of(cid * n + sid * rpt, 8)

    @pl.when(sid < _NS - 1)
    def _():
        pltpu.sync_copy(out_sh.at[pl.ds(zbase, rpt)],
                        outp_hbm.at[pl.ds(obase, rpt)])

    @pl.when(sid == _NS - 1)
    def _():
        pltpu.sync_copy(out_sh.at[pl.ds(zbase, 520)],
                        outp_hbm.at[pl.ds(obase, 520)])


def kernel(X, edge_index, attr, Wl, Wr, att, bias, gn_weight, gn_bias,
           gn_mean_scale):
    n, _ = X.shape
    out_d = Wl.shape[0]
    e_total = edge_index.shape[1]
    e_pad = _NW * _NCH * _C
    n_pad = ((n + _NS * 128 - 1) // (_NS * 128)) * (_NS * 128)
    zs = n_pad // _NS
    ncr = e_total // _C

    ei3 = edge_index.reshape(2, ncr, 128)
    xl, xr, src2, dst2 = pl.pallas_call(
        functools.partial(_proj_body, ncr),
        out_shape=[
            jax.ShapeDtypeStruct((n, out_d), jnp.float32),
            jax.ShapeDtypeStruct((n, out_d), jnp.float32),
            jax.ShapeDtypeStruct((e_pad // 128, 128), jnp.int32),
            jax.ShapeDtypeStruct((e_pad // 128, 128), jnp.int32),
        ],
    )(X, Wl, Wr, ei3)

    mesh = plsc.VectorSubcoreMesh(core_axis_name="c", subcore_axis_name="s",
                                  num_cores=_NC, num_subcores=_NS)

    sc1 = pl.kernel(
        functools.partial(_sc1_body, ncr, zs),
        out_type=[
            jax.ShapeDtypeStruct((e_pad,), jnp.float32),
            jax.ShapeDtypeStruct((n_pad,), jnp.float32),
            jax.ShapeDtypeStruct((n_pad,), jnp.float32),
        ],
        mesh=mesh,
        scratch_types=[
            pltpu.VMEM((_NCH, 128), jnp.int32),
            pltpu.VMEM((_NCH, 128), jnp.int32),
            pltpu.VMEM((_C, 128), jnp.float32),
            pltpu.VMEM((_C, 128), jnp.float32),
            pltpu.VMEM((_C, 128), jnp.float32),
            pltpu.VMEM((_C, 128), jnp.float32),
            pltpu.VMEM((out_d,), jnp.float32),
            pltpu.VMEM((_C,), jnp.float32),
            pltpu.VMEM((_C,), jnp.float32),
            pltpu.VMEM((_C,), jnp.float32),
            pltpu.VMEM((zs,), jnp.float32),
            pltpu.VMEM_SHARED((n_pad,), jnp.float32),
            pltpu.SemaphoreType.DMA,
            pltpu.SemaphoreType.DMA,
        ],
        compiler_params=pltpu.CompilerParams(needs_layout_passes=False),
    )
    ex, d0, d1 = sc1(src2, dst2, xl, xr, att.reshape(out_d))

    dc = pl.pallas_call(
        _dadd_body,
        out_shape=jax.ShapeDtypeStruct((n_pad // 128, 128), jnp.float32),
    )(d0.reshape(n_pad // 128, 128), d1.reshape(n_pad // 128, 128))

    sc2 = pl.kernel(
        functools.partial(_sc2_body, e_total // 256, n),
        out_type=[
            jax.ShapeDtypeStruct((e_pad,), jnp.float32),
            jax.ShapeDtypeStruct((2 * n, out_d), jnp.float32),
        ],
        mesh=mesh,
        scratch_types=[
            pltpu.VMEM((2, 128), jnp.int32),
            pltpu.VMEM((2, 128), jnp.int32),
            pltpu.VMEM((256, 128), jnp.float32),
            pltpu.VMEM((256,), jnp.float32),
            pltpu.VMEM((256,), jnp.float32),
            pltpu.VMEM((256,), jnp.float32),
            pltpu.VMEM((128, 128), jnp.float32),
            pltpu.VMEM_SHARED((n, out_d), jnp.float32),
            pltpu.SemaphoreType.DMA,
        ],
        compiler_params=pltpu.CompilerParams(needs_layout_passes=False),
    )
    alpha, outp = sc2(src2, dst2, ex, dc.reshape(n_pad), xl)

    m = pl.pallas_call(
        functools.partial(_norm_body, n),
        out_shape=jax.ShapeDtypeStruct((n, out_d), jnp.float32),
    )(outp, bias.reshape(1, out_d), gn_weight.reshape(1, out_d),
      gn_bias.reshape(1, out_d), gn_mean_scale.reshape(1, out_d))

    return (m, alpha[:e_total].reshape(e_total, 1))

# --- scband reference (transcript-rebuilt; emitter-appended) ---
"""Pipeline reference for scband-ae-layer-22686017257949 (READ-ONLY COPY).

The authoritative reference and input builder live on the scoring server;
editing this copy changes nothing except your own understanding.
"""

import jax, jax.numpy as jnp
import numpy as np

N = 10000
E = 320000
IN = 128
OUT = 128
H = 1
NEG_SLOPE = 0.2
EPS = 1e-5


def setup_inputs(seed: int = 0) -> dict:
    key = jax.random.key(seed)
    ks = jax.random.split(key, 10)
    X = jax.random.normal(ks[0], (N, IN), dtype=jnp.float32)
    edge_index = jax.random.randint(ks[1], (2, E), 0, N, dtype=jnp.int32)
    attr = jax.random.normal(ks[2], (E, 4), dtype=jnp.float32)
    # GATv2Conv params (lin_l, lin_r separate since share_weights=False)
    Wl = jax.random.normal(ks[3], (H * OUT, IN), dtype=jnp.float32) * (1.0 / np.sqrt(IN))
    Wr = jax.random.normal(ks[4], (H * OUT, IN), dtype=jnp.float32) * (1.0 / np.sqrt(IN))
    att = jax.random.normal(ks[5], (H, OUT), dtype=jnp.float32) * (1.0 / np.sqrt(OUT))
    bias = jnp.zeros((OUT,), dtype=jnp.float32)
    # GraphNorm params
    gn_weight = jnp.ones((OUT,), dtype=jnp.float32)
    gn_bias = jnp.zeros((OUT,), dtype=jnp.float32)
    gn_mean_scale = jnp.ones((OUT,), dtype=jnp.float32)
    return {"X": X, "edge_index": edge_index, "attr": attr, "Wl": Wl, "Wr": Wr,
            "att": att, "bias": bias, "gn_weight": gn_weight, "gn_bias": gn_bias,
            "gn_mean_scale": gn_mean_scale}


def reference(X, edge_index, attr, Wl, Wr, att, bias, gn_weight, gn_bias, gn_mean_scale):
    n = X.shape[0]
    src = edge_index[0]
    dst = edge_index[1]
    # GATv2Conv, heads=H, concat=False, eval mode (dropout no-op)
    xl = (X @ Wl.T).reshape(n, H, OUT)
    xr = (X @ Wr.T).reshape(n, H, OUT)
    e = xl[src] + xr[dst]                      # [E, H, OUT]
    e = jnp.where(e > 0, e, NEG_SLOPE * e)     # LeakyReLU(0.2)
    logits = (e * att[None, :, :]).sum(-1)     # [E, H]
    # softmax over incoming edges per dst node
    m = jax.ops.segment_max(logits, dst, num_segments=n)
    m = jnp.where(jnp.isfinite(m), m, 0.0)
    ex = jnp.exp(logits - m[dst])
    denom = jax.ops.segment_sum(ex, dst, num_segments=n)
    denom = jnp.where(denom == 0, 1.0, denom)
    alpha = ex / denom[dst]                    # [E, H]
    msg = xl[src] * alpha[:, :, None]          # [E, H, OUT]
    out = jax.ops.segment_sum(msg, dst, num_segments=n)  # [N, H, OUT]
    Hout = out.mean(axis=1) + bias             # concat=False -> mean over heads
    # GraphNorm (single graph)
    mu = Hout.mean(axis=0)
    o = Hout - gn_mean_scale * mu
    var = (o * o).mean(axis=0)
    M = o / jnp.sqrt(var + EPS) * gn_weight + gn_bias
    return (M, alpha)

if __name__ == "__main__":
    import jax
    _d = setup_inputs()
    print(jax.jit(kernel)(*tuple(_d.values())))

</pallas_src>

<mosaic_0001>
#map = affine_map<(d0, d1) -> (0, 0)>
#map1 = affine_map<(d0, d1) -> (0)>
module attributes {stable_mosaic.version = 14 : i64} {
  func.func @_sc1_body(%arg0: i32, %arg1: i32, %arg2: memref<2560x128xi32, #tpu.memory_space<hbm>>, %arg3: memref<2560x128xi32, #tpu.memory_space<hbm>>, %arg4: memref<10000x128xf32, #tpu.memory_space<hbm>>, %arg5: memref<10000x128xf32, #tpu.memory_space<hbm>>, %arg6: memref<128xf32, #tpu.memory_space<hbm>>, %arg7: memref<327680xf32, #tpu.memory_space<hbm>>, %arg8: memref<10240xf32, #tpu.memory_space<hbm>>, %arg9: memref<10240xf32, #tpu.memory_space<hbm>>, %arg10: memref<80x128xi32, #tpu.memory_space<vmem>>, %arg11: memref<80x128xi32, #tpu.memory_space<vmem>>, %arg12: memref<128x128xf32, #tpu.memory_space<vmem>>, %arg13: memref<128x128xf32, #tpu.memory_space<vmem>>, %arg14: memref<128x128xf32, #tpu.memory_space<vmem>>, %arg15: memref<128x128xf32, #tpu.memory_space<vmem>>, %arg16: memref<128xf32, #tpu.memory_space<vmem>>, %arg17: memref<128xf32, #tpu.memory_space<vmem>>, %arg18: memref<128xf32, #tpu.memory_space<vmem>>, %arg19: memref<128xf32, #tpu.memory_space<vmem>>, %arg20: memref<640xf32, #tpu.memory_space<vmem>>, %arg21: memref<10240xf32, #tpu.memory_space<vmem_shared>>, %arg22: memref<!tpu.dma_semaphore, #tpu.memory_space<semaphore_mem>>, %arg23: memref<!tpu.dma_semaphore, #tpu.memory_space<semaphore_mem>>) attributes {dimension_semantics = [#tpu.dimension_semantics<core_parallel>, #tpu.dimension_semantics<subcore_parallel>], iteration_bounds = array<i64: 2, 16>, scalar_prefetch = 0 : i64, scratch_operands = 14 : i64, tpu.core_type = #tpu.core_type<sc_vector_subcore>, window_params = [{transform_indices = #map}, {transform_indices = #map}, {transform_indices = #map}, {transform_indices = #map}, {transform_indices = #map1}, {transform_indices = #map1}, {transform_indices = #map1}, {transform_indices = #map1}]} {
    %mul3A = arith.constant 16 : i32
    %mul3A_0 = arith.muli %arg0, %mul3A : i32
    %add3A = arith.addi %mul3A_0, %arg1 : i32
    %mul3A_1 = arith.constant 80 : i32
    %mul3A_2 = arith.muli %add3A, %mul3A_1 : i32
    %scan3A = arith.constant 0 : i32
    %scan3A_3 = arith.constant 0 : i32
    %scan3A_4 = arith.constant 40 : i32
    %scan3A_5 = arith.addi %scan3A_3, %scan3A_4 : i32
    %scan3A_6 = arith.constant 1 : i32
    %scan3A_7 = scf.for %scan3A_34 = %scan3A_3 to %scan3A_5 step %scan3A_6 iter_args(%scan3A_35 = %scan3A) -> (i32)  : i32 {
      %broadcast_in_dim3A = arith.constant 0.000000e+00 : f32
      %broadcast_in_dim3A_36 = vector.broadcast %broadcast_in_dim3A : f32 to vector<16xf32>
      %mul3A_37 = arith.constant 16 : i32
      %mul3A_38 = arith.muli %scan3A_34, %mul3A_37 : i32
      %swap3A = arith.index_cast %mul3A_38 : i32 to index
      %swap3A_39 = tpu.vector_load %arg20[%swap3A] {strides = array<i32>} : memref<640xf32, #tpu.memory_space<vmem>>, vector<16xf32>,
      tpu.vector_store %arg20[%swap3A], %broadcast_in_dim3A_36 {strides = array<i32>} : memref<640xf32, #tpu.memory_space<vmem>>, vector<16xf32>,
      %scan3A_40 = arith.constant 0 : i32
      scf.yield %scan3A_40 : i32
    }
    %scan3A_8 = arith.constant 40 : i32
    %mul3A_9 = arith.constant 640 : i32
    %mul3A_10 = arith.muli %arg1, %mul3A_9 : i32
    %multiple_of3A = tpu.assume_multiple %mul3A_10, 8 : i32
    "tpu.region"() ({
      %run_scoped3A = tpu.sem_alloc : memref<!tpu.dma_semaphore, #tpu.memory_space<semaphore_mem>>
      %dma_start3A = tpu.memref_slice %arg21[%multiple_of3A] : memref<10240xf32, #tpu.memory_space<vmem_shared>> -> memref<640xf32, #tpu.memory_space<vmem_shared>>
      %dma_start3A_34 = tpu.memref_slice %arg21[%multiple_of3A] : memref<10240xf32, #tpu.memory_space<vmem_shared>> -> memref<640xf32, #tpu.memory_space<vmem_shared>>
      tpu.enqueue_dma source(%arg20 : memref<640xf32, #tpu.memory_space<vmem>>) target(%dma_start3A_34 : memref<640xf32, #tpu.memory_space<vmem_shared>>) target_semaphore(%run_scoped3A : memref<!tpu.dma_semaphore, #tpu.memory_space<semaphore_mem>>)
      %dma_wait3A = tpu.memref_slice %arg21[%multiple_of3A] : memref<10240xf32, #tpu.memory_space<vmem_shared>> -> memref<640xf32, #tpu.memory_space<vmem_shared>>
      %dma_wait3A_35 = tpu.memref_slice %arg21[%multiple_of3A] : memref<10240xf32, #tpu.memory_space<vmem_shared>> -> memref<640xf32, #tpu.memory_space<vmem_shared>>
      tpu.wait_dma2 semaphore(%run_scoped3A : memref<!tpu.dma_semaphore, #tpu.memory_space<semaphore_mem>>) src(%arg20 : memref<640xf32, #tpu.memory_space<vmem>>) dst(%dma_wait3A_35 : memref<640xf32, #tpu.memory_space<vmem_shared>>)
      tpu.yield
    }) : () -> ()
    "tpu.region"() ({
      %run_scoped3A = tpu.sem_alloc : memref<!tpu.dma_semaphore, #tpu.memory_space<semaphore_mem>>
      tpu.enqueue_dma source(%arg6 : memref<128xf32, #tpu.memory_space<hbm>>) target(%arg16 : memref<128xf32, #tpu.memory_space<vmem>>) target_semaphore(%run_scoped3A : memref<!tpu.dma_semaphore, #tpu.memory_space<semaphore_mem>>)
      tpu.wait_dma2 semaphore(%run_scoped3A : memref<!tpu.dma_semaphore, #tpu.memory_space<semaphore_mem>>) src(%arg6 : memref<128xf32, #tpu.memory_space<hbm>>) dst(%arg16 : memref<128xf32, #tpu.memory_space<vmem>>)
      tpu.yield
    }) : () -> ()
    %multiple_of3A_11 = tpu.assume_multiple %mul3A_2, 8 : i32
    "tpu.region"() ({
      %run_scoped3A = tpu.sem_alloc : memref<!tpu.dma_semaphore, #tpu.memory_space<semaphore_mem>>
      %dma_start3A = arith.constant 0 : i32
      %dma_start3A_34 = tpu.memref_slice %arg2[%multiple_of3A_11, %dma_start3A] : memref<2560x128xi32, #tpu.memory_space<hbm>> -> memref<80x128xi32, #tpu.memory_space<hbm>>
      %dma_start3A_35 = arith.constant 0 : i32
      %dma_start3A_36 = tpu.memref_slice %arg2[%multiple_of3A_11, %dma_start3A_35] : memref<2560x128xi32, #tpu.memory_space<hbm>> -> memref<80x128xi32, #tpu.memory_space<hbm>>
      tpu.enqueue_dma source(%dma_start3A_36 : memref<80x128xi32, #tpu.memory_space<hbm>>) target(%arg10 : memref<80x128xi32, #tpu.memory_space<vmem>>) target_semaphore(%run_scoped3A : memref<!tpu.dma_semaphore, #tpu.memory_space<semaphore_mem>>)
      %dma_wait3A = arith.constant 0 : i32
      %dma_wait3A_37 = tpu.memref_slice %arg2[%multiple_of3A_11, %dma_wait3A] : memref<2560x128xi32, #tpu.memory_space<hbm>> -> memref<80x128xi32, #tpu.memory_space<hbm>>
      %dma_wait3A_38 = arith.constant 0 : i32
      %dma_wait3A_39 = tpu.memref_slice %arg2[%multiple_of3A_11, %dma_wait3A_38] : memref<2560x128xi32, #tpu.memory_space<hbm>> -> memref<80x128xi32, #tpu.memory_space<hbm>>
      tpu.wait_dma2 semaphore(%run_scoped3A : memref<!tpu.dma_semaphore, #tpu.memory_space<semaphore_mem>>) src(%dma_wait3A_39 : memref<80x128xi32, #tpu.memory_space<hbm>>) dst(%arg10 : memref<80x128xi32, #tpu.memory_space<vmem>>)
      tpu.yield
    }) : () -> ()
    %multiple_of3A_12 = tpu.assume_multiple %mul3A_2, 8 : i32
    "tpu.region"() ({
      %run_scoped3A = tpu.sem_alloc : memref<!tpu.dma_semaphore, #tpu.memory_space<semaphore_mem>>
      %dma_start3A = arith.constant 0 : i32
      %dma_start3A_34 = tpu.memref_slice %arg3[%multiple_of3A_12, %dma_start3A] : memref<2560x128xi32, #tpu.memory_space<hbm>> -> memref<80x128xi32, #tpu.memory_space<hbm>>
      %dma_start3A_35 = arith.constant 0 : i32
      %dma_start3A_36 = tpu.memref_slice %arg3[%multiple_of3A_12, %dma_start3A_35] : memref<2560x128xi32, #tpu.memory_space<hbm>> -> memref<80x128xi32, #tpu.memory_space<hbm>>
      tpu.enqueue_dma source(%dma_start3A_36 : memref<80x128xi32, #tpu.memory_space<hbm>>) target(%arg11 : memref<80x128xi32, #tpu.memory_space<vmem>>) target_semaphore(%run_scoped3A : memref<!tpu.dma_semaphore, #tpu.memory_space<semaphore_mem>>)
      %dma_wait3A = arith.constant 0 : i32
      %dma_wait3A_37 = tpu.memref_slice %arg3[%multiple_of3A_12, %dma_wait3A] : memref<2560x128xi32, #tpu.memory_space<hbm>> -> memref<80x128xi32, #tpu.memory_space<hbm>>
      %dma_wait3A_38 = arith.constant 0 : i32
      %dma_wait3A_39 = tpu.memref_slice %arg3[%multiple_of3A_12, %dma_wait3A_38] : memref<2560x128xi32, #tpu.memory_space<hbm>> -> memref<80x128xi32, #tpu.memory_space<hbm>>
      tpu.wait_dma2 semaphore(%run_scoped3A : memref<!tpu.dma_semaphore, #tpu.memory_space<semaphore_mem>>) src(%dma_wait3A_39 : memref<80x128xi32, #tpu.memory_space<hbm>>) dst(%arg11 : memref<80x128xi32, #tpu.memory_space<vmem>>)
      tpu.yield
    }) : () -> ()
    %barrier3A = arith.constant 0 : index
    tpu.barrier barrier_id(%barrier3A)
    %iota3A = tpu.iota {dimensions = array<i32: 0>} : vector<16xi32>
    %eq3A = arith.constant 15 : i32
    %eq3A_13 = vector.broadcast %eq3A : i32 to vector<16xi32>
    %eq3A_14 = arith.cmpi eq, %iota3A, %eq3A_13 : vector<16xi32>
    %scan3A_15 = arith.constant 0 : i32
    %scan3A_16 = arith.constant 0 : i32
    %scan3A_17 = arith.constant 40 : i32
    %scan3A_18 = arith.addi %scan3A_16, %scan3A_17 : i32
    %scan3A_19 = arith.constant 1 : i32
    %scan3A_20 = scf.for %scan3A_34 = %scan3A_16 to %scan3A_18 step %scan3A_19 iter_args(%scan3A_35 = %scan3A_15) -> (i32)  : i32 {
      %mul3A_36 = arith.constant 2 : i32
      %mul3A_37 = arith.muli %mul3A_36, %scan3A_34 : i32
      %add3A_38 = arith.constant 1 : i32
      %add3A_39 = arith.addi %mul3A_37, %add3A_38 : i32
      %dma_start3A = arith.constant 0 : i32
      %dma_start3A_40 = tpu.memref_slice %arg10[%mul3A_37, %dma_start3A] : memref<80x128xi32, #tpu.memory_space<vmem>> -> memref<1x128xi32, #tpu.memory_space<vmem>>
      %dma_start3A_41 = tpu.memref_squeeze %dma_start3A_40 : memref<1x128xi32, #tpu.memory_space<vmem>> -> memref<128xi32, #tpu.memory_space<vmem>>
      %dma_start3A_42 = arith.constant 0 : i32
      %dma_start3A_43 = arith.constant 0 : i32
      %dma_start3A_44 = tpu.memref_slice %arg4[%dma_start3A_42, %dma_start3A_43] : memref<10000x128xf32, #tpu.memory_space<hbm>> -> memref<10000x128xf32, #tpu.memory_space<hbm>>
      tpu.enqueue_indirect_dma source(%dma_start3A_44 : memref<10000x128xf32, #tpu.memory_space<hbm>>) target(%arg12 : memref<128x128xf32, #tpu.memory_space<vmem>>) offsets(%dma_start3A_41 : memref<128xi32, #tpu.memory_space<vmem>>) semaphore(%arg22 : memref<!tpu.dma_semaphore, #tpu.memory_space<semaphore_mem>>)
      %dma_start3A_45 = arith.constant 0 : i32
      %dma_start3A_46 = tpu.memref_slice %arg11[%mul3A_37, %dma_start3A_45] : memref<80x128xi32, #tpu.memory_space<vmem>> -> memref<1x128xi32, #tpu.memory_space<vmem>>
      %dma_start3A_47 = tpu.memref_squeeze %dma_start3A_46 : memref<1x128xi32, #tpu.memory_space<vmem>> -> memref<128xi32, #tpu.memory_space<vmem>>
      %dma_start3A_48 = arith.constant 0 : i32
      %dma_start3A_49 = arith.constant 0 : i32
      %dma_start3A_50 = tpu.memref_slice %arg5[%dma_start3A_48, %dma_start3A_49] : memref<10000x128xf32, #tpu.memory_space<hbm>> -> memref<10000x128xf32, #tpu.memory_space<hbm>>
      tpu.enqueue_indirect_dma source(%dma_start3A_50 : memref<10000x128xf32, #tpu.memory_space<hbm>>) target(%arg13 : memref<128x128xf32, #tpu.memory_space<vmem>>) offsets(%dma_start3A_47 : memref<128xi32, #tpu.memory_space<vmem>>) semaphore(%arg22 : memref<!tpu.dma_semaphore, #tpu.memory_space<semaphore_mem>>)
      %dma_start3A_51 = arith.constant 0 : i32
      %dma_start3A_52 = tpu.memref_slice %arg10[%add3A_39, %dma_start3A_51] : memref<80x128xi32, #tpu.memory_space<vmem>> -> memref<1x128xi32, #tpu.memory_space<vmem>>
      %dma_start3A_53 = tpu.memref_squeeze %dma_start3A_52 : memref<1x128xi32, #tpu.memory_space<vmem>> -> memref<128xi32, #tpu.memory_space<vmem>>
      %dma_start3A_54 = arith.constant 0 : i32
      %dma_start3A_55 = arith.constant 0 : i32
      %dma_start3A_56 = tpu.memref_slice %arg4[%dma_start3A_54, %dma_start3A_55] : memref<10000x128xf32, #tpu.memory_space<hbm>> -> memref<10000x128xf32, #tpu.memory_space<hbm>>
      tpu.enqueue_indirect_dma source(%dma_start3A_56 : memref<10000x128xf32, #tpu.memory_space<hbm>>) target(%arg14 : memref<128x128xf32, #tpu.memory_space<vmem>>) offsets(%dma_start3A_53 : memref<128xi32, #tpu.memory_space<vmem>>) semaphore(%arg23 : memref<!tpu.dma_semaphore, #tpu.memory_space<semaphore_mem>>)
      %dma_start3A_57 = arith.constant 0 : i32
      %dma_start3A_58 = tpu.memref_slice %arg11[%add3A_39, %dma_start3A_57] : memref<80x128xi32, #tpu.memory_space<vmem>> -> memref<1x128xi32, #tpu.memory_space<vmem>>
      %dma_start3A_59 = tpu.memref_squeeze %dma_start3A_58 : memref<1x128xi32, #tpu.memory_space<vmem>> -> memref<128xi32, #tpu.memory_space<vmem>>
      %dma_start3A_60 = arith.constant 0 : i32
      %dma_start3A_61 = arith.constant 0 : i32
      %dma_start3A_62 = tpu.memref_slice %arg5[%dma_start3A_60, %dma_start3A_61] : memref<10000x128xf32, #tpu.memory_space<hbm>> -> memref<10000x128xf32, #tpu.memory_space<hbm>>
      tpu.enqueue_indirect_dma source(%dma_start3A_62 : memref<10000x128xf32, #tpu.memory_space<hbm>>) target(%arg15 : memref<128x128xf32, #tpu.memory_space<vmem>>) offsets(%dma_start3A_59 : memref<128xi32, #tpu.memory_space<vmem>>) semaphore(%arg23 : memref<!tpu.dma_semaphore, #tpu.memory_space<semaphore_mem>>)
      %dma_wait3A = arith.constant 0 : i32
      %dma_wait3A_63 = tpu.memref_slice %arg10[%mul3A_37, %dma_wait3A] : memref<80x128xi32, #tpu.memory_space<vmem>> -> memref<1x128xi32, #tpu.memory_space<vmem>>
      %dma_wait3A_64 = tpu.memref_squeeze %dma_wait3A_63 : memref<1x128xi32, #tpu.memory_space<vmem>> -> memref<128xi32, #tpu.memory_space<vmem>>
      %dma_wait3A_65 = arith.constant 0 : i32
      %dma_wait3A_66 = arith.constant 0 : i32
      %dma_wait3A_67 = tpu.memref_slice %arg4[%dma_wait3A_65, %dma_wait3A_66] : memref<10000x128xf32, #tpu.memory_space<hbm>> -> memref<10000x128xf32, #tpu.memory_space<hbm>>
      tpu.wait_indirect_dma semaphore(%arg22 : memref<!tpu.dma_semaphore, #tpu.memory_space<semaphore_mem>>) src(%dma_wait3A_67 : memref<10000x128xf32, #tpu.memory_space<hbm>>) dst(%arg12 : memref<128x128xf32, #tpu.memory_space<vmem>>)
      %dma_wait3A_68 = arith.constant 0 : i32
      %dma_wait3A_69 = tpu.memref_slice %arg11[%mul3A_37, %dma_wait3A_68] : memref<80x128xi32, #tpu.memory_space<vmem>> -> memref<1x128xi32, #tpu.memory_space<vmem>>
      %dma_wait3A_70 = tpu.memref_squeeze %dma_wait3A_69 : memref<1x128xi32, #tpu.memory_space<vmem>> -> memref<128xi32, #tpu.memory_space<vmem>>
      %dma_wait3A_71 = arith.constant 0 : i32
      %dma_wait3A_72 = arith.constant 0 : i32
      %dma_wait3A_73 = tpu.memref_slice %arg5[%dma_wait3A_71, %dma_wait3A_72] : memref<10000x128xf32, #tpu.memory_space<hbm>> -> memref<10000x128xf32, #tpu.memory_space<hbm>>
      tpu.wait_indirect_dma semaphore(%arg22 : memref<!tpu.dma_semaphore, #tpu.memory_space<semaphore_mem>>) src(%dma_wait3A_73 : memref<10000x128xf32, #tpu.memory_space<hbm>>) dst(%arg13 : memref<128x128xf32, #tpu.memory_space<vmem>>)
      %parallel_loop3A = arith.constant 0 : i32
      %parallel_loop3A_74 = arith.constant 128 : i32
      %parallel_loop3A_75 = arith.constant 1 : i32
      scf.for %parallel_loop3A_111 = %parallel_loop3A to %parallel_loop3A_74 step %parallel_loop3A_75  : i32 {
        %parallel_loop3A_112 = arith.constant 0.000000e+00 : f32
        %parallel_loop3A_113 = vector.broadcast %parallel_loop3A_112 : f32 to vector<16xf32>
        %parallel_loop3A_114 = arith.index_cast %parallel_loop3A_111 : i32 to index
        %parallel_loop3A_115 = arith.constant 0 : index
        %parallel_loop3A_116 = tpu.vector_load %arg12[%parallel_loop3A_114, %parallel_loop3A_115] {strides = array<i32>} : memref<128x128xf32, #tpu.memory_space<vmem>>, vector<16xf32>,
        %parallel_loop3A_117 = arith.index_cast %parallel_loop3A_111 : i32 to index
        %parallel_loop3A_118 = arith.constant 0 : index
        %parallel_loop3A_119 = tpu.vector_load %arg13[%parallel_loop3A_117, %parallel_loop3A_118] {strides = array<i32>} : memref<128x128xf32, #tpu.memory_space<vmem>>, vector<16xf32>,
        %parallel_loop3A_120 = arith.addf %parallel_loop3A_116, %parallel_loop3A_119 : vector<16xf32>
        %parallel_loop3A_121 = arith.constant 0.000000e+00 : f32
        %parallel_loop3A_122 = vector.broadcast %parallel_loop3A_121 : f32 to vector<16xf32>
        %parallel_loop3A_123 = arith.cmpf ogt, %parallel_loop3A_120, %parallel_loop3A_122 : vector<16xf32>
        %parallel_loop3A_124 = arith.constant 2.000000e-01 : f32
        %parallel_loop3A_125 = vector.broadcast %parallel_loop3A_124 : f32 to vector<16xf32>
        %parallel_loop3A_126 = arith.mulf %parallel_loop3A_125, %parallel_loop3A_120 : vector<16xf32>
        %parallel_loop3A_127 = arith.select %parallel_loop3A_123, %parallel_loop3A_120, %parallel_loop3A_126 : vector<16xi1>, vector<16xf32>
        %parallel_loop3A_128 = arith.constant 0 : index
        %parallel_loop3A_129 = tpu.vector_load %arg16[%parallel_loop3A_128] {strides = array<i32>} : memref<128xf32, #tpu.memory_space<vmem>>, vector<16xf32>,
        %parallel_loop3A_130 = arith.mulf %parallel_loop3A_127, %parallel_loop3A_129 : vector<16xf32>
        %parallel_loop3A_131 = arith.addf %parallel_loop3A_113, %parallel_loop3A_130 : vector<16xf32>
        %parallel_loop3A_132 = arith.index_cast %parallel_loop3A_111 : i32 to index
        %parallel_loop3A_133 = arith.constant 16 : index
        %parallel_loop3A_134 = tpu.vector_load %arg12[%parallel_loop3A_132, %parallel_loop3A_133] {strides = array<i32>} : memref<128x128xf32, #tpu.memory_space<vmem>>, vector<16xf32>,
        %parallel_loop3A_135 = arith.index_cast %parallel_loop3A_111 : i32 to index
        %parallel_loop3A_136 = arith.constant 16 : index
        %parallel_loop3A_137 = tpu.vector_load %arg13[%parallel_loop3A_135, %parallel_loop3A_136] {strides = array<i32>} : memref<128x128xf32, #tpu.memory_space<vmem>>, vector<16xf32>,
        %parallel_loop3A_138 = arith.addf %parallel_loop3A_134, %parallel_loop3A_137 : vector<16xf32>
        %parallel_loop3A_139 = arith.constant 0.000000e+00 : f32
        %parallel_loop3A_140 = vector.broadcast %parallel_loop3A_139 : f32 to vector<16xf32>
        %parallel_loop3A_141 = arith.cmpf ogt, %parallel_loop3A_138, %parallel_loop3A_140 : vector<16xf32>
        %parallel_loop3A_142 = arith.constant 2.000000e-01 : f32
        %parallel_loop3A_143 = vector.broadcast %parallel_loop3A_142 : f32 to vector<16xf32>
        %parallel_loop3A_144 = arith.mulf %parallel_loop3A_143, %parallel_loop3A_138 : vector<16xf32>
        %parallel_loop3A_145 = arith.select %parallel_loop3A_141, %parallel_loop3A_138, %parallel_loop3A_144 : vector<16xi1>, vector<16xf32>
        %parallel_loop3A_146 = arith.constant 16 : index
        %parallel_loop3A_147 = tpu.vector_load %arg16[%parallel_loop3A_146] {strides = array<i32>} : memref<128xf32, #tpu.memory_space<vmem>>, vector<16xf32>,
        %parallel_loop3A_148 = arith.mulf %parallel_loop3A_145, %parallel_loop3A_147 : vector<16xf32>
        %parallel_loop3A_149 = arith.addf %parallel_loop3A_131, %parallel_loop3A_148 : vector<16xf32>
        %parallel_loop3A_150 = arith.index_cast %parallel_loop3A_111 : i32 to index
        %parallel_loop3A_151 = arith.constant 32 : index
        %parallel_loop3A_152 = tpu.vector_load %arg12[%parallel_loop3A_150, %parallel_loop3A_151] {strides = array<i32>} : memref<128x128xf32, #tpu.memory_space<vmem>>, vector<16xf32>,
        %parallel_loop3A_153 = arith.index_cast %parallel_loop3A_111 : i32 to index
        %parallel_loop3A_154 = arith.constant 32 : index
        %parallel_loop3A_155 = tpu.vector_load %arg13[%parallel_loop3A_153, %parallel_loop3A_154] {strides = array<i32>} : memref<128x128xf32, #tpu.memory_space<vmem>>, vector<16xf32>,
        %parallel_loop3A_156 = arith.addf %parallel_loop3A_152, %parallel_loop3A_155 : vector<16xf32>
        %parallel_loop3A_157 = arith.constant 0.000000e+00 : f32
        %parallel_loop3A_158 = vector.broadcast %parallel_loop3A_157 : f32 to vector<16xf32>
        %parallel_loop3A_159 = arith.cmpf ogt, %parallel_loop3A_156, %parallel_loop3A_158 : vector<16xf32>
        %parallel_loop3A_160 = arith.constant 2.000000e-01 : f32
        %parallel_loop3A_161 = vector.broadcast %parallel_loop3A_160 : f32 to vector<16xf32>
        %parallel_loop3A_162 = arith.mulf %parallel_loop3A_161, %parallel_loop3A_156 : vector<16xf32>
        %parallel_loop3A_163 = arith.select %parallel_loop3A_159, %parallel_loop3A_156, %parallel_loop3A_162 : vector<16xi1>, vector<16xf32>
        %parallel_loop3A_164 = arith.constant 32 : index
        %parallel_loop3A_165 = tpu.vector_load %arg16[%parallel_loop3A_164] {strides = array<i32>} : memref<128xf32, #tpu.memory_space<vmem>>, vector<16xf32>,
        %parallel_loop3A_166 = arith.mulf %parallel_loop3A_163, %parallel_loop3A_165 : vector<16xf32>
        %parallel_loop3A_167 = arith.addf %parallel_loop3A_149, %parallel_loop3A_166 : vector<16xf32>
        %parallel_loop3A_168 = arith.index_cast %parallel_loop3A_111 : i32 to index
        %parallel_loop3A_169 = arith.constant 48 : index
        %parallel_loop3A_170 = tpu.vector_load %arg12[%parallel_loop3A_168, %parallel_loop3A_169] {strides = array<i32>} : memref<128x128xf32, #tpu.memory_space<vmem>>, vector<16xf32>,
        %parallel_loop3A_171 = arith.index_cast %parallel_loop3A_111 : i32 to index
        %parallel_loop3A_172 = arith.constant 48 : index
        %parallel_loop3A_173 = tpu.vector_load %arg13[%parallel_loop3A_171, %parallel_loop3A_172] {strides = array<i32>} : memref<128x128xf32, #tpu.memory_space<vmem>>, vector<16xf32>,
        %parallel_loop3A_174 = arith.addf %parallel_loop3A_170, %parallel_loop3A_173 : vector<16xf32>
        %parallel_loop3A_175 = arith.constant 0.000000e+00 : f32
        %parallel_loop3A_176 = vector.broadcast %parallel_loop3A_175 : f32 to vector<16xf32>
        %parallel_loop3A_177 = arith.cmpf ogt, %parallel_loop3A_174, %parallel_loop3A_176 : vector<16xf32>
        %parallel_loop3A_178 = arith.constant 2.000000e-01 : f32
        %parallel_loop3A_179 = vector.broadcast %parallel_loop3A_178 : f32 to vector<16xf32>
        %parallel_loop3A_180 = arith.mulf %parallel_loop3A_179, %parallel_loop3A_174 : vector<16xf32>
        %parallel_loop3A_181 = arith.select %parallel_loop3A_177, %parallel_loop3A_174, %parallel_loop3A_180 : vector<16xi1>, vector<16xf32>
        %parallel_loop3A_182 = arith.constant 48 : index
        %parallel_loop3A_183 = tpu.vector_load %arg16[%parallel_loop3A_182] {strides = array<i32>} : memref<128xf32, #tpu.memory_space<vmem>>, vector<16xf32>,
        %parallel_loop3A_184 = arith.mulf %parallel_loop3A_181, %parallel_loop3A_183 : vector<16xf32>
        %parallel_loop3A_185 = arith.addf %parallel_loop3A_167, %parallel_loop3A_184 : vector<16xf32>
        %parallel_loop3A_186 = arith.index_cast %parallel_loop3A_111 : i32 to index
        %parallel_loop3A_187 = arith.constant 64 : index
        %parallel_loop3A_188 = tpu.vector_load %arg12[%parallel_loop3A_186, %parallel_loop3A_187] {strides = array<i32>} : memref<128x128xf32, #tpu.memory_space<vmem>>, vector<16xf32>,
        %parallel_loop3A_189 = arith.index_cast %parallel_loop3A_111 : i32 to index
        %parallel_loop3A_190 = arith.constant 64 : index
        %parallel_loop3A_191 = tpu.vector_load %arg13[%parallel_loop3A_189, %parallel_loop3A_190] {strides = array<i32>} : memref<128x128xf32, #tpu.memory_space<vmem>>, vector<16xf32>,
        %parallel_loop3A_192 = arith.addf %parallel_loop3A_188, %parallel_loop3A_191 : vector<16xf32>
        %parallel_loop3A_193 = arith.constant 0.000000e+00 : f32
        %parallel_loop3A_194 = vector.broadcast %parallel_loop3A_193 : f32 to vector<16xf32>
        %parallel_loop3A_195 = arith.cmpf ogt, %parallel_loop3A_192, %parallel_loop3A_194 : vector<16xf32>
        %parallel_loop3A_196 = arith.constant 2.000000e-01 : f32
        %parallel_loop3A_197 = vector.broadcast %parallel_loop3A_196 : f32 to vector<16xf32>
        %parallel_loop3A_198 = arith.mulf %parallel_loop3A_197, %parallel_loop3A_192 : vector<16xf32>
        %parallel_loop3A_199 = arith.select %parallel_loop3A_195, %parallel_loop3A_192, %parallel_loop3A_198 : vector<16xi1>, vector<16xf32>
        %parallel_loop3A_200 = arith.constant 64 : index
        %parallel_loop3A_201 = tpu.vector_load %arg16[%parallel_loop3A_200] {strides = array<i32>} : memref<128xf32, #tpu.memory_space<vmem>>, vector<16xf32>,
        %parallel_loop3A_202 = arith.mulf %parallel_loop3A_199, %parallel_loop3A_201 : vector<16xf32>
        %parallel_loop3A_203 = arith.addf %parallel_loop3A_185, %parallel_loop3A_202 : vector<16xf32>
        %parallel_loop3A_204 = arith.index_cast %parallel_loop3A_111 : i32 to index
        %parallel_loop3A_205 = arith.constant 80 : index
        %parallel_loop3A_206 = tpu.vector_load %arg12[%parallel_loop3A_204, %parallel_loop3A_205] {strides = array<i32>} : memref<128x128xf32, #tpu.memory_space<vmem>>, vector<16xf32>,
        %parallel_loop3A_207 = arith.index_cast %parallel_loop3A_111 : i32 to index
        %parallel_loop3A_208 = arith.constant 80 : index
        %parallel_loop3A_209 = tpu.vector_load %arg13[%parallel_loop3A_207, %parallel_loop3A_208] {strides = array<i32>} : memref<128x128xf32, #tpu.memory_space<vmem>>, vector<16xf32>,
        %parallel_loop3A_210 = arith.addf %parallel_loop3A_206, %parallel_loop3A_209 : vector<16xf32>
        %parallel_loop3A_211 = arith.constant 0.000000e+00 : f32
        %parallel_loop3A_212 = vector.broadcast %parallel_loop3A_211 : f32 to vector<16xf32>
        %parallel_loop3A_213 = arith.cmpf ogt, %parallel_loop3A_210, %parallel_loop3A_212 : vector<16xf32>
        %parallel_loop3A_214 = arith.constant 2.000000e-01 : f32
        %parallel_loop3A_215 = vector.broadcast %parallel_loop3A_214 : f32 to vector<16xf32>
        %parallel_loop3A_216 = arith.mulf %parallel_loop3A_215, %parallel_loop3A_210 : vector<16xf32>
        %parallel_loop3A_217 = arith.select %parallel_loop3A_213, %parallel_loop3A_210, %parallel_loop3A_216 : vector<16xi1>, vector<16xf32>
        %parallel_loop3A_218 = arith.constant 80 : index
        %parallel_loop3A_219 = tpu.vector_load %arg16[%parallel_loop3A_218] {strides = array<i32>} : memref<128xf32, #tpu.memory_space<vmem>>, vector<16xf32>,
        %parallel_loop3A_220 = arith.mulf %parallel_loop3A_217, %parallel_loop3A_219 : vector<16xf32>
        %parallel_loop3A_221 = arith.addf %parallel_loop3A_203, %parallel_loop3A_220 : vector<16xf32>
        %parallel_loop3A_222 = arith.index_cast %parallel_loop3A_111 : i32 to index
        %parallel_loop3A_223 = arith.constant 96 : index
        %parallel_loop3A_224 = tpu.vector_load %arg12[%parallel_loop3A_222, %parallel_loop3A_223] {strides = array<i32>} : memref<128x128xf32, #tpu.memory_space<vmem>>, vector<16xf32>,
        %parallel_loop3A_225 = arith.index_cast %parallel_loop3A_111 : i32 to index
        %parallel_loop3A_226 = arith.constant 96 : index
        %parallel_loop3A_227 = tpu.vector_load %arg13[%parallel_loop3A_225, %parallel_loop3A_226] {strides = array<i32>} : memref<128x128xf32, #tpu.memory_space<vmem>>, vector<16xf32>,
        %parallel_loop3A_228 = arith.addf %parallel_loop3A_224, %parallel_loop3A_227 : vector<16xf32>
        %parallel_loop3A_229 = arith.constant 0.000000e+00 : f32
        %parallel_loop3A_230 = vector.broadcast %parallel_loop3A_229 : f32 to vector<16xf32>
        %parallel_loop3A_231 = arith.cmpf ogt, %parallel_loop3A_228, %parallel_loop3A_230 : vector<16xf32>
        %parallel_loop3A_232 = arith.constant 2.000000e-01 : f32
        %parallel_loop3A_233 = vector.broadcast %parallel_loop3A_232 : f32 to vector<16xf32>
        %parallel_loop3A_234 = arith.mulf %parallel_loop3A_233, %parallel_loop3A_228 : vector<16xf32>
        %parallel_loop3A_235 = arith.select %parallel_loop3A_231, %parallel_loop3A_228, %parallel_loop3A_234 : vector<16xi1>, vector<16xf32>
        %parallel_loop3A_236 = arith.constant 96 : index
        %parallel_loop3A_237 = tpu.vector_load %arg16[%parallel_loop3A_236] {strides = array<i32>} : memref<128xf32, #tpu.memory_space<vmem>>, vector<16xf32>,
        %parallel_loop3A_238 = arith.mulf %parallel_loop3A_235, %parallel_loop3A_237 : vector<16xf32>
        %parallel_loop3A_239 = arith.addf %parallel_loop3A_221, %parallel_loop3A_238 : vector<16xf32>
        %parallel_loop3A_240 = arith.index_cast %parallel_loop3A_111 : i32 to index
        %parallel_loop3A_241 = arith.constant 112 : index
        %parallel_loop3A_242 = tpu.vector_load %arg12[%parallel_loop3A_240, %parallel_loop3A_241] {strides = array<i32>} : memref<128x128xf32, #tpu.memory_space<vmem>>, vector<16xf32>,
        %parallel_loop3A_243 = arith.index_cast %parallel_loop3A_111 : i32 to index
        %parallel_loop3A_244 = arith.constant 112 : index
        %parallel_loop3A_245 = tpu.vector_load %arg13[%parallel_loop3A_243, %parallel_loop3A_244] {strides = array<i32>} : memref<128x128xf32, #tpu.memory_space<vmem>>, vector<16xf32>,
        %parallel_loop3A_246 = arith.addf %parallel_loop3A_242, %parallel_loop3A_245 : vector<16xf32>
        %parallel_loop3A_247 = arith.constant 0.000000e+00 : f32
        %parallel_loop3A_248 = vector.broadcast %parallel_loop3A_247 : f32 to vector<16xf32>
        %parallel_loop3A_249 = arith.cmpf ogt, %parallel_loop3A_246, %parallel_loop3A_248 : vector<16xf32>
        %parallel_loop3A_250 = arith.constant 2.000000e-01 : f32
        %parallel_loop3A_251 = vector.broadcast %parallel_loop3A_250 : f32 to vector<16xf32>
        %parallel_loop3A_252 = arith.mulf %parallel_loop3A_251, %parallel_loop3A_246 : vector<16xf32>
        %parallel_loop3A_253 = arith.select %parallel_loop3A_249, %parallel_loop3A_246, %parallel_loop3A_252 : vector<16xi1>, vector<16xf32>
        %parallel_loop3A_254 = arith.constant 112 : index
        %parallel_loop3A_255 = tpu.vector_load %arg16[%parallel_loop3A_254] {strides = array<i32>} : memref<128xf32, #tpu.memory_space<vmem>>, vector<16xf32>,
        %parallel_loop3A_256 = arith.mulf %parallel_loop3A_253, %parallel_loop3A_255 : vector<16xf32>
        %parallel_loop3A_257 = arith.addf %parallel_loop3A_239, %parallel_loop3A_256 : vector<16xf32>
        %parallel_loop3A_258 = arith.constant true
        %parallel_loop3A_259 = vector.broadcast %parallel_loop3A_258 : i1 to vector<16xi1>
        %parallel_loop3A_260 = tpu.scan <sum>, %parallel_loop3A_257 masked %parallel_loop3A_259 : vector<16xf32>, vector<16xi1> -> vector<16xf32>
        %parallel_loop3A_261 = vector.broadcast %parallel_loop3A_111 : i32 to vector<16xi32>
        tpu.vector_store_idx %arg17[%parallel_loop3A_261], %parallel_loop3A_260 masked %eq3A_14 : memref<128xf32, #tpu.memory_space<vmem>>[vector<16xi32>], vector<16xf32>, vector<16xi1>
      } {sc.loop_unroll_factor = 16 : i64, sc.parallel_access}
      %add3A_76 = arith.addi %mul3A_2, %mul3A_37 : i32
      %lt3A = arith.constant 2500 : i32
      %lt3A_77 = arith.cmpi slt, %add3A_76, %lt3A : i32
      %parallel_loop3A_78 = arith.constant 0 : i32
      %parallel_loop3A_79 = arith.constant 8 : i32
      %parallel_loop3A_80 = arith.constant 1 : i32
      scf.for %parallel_loop3A_111 = %parallel_loop3A_78 to %parallel_loop3A_79 step %parallel_loop3A_80  : i32 {
        %parallel_loop3A_112 = arith.constant 16 : i32
        %parallel_loop3A_113 = arith.muli %parallel_loop3A_111, %parallel_loop3A_112 : i32
        %parallel_loop3A_114 = arith.index_cast %parallel_loop3A_113 : i32 to index
        %parallel_loop3A_115 = tpu.vector_load %arg17[%parallel_loop3A_114] {strides = array<i32>} : memref<128xf32, #tpu.memory_space<vmem>>, vector<16xf32>,
        %parallel_loop3A_116 = math.exp %parallel_loop3A_115 : vector<16xf32>
        %parallel_loop3A_117 = arith.constant 0.000000e+00 : f32
        %parallel_loop3A_118 = vector.broadcast %parallel_loop3A_117 : f32 to vector<16xf32>
        %parallel_loop3A_119 = arith.select %lt3A_77, %parallel_loop3A_116, %parallel_loop3A_118 : vector<16xf32>
        %parallel_loop3A_120 = arith.index_cast %parallel_loop3A_113 : i32 to index
        %parallel_loop3A_121 = tpu.vector_load %arg18[%parallel_loop3A_120] {strides = array<i32>} : memref<128xf32, #tpu.memory_space<vmem>>, vector<16xf32>,
        tpu.vector_store %arg18[%parallel_loop3A_120], %parallel_loop3A_119 {strides = array<i32>} : memref<128xf32, #tpu.memory_space<vmem>>, vector<16xf32>,
      } {sc.loop_unroll_factor = 8 : i64, sc.parallel_access}
      %add3A_81 = arith.addi %mul3A_2, %mul3A_37 : i32
      %mul3A_82 = arith.constant 128 : i32
      %mul3A_83 = arith.muli %add3A_81, %mul3A_82 : i32
      %multiple_of3A_84 = tpu.assume_multiple %mul3A_83, 128 : i32
      "tpu.region"() ({
        %run_scoped3A = tpu.sem_alloc : memref<!tpu.dma_semaphore, #tpu.memory_space<semaphore_mem>>
        %dma_start3A_111 = tpu.memref_slice %arg7[%multiple_of3A_84] : memref<327680xf32, #tpu.memory_space<hbm>> -> memref<128xf32, #tpu.memory_space<hbm>>
        %dma_start3A_112 = tpu.memref_slice %arg7[%multiple_of3A_84] : memref<327680xf32, #tpu.memory_space<hbm>> -> memref<128xf32, #tpu.memory_space<hbm>>
        tpu.enqueue_dma source(%arg18 : memref<128xf32, #tpu.memory_space<vmem>>) target(%dma_start3A_112 : memref<128xf32, #tpu.memory_space<hbm>>) target_semaphore(%run_scoped3A : memref<!tpu.dma_semaphore, #tpu.memory_space<semaphore_mem>>)
        %dma_wait3A_113 = tpu.memref_slice %arg7[%multiple_of3A_84] : memref<327680xf32, #tpu.memory_space<hbm>> -> memref<128xf32, #tpu.memory_space<hbm>>
        %dma_wait3A_114 = tpu.memref_slice %arg7[%multiple_of3A_84] : memref<327680xf32, #tpu.memory_space<hbm>> -> memref<128xf32, #tpu.memory_space<hbm>>
        tpu.wait_dma2 semaphore(%run_scoped3A : memref<!tpu.dma_semaphore, #tpu.memory_space<semaphore_mem>>) src(%arg18 : memref<128xf32, #tpu.memory_space<vmem>>) dst(%dma_wait3A_114 : memref<128xf32, #tpu.memory_space<hbm>>)
        tpu.yield
      }) : () -> ()
      "tpu.region"() ({
        %run_scoped3A = tpu.sem_alloc : memref<!tpu.dma_semaphore, #tpu.memory_space<semaphore_mem>>
        %dma_start3A_111 = arith.constant 0 : i32
        %dma_start3A_112 = tpu.memref_slice %arg11[%mul3A_37, %dma_start3A_111] : memref<80x128xi32, #tpu.memory_space<vmem>> -> memref<1x128xi32, #tpu.memory_space<vmem>>
        %dma_start3A_113 = tpu.memref_squeeze %dma_start3A_112 : memref<1x128xi32, #tpu.memory_space<vmem>> -> memref<128xi32, #tpu.memory_space<vmem>>
        %dma_start3A_114 = arith.constant 0 : i32
        %dma_start3A_115 = tpu.memref_slice %arg21[%dma_start3A_114] : memref<10240xf32, #tpu.memory_space<vmem_shared>> -> memref<10240xf32, #tpu.memory_space<vmem_shared>>
        tpu.enqueue_indirect_dma source(%arg18 : memref<128xf32, #tpu.memory_space<vmem>>) target(%dma_start3A_115 : memref<10240xf32, #tpu.memory_space<vmem_shared>>) offsets(%dma_start3A_113 : memref<128xi32, #tpu.memory_space<vmem>>) semaphore(%run_scoped3A : memref<!tpu.dma_semaphore, #tpu.memory_space<semaphore_mem>>) {add = true}
        %dma_wait3A_116 = arith.constant 0 : i32
        %dma_wait3A_117 = tpu.memref_slice %arg11[%mul3A_37, %dma_wait3A_116] : memref<80x128xi32, #tpu.memory_space<vmem>> -> memref<1x128xi32, #tpu.memory_space<vmem>>
        %dma_wait3A_118 = tpu.memref_squeeze %dma_wait3A_117 : memref<1x128xi32, #tpu.memory_space<vmem>> -> memref<128xi32, #tpu.memory_space<vmem>>
        %dma_wait3A_119 = arith.constant 0 : i32
        %dma_wait3A_120 = tpu.memref_slice %arg21[%dma_wait3A_119] : memref<10240xf32, #tpu.memory_space<vmem_shared>> -> memref<10240xf32, #tpu.memory_space<vmem_shared>>
        tpu.wait_indirect_dma semaphore(%run_scoped3A : memref<!tpu.dma_semaphore, #tpu.memory_space<semaphore_mem>>) src(%arg18 : memref<128xf32, #tpu.memory_space<vmem>>) dst(%dma_wait3A_120 : memref<10240xf32, #tpu.memory_space<vmem_shared>>)
        tpu.yield
      }) : () -> ()
      %dma_wait3A_85 = arith.constant 0 : i32
      %dma_wait3A_86 = tpu.memref_slice %arg10[%add3A_39, %dma_wait3A_85] : memref<80x128xi32, #tpu.memory_space<vmem>> -> memref<1x128xi32, #tpu.memory_space<vmem>>
      %dma_wait3A_87 = tpu.memref_squeeze %dma_wait3A_86 : memref<1x128xi32, #tpu.memory_space<vmem>> -> memref<128xi32, #tpu.memory_space<vmem>>
      %dma_wait3A_88 = arith.constant 0 : i32
      %dma_wait3A_89 = arith.constant 0 : i32
      %dma_wait3A_90 = tpu.memref_slice %arg4[%dma_wait3A_88, %dma_wait3A_89] : memref<10000x128xf32, #tpu.memory_space<hbm>> -> memref<10000x128xf32, #tpu.memory_space<hbm>>
      tpu.wait_indirect_dma semaphore(%arg23 : memref<!tpu.dma_semaphore, #tpu.memory_space<semaphore_mem>>) src(%dma_wait3A_90 : memref<10000x128xf32, #tpu.memory_space<hbm>>) dst(%arg14 : memref<128x128xf32, #tpu.memory_space<vmem>>)
      %dma_wait3A_91 = arith.constant 0 : i32
      %dma_wait3A_92 = tpu.memref_slice %arg11[%add3A_39, %dma_wait3A_91] : memref<80x128xi32, #tpu.memory_space<vmem>> -> memref<1x128xi32, #tpu.memory_space<vmem>>
      %dma_wait3A_93 = tpu.memref_squeeze %dma_wait3A_92 : memref<1x128xi32, #tpu.memory_space<vmem>> -> memref<128xi32, #tpu.memory_space<vmem>>
      %dma_wait3A_94 = arith.constant 0 : i32
      %dma_wait3A_95 = arith.constant 0 : i32
      %dma_wait3A_96 = tpu.memref_slice %arg5[%dma_wait3A_94, %dma_wait3A_95] : memref<10000x128xf32, #tpu.memory_space<hbm>> -> memref<10000x128xf32, #tpu.memory_space<hbm>>
      tpu.wait_indirect_dma semaphore(%arg23 : memref<!tpu.dma_semaphore, #tpu.memory_space<semaphore_mem>>) src(%dma_wait3A_96 : memref<10000x128xf32, #tpu.memory_space<hbm>>) dst(%arg15 : memref<128x128xf32, #tpu.memory_space<vmem>>)
      %parallel_loop3A_97 = arith.constant 0 : i32
      %parallel_loop3A_98 = arith.constant 128 : i32
      %parallel_loop3A_99 = arith.constant 1 : i32
      scf.for %parallel_loop3A_111 = %parallel_loop3A_97 to %parallel_loop3A_98 step %parallel_loop3A_99  : i32 {
        %parallel_loop3A_112 = arith.constant 0.000000e+00 : f32
        %parallel_loop3A_113 = vector.broadcast %parallel_loop3A_112 : f32 to vector<16xf32>
        %parallel_loop3A_114 = arith.index_cast %parallel_loop3A_111 : i32 to index
        %parallel_loop3A_115 = arith.constant 0 : index
        %parallel_loop3A_116 = tpu.vector_load %arg14[%parallel_loop3A_114, %parallel_loop3A_115] {strides = array<i32>} : memref<128x128xf32, #tpu.memory_space<vmem>>, vector<16xf32>,
        %parallel_loop3A_117 = arith.index_cast %parallel_loop3A_111 : i32 to index
        %parallel_loop3A_118 = arith.constant 0 : index
        %parallel_loop3A_119 = tpu.vector_load %arg15[%parallel_loop3A_117, %parallel_loop3A_118] {strides = array<i32>} : memref<128x128xf32, #tpu.memory_space<vmem>>, vector<16xf32>,
        %parallel_loop3A_120 = arith.addf %parallel_loop3A_116, %parallel_loop3A_119 : vector<16xf32>
        %parallel_loop3A_121 = arith.constant 0.000000e+00 : f32
        %parallel_loop3A_122 = vector.broadcast %parallel_loop3A_121 : f32 to vector<16xf32>
        %parallel_loop3A_123 = arith.cmpf ogt, %parallel_loop3A_120, %parallel_loop3A_122 : vector<16xf32>
        %parallel_loop3A_124 = arith.constant 2.000000e-01 : f32
        %parallel_loop3A_125 = vector.broadcast %parallel_loop3A_124 : f32 to vector<16xf32>
        %parallel_loop3A_126 = arith.mulf %parallel_loop3A_125, %parallel_loop3A_120 : vector<16xf32>
        %parallel_loop3A_127 = arith.select %parallel_loop3A_123, %parallel_loop3A_120, %parallel_loop3A_126 : vector<16xi1>, vector<16xf32>
        %parallel_loop3A_128 = arith.constant 0 : index
        %parallel_loop3A_129 = tpu.vector_load %arg16[%parallel_loop3A_128] {strides = array<i32>} : memref<128xf32, #tpu.memory_space<vmem>>, vector<16xf32>,
        %parallel_loop3A_130 = arith.mulf %parallel_loop3A_127, %parallel_loop3A_129 : vector<16xf32>
        %parallel_loop3A_131 = arith.addf %parallel_loop3A_113, %parallel_loop3A_130 : vector<16xf32>
        %parallel_loop3A_132 = arith.index_cast %parallel_loop3A_111 : i32 to index
        %parallel_loop3A_133 = arith.constant 16 : index
        %parallel_loop3A_134 = tpu.vector_load %arg14[%parallel_loop3A_132, %parallel_loop3A_133] {strides = array<i32>} : memref<128x128xf32, #tpu.memory_space<vmem>>, vector<16xf32>,
        %parallel_loop3A_135 = arith.index_cast %parallel_loop3A_111 : i32 to index
        %parallel_loop3A_136 = arith.constant 16 : index
        %parallel_loop3A_137 = tpu.vector_load %arg15[%parallel_loop3A_135, %parallel_loop3A_136] {strides = array<i32>} : memref<128x128xf32, #tpu.memory_space<vmem>>, vector<16xf32>,
        %parallel_loop3A_138 = arith.addf %parallel_loop3A_134, %parallel_loop3A_137 : vector<16xf32>
        %parallel_loop3A_139 = arith.constant 0.000000e+00 : f32
        %parallel_loop3A_140 = vector.broadcast %parallel_loop3A_139 : f32 to vector<16xf32>
        %parallel_loop3A_141 = arith.cmpf ogt, %parallel_loop3A_138, %parallel_loop3A_140 : vector<16xf32>
        %parallel_loop3A_142 = arith.constant 2.000000e-01 : f32
        %parallel_loop3A_143 = vector.broadcast %parallel_loop3A_142 : f32 to vector<16xf32>
        %parallel_loop3A_144 = arith.mulf %parallel_loop3A_143, %parallel_loop3A_138 : vector<16xf32>
        %parallel_loop3A_145 = arith.select %parallel_loop3A_141, %parallel_loop3A_138, %parallel_loop3A_144 : vector<16xi1>, vector<16xf32>
        %parallel_loop3A_146 = arith.constant 16 : index
        %parallel_loop3A_147 = tpu.vector_load %arg16[%parallel_loop3A_146] {strides = array<i32>} : memref<128xf32, #tpu.memory_space<vmem>>, vector<16xf32>,
        %parallel_loop3A_148 = arith.mulf %parallel_loop3A_145, %parallel_loop3A_147 : vector<16xf32>
        %parallel_loop3A_149 = arith.addf %parallel_loop3A_131, %parallel_loop3A_148 : vector<16xf32>
        %parallel_loop3A_150 = arith.index_cast %parallel_loop3A_111 : i32 to index
        %parallel_loop3A_151 = arith.constant 32 : index
        %parallel_loop3A_152 = tpu.vector_load %arg14[%parallel_loop3A_150, %parallel_loop3A_151] {strides = array<i32>} : memref<128x128xf32, #tpu.memory_space<vmem>>, vector<16xf32>,
        %parallel_loop3A_153 = arith.index_cast %parallel_loop3A_111 : i32 to index
        %parallel_loop3A_154 = arith.constant 32 : index
        %parallel_loop3A_155 = tpu.vector_load %arg15[%parallel_loop3A_153, %parallel_loop3A_154] {strides = array<i32>} : memref<128x128xf32, #tpu.memory_space<vmem>>, vector<16xf32>,
        %parallel_loop3A_156 = arith.addf %parallel_loop3A_152, %parallel_loop3A_155 : vector<16xf32>
        %parallel_loop3A_157 = arith.constant 0.000000e+00 : f32
        %parallel_loop3A_158 = vector.broadcast %parallel_loop3A_157 : f32 to vector<16xf32>
        %parallel_loop3A_159 = arith.cmpf ogt, %parallel_loop3A_156, %parallel_loop3A_158 : vector<16xf32>
        %parallel_loop3A_160 = arith.constant 2.000000e-01 : f32
        %parallel_loop3A_161 = vector.broadcast %parallel_loop3A_160 : f32 to vector<16xf32>
        %parallel_loop3A_162 = arith.mulf %parallel_loop3A_161, %parallel_loop3A_156 : vector<16xf32>
        %parallel_loop3A_163 = arith.select %parallel_loop3A_159, %parallel_loop3A_156, %parallel_loop3A_162 : vector<16xi1>, vector<16xf32>
        %parallel_loop3A_164 = arith.constant 32 : index
        %parallel_loop3A_165 = tpu.vector_load %arg16[%parallel_loop3A_164] {strides = array<i32>} : memref<128xf32, #tpu.memory_space<vmem>>, vector<16xf32>,
        %parallel_loop3A_166 = arith.mulf %parallel_loop3A_163, %parallel_loop3A_165 : vector<16xf32>
        %parallel_loop3A_167 = arith.addf %parallel_loop3A_149, %parallel_loop3A_166 : vector<16xf32>
        %parallel_loop3A_168 = arith.index_cast %parallel_loop3A_111 : i32 to index
        %parallel_loop3A_169 = arith.constant 48 : index
        %parallel_loop3A_170 = tpu.vector_load %arg14[%parallel_loop3A_168, %parallel_loop3A_169] {strides = array<i32>} : memref<128x128xf32, #tpu.memory_space<vmem>>, vector<16xf32>,
        %parallel_loop3A_171 = arith.index_cast %parallel_loop3A_111 : i32 to index
        %parallel_loop3A_172 = arith.constant 48 : index
        %parallel_loop3A_173 = tpu.vector_load %arg15[%parallel_loop3A_171, %parallel_loop3A_172] {strides = array<i32>} : memref<128x128xf32, #tpu.memory_space<vmem>>, vector<16xf32>,
        %parallel_loop3A_174 = arith.addf %parallel_loop3A_170, %parallel_loop3A_173 : vector<16xf32>
        %parallel_loop3A_175 = arith.constant 0.000000e+00 : f32
        %parallel_loop3A_176 = vector.broadcast %parallel_loop3A_175 : f32 to vector<16xf32>
        %parallel_loop3A_177 = arith.cmpf ogt, %parallel_loop3A_174, %parallel_loop3A_176 : vector<16xf32>
        %parallel_loop3A_178 = arith.constant 2.000000e-01 : f32
        %parallel_loop3A_179 = vector.broadcast %parallel_loop3A_178 : f32 to vector<16xf32>
        %parallel_loop3A_180 = arith.mulf %parallel_loop3A_179, %parallel_loop3A_174 : vector<16xf32>
        %parallel_loop3A_181 = arith.select %parallel_loop3A_177, %parallel_loop3A_174, %parallel_loop3A_180 : vector<16xi1>, vector<16xf32>
        %parallel_loop3A_182 = arith.constant 48 : index
        %parallel_loop3A_183 = tpu.vector_load %arg16[%parallel_loop3A_182] {strides = array<i32>} : memref<128xf32, #tpu.memory_space<vmem>>, vector<16xf32>,
        %parallel_loop3A_184 = arith.mulf %parallel_loop3A_181, %parallel_loop3A_183 : vector<16xf32>
        %parallel_loop3A_185 = arith.addf %parallel_loop3A_167, %parallel_loop3A_184 : vector<16xf32>
        %parallel_loop3A_186 = arith.index_cast %parallel_loop3A_111 : i32 to index
        %parallel_loop3A_187 = arith.constant 64 : index
        %parallel_loop3A_188 = tpu.vector_load %arg14[%parallel_loop3A_186, %parallel_loop3A_187] {strides = array<i32>} : memref<128x128xf32, #tpu.memory_space<vmem>>, vector<16xf32>,
        %parallel_loop3A_189 = arith.index_cast %parallel_loop3A_111 : i32 to index
        %parallel_loop3A_190 = arith.constant 64 : index
        %parallel_loop3A_191 = tpu.vector_load %arg15[%parallel_loop3A_189, %parallel_loop3A_190] {strides = array<i32>} : memref<128x128xf32, #tpu.memory_space<vmem>>, vector<16xf32>,
        %parallel_loop3A_192 = arith.addf %parallel_loop3A_188, %parallel_loop3A_191 : vector<16xf32>
        %parallel_loop3A_193 = arith.constant 0.000000e+00 : f32
        %parallel_loop3A_194 = vector.broadcast %parallel_loop3A_193 : f32 to vector<16xf32>
        %parallel_loop3A_195 = arith.cmpf ogt, %parallel_loop3A_192, %parallel_loop3A_194 : vector<16xf32>
        %parallel_loop3A_196 = arith.constant 2.000000e-01 : f32
        %parallel_loop3A_197 = vector.broadcast %parallel_loop3A_196 : f32 to vector<16xf32>
        %parallel_loop3A_198 = arith.mulf %parallel_loop3A_197, %parallel_loop3A_192 : vector<16xf32>
        %parallel_loop3A_199 = arith.select %parallel_loop3A_195, %parallel_loop3A_192, %parallel_loop3A_198 : vector<16xi1>, vector<16xf32>
        %parallel_loop3A_200 = arith.constant 64 : index
        %parallel_loop3A_201 = tpu.vector_load %arg16[%parallel_loop3A_200] {strides = array<i32>} : memref<128xf32, #tpu.memory_space<vmem>>, vector<16xf32>,
        %parallel_loop3A_202 = arith.mulf %parallel_loop3A_199, %parallel_loop3A_201 : vector<16xf32>
        %parallel_loop3A_203 = arith.addf %parallel_loop3A_185, %parallel_loop3A_202 : vector<16xf32>
        %parallel_loop3A_204 = arith.index_cast %parallel_loop3A_111 : i32 to index
        %parallel_loop3A_205 = arith.constant 80 : index
        %parallel_loop3A_206 = tpu.vector_load %arg14[%parallel_loop3A_204, %parallel_loop3A_205] {strides = array<i32>} : memref<128x128xf32, #tpu.memory_space<vmem>>, vector<16xf32>,
        %parallel_loop3A_207 = arith.index_cast %parallel_loop3A_111 : i32 to index
        %parallel_loop3A_208 = arith.constant 80 : index
        %parallel_loop3A_209 = tpu.vector_load %arg15[%parallel_loop3A_207, %parallel_loop3A_208] {strides = array<i32>} : memref<128x128xf32, #tpu.memory_space<vmem>>, vector<16xf32>,
        %parallel_loop3A_210 = arith.addf %parallel_loop3A_206, %parallel_loop3A_209 : vector<16xf32>
        %parallel_loop3A_211 = arith.constant 0.000000e+00 : f32
        %parallel_loop3A_212 = vector.broadcast %parallel_loop3A_211 : f32 to vector<16xf32>
        %parallel_loop3A_213 = arith.cmpf ogt, %parallel_loop3A_210, %parallel_loop3A_212 : vector<16xf32>
        %parallel_loop3A_214 = arith.constant 2.000000e-01 : f32
        %parallel_loop3A_215 = vector.broadcast %parallel_loop3A_214 : f32 to vector<16xf32>
        %parallel_loop3A_216 = arith.mulf %parallel_loop3A_215, %parallel_loop3A_210 : vector<16xf32>
        %parallel_loop3A_217 = arith.select %parallel_loop3A_213, %parallel_loop3A_210, %parallel_loop3A_216 : vector<16xi1>, vector<16xf32>
        %parallel_loop3A_218 = arith.constant 80 : index
        %parallel_loop3A_219 = tpu.vector_load %arg16[%parallel_loop3A_218] {strides = array<i32>} : memref<128xf32, #tpu.memory_space<vmem>>, vector<16xf32>,
        %parallel_loop3A_220 = arith.mulf %parallel_loop3A_217, %parallel_loop3A_219 : vector<16xf32>
        %parallel_loop3A_221 = arith.addf %parallel_loop3A_203, %parallel_loop3A_220 : vector<16xf32>
        %parallel_loop3A_222 = arith.index_cast %parallel_loop3A_111 : i32 to index
        %parallel_loop3A_223 = arith.constant 96 : index
        %parallel_loop3A_224 = tpu.vector_load %arg14[%parallel_loop3A_222, %parallel_loop3A_223] {strides = array<i32>} : memref<128x128xf32, #tpu.memory_space<vmem>>, vector<16xf32>,
        %parallel_loop3A_225 = arith.index_cast %parallel_loop3A_111 : i32 to index
        %parallel_loop3A_226 = arith.constant 96 : index
        %parallel_loop3A_227 = tpu.vector_load %arg15[%parallel_loop3A_225, %parallel_loop3A_226] {strides = array<i32>} : memref<128x128xf32, #tpu.memory_space<vmem>>, vector<16xf32>,
        %parallel_loop3A_228 = arith.addf %parallel_loop3A_224, %parallel_loop3A_227 : vector<16xf32>
        %parallel_loop3A_229 = arith.constant 0.000000e+00 : f32
        %parallel_loop3A_230 = vector.broadcast %parallel_loop3A_229 : f32 to vector<16xf32>
        %parallel_loop3A_231 = arith.cmpf ogt, %parallel_loop3A_228, %parallel_loop3A_230 : vector<16xf32>
        %parallel_loop3A_232 = arith.constant 2.000000e-01 : f32
        %parallel_loop3A_233 = vector.broadcast %parallel_loop3A_232 : f32 to vector<16xf32>
        %parallel_loop3A_234 = arith.mulf %parallel_loop3A_233, %parallel_loop3A_228 : vector<16xf32>
        %parallel_loop3A_235 = arith.select %parallel_loop3A_231, %parallel_loop3A_228, %parallel_loop3A_234 : vector<16xi1>, vector<16xf32>
        %parallel_loop3A_236 = arith.constant 96 : index
        %parallel_loop3A_237 = tpu.vector_load %arg16[%parallel_loop3A_236] {strides = array<i32>} : memref<128xf32, #tpu.memory_space<vmem>>, vector<16xf32>,
        %parallel_loop3A_238 = arith.mulf %parallel_loop3A_235, %parallel_loop3A_237 : vector<16xf32>
        %parallel_loop3A_239 = arith.addf %parallel_loop3A_221, %parallel_loop3A_238 : vector<16xf32>
        %parallel_loop3A_240 = arith.index_cast %parallel_loop3A_111 : i32 to index
        %parallel_loop3A_241 = arith.constant 112 : index
        %parallel_loop3A_242 = tpu.vector_load %arg14[%parallel_loop3A_240, %parallel_loop3A_241] {strides = array<i32>} : memref<128x128xf32, #tpu.memory_space<vmem>>, vector<16xf32>,
        %parallel_loop3A_243 = arith.index_cast %parallel_loop3A_111 : i32 to index
        %parallel_loop3A_244 = arith.constant 112 : index
        %parallel_loop3A_245 = tpu.vector_load %arg15[%parallel_loop3A_243, %parallel_loop3A_244] {strides = array<i32>} : memref<128x128xf32, #tpu.memory_space<vmem>>, vector<16xf32>,
        %parallel_loop3A_246 = arith.addf %parallel_loop3A_242, %parallel_loop3A_245 : vector<16xf32>
        %parallel_loop3A_247 = arith.constant 0.000000e+00 : f32
        %parallel_loop3A_248 = vector.broadcast %parallel_loop3A_247 : f32 to vector<16xf32>
        %parallel_loop3A_249 = arith.cmpf ogt, %parallel_loop3A_246, %parallel_loop3A_248 : vector<16xf32>
        %parallel_loop3A_250 = arith.constant 2.000000e-01 : f32
        %parallel_loop3A_251 = vector.broadcast %parallel_loop3A_250 : f32 to vector<16xf32>
        %parallel_loop3A_252 = arith.mulf %parallel_loop3A_251, %parallel_loop3A_246 : vector<16xf32>
        %parallel_loop3A_253 = arith.select %parallel_loop3A_249, %parallel_loop3A_246, %parallel_loop3A_252 : vector<16xi1>, vector<16xf32>
        %parallel_loop3A_254 = arith.constant 112 : index
        %parallel_loop3A_255 = tpu.vector_load %arg16[%parallel_loop3A_254] {strides = array<i32>} : memref<128xf32, #tpu.memory_space<vmem>>, vector<16xf32>,
        %parallel_loop3A_256 = arith.mulf %parallel_loop3A_253, %parallel_loop3A_255 : vector<16xf32>
        %parallel_loop3A_257 = arith.addf %parallel_loop3A_239, %parallel_loop3A_256 : vector<16xf32>
        %parallel_loop3A_258 = arith.constant true
        %parallel_loop3A_259 = vector.broadcast %parallel_loop3A_258 : i1 to vector<16xi1>
        %parallel_loop3A_260 = tpu.scan <sum>, %parallel_loop3A_257 masked %parallel_loop3A_259 : vector<16xf32>, vector<16xi1> -> vector<16xf32>
        %parallel_loop3A_261 = vector.broadcast %parallel_loop3A_111 : i32 to vector<16xi32>
        tpu.vector_store_idx %arg17[%parallel_loop3A_261], %parallel_loop3A_260 masked %eq3A_14 : memref<128xf32, #tpu.memory_space<vmem>>[vector<16xi32>], vector<16xf32>, vector<16xi1>
      } {sc.loop_unroll_factor = 16 : i64, sc.parallel_access}
      %add3A_100 = arith.addi %mul3A_2, %add3A_39 : i32
      %lt3A_101 = arith.constant 2500 : i32
      %lt3A_102 = arith.cmpi slt, %add3A_100, %lt3A_101 : i32
      %parallel_loop3A_103 = arith.constant 0 : i32
      %parallel_loop3A_104 = arith.constant 8 : i32
      %parallel_loop3A_105 = arith.constant 1 : i32
      scf.for %parallel_loop3A_111 = %parallel_loop3A_103 to %parallel_loop3A_104 step %parallel_loop3A_105  : i32 {
        %parallel_loop3A_112 = arith.constant 16 : i32
        %parallel_loop3A_113 = arith.muli %parallel_loop3A_111, %parallel_loop3A_112 : i32
        %parallel_loop3A_114 = arith.index_cast %parallel_loop3A_113 : i32 to index
        %parallel_loop3A_115 = tpu.vector_load %arg17[%parallel_loop3A_114] {strides = array<i32>} : memref<128xf32, #tpu.memory_space<vmem>>, vector<16xf32>,
        %parallel_loop3A_116 = math.exp %parallel_loop3A_115 : vector<16xf32>
        %parallel_loop3A_117 = arith.constant 0.000000e+00 : f32
        %parallel_loop3A_118 = vector.broadcast %parallel_loop3A_117 : f32 to vector<16xf32>
        %parallel_loop3A_119 = arith.select %lt3A_102, %parallel_loop3A_116, %parallel_loop3A_118 : vector<16xf32>
        %parallel_loop3A_120 = arith.index_cast %parallel_loop3A_113 : i32 to index
        %parallel_loop3A_121 = tpu.vector_load %arg19[%parallel_loop3A_120] {strides = array<i32>} : memref<128xf32, #tpu.memory_space<vmem>>, vector<16xf32>,
        tpu.vector_store %arg19[%parallel_loop3A_120], %parallel_loop3A_119 {strides = array<i32>} : memref<128xf32, #tpu.memory_space<vmem>>, vector<16xf32>,
      } {sc.loop_unroll_factor = 8 : i64, sc.parallel_access}
      %add3A_106 = arith.addi %mul3A_2, %add3A_39 : i32
      %mul3A_107 = arith.constant 128 : i32
      %mul3A_108 = arith.muli %add3A_106, %mul3A_107 : i32
      %multiple_of3A_109 = tpu.assume_multiple %mul3A_108, 128 : i32
      "tpu.region"() ({
        %run_scoped3A = tpu.sem_alloc : memref<!tpu.dma_semaphore, #tpu.memory_space<semaphore_mem>>
        %dma_start3A_111 = tpu.memref_slice %arg7[%multiple_of3A_109] : memref<327680xf32, #tpu.memory_space<hbm>> -> memref<128xf32, #tpu.memory_space<hbm>>
        %dma_start3A_112 = tpu.memref_slice %arg7[%multiple_of3A_109] : memref<327680xf32, #tpu.memory_space<hbm>> -> memref<128xf32, #tpu.memory_space<hbm>>
        tpu.enqueue_dma source(%arg19 : memref<128xf32, #tpu.memory_space<vmem>>) target(%dma_start3A_112 : memref<128xf32, #tpu.memory_space<hbm>>) target_semaphore(%run_scoped3A : memref<!tpu.dma_semaphore, #tpu.memory_space<semaphore_mem>>)
        %dma_wait3A_113 = tpu.memref_slice %arg7[%multiple_of3A_109] : memref<327680xf32, #tpu.memory_space<hbm>> -> memref<128xf32, #tpu.memory_space<hbm>>
        %dma_wait3A_114 = tpu.memref_slice %arg7[%multiple_of3A_109] : memref<327680xf32, #tpu.memory_space<hbm>> -> memref<128xf32, #tpu.memory_space<hbm>>
        tpu.wait_dma2 semaphore(%run_scoped3A : memref<!tpu.dma_semaphore, #tpu.memory_space<semaphore_mem>>) src(%arg19 : memref<128xf32, #tpu.memory_space<vmem>>) dst(%dma_wait3A_114 : memref<128xf32, #tpu.memory_space<hbm>>)
        tpu.yield
      }) : () -> ()
      "tpu.region"() ({
        %run_scoped3A = tpu.sem_alloc : memref<!tpu.dma_semaphore, #tpu.memory_space<semaphore_mem>>
        %dma_start3A_111 = arith.constant 0 : i32
        %dma_start3A_112 = tpu.memref_slice %arg11[%add3A_39, %dma_start3A_111] : memref<80x128xi32, #tpu.memory_space<vmem>> -> memref<1x128xi32, #tpu.memory_space<vmem>>
        %dma_start3A_113 = tpu.memref_squeeze %dma_start3A_112 : memref<1x128xi32, #tpu.memory_space<vmem>> -> memref<128xi32, #tpu.memory_space<vmem>>
        %dma_start3A_114 = arith.constant 0 : i32
        %dma_start3A_115 = tpu.memref_slice %arg21[%dma_start3A_114] : memref<10240xf32, #tpu.memory_space<vmem_shared>> -> memref<10240xf32, #tpu.memory_space<vmem_shared>>
        tpu.enqueue_indirect_dma source(%arg19 : memref<128xf32, #tpu.memory_space<vmem>>) target(%dma_start3A_115 : memref<10240xf32, #tpu.memory_space<vmem_shared>>) offsets(%dma_start3A_113 : memref<128xi32, #tpu.memory_space<vmem>>) semaphore(%run_scoped3A : memref<!tpu.dma_semaphore, #tpu.memory_space<semaphore_mem>>) {add = true}
        %dma_wait3A_116 = arith.constant 0 : i32
        %dma_wait3A_117 = tpu.memref_slice %arg11[%add3A_39, %dma_wait3A_116] : memref<80x128xi32, #tpu.memory_space<vmem>> -> memref<1x128xi32, #tpu.memory_space<vmem>>
        %dma_wait3A_118 = tpu.memref_squeeze %dma_wait3A_117 : memref<1x128xi32, #tpu.memory_space<vmem>> -> memref<128xi32, #tpu.memory_space<vmem>>
        %dma_wait3A_119 = arith.constant 0 : i32
        %dma_wait3A_120 = tpu.memref_slice %arg21[%dma_wait3A_119] : memref<10240xf32, #tpu.memory_space<vmem_shared>> -> memref<10240xf32, #tpu.memory_space<vmem_shared>>
        tpu.wait_indirect_dma semaphore(%run_scoped3A : memref<!tpu.dma_semaphore, #tpu.memory_space<semaphore_mem>>) src(%arg19 : memref<128xf32, #tpu.memory_space<vmem>>) dst(%dma_wait3A_120 : memref<10240xf32, #tpu.memory_space<vmem_shared>>)
        tpu.yield
      }) : () -> ()
      %scan3A_110 = arith.constant 0 : i32
      scf.yield %scan3A_110 : i32
    }
    %scan3A_21 = arith.constant 40 : i32
    %barrier3A_22 = arith.constant 0 : index
    tpu.barrier barrier_id(%barrier3A_22)
    %mul3A_23 = arith.constant 640 : i32
    %mul3A_24 = arith.muli %arg1, %mul3A_23 : i32
    %multiple_of3A_25 = tpu.assume_multiple %mul3A_24, 8 : i32
    %eq3A_26 = arith.constant 0 : i32
    %eq3A_27 = arith.cmpi eq, %arg0, %eq3A_26 : i32
    %convert_element_type3A = arith.extui %eq3A_27 : i1 to i32
    %cond3A = arith.constant 0 : i32
    %cond3A_28 = arith.cmpi ne, %convert_element_type3A, %cond3A : i32
    scf.if %cond3A_28 {
      "tpu.region"() ({
        %run_scoped3A = tpu.sem_alloc : memref<!tpu.dma_semaphore, #tpu.memory_space<semaphore_mem>>
        %dma_start3A = tpu.memref_slice %arg8[%multiple_of3A_25] : memref<10240xf32, #tpu.memory_space<hbm>> -> memref<640xf32, #tpu.memory_space<hbm>>
        %dma_start3A_34 = tpu.memref_slice %arg21[%multiple_of3A_25] : memref<10240xf32, #tpu.memory_space<vmem_shared>> -> memref<640xf32, #tpu.memory_space<vmem_shared>>
        tpu.enqueue_dma source(%dma_start3A_34 : memref<640xf32, #tpu.memory_space<vmem_shared>>) target(%dma_start3A : memref<640xf32, #tpu.memory_space<hbm>>) target_semaphore(%run_scoped3A : memref<!tpu.dma_semaphore, #tpu.memory_space<semaphore_mem>>)
        %dma_wait3A = tpu.memref_slice %arg8[%multiple_of3A_25] : memref<10240xf32, #tpu.memory_space<hbm>> -> memref<640xf32, #tpu.memory_space<hbm>>
        %dma_wait3A_35 = tpu.memref_slice %arg21[%multiple_of3A_25] : memref<10240xf32, #tpu.memory_space<vmem_shared>> -> memref<640xf32, #tpu.memory_space<vmem_shared>>
        tpu.wait_dma2 semaphore(%run_scoped3A : memref<!tpu.dma_semaphore, #tpu.memory_space<semaphore_mem>>) src(%dma_wait3A_35 : memref<640xf32, #tpu.memory_space<vmem_shared>>) dst(%dma_wait3A : memref<640xf32, #tpu.memory_space<hbm>>)
        tpu.yield
      }) : () -> ()
    } else {
    }
    %eq3A_29 = arith.constant 1 : i32
    %eq3A_30 = arith.cmpi eq, %arg0, %eq3A_29 : i32
    %convert_element_type3A_31 = arith.extui %eq3A_30 : i1 to i32
    %cond3A_32 = arith.constant 0 : i32
    %cond3A_33 = arith.cmpi ne, %convert_element_type3A_31, %cond3A_32 : i32
    scf.if %cond3A_33 {
      "tpu.region"() ({
        %run_scoped3A = tpu.sem_alloc : memref<!tpu.dma_semaphore, #tpu.memory_space<semaphore_mem>>
        %dma_start3A = tpu.memref_slice %arg9[%multiple_of3A_25] : memref<10240xf32, #tpu.memory_space<hbm>> -> memref<640xf32, #tpu.memory_space<hbm>>
        %dma_start3A_34 = tpu.memref_slice %arg21[%multiple_of3A_25] : memref<10240xf32, #tpu.memory_space<vmem_shared>> -> memref<640xf32, #tpu.memory_space<vmem_shared>>
        tpu.enqueue_dma source(%dma_start3A_34 : memref<640xf32, #tpu.memory_space<vmem_shared>>) target(%dma_start3A : memref<640xf32, #tpu.memory_space<hbm>>) target_semaphore(%run_scoped3A : memref<!tpu.dma_semaphore, #tpu.memory_space<semaphore_mem>>)
        %dma_wait3A = tpu.memref_slice %arg9[%multiple_of3A_25] : memref<10240xf32, #tpu.memory_space<hbm>> -> memref<640xf32, #tpu.memory_space<hbm>>
        %dma_wait3A_35 = tpu.memref_slice %arg21[%multiple_of3A_25] : memref<10240xf32, #tpu.memory_space<vmem_shared>> -> memref<640xf32, #tpu.memory_space<vmem_shared>>
        tpu.wait_dma2 semaphore(%run_scoped3A : memref<!tpu.dma_semaphore, #tpu.memory_space<semaphore_mem>>) src(%dma_wait3A_35 : memref<640xf32, #tpu.memory_space<vmem_shared>>) dst(%dma_wait3A : memref<640xf32, #tpu.memory_space<hbm>>)
        tpu.yield
      }) : () -> ()
    } else {
    }
    return
  }
}

#map = affine_map<(d0, d1) -> (0, 0)>
#map1 = affine_map<(d0, d1) -> (0)>
module attributes {stable_mosaic.version = 14 : i64} {
  func.func @_sc2_body(%arg0: i32, %arg1: i32, %arg2: memref<2560x128xi32, #tpu.memory_space<hbm>>, %arg3: memref<2560x128xi32, #tpu.memory_space<hbm>>, %arg4: memref<327680xf32, #tpu.memory_space<hbm>>, %arg5: memref<10240xf32, #tpu.memory_space<hbm>>, %arg6: memref<10000x128xf32, #tpu.memory_space<hbm>>, %arg7: memref<327680xf32, #tpu.memory_space<hbm>>, %arg8: memref<20000x128xf32, #tpu.memory_space<hbm>>, %arg9: memref<2x128xi32, #tpu.memory_space<vmem>>, %arg10: memref<2x128xi32, #tpu.memory_space<vmem>>, %arg11: memref<256x128xf32, #tpu.memory_space<vmem>>, %arg12: memref<256xf32, #tpu.memory_space<vmem>>, %arg13: memref<256xf32, #tpu.memory_space<vmem>>, %arg14: memref<256xf32, #tpu.memory_space<vmem>>, %arg15: memref<128x128xf32, #tpu.memory_space<vmem>>, %arg16: memref<10000x128xf32, #tpu.memory_space<vmem_shared>>, %arg17: memref<!tpu.dma_semaphore, #tpu.memory_space<semaphore_mem>>) attributes {dimension_semantics = [#tpu.dimension_semantics<core_parallel>, #tpu.dimension_semantics<subcore_parallel>], iteration_bounds = array<i64: 2, 16>, scalar_prefetch = 0 : i64, scratch_operands = 9 : i64, tpu.core_type = #tpu.core_type<sc_vector_subcore>, window_params = [{transform_indices = #map}, {transform_indices = #map}, {transform_indices = #map1}, {transform_indices = #map1}, {transform_indices = #map}, {transform_indices = #map1}, {transform_indices = #map}]} {
    %mul3A = arith.constant 16 : i32
    %mul3A_0 = arith.muli %arg0, %mul3A : i32
    %add3A = arith.addi %mul3A_0, %arg1 : i32
    %mul3A_1 = arith.constant 632 : i32
    %mul3A_2 = arith.muli %arg1, %mul3A_1 : i32
    %multiple_of3A = tpu.assume_multiple %mul3A_2, 8 : i32
    %scan3A = arith.constant 0 : i32
    %scan3A_3 = arith.constant 0 : i32
    %scan3A_4 = arith.constant 1024 : i32
    %scan3A_5 = arith.addi %scan3A_3, %scan3A_4 : i32
    %scan3A_6 = arith.constant 1 : i32
    %scan3A_7 = scf.for %scan3A_73 = %scan3A_3 to %scan3A_5 step %scan3A_6 iter_args(%scan3A_74 = %scan3A) -> (i32)  : i32 {
      %broadcast_in_dim3A = arith.constant 0.000000e+00 : f32
      %broadcast_in_dim3A_75 = vector.broadcast %broadcast_in_dim3A : f32 to vector<16xf32>
      %jit3A_76 = arith.constant 8 : i32
      %div3A_77 = arith.divsi %scan3A_73, %jit3A_76 : i32
      %sign3A_78 = arith.constant 0 : i32
      %sign3A_79 = arith.cmpi sgt, %scan3A_73, %sign3A_78 : i32
      %sign3A_80 = arith.extui %sign3A_79 : i1 to i32
      %sign3A_81 = arith.constant 0 : i32
      %sign3A_82 = arith.cmpi slt, %scan3A_73, %sign3A_81 : i32
      %sign3A_83 = arith.extui %sign3A_82 : i1 to i32
      %sign3A_84 = arith.subi %sign3A_80, %sign3A_83 : i32
      %sign3A_85 = arith.constant 0 : i32
      %sign3A_86 = arith.cmpi sgt, %jit3A_76, %sign3A_85 : i32
      %sign3A_87 = arith.extui %sign3A_86 : i1 to i32
      %sign3A_88 = arith.constant 0 : i32
      %sign3A_89 = arith.cmpi slt, %jit3A_76, %sign3A_88 : i32
      %sign3A_90 = arith.extui %sign3A_89 : i1 to i32
      %sign3A_91 = arith.subi %sign3A_87, %sign3A_90 : i32
      %ne3A_92 = arith.cmpi ne, %sign3A_84, %sign3A_91 : i32
      %rem3A_93 = arith.remsi %scan3A_73, %jit3A_76 : i32
      %ne3A_94 = arith.constant 0 : i32
      %ne3A_95 = arith.cmpi ne, %rem3A_93, %ne3A_94 : i32
      %and3A_96 = arith.andi %ne3A_92, %ne3A_95 : i1
      %sub3A_97 = arith.constant 1 : i32
      %sub3A_98 = arith.subi %div3A_77, %sub3A_97 : i32
      %select_n3A_99 = arith.select %and3A_96, %sub3A_98, %div3A_77 : i32
      %jit3A_100 = arith.constant 8 : i32
      %eq3A_101 = arith.constant 0 : i32
      %eq3A_102 = arith.cmpi eq, %jit3A_100, %eq3A_101 : i32
      %jit3A_103 = arith.constant 1 : i32
      %select_n3A_104 = arith.select %eq3A_102, %jit3A_103, %jit3A_100 : i32
      %rem3A_105 = arith.remsi %scan3A_73, %select_n3A_104 : i32
      %ne3A_106 = arith.constant 0 : i32
      %ne3A_107 = arith.cmpi ne, %rem3A_105, %ne3A_106 : i32
      %lt3A_108 = arith.constant 0 : i32
      %lt3A_109 = arith.cmpi slt, %rem3A_105, %lt3A_108 : i32
      %lt3A_110 = arith.constant 0 : i32
      %lt3A_111 = arith.cmpi slt, %select_n3A_104, %lt3A_110 : i32
      %ne3A_112 = arith.xori %lt3A_109, %lt3A_111 : i1
      %and3A_113 = arith.andi %ne3A_112, %ne3A_107 : i1
      %add3A_114 = arith.addi %rem3A_105, %select_n3A_104 : i32
      %select_n3A_115 = arith.select %and3A_113, %add3A_114, %rem3A_105 : i32
      %mul3A_116 = arith.constant 16 : i32
      %mul3A_117 = arith.muli %select_n3A_115, %mul3A_116 : i32
      %swap3A = arith.index_cast %select_n3A_99 : i32 to index
      %swap3A_118 = arith.index_cast %mul3A_117 : i32 to index
      %swap3A_119 = tpu.vector_load %arg15[%swap3A, %swap3A_118] {strides = array<i32>} : memref<128x128xf32, #tpu.memory_space<vmem>>, vector<16xf32>,
      tpu.vector_store %arg15[%swap3A, %swap3A_118], %broadcast_in_dim3A_75 {strides = array<i32>} : memref<128x128xf32, #tpu.memory_space<vmem>>, vector<16xf32>,
      %scan3A_120 = arith.constant 0 : i32
      scf.yield %scan3A_120 : i32
    }
    %scan3A_8 = arith.constant 1024 : i32
    %add3A_9 = arith.constant 0 : i32
    %add3A_10 = arith.addi %multiple_of3A, %add3A_9 : i32
    "tpu.region"() ({
      %run_scoped3A = tpu.sem_alloc : memref<!tpu.dma_semaphore, #tpu.memory_space<semaphore_mem>>
      %dma_start3A = arith.constant 0 : i32
      %dma_start3A_73 = tpu.memref_slice %arg16[%add3A_10, %dma_start3A] : memref<10000x128xf32, #tpu.memory_space<vmem_shared>> -> memref<128x128xf32, #tpu.memory_space<vmem_shared>>
      %dma_start3A_74 = arith.constant 0 : i32
      %dma_start3A_75 = tpu.memref_slice %arg16[%add3A_10, %dma_start3A_74] : memref<10000x128xf32, #tpu.memory_space<vmem_shared>> -> memref<128x128xf32, #tpu.memory_space<vmem_shared>>
      tpu.enqueue_dma source(%arg15 : memref<128x128xf32, #tpu.memory_space<vmem>>) target(%dma_start3A_75 : memref<128x128xf32, #tpu.memory_space<vmem_shared>>) target_semaphore(%run_scoped3A : memref<!tpu.dma_semaphore, #tpu.memory_space<semaphore_mem>>)
      %dma_wait3A = arith.constant 0 : i32
      %dma_wait3A_76 = tpu.memref_slice %arg16[%add3A_10, %dma_wait3A] : memref<10000x128xf32, #tpu.memory_space<vmem_shared>> -> memref<128x128xf32, #tpu.memory_space<vmem_shared>>
      %dma_wait3A_77 = arith.constant 0 : i32
      %dma_wait3A_78 = tpu.memref_slice %arg16[%add3A_10, %dma_wait3A_77] : memref<10000x128xf32, #tpu.memory_space<vmem_shared>> -> memref<128x128xf32, #tpu.memory_space<vmem_shared>>
      tpu.wait_dma2 semaphore(%run_scoped3A : memref<!tpu.dma_semaphore, #tpu.memory_space<semaphore_mem>>) src(%arg15 : memref<128x128xf32, #tpu.memory_space<vmem>>) dst(%dma_wait3A_78 : memref<128x128xf32, #tpu.memory_space<vmem_shared>>)
      tpu.yield
    }) : () -> ()
    %add3A_11 = arith.constant 128 : i32
    %add3A_12 = arith.addi %multiple_of3A, %add3A_11 : i32
    "tpu.region"() ({
      %run_scoped3A = tpu.sem_alloc : memref<!tpu.dma_semaphore, #tpu.memory_space<semaphore_mem>>
      %dma_start3A = arith.constant 0 : i32
      %dma_start3A_73 = tpu.memref_slice %arg16[%add3A_12, %dma_start3A] : memref<10000x128xf32, #tpu.memory_space<vmem_shared>> -> memref<128x128xf32, #tpu.memory_space<vmem_shared>>
      %dma_start3A_74 = arith.constant 0 : i32
      %dma_start3A_75 = tpu.memref_slice %arg16[%add3A_12, %dma_start3A_74] : memref<10000x128xf32, #tpu.memory_space<vmem_shared>> -> memref<128x128xf32, #tpu.memory_space<vmem_shared>>
      tpu.enqueue_dma source(%arg15 : memref<128x128xf32, #tpu.memory_space<vmem>>) target(%dma_start3A_75 : memref<128x128xf32, #tpu.memory_space<vmem_shared>>) target_semaphore(%run_scoped3A : memref<!tpu.dma_semaphore, #tpu.memory_space<semaphore_mem>>)
      %dma_wait3A = arith.constant 0 : i32
      %dma_wait3A_76 = tpu.memref_slice %arg16[%add3A_12, %dma_wait3A] : memref<10000x128xf32, #tpu.memory_space<vmem_shared>> -> memref<128x128xf32, #tpu.memory_space<vmem_shared>>
      %dma_wait3A_77 = arith.constant 0 : i32
      %dma_wait3A_78 = tpu.memref_slice %arg16[%add3A_12, %dma_wait3A_77] : memref<10000x128xf32, #tpu.memory_space<vmem_shared>> -> memref<128x128xf32, #tpu.memory_space<vmem_shared>>
      tpu.wait_dma2 semaphore(%run_scoped3A : memref<!tpu.dma_semaphore, #tpu.memory_space<semaphore_mem>>) src(%arg15 : memref<128x128xf32, #tpu.memory_space<vmem>>) dst(%dma_wait3A_78 : memref<128x128xf32, #tpu.memory_space<vmem_shared>>)
      tpu.yield
    }) : () -> ()
    %add3A_13 = arith.constant 256 : i32
    %add3A_14 = arith.addi %multiple_of3A, %add3A_13 : i32
    "tpu.region"() ({
      %run_scoped3A = tpu.sem_alloc : memref<!tpu.dma_semaphore, #tpu.memory_space<semaphore_mem>>
      %dma_start3A = arith.constant 0 : i32
      %dma_start3A_73 = tpu.memref_slice %arg16[%add3A_14, %dma_start3A] : memref<10000x128xf32, #tpu.memory_space<vmem_shared>> -> memref<128x128xf32, #tpu.memory_space<vmem_shared>>
      %dma_start3A_74 = arith.constant 0 : i32
      %dma_start3A_75 = tpu.memref_slice %arg16[%add3A_14, %dma_start3A_74] : memref<10000x128xf32, #tpu.memory_space<vmem_shared>> -> memref<128x128xf32, #tpu.memory_space<vmem_shared>>
      tpu.enqueue_dma source(%arg15 : memref<128x128xf32, #tpu.memory_space<vmem>>) target(%dma_start3A_75 : memref<128x128xf32, #tpu.memory_space<vmem_shared>>) target_semaphore(%run_scoped3A : memref<!tpu.dma_semaphore, #tpu.memory_space<semaphore_mem>>)
      %dma_wait3A = arith.constant 0 : i32
      %dma_wait3A_76 = tpu.memref_slice %arg16[%add3A_14, %dma_wait3A] : memref<10000x128xf32, #tpu.memory_space<vmem_shared>> -> memref<128x128xf32, #tpu.memory_space<vmem_shared>>
      %dma_wait3A_77 = arith.constant 0 : i32
      %dma_wait3A_78 = tpu.memref_slice %arg16[%add3A_14, %dma_wait3A_77] : memref<10000x128xf32, #tpu.memory_space<vmem_shared>> -> memref<128x128xf32, #tpu.memory_space<vmem_shared>>
      tpu.wait_dma2 semaphore(%run_scoped3A : memref<!tpu.dma_semaphore, #tpu.memory_space<semaphore_mem>>) src(%arg15 : memref<128x128xf32, #tpu.memory_space<vmem>>) dst(%dma_wait3A_78 : memref<128x128xf32, #tpu.memory_space<vmem_shared>>)
      tpu.yield
    }) : () -> ()
    %add3A_15 = arith.constant 384 : i32
    %add3A_16 = arith.addi %multiple_of3A, %add3A_15 : i32
    "tpu.region"() ({
      %run_scoped3A = tpu.sem_alloc : memref<!tpu.dma_semaphore, #tpu.memory_space<semaphore_mem>>
      %dma_start3A = arith.constant 0 : i32
      %dma_start3A_73 = tpu.memref_slice %arg16[%add3A_16, %dma_start3A] : memref<10000x128xf32, #tpu.memory_space<vmem_shared>> -> memref<128x128xf32, #tpu.memory_space<vmem_shared>>
      %dma_start3A_74 = arith.constant 0 : i32
      %dma_start3A_75 = tpu.memref_slice %arg16[%add3A_16, %dma_start3A_74] : memref<10000x128xf32, #tpu.memory_space<vmem_shared>> -> memref<128x128xf32, #tpu.memory_space<vmem_shared>>
      tpu.enqueue_dma source(%arg15 : memref<128x128xf32, #tpu.memory_space<vmem>>) target(%dma_start3A_75 : memref<128x128xf32, #tpu.memory_space<vmem_shared>>) target_semaphore(%run_scoped3A : memref<!tpu.dma_semaphore, #tpu.memory_space<semaphore_mem>>)
      %dma_wait3A = arith.constant 0 : i32
      %dma_wait3A_76 = tpu.memref_slice %arg16[%add3A_16, %dma_wait3A] : memref<10000x128xf32, #tpu.memory_space<vmem_shared>> -> memref<128x128xf32, #tpu.memory_space<vmem_shared>>
      %dma_wait3A_77 = arith.constant 0 : i32
      %dma_wait3A_78 = tpu.memref_slice %arg16[%add3A_16, %dma_wait3A_77] : memref<10000x128xf32, #tpu.memory_space<vmem_shared>> -> memref<128x128xf32, #tpu.memory_space<vmem_shared>>
      tpu.wait_dma2 semaphore(%run_scoped3A : memref<!tpu.dma_semaphore, #tpu.memory_space<semaphore_mem>>) src(%arg15 : memref<128x128xf32, #tpu.memory_space<vmem>>) dst(%dma_wait3A_78 : memref<128x128xf32, #tpu.memory_space<vmem_shared>>)
      tpu.yield
    }) : () -> ()
    %lt3A = arith.constant 15 : i32
    %lt3A_17 = arith.cmpi slt, %arg1, %lt3A : i32
    %convert_element_type3A = arith.extui %lt3A_17 : i1 to i32
    %cond3A = arith.constant 0 : i32
    %cond3A_18 = arith.cmpi ne, %convert_element_type3A, %cond3A : i32
    scf.if %cond3A_18 {
      %add3A_73 = arith.constant 512 : i32
      %add3A_74 = arith.addi %multiple_of3A, %add3A_73 : i32
      "tpu.region"() ({
        %run_scoped3A = tpu.sem_alloc : memref<!tpu.dma_semaphore, #tpu.memory_space<semaphore_mem>>
        %dma_start3A = arith.constant 0 : i32
        %dma_start3A_75 = arith.constant 0 : i32
        %dma_start3A_76 = tpu.memref_slice %arg15[%dma_start3A, %dma_start3A_75] : memref<128x128xf32, #tpu.memory_space<vmem>> -> memref<120x128xf32, #tpu.memory_space<vmem>>
        %dma_start3A_77 = arith.constant 0 : i32
        %dma_start3A_78 = tpu.memref_slice %arg16[%add3A_74, %dma_start3A_77] : memref<10000x128xf32, #tpu.memory_space<vmem_shared>> -> memref<120x128xf32, #tpu.memory_space<vmem_shared>>
        %dma_start3A_79 = arith.constant 0 : i32
        %dma_start3A_80 = tpu.memref_slice %arg16[%add3A_74, %dma_start3A_79] : memref<10000x128xf32, #tpu.memory_space<vmem_shared>> -> memref<120x128xf32, #tpu.memory_space<vmem_shared>>
        %dma_start3A_81 = arith.constant 0 : i32
        %dma_start3A_82 = arith.constant 0 : i32
        %dma_start3A_83 = tpu.memref_slice %arg15[%dma_start3A_81, %dma_start3A_82] : memref<128x128xf32, #tpu.memory_space<vmem>> -> memref<120x128xf32, #tpu.memory_space<vmem>>
        tpu.enqueue_dma source(%dma_start3A_83 : memref<120x128xf32, #tpu.memory_space<vmem>>) target(%dma_start3A_80 : memref<120x128xf32, #tpu.memory_space<vmem_shared>>) target_semaphore(%run_scoped3A : memref<!tpu.dma_semaphore, #tpu.memory_space<semaphore_mem>>)
        %dma_wait3A = arith.constant 0 : i32
        %dma_wait3A_84 = arith.constant 0 : i32
        %dma_wait3A_85 = tpu.memref_slice %arg15[%dma_wait3A, %dma_wait3A_84] : memref<128x128xf32, #tpu.memory_space<vmem>> -> memref<120x128xf32, #tpu.memory_space<vmem>>
        %dma_wait3A_86 = arith.constant 0 : i32
        %dma_wait3A_87 = tpu.memref_slice %arg16[%add3A_74, %dma_wait3A_86] : memref<10000x128xf32, #tpu.memory_space<vmem_shared>> -> memref<120x128xf32, #tpu.memory_space<vmem_shared>>
        %dma_wait3A_88 = arith.constant 0 : i32
        %dma_wait3A_89 = tpu.memref_slice %arg16[%add3A_74, %dma_wait3A_88] : memref<10000x128xf32, #tpu.memory_space<vmem_shared>> -> memref<120x128xf32, #tpu.memory_space<vmem_shared>>
        %dma_wait3A_90 = arith.constant 0 : i32
        %dma_wait3A_91 = arith.constant 0 : i32
        %dma_wait3A_92 = tpu.memref_slice %arg15[%dma_wait3A_90, %dma_wait3A_91] : memref<128x128xf32, #tpu.memory_space<vmem>> -> memref<120x128xf32, #tpu.memory_space<vmem>>
        tpu.wait_dma2 semaphore(%run_scoped3A : memref<!tpu.dma_semaphore, #tpu.memory_space<semaphore_mem>>) src(%dma_wait3A_92 : memref<120x128xf32, #tpu.memory_space<vmem>>) dst(%dma_wait3A_89 : memref<120x128xf32, #tpu.memory_space<vmem_shared>>)
        tpu.yield
      }) : () -> ()
    } else {
    }
    %eq3A = arith.constant 15 : i32
    %eq3A_19 = arith.cmpi eq, %arg1, %eq3A : i32
    %convert_element_type3A_20 = arith.extui %eq3A_19 : i1 to i32
    %cond3A_21 = arith.constant 0 : i32
    %cond3A_22 = arith.cmpi ne, %convert_element_type3A_20, %cond3A_21 : i32
    scf.if %cond3A_22 {
      %add3A_73 = arith.constant 512 : i32
      %add3A_74 = arith.addi %multiple_of3A, %add3A_73 : i32
      "tpu.region"() ({
        %run_scoped3A = tpu.sem_alloc : memref<!tpu.dma_semaphore, #tpu.memory_space<semaphore_mem>>
        %dma_start3A = arith.constant 0 : i32
        %dma_start3A_75 = arith.constant 0 : i32
        %dma_start3A_76 = tpu.memref_slice %arg15[%dma_start3A, %dma_start3A_75] : memref<128x128xf32, #tpu.memory_space<vmem>> -> memref<8x128xf32, #tpu.memory_space<vmem>>
        %dma_start3A_77 = arith.constant 0 : i32
        %dma_start3A_78 = tpu.memref_slice %arg16[%add3A_74, %dma_start3A_77] : memref<10000x128xf32, #tpu.memory_space<vmem_shared>> -> memref<8x128xf32, #tpu.memory_space<vmem_shared>>
        %dma_start3A_79 = arith.constant 0 : i32
        %dma_start3A_80 = tpu.memref_slice %arg16[%add3A_74, %dma_start3A_79] : memref<10000x128xf32, #tpu.memory_space<vmem_shared>> -> memref<8x128xf32, #tpu.memory_space<vmem_shared>>
        %dma_start3A_81 = arith.constant 0 : i32
        %dma_start3A_82 = arith.constant 0 : i32
        %dma_start3A_83 = tpu.memref_slice %arg15[%dma_start3A_81, %dma_start3A_82] : memref<128x128xf32, #tpu.memory_space<vmem>> -> memref<8x128xf32, #tpu.memory_space<vmem>>
        tpu.enqueue_dma source(%dma_start3A_83 : memref<8x128xf32, #tpu.memory_space<vmem>>) target(%dma_start3A_80 : memref<8x128xf32, #tpu.memory_space<vmem_shared>>) target_semaphore(%run_scoped3A : memref<!tpu.dma_semaphore, #tpu.memory_space<semaphore_mem>>)
        %dma_wait3A = arith.constant 0 : i32
        %dma_wait3A_84 = arith.constant 0 : i32
        %dma_wait3A_85 = tpu.memref_slice %arg15[%dma_wait3A, %dma_wait3A_84] : memref<128x128xf32, #tpu.memory_space<vmem>> -> memref<8x128xf32, #tpu.memory_space<vmem>>
        %dma_wait3A_86 = arith.constant 0 : i32
        %dma_wait3A_87 = tpu.memref_slice %arg16[%add3A_74, %dma_wait3A_86] : memref<10000x128xf32, #tpu.memory_space<vmem_shared>> -> memref<8x128xf32, #tpu.memory_space<vmem_shared>>
        %dma_wait3A_88 = arith.constant 0 : i32
        %dma_wait3A_89 = tpu.memref_slice %arg16[%add3A_74, %dma_wait3A_88] : memref<10000x128xf32, #tpu.memory_space<vmem_shared>> -> memref<8x128xf32, #tpu.memory_space<vmem_shared>>
        %dma_wait3A_90 = arith.constant 0 : i32
        %dma_wait3A_91 = arith.constant 0 : i32
        %dma_wait3A_92 = tpu.memref_slice %arg15[%dma_wait3A_90, %dma_wait3A_91] : memref<128x128xf32, #tpu.memory_space<vmem>> -> memref<8x128xf32, #tpu.memory_space<vmem>>
        tpu.wait_dma2 semaphore(%run_scoped3A : memref<!tpu.dma_semaphore, #tpu.memory_space<semaphore_mem>>) src(%dma_wait3A_92 : memref<8x128xf32, #tpu.memory_space<vmem>>) dst(%dma_wait3A_89 : memref<8x128xf32, #tpu.memory_space<vmem_shared>>)
        tpu.yield
      }) : () -> ()
    } else {
    }
    %barrier3A = arith.constant 0 : index
    tpu.barrier barrier_id(%barrier3A)
    %sub3A = arith.constant 1250 : i32
    %sub3A_23 = arith.subi %sub3A, %add3A : i32
    %add3A_24 = arith.constant 32 : i32
    %add3A_25 = arith.addi %sub3A_23, %add3A_24 : i32
    %sub3A_26 = arith.constant 1 : i32
    %sub3A_27 = arith.subi %add3A_25, %sub3A_26 : i32
    %jit3A = arith.constant 32 : i32
    %div3A = arith.divsi %sub3A_27, %jit3A : i32
    %sign3A = arith.constant 0 : i32
    %sign3A_28 = arith.cmpi sgt, %sub3A_27, %sign3A : i32
    %sign3A_29 = arith.extui %sign3A_28 : i1 to i32
    %sign3A_30 = arith.constant 0 : i32
    %sign3A_31 = arith.cmpi slt, %sub3A_27, %sign3A_30 : i32
    %sign3A_32 = arith.extui %sign3A_31 : i1 to i32
    %sign3A_33 = arith.subi %sign3A_29, %sign3A_32 : i32
    %sign3A_34 = arith.constant 0 : i32
    %sign3A_35 = arith.cmpi sgt, %jit3A, %sign3A_34 : i32
    %sign3A_36 = arith.extui %sign3A_35 : i1 to i32
    %sign3A_37 = arith.constant 0 : i32
    %sign3A_38 = arith.cmpi slt, %jit3A, %sign3A_37 : i32
    %sign3A_39 = arith.extui %sign3A_38 : i1 to i32
    %sign3A_40 = arith.subi %sign3A_36, %sign3A_39 : i32
    %ne3A = arith.cmpi ne, %sign3A_33, %sign3A_40 : i32
    %rem3A = arith.remsi %sub3A_27, %jit3A : i32
    %ne3A_41 = arith.constant 0 : i32
    %ne3A_42 = arith.cmpi ne, %rem3A, %ne3A_41 : i32
    %and3A = arith.andi %ne3A, %ne3A_42 : i1
    %sub3A_43 = arith.constant 1 : i32
    %sub3A_44 = arith.subi %div3A, %sub3A_43 : i32
    %select_n3A = arith.select %and3A, %sub3A_44, %div3A : i32
    %while3A = arith.constant 0 : i32
    %while3A_45 = arith.constant 0 : i32
    %while3A_46 = arith.subi %select_n3A, %while3A : i32
    %while3A_47 = arith.addi %while3A, %while3A_46 : i32
    %while3A_48 = arith.constant 1 : i32
    %while3A_49 = arith.divsi %while3A_46, %while3A_48 : i32
    %while3A_50 = arith.muli %while3A_49, %while3A_48 : i32
    %while3A_51 = arith.addi %while3A, %while3A_50 : i32
    %while3A_52 = arith.constant 1 : i32
    %while3A_53 = scf.for %while3A_73 = %while3A to %while3A_51 step %while3A_52 iter_args(%while3A_74 = %while3A_45) -> (i32)  : i32 {
      %mul3A_75 = arith.constant 32 : i32
      %mul3A_76 = arith.muli %while3A_73, %mul3A_75 : i32
      %add3A_77 = arith.addi %add3A, %mul3A_76 : i32
      %mul3A_78 = arith.constant 256 : i32
      %mul3A_79 = arith.muli %add3A_77, %mul3A_78 : i32
      %multiple_of3A_80 = tpu.assume_multiple %mul3A_79, 256 : i32
      %mul3A_81 = arith.constant 2 : i32
      %mul3A_82 = arith.muli %add3A_77, %mul3A_81 : i32
      "tpu.region"() ({
        %run_scoped3A_162 = tpu.sem_alloc : memref<!tpu.dma_semaphore, #tpu.memory_space<semaphore_mem>>
        %dma_start3A_163 = arith.constant 0 : i32
        %dma_start3A_164 = tpu.memref_slice %arg2[%mul3A_82, %dma_start3A_163] : memref<2560x128xi32, #tpu.memory_space<hbm>> -> memref<2x128xi32, #tpu.memory_space<hbm>>
        %dma_start3A_165 = arith.constant 0 : i32
        %dma_start3A_166 = tpu.memref_slice %arg2[%mul3A_82, %dma_start3A_165] : memref<2560x128xi32, #tpu.memory_space<hbm>> -> memref<2x128xi32, #tpu.memory_space<hbm>>
        tpu.enqueue_dma source(%dma_start3A_166 : memref<2x128xi32, #tpu.memory_space<hbm>>) target(%arg9 : memref<2x128xi32, #tpu.memory_space<vmem>>) target_semaphore(%run_scoped3A_162 : memref<!tpu.dma_semaphore, #tpu.memory_space<semaphore_mem>>)
        %dma_wait3A_167 = arith.constant 0 : i32
        %dma_wait3A_168 = tpu.memref_slice %arg2[%mul3A_82, %dma_wait3A_167] : memref<2560x128xi32, #tpu.memory_space<hbm>> -> memref<2x128xi32, #tpu.memory_space<hbm>>
        %dma_wait3A_169 = arith.constant 0 : i32
        %dma_wait3A_170 = tpu.memref_slice %arg2[%mul3A_82, %dma_wait3A_169] : memref<2560x128xi32, #tpu.memory_space<hbm>> -> memref<2x128xi32, #tpu.memory_space<hbm>>
        tpu.wait_dma2 semaphore(%run_scoped3A_162 : memref<!tpu.dma_semaphore, #tpu.memory_space<semaphore_mem>>) src(%dma_wait3A_170 : memref<2x128xi32, #tpu.memory_space<hbm>>) dst(%arg9 : memref<2x128xi32, #tpu.memory_space<vmem>>)
        tpu.yield
      }) : () -> ()
      %mul3A_83 = arith.constant 2 : i32
      %mul3A_84 = arith.muli %add3A_77, %mul3A_83 : i32
      "tpu.region"() ({
        %run_scoped3A_162 = tpu.sem_alloc : memref<!tpu.dma_semaphore, #tpu.memory_space<semaphore_mem>>
        %dma_start3A_163 = arith.constant 0 : i32
        %dma_start3A_164 = tpu.memref_slice %arg3[%mul3A_84, %dma_start3A_163] : memref<2560x128xi32, #tpu.memory_space<hbm>> -> memref<2x128xi32, #tpu.memory_space<hbm>>
        %dma_start3A_165 = arith.constant 0 : i32
        %dma_start3A_166 = tpu.memref_slice %arg3[%mul3A_84, %dma_start3A_165] : memref<2560x128xi32, #tpu.memory_space<hbm>> -> memref<2x128xi32, #tpu.memory_space<hbm>>
        tpu.enqueue_dma source(%dma_start3A_166 : memref<2x128xi32, #tpu.memory_space<hbm>>) target(%arg10 : memref<2x128xi32, #tpu.memory_space<vmem>>) target_semaphore(%run_scoped3A_162 : memref<!tpu.dma_semaphore, #tpu.memory_space<semaphore_mem>>)
        %dma_wait3A_167 = arith.constant 0 : i32
        %dma_wait3A_168 = tpu.memref_slice %arg3[%mul3A_84, %dma_wait3A_167] : memref<2560x128xi32, #tpu.memory_space<hbm>> -> memref<2x128xi32, #tpu.memory_space<hbm>>
        %dma_wait3A_169 = arith.constant 0 : i32
        %dma_wait3A_170 = tpu.memref_slice %arg3[%mul3A_84, %dma_wait3A_169] : memref<2560x128xi32, #tpu.memory_space<hbm>> -> memref<2x128xi32, #tpu.memory_space<hbm>>
        tpu.wait_dma2 semaphore(%run_scoped3A_162 : memref<!tpu.dma_semaphore, #tpu.memory_space<semaphore_mem>>) src(%dma_wait3A_170 : memref<2x128xi32, #tpu.memory_space<hbm>>) dst(%arg10 : memref<2x128xi32, #tpu.memory_space<vmem>>)
        tpu.yield
      }) : () -> ()
      "tpu.region"() ({
        %run_scoped3A_162 = tpu.sem_alloc : memref<!tpu.dma_semaphore, #tpu.memory_space<semaphore_mem>>
        %dma_start3A_163 = tpu.memref_slice %arg4[%multiple_of3A_80] : memref<327680xf32, #tpu.memory_space<hbm>> -> memref<256xf32, #tpu.memory_space<hbm>>
        %dma_start3A_164 = tpu.memref_slice %arg4[%multiple_of3A_80] : memref<327680xf32, #tpu.memory_space<hbm>> -> memref<256xf32, #tpu.memory_space<hbm>>
        tpu.enqueue_dma source(%dma_start3A_164 : memref<256xf32, #tpu.memory_space<hbm>>) target(%arg12 : memref<256xf32, #tpu.memory_space<vmem>>) target_semaphore(%run_scoped3A_162 : memref<!tpu.dma_semaphore, #tpu.memory_space<semaphore_mem>>)
        %dma_wait3A_165 = tpu.memref_slice %arg4[%multiple_of3A_80] : memref<327680xf32, #tpu.memory_space<hbm>> -> memref<256xf32, #tpu.memory_space<hbm>>
        %dma_wait3A_166 = tpu.memref_slice %arg4[%multiple_of3A_80] : memref<327680xf32, #tpu.memory_space<hbm>> -> memref<256xf32, #tpu.memory_space<hbm>>
        tpu.wait_dma2 semaphore(%run_scoped3A_162 : memref<!tpu.dma_semaphore, #tpu.memory_space<semaphore_mem>>) src(%dma_wait3A_166 : memref<256xf32, #tpu.memory_space<hbm>>) dst(%arg12 : memref<256xf32, #tpu.memory_space<vmem>>)
        tpu.yield
      }) : () -> ()
      %dma_start3A = arith.constant 0 : i32
      %dma_start3A_85 = arith.constant 0 : i32
      %dma_start3A_86 = arith.constant 0 : i32
      %dma_start3A_87 = tpu.memref_slice %arg11[%dma_start3A_85, %dma_start3A_86] : memref<256x128xf32, #tpu.memory_space<vmem>> -> memref<128x128xf32, #tpu.memory_space<vmem>>
      %dma_start3A_88 = arith.constant 0 : i32
      %dma_start3A_89 = tpu.memref_slice %arg9[%dma_start3A, %dma_start3A_88] : memref<2x128xi32, #tpu.memory_space<vmem>> -> memref<1x128xi32, #tpu.memory_space<vmem>>
      %dma_start3A_90 = tpu.memref_squeeze %dma_start3A_89 : memref<1x128xi32, #tpu.memory_space<vmem>> -> memref<128xi32, #tpu.memory_space<vmem>>
      %dma_start3A_91 = arith.constant 0 : i32
      %dma_start3A_92 = arith.constant 0 : i32
      %dma_start3A_93 = tpu.memref_slice %arg6[%dma_start3A_91, %dma_start3A_92] : memref<10000x128xf32, #tpu.memory_space<hbm>> -> memref<10000x128xf32, #tpu.memory_space<hbm>>
      tpu.enqueue_indirect_dma source(%dma_start3A_93 : memref<10000x128xf32, #tpu.memory_space<hbm>>) target(%dma_start3A_87 : memref<128x128xf32, #tpu.memory_space<vmem>>) offsets(%dma_start3A_90 : memref<128xi32, #tpu.memory_space<vmem>>) semaphore(%arg17 : memref<!tpu.dma_semaphore, #tpu.memory_space<semaphore_mem>>)
      %dma_start3A_94 = arith.constant 0 : i32
      %dma_start3A_95 = arith.constant 0 : i32
      %dma_start3A_96 = tpu.memref_slice %arg13[%dma_start3A_95] : memref<256xf32, #tpu.memory_space<vmem>> -> memref<128xf32, #tpu.memory_space<vmem>>
      %dma_start3A_97 = arith.constant 0 : i32
      %dma_start3A_98 = tpu.memref_slice %arg10[%dma_start3A_94, %dma_start3A_97] : memref<2x128xi32, #tpu.memory_space<vmem>> -> memref<1x128xi32, #tpu.memory_space<vmem>>
      %dma_start3A_99 = tpu.memref_squeeze %dma_start3A_98 : memref<1x128xi32, #tpu.memory_space<vmem>> -> memref<128xi32, #tpu.memory_space<vmem>>
      %dma_start3A_100 = arith.constant 0 : i32
      %dma_start3A_101 = tpu.memref_slice %arg5[%dma_start3A_100] : memref<10240xf32, #tpu.memory_space<hbm>> -> memref<10240xf32, #tpu.memory_space<hbm>>
      tpu.enqueue_indirect_dma source(%dma_start3A_101 : memref<10240xf32, #tpu.memory_space<hbm>>) target(%dma_start3A_96 : memref<128xf32, #tpu.memory_space<vmem>>) offsets(%dma_start3A_99 : memref<128xi32, #tpu.memory_space<vmem>>) semaphore(%arg17 : memref<!tpu.dma_semaphore, #tpu.memory_space<semaphore_mem>>)
      %dma_start3A_102 = arith.constant 1 : i32
      %dma_start3A_103 = arith.constant 128 : i32
      %dma_start3A_104 = arith.constant 0 : i32
      %dma_start3A_105 = tpu.memref_slice %arg11[%dma_start3A_103, %dma_start3A_104] : memref<256x128xf32, #tpu.memory_space<vmem>> -> memref<128x128xf32, #tpu.memory_space<vmem>>
      %dma_start3A_106 = arith.constant 0 : i32
      %dma_start3A_107 = tpu.memref_slice %arg9[%dma_start3A_102, %dma_start3A_106] : memref<2x128xi32, #tpu.memory_space<vmem>> -> memref<1x128xi32, #tpu.memory_space<vmem>>
      %dma_start3A_108 = tpu.memref_squeeze %dma_start3A_107 : memref<1x128xi32, #tpu.memory_space<vmem>> -> memref<128xi32, #tpu.memory_space<vmem>>
      %dma_start3A_109 = arith.constant 0 : i32
      %dma_start3A_110 = arith.constant 0 : i32
      %dma_start3A_111 = tpu.memref_slice %arg6[%dma_start3A_109, %dma_start3A_110] : memref<10000x128xf32, #tpu.memory_space<hbm>> -> memref<10000x128xf32, #tpu.memory_space<hbm>>
      tpu.enqueue_indirect_dma source(%dma_start3A_111 : memref<10000x128xf32, #tpu.memory_space<hbm>>) target(%dma_start3A_105 : memref<128x128xf32, #tpu.memory_space<vmem>>) offsets(%dma_start3A_108 : memref<128xi32, #tpu.memory_space<vmem>>) semaphore(%arg17 : memref<!tpu.dma_semaphore, #tpu.memory_space<semaphore_mem>>)
      %dma_start3A_112 = arith.constant 1 : i32
      %dma_start3A_113 = arith.constant 128 : i32
      %dma_start3A_114 = tpu.memref_slice %arg13[%dma_start3A_113] : memref<256xf32, #tpu.memory_space<vmem>> -> memref<128xf32, #tpu.memory_space<vmem>>
      %dma_start3A_115 = arith.constant 0 : i32
      %dma_start3A_116 = tpu.memref_slice %arg10[%dma_start3A_112, %dma_start3A_115] : memref<2x128xi32, #tpu.memory_space<vmem>> -> memref<1x128xi32, #tpu.memory_space<vmem>>
      %dma_start3A_117 = tpu.memref_squeeze %dma_start3A_116 : memref<1x128xi32, #tpu.memory_space<vmem>> -> memref<128xi32, #tpu.memory_space<vmem>>
      %dma_start3A_118 = arith.constant 0 : i32
      %dma_start3A_119 = tpu.memref_slice %arg5[%dma_start3A_118] : memref<10240xf32, #tpu.memory_space<hbm>> -> memref<10240xf32, #tpu.memory_space<hbm>>
      tpu.enqueue_indirect_dma source(%dma_start3A_119 : memref<10240xf32, #tpu.memory_space<hbm>>) target(%dma_start3A_114 : memref<128xf32, #tpu.memory_space<vmem>>) offsets(%dma_start3A_117 : memref<128xi32, #tpu.memory_space<vmem>>) semaphore(%arg17 : memref<!tpu.dma_semaphore, #tpu.memory_space<semaphore_mem>>)
      %dma_wait3A = arith.constant 0 : i32
      %dma_wait3A_120 = arith.constant 0 : i32
      %dma_wait3A_121 = arith.constant 0 : i32
      %dma_wait3A_122 = tpu.memref_slice %arg11[%dma_wait3A_120, %dma_wait3A_121] : memref<256x128xf32, #tpu.memory_space<vmem>> -> memref<128x128xf32, #tpu.memory_space<vmem>>
      %dma_wait3A_123 = arith.constant 0 : i32
      %dma_wait3A_124 = tpu.memref_slice %arg9[%dma_wait3A, %dma_wait3A_123] : memref<2x128xi32, #tpu.memory_space<vmem>> -> memref<1x128xi32, #tpu.memory_space<vmem>>
      %dma_wait3A_125 = tpu.memref_squeeze %dma_wait3A_124 : memref<1x128xi32, #tpu.memory_space<vmem>> -> memref<128xi32, #tpu.memory_space<vmem>>
      %dma_wait3A_126 = arith.constant 0 : i32
      %dma_wait3A_127 = arith.constant 0 : i32
      %dma_wait3A_128 = tpu.memref_slice %arg6[%dma_wait3A_126, %dma_wait3A_127] : memref<10000x128xf32, #tpu.memory_space<hbm>> -> memref<10000x128xf32, #tpu.memory_space<hbm>>
      tpu.wait_indirect_dma semaphore(%arg17 : memref<!tpu.dma_semaphore, #tpu.memory_space<semaphore_mem>>) src(%dma_wait3A_128 : memref<10000x128xf32, #tpu.memory_space<hbm>>) dst(%dma_wait3A_122 : memref<128x128xf32, #tpu.memory_space<vmem>>)
      %dma_wait3A_129 = arith.constant 0 : i32
      %dma_wait3A_130 = arith.constant 0 : i32
      %dma_wait3A_131 = tpu.memref_slice %arg13[%dma_wait3A_130] : memref<256xf32, #tpu.memory_space<vmem>> -> memref<128xf32, #tpu.memory_space<vmem>>
      %dma_wait3A_132 = arith.constant 0 : i32
      %dma_wait3A_133 = tpu.memref_slice %arg10[%dma_wait3A_129, %dma_wait3A_132] : memref<2x128xi32, #tpu.memory_space<vmem>> -> memref<1x128xi32, #tpu.memory_space<vmem>>
      %dma_wait3A_134 = tpu.memref_squeeze %dma_wait3A_133 : memref<1x128xi32, #tpu.memory_space<vmem>> -> memref<128xi32, #tpu.memory_space<vmem>>
      %dma_wait3A_135 = arith.constant 0 : i32
      %dma_wait3A_136 = tpu.memref_slice %arg5[%dma_wait3A_135] : memref<10240xf32, #tpu.memory_space<hbm>> -> memref<10240xf32, #tpu.memory_space<hbm>>
      tpu.wait_indirect_dma semaphore(%arg17 : memref<!tpu.dma_semaphore, #tpu.memory_space<semaphore_mem>>) src(%dma_wait3A_136 : memref<10240xf32, #tpu.memory_space<hbm>>) dst(%dma_wait3A_131 : memref<128xf32, #tpu.memory_space<vmem>>)
      %dma_wait3A_137 = arith.constant 1 : i32
      %dma_wait3A_138 = arith.constant 128 : i32
      %dma_wait3A_139 = arith.constant 0 : i32
      %dma_wait3A_140 = tpu.memref_slice %arg11[%dma_wait3A_138, %dma_wait3A_139] : memref<256x128xf32, #tpu.memory_space<vmem>> -> memref<128x128xf32, #tpu.memory_space<vmem>>
      %dma_wait3A_141 = arith.constant 0 : i32
      %dma_wait3A_142 = tpu.memref_slice %arg9[%dma_wait3A_137, %dma_wait3A_141] : memref<2x128xi32, #tpu.memory_space<vmem>> -> memref<1x128xi32, #tpu.memory_space<vmem>>
      %dma_wait3A_143 = tpu.memref_squeeze %dma_wait3A_142 : memref<1x128xi32, #tpu.memory_space<vmem>> -> memref<128xi32, #tpu.memory_space<vmem>>
      %dma_wait3A_144 = arith.constant 0 : i32
      %dma_wait3A_145 = arith.constant 0 : i32
      %dma_wait3A_146 = tpu.memref_slice %arg6[%dma_wait3A_144, %dma_wait3A_145] : memref<10000x128xf32, #tpu.memory_space<hbm>> -> memref<10000x128xf32, #tpu.memory_space<hbm>>
      tpu.wait_indirect_dma semaphore(%arg17 : memref<!tpu.dma_semaphore, #tpu.memory_space<semaphore_mem>>) src(%dma_wait3A_146 : memref<10000x128xf32, #tpu.memory_space<hbm>>) dst(%dma_wait3A_140 : memref<128x128xf32, #tpu.memory_space<vmem>>)
      %dma_wait3A_147 = arith.constant 1 : i32
      %dma_wait3A_148 = arith.constant 128 : i32
      %dma_wait3A_149 = tpu.memref_slice %arg13[%dma_wait3A_148] : memref<256xf32, #tpu.memory_space<vmem>> -> memref<128xf32, #tpu.memory_space<vmem>>
      %dma_wait3A_150 = arith.constant 0 : i32
      %dma_wait3A_151 = tpu.memref_slice %arg10[%dma_wait3A_147, %dma_wait3A_150] : memref<2x128xi32, #tpu.memory_space<vmem>> -> memref<1x128xi32, #tpu.memory_space<vmem>>
      %dma_wait3A_152 = tpu.memref_squeeze %dma_wait3A_151 : memref<1x128xi32, #tpu.memory_space<vmem>> -> memref<128xi32, #tpu.memory_space<vmem>>
      %dma_wait3A_153 = arith.constant 0 : i32
      %dma_wait3A_154 = tpu.memref_slice %arg5[%dma_wait3A_153] : memref<10240xf32, #tpu.memory_space<hbm>> -> memref<10240xf32, #tpu.memory_space<hbm>>
      tpu.wait_indirect_dma semaphore(%arg17 : memref<!tpu.dma_semaphore, #tpu.memory_space<semaphore_mem>>) src(%dma_wait3A_154 : memref<10240xf32, #tpu.memory_space<hbm>>) dst(%dma_wait3A_149 : memref<128xf32, #tpu.memory_space<vmem>>)
      %parallel_loop3A = arith.constant 0 : i32
      %parallel_loop3A_155 = arith.constant 16 : i32
      %parallel_loop3A_156 = arith.constant 1 : i32
      scf.for %parallel_loop3A_162 = %parallel_loop3A to %parallel_loop3A_155 step %parallel_loop3A_156  : i32 {
        %parallel_loop3A_163 = arith.constant 16 : i32
        %parallel_loop3A_164 = arith.muli %parallel_loop3A_162, %parallel_loop3A_163 : i32
        %parallel_loop3A_165 = arith.index_cast %parallel_loop3A_164 : i32 to index
        %parallel_loop3A_166 = tpu.vector_load %arg12[%parallel_loop3A_165] {strides = array<i32>} : memref<256xf32, #tpu.memory_space<vmem>>, vector<16xf32>,
        %parallel_loop3A_167 = arith.index_cast %parallel_loop3A_164 : i32 to index
        %parallel_loop3A_168 = tpu.vector_load %arg13[%parallel_loop3A_167] {strides = array<i32>} : memref<256xf32, #tpu.memory_space<vmem>>, vector<16xf32>,
        %parallel_loop3A_169 = arith.constant 1.000000e-30 : f32
        %parallel_loop3A_170 = vector.broadcast %parallel_loop3A_169 : f32 to vector<16xf32>
        %parallel_loop3A_171 = arith.maximumf %parallel_loop3A_168, %parallel_loop3A_170 : vector<16xf32>
        %parallel_loop3A_172 = arith.divf %parallel_loop3A_166, %parallel_loop3A_171 : vector<16xf32>
        %parallel_loop3A_173 = arith.index_cast %parallel_loop3A_164 : i32 to index
        %parallel_loop3A_174 = tpu.vector_load %arg14[%parallel_loop3A_173] {strides = array<i32>} : memref<256xf32, #tpu.memory_space<vmem>>, vector<16xf32>,
        tpu.vector_store %arg14[%parallel_loop3A_173], %parallel_loop3A_172 {strides = array<i32>} : memref<256xf32, #tpu.memory_space<vmem>>, vector<16xf32>,
      } {sc.loop_unroll_factor = 8 : i64, sc.parallel_access}
      "tpu.region"() ({
        %run_scoped3A_162 = tpu.sem_alloc : memref<!tpu.dma_semaphore, #tpu.memory_space<semaphore_mem>>
        %dma_start3A_163 = tpu.memref_slice %arg7[%multiple_of3A_80] : memref<327680xf32, #tpu.memory_space<hbm>> -> memref<256xf32, #tpu.memory_space<hbm>>
        %dma_start3A_164 = tpu.memref_slice %arg7[%multiple_of3A_80] : memref<327680xf32, #tpu.memory_space<hbm>> -> memref<256xf32, #tpu.memory_space<hbm>>
        tpu.enqueue_dma source(%arg14 : memref<256xf32, #tpu.memory_space<vmem>>) target(%dma_start3A_164 : memref<256xf32, #tpu.memory_space<hbm>>) target_semaphore(%run_scoped3A_162 : memref<!tpu.dma_semaphore, #tpu.memory_space<semaphore_mem>>)
        %dma_wait3A_165 = tpu.memref_slice %arg7[%multiple_of3A_80] : memref<327680xf32, #tpu.memory_space<hbm>> -> memref<256xf32, #tpu.memory_space<hbm>>
        %dma_wait3A_166 = tpu.memref_slice %arg7[%multiple_of3A_80] : memref<327680xf32, #tpu.memory_space<hbm>> -> memref<256xf32, #tpu.memory_space<hbm>>
        tpu.wait_dma2 semaphore(%run_scoped3A_162 : memref<!tpu.dma_semaphore, #tpu.memory_space<semaphore_mem>>) src(%arg14 : memref<256xf32, #tpu.memory_space<vmem>>) dst(%dma_wait3A_166 : memref<256xf32, #tpu.memory_space<hbm>>)
        tpu.yield
      }) : () -> ()
      %parallel_loop3A_157 = arith.constant 0 : i32
      %parallel_loop3A_158 = arith.constant 256 : i32
      %parallel_loop3A_159 = arith.constant 1 : i32
      scf.for %parallel_loop3A_162 = %parallel_loop3A_157 to %parallel_loop3A_158 step %parallel_loop3A_159  : i32 {
        %parallel_loop3A_163 = vector.broadcast %parallel_loop3A_162 : i32 to vector<16xi32>
        %parallel_loop3A_164 = tpu.vector_load_idx %arg14[%parallel_loop3A_163] : memref<256xf32, #tpu.memory_space<vmem>>[vector<16xi32>], vector<16xf32>,
        %parallel_loop3A_165 = arith.index_cast %parallel_loop3A_162 : i32 to index
        %parallel_loop3A_166 = arith.constant 0 : index
        %parallel_loop3A_167 = tpu.vector_load %arg11[%parallel_loop3A_165, %parallel_loop3A_166] {strides = array<i32>} : memref<256x128xf32, #tpu.memory_space<vmem>>, vector<16xf32>,
        %parallel_loop3A_168 = arith.mulf %parallel_loop3A_167, %parallel_loop3A_164 : vector<16xf32>
        %parallel_loop3A_169 = arith.index_cast %parallel_loop3A_162 : i32 to index
        %parallel_loop3A_170 = arith.constant 0 : index
        %parallel_loop3A_171 = tpu.vector_load %arg11[%parallel_loop3A_169, %parallel_loop3A_170] {strides = array<i32>} : memref<256x128xf32, #tpu.memory_space<vmem>>, vector<16xf32>,
        tpu.vector_store %arg11[%parallel_loop3A_169, %parallel_loop3A_170], %parallel_loop3A_168 {strides = array<i32>} : memref<256x128xf32, #tpu.memory_space<vmem>>, vector<16xf32>,
        %parallel_loop3A_172 = arith.index_cast %parallel_loop3A_162 : i32 to index
        %parallel_loop3A_173 = arith.constant 16 : index
        %parallel_loop3A_174 = tpu.vector_load %arg11[%parallel_loop3A_172, %parallel_loop3A_173] {strides = array<i32>} : memref<256x128xf32, #tpu.memory_space<vmem>>, vector<16xf32>,
        %parallel_loop3A_175 = arith.mulf %parallel_loop3A_174, %parallel_loop3A_164 : vector<16xf32>
        %parallel_loop3A_176 = arith.index_cast %parallel_loop3A_162 : i32 to index
        %parallel_loop3A_177 = arith.constant 16 : index
        %parallel_loop3A_178 = tpu.vector_load %arg11[%parallel_loop3A_176, %parallel_loop3A_177] {strides = array<i32>} : memref<256x128xf32, #tpu.memory_space<vmem>>, vector<16xf32>,
        tpu.vector_store %arg11[%parallel_loop3A_176, %parallel_loop3A_177], %parallel_loop3A_175 {strides = array<i32>} : memref<256x128xf32, #tpu.memory_space<vmem>>, vector<16xf32>,
        %parallel_loop3A_179 = arith.index_cast %parallel_loop3A_162 : i32 to index
        %parallel_loop3A_180 = arith.constant 32 : index
        %parallel_loop3A_181 = tpu.vector_load %arg11[%parallel_loop3A_179, %parallel_loop3A_180] {strides = array<i32>} : memref<256x128xf32, #tpu.memory_space<vmem>>, vector<16xf32>,
        %parallel_loop3A_182 = arith.mulf %parallel_loop3A_181, %parallel_loop3A_164 : vector<16xf32>
        %parallel_loop3A_183 = arith.index_cast %parallel_loop3A_162 : i32 to index
        %parallel_loop3A_184 = arith.constant 32 : index
        %parallel_loop3A_185 = tpu.vector_load %arg11[%parallel_loop3A_183, %parallel_loop3A_184] {strides = array<i32>} : memref<256x128xf32, #tpu.memory_space<vmem>>, vector<16xf32>,
        tpu.vector_store %arg11[%parallel_loop3A_183, %parallel_loop3A_184], %parallel_loop3A_182 {strides = array<i32>} : memref<256x128xf32, #tpu.memory_space<vmem>>, vector<16xf32>,
        %parallel_loop3A_186 = arith.index_cast %parallel_loop3A_162 : i32 to index
        %parallel_loop3A_187 = arith.constant 48 : index
        %parallel_loop3A_188 = tpu.vector_load %arg11[%parallel_loop3A_186, %parallel_loop3A_187] {strides = array<i32>} : memref<256x128xf32, #tpu.memory_space<vmem>>, vector<16xf32>,
        %parallel_loop3A_189 = arith.mulf %parallel_loop3A_188, %parallel_loop3A_164 : vector<16xf32>
        %parallel_loop3A_190 = arith.index_cast %parallel_loop3A_162 : i32 to index
        %parallel_loop3A_191 = arith.constant 48 : index
        %parallel_loop3A_192 = tpu.vector_load %arg11[%parallel_loop3A_190, %parallel_loop3A_191] {strides = array<i32>} : memref<256x128xf32, #tpu.memory_space<vmem>>, vector<16xf32>,
        tpu.vector_store %arg11[%parallel_loop3A_190, %parallel_loop3A_191], %parallel_loop3A_189 {strides = array<i32>} : memref<256x128xf32, #tpu.memory_space<vmem>>, vector<16xf32>,
        %parallel_loop3A_193 = arith.index_cast %parallel_loop3A_162 : i32 to index
        %parallel_loop3A_194 = arith.constant 64 : index
        %parallel_loop3A_195 = tpu.vector_load %arg11[%parallel_loop3A_193, %parallel_loop3A_194] {strides = array<i32>} : memref<256x128xf32, #tpu.memory_space<vmem>>, vector<16xf32>,
        %parallel_loop3A_196 = arith.mulf %parallel_loop3A_195, %parallel_loop3A_164 : vector<16xf32>
        %parallel_loop3A_197 = arith.index_cast %parallel_loop3A_162 : i32 to index
        %parallel_loop3A_198 = arith.constant 64 : index
        %parallel_loop3A_199 = tpu.vector_load %arg11[%parallel_loop3A_197, %parallel_loop3A_198] {strides = array<i32>} : memref<256x128xf32, #tpu.memory_space<vmem>>, vector<16xf32>,
        tpu.vector_store %arg11[%parallel_loop3A_197, %parallel_loop3A_198], %parallel_loop3A_196 {strides = array<i32>} : memref<256x128xf32, #tpu.memory_space<vmem>>, vector<16xf32>,
        %parallel_loop3A_200 = arith.index_cast %parallel_loop3A_162 : i32 to index
        %parallel_loop3A_201 = arith.constant 80 : index
        %parallel_loop3A_202 = tpu.vector_load %arg11[%parallel_loop3A_200, %parallel_loop3A_201] {strides = array<i32>} : memref<256x128xf32, #tpu.memory_space<vmem>>, vector<16xf32>,
        %parallel_loop3A_203 = arith.mulf %parallel_loop3A_202, %parallel_loop3A_164 : vector<16xf32>
        %parallel_loop3A_204 = arith.index_cast %parallel_loop3A_162 : i32 to index
        %parallel_loop3A_205 = arith.constant 80 : index
        %parallel_loop3A_206 = tpu.vector_load %arg11[%parallel_loop3A_204, %parallel_loop3A_205] {strides = array<i32>} : memref<256x128xf32, #tpu.memory_space<vmem>>, vector<16xf32>,
        tpu.vector_store %arg11[%parallel_loop3A_204, %parallel_loop3A_205], %parallel_loop3A_203 {strides = array<i32>} : memref<256x128xf32, #tpu.memory_space<vmem>>, vector<16xf32>,
        %parallel_loop3A_207 = arith.index_cast %parallel_loop3A_162 : i32 to index
        %parallel_loop3A_208 = arith.constant 96 : index
        %parallel_loop3A_209 = tpu.vector_load %arg11[%parallel_loop3A_207, %parallel_loop3A_208] {strides = array<i32>} : memref<256x128xf32, #tpu.memory_space<vmem>>, vector<16xf32>,
        %parallel_loop3A_210 = arith.mulf %parallel_loop3A_209, %parallel_loop3A_164 : vector<16xf32>
        %parallel_loop3A_211 = arith.index_cast %parallel_loop3A_162 : i32 to index
        %parallel_loop3A_212 = arith.constant 96 : index
        %parallel_loop3A_213 = tpu.vector_load %arg11[%parallel_loop3A_211, %parallel_loop3A_212] {strides = array<i32>} : memref<256x128xf32, #tpu.memory_space<vmem>>, vector<16xf32>,
        tpu.vector_store %arg11[%parallel_loop3A_211, %parallel_loop3A_212], %parallel_loop3A_210 {strides = array<i32>} : memref<256x128xf32, #tpu.memory_space<vmem>>, vector<16xf32>,
        %parallel_loop3A_214 = arith.index_cast %parallel_loop3A_162 : i32 to index
        %parallel_loop3A_215 = arith.constant 112 : index
        %parallel_loop3A_216 = tpu.vector_load %arg11[%parallel_loop3A_214, %parallel_loop3A_215] {strides = array<i32>} : memref<256x128xf32, #tpu.memory_space<vmem>>, vector<16xf32>,
        %parallel_loop3A_217 = arith.mulf %parallel_loop3A_216, %parallel_loop3A_164 : vector<16xf32>
        %parallel_loop3A_218 = arith.index_cast %parallel_loop3A_162 : i32 to index
        %parallel_loop3A_219 = arith.constant 112 : index
        %parallel_loop3A_220 = tpu.vector_load %arg11[%parallel_loop3A_218, %parallel_loop3A_219] {strides = array<i32>} : memref<256x128xf32, #tpu.memory_space<vmem>>, vector<16xf32>,
        tpu.vector_store %arg11[%parallel_loop3A_218, %parallel_loop3A_219], %parallel_loop3A_217 {strides = array<i32>} : memref<256x128xf32, #tpu.memory_space<vmem>>, vector<16xf32>,
      } {sc.loop_unroll_factor = 16 : i64, sc.parallel_access}
      %run_scoped3A = arith.constant 0 : i32
      "tpu.region"() ({
        %run_scoped3A_162 = tpu.sem_alloc : memref<!tpu.dma_semaphore, #tpu.memory_space<semaphore_mem>>
        %dma_start3A_163 = arith.constant 0 : i32
        %dma_start3A_164 = arith.constant 0 : i32
        %dma_start3A_165 = tpu.memref_slice %arg11[%dma_start3A_163, %dma_start3A_164] : memref<256x128xf32, #tpu.memory_space<vmem>> -> memref<128x128xf32, #tpu.memory_space<vmem>>
        %dma_start3A_166 = arith.constant 0 : i32
        %dma_start3A_167 = tpu.memref_slice %arg10[%run_scoped3A, %dma_start3A_166] : memref<2x128xi32, #tpu.memory_space<vmem>> -> memref<1x128xi32, #tpu.memory_space<vmem>>
        %dma_start3A_168 = tpu.memref_squeeze %dma_start3A_167 : memref<1x128xi32, #tpu.memory_space<vmem>> -> memref<128xi32, #tpu.memory_space<vmem>>
        %dma_start3A_169 = arith.constant 0 : i32
        %dma_start3A_170 = arith.constant 0 : i32
        %dma_start3A_171 = tpu.memref_slice %arg16[%dma_start3A_169, %dma_start3A_170] : memref<10000x128xf32, #tpu.memory_space<vmem_shared>> -> memref<10000x128xf32, #tpu.memory_space<vmem_shared>>
        tpu.enqueue_indirect_dma source(%dma_start3A_165 : memref<128x128xf32, #tpu.memory_space<vmem>>) target(%dma_start3A_171 : memref<10000x128xf32, #tpu.memory_space<vmem_shared>>) offsets(%dma_start3A_168 : memref<128xi32, #tpu.memory_space<vmem>>) semaphore(%run_scoped3A_162 : memref<!tpu.dma_semaphore, #tpu.memory_space<semaphore_mem>>) {add = true}
        %dma_wait3A_172 = arith.constant 0 : i32
        %dma_wait3A_173 = arith.constant 0 : i32
        %dma_wait3A_174 = tpu.memref_slice %arg11[%dma_wait3A_172, %dma_wait3A_173] : memref<256x128xf32, #tpu.memory_space<vmem>> -> memref<128x128xf32, #tpu.memory_space<vmem>>
        %dma_wait3A_175 = arith.constant 0 : i32
        %dma_wait3A_176 = tpu.memref_slice %arg10[%run_scoped3A, %dma_wait3A_175] : memref<2x128xi32, #tpu.memory_space<vmem>> -> memref<1x128xi32, #tpu.memory_space<vmem>>
        %dma_wait3A_177 = tpu.memref_squeeze %dma_wait3A_176 : memref<1x128xi32, #tpu.memory_space<vmem>> -> memref<128xi32, #tpu.memory_space<vmem>>
        %dma_wait3A_178 = arith.constant 0 : i32
        %dma_wait3A_179 = arith.constant 0 : i32
        %dma_wait3A_180 = tpu.memref_slice %arg16[%dma_wait3A_178, %dma_wait3A_179] : memref<10000x128xf32, #tpu.memory_space<vmem_shared>> -> memref<10000x128xf32, #tpu.memory_space<vmem_shared>>
        tpu.wait_indirect_dma semaphore(%run_scoped3A_162 : memref<!tpu.dma_semaphore, #tpu.memory_space<semaphore_mem>>) src(%dma_wait3A_174 : memref<128x128xf32, #tpu.memory_space<vmem>>) dst(%dma_wait3A_180 : memref<10000x128xf32, #tpu.memory_space<vmem_shared>>)
        tpu.yield
      }) : () -> ()
      %run_scoped3A_160 = arith.constant 1 : i32
      "tpu.region"() ({
        %run_scoped3A_162 = tpu.sem_alloc : memref<!tpu.dma_semaphore, #tpu.memory_space<semaphore_mem>>
        %dma_start3A_163 = arith.constant 128 : i32
        %dma_start3A_164 = arith.constant 0 : i32
        %dma_start3A_165 = tpu.memref_slice %arg11[%dma_start3A_163, %dma_start3A_164] : memref<256x128xf32, #tpu.memory_space<vmem>> -> memref<128x128xf32, #tpu.memory_space<vmem>>
        %dma_start3A_166 = arith.constant 0 : i32
        %dma_start3A_167 = tpu.memref_slice %arg10[%run_scoped3A_160, %dma_start3A_166] : memref<2x128xi32, #tpu.memory_space<vmem>> -> memref<1x128xi32, #tpu.memory_space<vmem>>
        %dma_start3A_168 = tpu.memref_squeeze %dma_start3A_167 : memref<1x128xi32, #tpu.memory_space<vmem>> -> memref<128xi32, #tpu.memory_space<vmem>>
        %dma_start3A_169 = arith.constant 0 : i32
        %dma_start3A_170 = arith.constant 0 : i32
        %dma_start3A_171 = tpu.memref_slice %arg16[%dma_start3A_169, %dma_start3A_170] : memref<10000x128xf32, #tpu.memory_space<vmem_shared>> -> memref<10000x128xf32, #tpu.memory_space<vmem_shared>>
        tpu.enqueue_indirect_dma source(%dma_start3A_165 : memref<128x128xf32, #tpu.memory_space<vmem>>) target(%dma_start3A_171 : memref<10000x128xf32, #tpu.memory_space<vmem_shared>>) offsets(%dma_start3A_168 : memref<128xi32, #tpu.memory_space<vmem>>) semaphore(%run_scoped3A_162 : memref<!tpu.dma_semaphore, #tpu.memory_space<semaphore_mem>>) {add = true}
        %dma_wait3A_172 = arith.constant 128 : i32
        %dma_wait3A_173 = arith.constant 0 : i32
        %dma_wait3A_174 = tpu.memref_slice %arg11[%dma_wait3A_172, %dma_wait3A_173] : memref<256x128xf32, #tpu.memory_space<vmem>> -> memref<128x128xf32, #tpu.memory_space<vmem>>
        %dma_wait3A_175 = arith.constant 0 : i32
        %dma_wait3A_176 = tpu.memref_slice %arg10[%run_scoped3A_160, %dma_wait3A_175] : memref<2x128xi32, #tpu.memory_space<vmem>> -> memref<1x128xi32, #tpu.memory_space<vmem>>
        %dma_wait3A_177 = tpu.memref_squeeze %dma_wait3A_176 : memref<1x128xi32, #tpu.memory_space<vmem>> -> memref<128xi32, #tpu.memory_space<vmem>>
        %dma_wait3A_178 = arith.constant 0 : i32
        %dma_wait3A_179 = arith.constant 0 : i32
        %dma_wait3A_180 = tpu.memref_slice %arg16[%dma_wait3A_178, %dma_wait3A_179] : memref<10000x128xf32, #tpu.memory_space<vmem_shared>> -> memref<10000x128xf32, #tpu.memory_space<vmem_shared>>
        tpu.wait_indirect_dma semaphore(%run_scoped3A_162 : memref<!tpu.dma_semaphore, #tpu.memory_space<semaphore_mem>>) src(%dma_wait3A_174 : memref<128x128xf32, #tpu.memory_space<vmem>>) dst(%dma_wait3A_180 : memref<10000x128xf32, #tpu.memory_space<vmem_shared>>)
        tpu.yield
      }) : () -> ()
      %while3A_161 = arith.constant 0 : i32
      scf.yield %while3A_161 : i32
    }
    %while3A_54 = arith.constant 1 : i32
    %while3A_55 = scf.for %while3A_73 = %while3A_51 to %while3A_47 step %while3A_54 iter_args(%while3A_74 = %while3A_53) -> (i32)  : i32 {
      %mul3A_75 = arith.constant 32 : i32
      %mul3A_76 = arith.muli %while3A_73, %mul3A_75 : i32
      %add3A_77 = arith.addi %add3A, %mul3A_76 : i32
      %mul3A_78 = arith.constant 256 : i32
      %mul3A_79 = arith.muli %add3A_77, %mul3A_78 : i32
      %multiple_of3A_80 = tpu.assume_multiple %mul3A_79, 256 : i32
      %mul3A_81 = arith.constant 2 : i32
      %mul3A_82 = arith.muli %add3A_77, %mul3A_81 : i32
      "tpu.region"() ({
        %run_scoped3A_162 = tpu.sem_alloc : memref<!tpu.dma_semaphore, #tpu.memory_space<semaphore_mem>>
        %dma_start3A_163 = arith.constant 0 : i32
        %dma_start3A_164 = tpu.memref_slice %arg2[%mul3A_82, %dma_start3A_163] : memref<2560x128xi32, #tpu.memory_space<hbm>> -> memref<2x128xi32, #tpu.memory_space<hbm>>
        %dma_start3A_165 = arith.constant 0 : i32
        %dma_start3A_166 = tpu.memref_slice %arg2[%mul3A_82, %dma_start3A_165] : memref<2560x128xi32, #tpu.memory_space<hbm>> -> memref<2x128xi32, #tpu.memory_space<hbm>>
        tpu.enqueue_dma source(%dma_start3A_166 : memref<2x128xi32, #tpu.memory_space<hbm>>) target(%arg9 : memref<2x128xi32, #tpu.memory_space<vmem>>) target_semaphore(%run_scoped3A_162 : memref<!tpu.dma_semaphore, #tpu.memory_space<semaphore_mem>>)
        %dma_wait3A_167 = arith.constant 0 : i32
        %dma_wait3A_168 = tpu.memref_slice %arg2[%mul3A_82, %dma_wait3A_167] : memref<2560x128xi32, #tpu.memory_space<hbm>> -> memref<2x128xi32, #tpu.memory_space<hbm>>
        %dma_wait3A_169 = arith.constant 0 : i32
        %dma_wait3A_170 = tpu.memref_slice %arg2[%mul3A_82, %dma_wait3A_169] : memref<2560x128xi32, #tpu.memory_space<hbm>> -> memref<2x128xi32, #tpu.memory_space<hbm>>
        tpu.wait_dma2 semaphore(%run_scoped3A_162 : memref<!tpu.dma_semaphore, #tpu.memory_space<semaphore_mem>>) src(%dma_wait3A_170 : memref<2x128xi32, #tpu.memory_space<hbm>>) dst(%arg9 : memref<2x128xi32, #tpu.memory_space<vmem>>)
        tpu.yield
      }) : () -> ()
      %mul3A_83 = arith.constant 2 : i32
      %mul3A_84 = arith.muli %add3A_77, %mul3A_83 : i32
      "tpu.region"() ({
        %run_scoped3A_162 = tpu.sem_alloc : memref<!tpu.dma_semaphore, #tpu.memory_space<semaphore_mem>>
        %dma_start3A_163 = arith.constant 0 : i32
        %dma_start3A_164 = tpu.memref_slice %arg3[%mul3A_84, %dma_start3A_163] : memref<2560x128xi32, #tpu.memory_space<hbm>> -> memref<2x128xi32, #tpu.memory_space<hbm>>
        %dma_start3A_165 = arith.constant 0 : i32
        %dma_start3A_166 = tpu.memref_slice %arg3[%mul3A_84, %dma_start3A_165] : memref<2560x128xi32, #tpu.memory_space<hbm>> -> memref<2x128xi32, #tpu.memory_space<hbm>>
        tpu.enqueue_dma source(%dma_start3A_166 : memref<2x128xi32, #tpu.memory_space<hbm>>) target(%arg10 : memref<2x128xi32, #tpu.memory_space<vmem>>) target_semaphore(%run_scoped3A_162 : memref<!tpu.dma_semaphore, #tpu.memory_space<semaphore_mem>>)
        %dma_wait3A_167 = arith.constant 0 : i32
        %dma_wait3A_168 = tpu.memref_slice %arg3[%mul3A_84, %dma_wait3A_167] : memref<2560x128xi32, #tpu.memory_space<hbm>> -> memref<2x128xi32, #tpu.memory_space<hbm>>
        %dma_wait3A_169 = arith.constant 0 : i32
        %dma_wait3A_170 = tpu.memref_slice %arg3[%mul3A_84, %dma_wait3A_169] : memref<2560x128xi32, #tpu.memory_space<hbm>> -> memref<2x128xi32, #tpu.memory_space<hbm>>
        tpu.wait_dma2 semaphore(%run_scoped3A_162 : memref<!tpu.dma_semaphore, #tpu.memory_space<semaphore_mem>>) src(%dma_wait3A_170 : memref<2x128xi32, #tpu.memory_space<hbm>>) dst(%arg10 : memref<2x128xi32, #tpu.memory_space<vmem>>)
        tpu.yield
      }) : () -> ()
      "tpu.region"() ({
        %run_scoped3A_162 = tpu.sem_alloc : memref<!tpu.dma_semaphore, #tpu.memory_space<semaphore_mem>>
        %dma_start3A_163 = tpu.memref_slice %arg4[%multiple_of3A_80] : memref<327680xf32, #tpu.memory_space<hbm>> -> memref<256xf32, #tpu.memory_space<hbm>>
        %dma_start3A_164 = tpu.memref_slice %arg4[%multiple_of3A_80] : memref<327680xf32, #tpu.memory_space<hbm>> -> memref<256xf32, #tpu.memory_space<hbm>>
        tpu.enqueue_dma source(%dma_start3A_164 : memref<256xf32, #tpu.memory_space<hbm>>) target(%arg12 : memref<256xf32, #tpu.memory_space<vmem>>) target_semaphore(%run_scoped3A_162 : memref<!tpu.dma_semaphore, #tpu.memory_space<semaphore_mem>>)
        %dma_wait3A_165 = tpu.memref_slice %arg4[%multiple_of3A_80] : memref<327680xf32, #tpu.memory_space<hbm>> -> memref<256xf32, #tpu.memory_space<hbm>>
        %dma_wait3A_166 = tpu.memref_slice %arg4[%multiple_of3A_80] : memref<327680xf32, #tpu.memory_space<hbm>> -> memref<256xf32, #tpu.memory_space<hbm>>
        tpu.wait_dma2 semaphore(%run_scoped3A_162 : memref<!tpu.dma_semaphore, #tpu.memory_space<semaphore_mem>>) src(%dma_wait3A_166 : memref<256xf32, #tpu.memory_space<hbm>>) dst(%arg12 : memref<256xf32, #tpu.memory_space<vmem>>)
        tpu.yield
      }) : () -> ()
      %dma_start3A = arith.constant 0 : i32
      %dma_start3A_85 = arith.constant 0 : i32
      %dma_start3A_86 = arith.constant 0 : i32
      %dma_start3A_87 = tpu.memref_slice %arg11[%dma_start3A_85, %dma_start3A_86] : memref<256x128xf32, #tpu.memory_space<vmem>> -> memref<128x128xf32, #tpu.memory_space<vmem>>
      %dma_start3A_88 = arith.constant 0 : i32
      %dma_start3A_89 = tpu.memref_slice %arg9[%dma_start3A, %dma_start3A_88] : memref<2x128xi32, #tpu.memory_space<vmem>> -> memref<1x128xi32, #tpu.memory_space<vmem>>
      %dma_start3A_90 = tpu.memref_squeeze %dma_start3A_89 : memref<1x128xi32, #tpu.memory_space<vmem>> -> memref<128xi32, #tpu.memory_space<vmem>>
      %dma_start3A_91 = arith.constant 0 : i32
      %dma_start3A_92 = arith.constant 0 : i32
      %dma_start3A_93 = tpu.memref_slice %arg6[%dma_start3A_91, %dma_start3A_92] : memref<10000x128xf32, #tpu.memory_space<hbm>> -> memref<10000x128xf32, #tpu.memory_space<hbm>>
      tpu.enqueue_indirect_dma source(%dma_start3A_93 : memref<10000x128xf32, #tpu.memory_space<hbm>>) target(%dma_start3A_87 : memref<128x128xf32, #tpu.memory_space<vmem>>) offsets(%dma_start3A_90 : memref<128xi32, #tpu.memory_space<vmem>>) semaphore(%arg17 : memref<!tpu.dma_semaphore, #tpu.memory_space<semaphore_mem>>)
      %dma_start3A_94 = arith.constant 0 : i32
      %dma_start3A_95 = arith.constant 0 : i32
      %dma_start3A_96 = tpu.memref_slice %arg13[%dma_start3A_95] : memref<256xf32, #tpu.memory_space<vmem>> -> memref<128xf32, #tpu.memory_space<vmem>>
      %dma_start3A_97 = arith.constant 0 : i32
      %dma_start3A_98 = tpu.memref_slice %arg10[%dma_start3A_94, %dma_start3A_97] : memref<2x128xi32, #tpu.memory_space<vmem>> -> memref<1x128xi32, #tpu.memory_space<vmem>>
      %dma_start3A_99 = tpu.memref_squeeze %dma_start3A_98 : memref<1x128xi32, #tpu.memory_space<vmem>> -> memref<128xi32, #tpu.memory_space<vmem>>
      %dma_start3A_100 = arith.constant 0 : i32
      %dma_start3A_101 = tpu.memref_slice %arg5[%dma_start3A_100] : memref<10240xf32, #tpu.memory_space<hbm>> -> memref<10240xf32, #tpu.memory_space<hbm>>
      tpu.enqueue_indirect_dma source(%dma_start3A_101 : memref<10240xf32, #tpu.memory_space<hbm>>) target(%dma_start3A_96 : memref<128xf32, #tpu.memory_space<vmem>>) offsets(%dma_start3A_99 : memref<128xi32, #tpu.memory_space<vmem>>) semaphore(%arg17 : memref<!tpu.dma_semaphore, #tpu.memory_space<semaphore_mem>>)
      %dma_start3A_102 = arith.constant 1 : i32
      %dma_start3A_103 = arith.constant 128 : i32
      %dma_start3A_104 = arith.constant 0 : i32
      %dma_start3A_105 = tpu.memref_slice %arg11[%dma_start3A_103, %dma_start3A_104] : memref<256x128xf32, #tpu.memory_space<vmem>> -> memref<128x128xf32, #tpu.memory_space<vmem>>
      %dma_start3A_106 = arith.constant 0 : i32
      %dma_start3A_107 = tpu.memref_slice %arg9[%dma_start3A_102, %dma_start3A_106] : memref<2x128xi32, #tpu.memory_space<vmem>> -> memref<1x128xi32, #tpu.memory_space<vmem>>
      %dma_start3A_108 = tpu.memref_squeeze %dma_start3A_107 : memref<1x128xi32, #tpu.memory_space<vmem>> -> memref<128xi32, #tpu.memory_space<vmem>>
      %dma_start3A_109 = arith.constant 0 : i32
      %dma_start3A_110 = arith.constant 0 : i32
      %dma_start3A_111 = tpu.memref_slice %arg6[%dma_start3A_109, %dma_start3A_110] : memref<10000x128xf32, #tpu.memory_space<hbm>> -> memref<10000x128xf32, #tpu.memory_space<hbm>>
      tpu.enqueue_indirect_dma source(%dma_start3A_111 : memref<10000x128xf32, #tpu.memory_space<hbm>>) target(%dma_start3A_105 : memref<128x128xf32, #tpu.memory_space<vmem>>) offsets(%dma_start3A_108 : memref<128xi32, #tpu.memory_space<vmem>>) semaphore(%arg17 : memref<!tpu.dma_semaphore, #tpu.memory_space<semaphore_mem>>)
      %dma_start3A_112 = arith.constant 1 : i32
      %dma_start3A_113 = arith.constant 128 : i32
      %dma_start3A_114 = tpu.memref_slice %arg13[%dma_start3A_113] : memref<256xf32, #tpu.memory_space<vmem>> -> memref<128xf32, #tpu.memory_space<vmem>>
      %dma_start3A_115 = arith.constant 0 : i32
      %dma_start3A_116 = tpu.memref_slice %arg10[%dma_start3A_112, %dma_start3A_115] : memref<2x128xi32, #tpu.memory_space<vmem>> -> memref<1x128xi32, #tpu.memory_space<vmem>>
      %dma_start3A_117 = tpu.memref_squeeze %dma_start3A_116 : memref<1x128xi32, #tpu.memory_space<vmem>> -> memref<128xi32, #tpu.memory_space<vmem>>
      %dma_start3A_118 = arith.constant 0 : i32
      %dma_start3A_119 = tpu.memref_slice %arg5[%dma_start3A_118] : memref<10240xf32, #tpu.memory_space<hbm>> -> memref<10240xf32, #tpu.memory_space<hbm>>
      tpu.enqueue_indirect_dma source(%dma_start3A_119 : memref<10240xf32, #tpu.memory_space<hbm>>) target(%dma_start3A_114 : memref<128xf32, #tpu.memory_space<vmem>>) offsets(%dma_start3A_117 : memref<128xi32, #tpu.memory_space<vmem>>) semaphore(%arg17 : memref<!tpu.dma_semaphore, #tpu.memory_space<semaphore_mem>>)
      %dma_wait3A = arith.constant 0 : i32
      %dma_wait3A_120 = arith.constant 0 : i32
      %dma_wait3A_121 = arith.constant 0 : i32
      %dma_wait3A_122 = tpu.memref_slice %arg11[%dma_wait3A_120, %dma_wait3A_121] : memref<256x128xf32, #tpu.memory_space<vmem>> -> memref<128x128xf32, #tpu.memory_space<vmem>>
      %dma_wait3A_123 = arith.constant 0 : i32
      %dma_wait3A_124 = tpu.memref_slice %arg9[%dma_wait3A, %dma_wait3A_123] : memref<2x128xi32, #tpu.memory_space<vmem>> -> memref<1x128xi32, #tpu.memory_space<vmem>>
      %dma_wait3A_125 = tpu.memref_squeeze %dma_wait3A_124 : memref<1x128xi32, #tpu.memory_space<vmem>> -> memref<128xi32, #tpu.memory_space<vmem>>
      %dma_wait3A_126 = arith.constant 0 : i32
      %dma_wait3A_127 = arith.constant 0 : i32
      %dma_wait3A_128 = tpu.memref_slice %arg6[%dma_wait3A_126, %dma_wait3A_127] : memref<10000x128xf32, #tpu.memory_space<hbm>> -> memref<10000x128xf32, #tpu.memory_space<hbm>>
      tpu.wait_indirect_dma semaphore(%arg17 : memref<!tpu.dma_semaphore, #tpu.memory_space<semaphore_mem>>) src(%dma_wait3A_128 : memref<10000x128xf32, #tpu.memory_space<hbm>>) dst(%dma_wait3A_122 : memref<128x128xf32, #tpu.memory_space<vmem>>)
      %dma_wait3A_129 = arith.constant 0 : i32
      %dma_wait3A_130 = arith.constant 0 : i32
      %dma_wait3A_131 = tpu.memref_slice %arg13[%dma_wait3A_130] : memref<256xf32, #tpu.memory_space<vmem>> -> memref<128xf32, #tpu.memory_space<vmem>>
      %dma_wait3A_132 = arith.constant 0 : i32
      %dma_wait3A_133 = tpu.memref_slice %arg10[%dma_wait3A_129, %dma_wait3A_132] : memref<2x128xi32, #tpu.memory_space<vmem>> -> memref<1x128xi32, #tpu.memory_space<vmem>>
      %dma_wait3A_134 = tpu.memref_squeeze %dma_wait3A_133 : memref<1x128xi32, #tpu.memory_space<vmem>> -> memref<128xi32, #tpu.memory_space<vmem>>
      %dma_wait3A_135 = arith.constant 0 : i32
      %dma_wait3A_136 = tpu.memref_slice %arg5[%dma_wait3A_135] : memref<10240xf32, #tpu.memory_space<hbm>> -> memref<10240xf32, #tpu.memory_space<hbm>>
      tpu.wait_indirect_dma semaphore(%arg17 : memref<!tpu.dma_semaphore, #tpu.memory_space<semaphore_mem>>) src(%dma_wait3A_136 : memref<10240xf32, #tpu.memory_space<hbm>>) dst(%dma_wait3A_131 : memref<128xf32, #tpu.memory_space<vmem>>)
      %dma_wait3A_137 = arith.constant 1 : i32
      %dma_wait3A_138 = arith.constant 128 : i32
      %dma_wait3A_139 = arith.constant 0 : i32
      %dma_wait3A_140 = tpu.memref_slice %arg11[%dma_wait3A_138, %dma_wait3A_139] : memref<256x128xf32, #tpu.memory_space<vmem>> -> memref<128x128xf32, #tpu.memory_space<vmem>>
      %dma_wait3A_141 = arith.constant 0 : i32
      %dma_wait3A_142 = tpu.memref_slice %arg9[%dma_wait3A_137, %dma_wait3A_141] : memref<2x128xi32, #tpu.memory_space<vmem>> -> memref<1x128xi32, #tpu.memory_space<vmem>>
      %dma_wait3A_143 = tpu.memref_squeeze %dma_wait3A_142 : memref<1x128xi32, #tpu.memory_space<vmem>> -> memref<128xi32, #tpu.memory_space<vmem>>
      %dma_wait3A_144 = arith.constant 0 : i32
      %dma_wait3A_145 = arith.constant 0 : i32
      %dma_wait3A_146 = tpu.memref_slice %arg6[%dma_wait3A_144, %dma_wait3A_145] : memref<10000x128xf32, #tpu.memory_space<hbm>> -> memref<10000x128xf32, #tpu.memory_space<hbm>>
      tpu.wait_indirect_dma semaphore(%arg17 : memref<!tpu.dma_semaphore, #tpu.memory_space<semaphore_mem>>) src(%dma_wait3A_146 : memref<10000x128xf32, #tpu.memory_space<hbm>>) dst(%dma_wait3A_140 : memref<128x128xf32, #tpu.memory_space<vmem>>)
      %dma_wait3A_147 = arith.constant 1 : i32
      %dma_wait3A_148 = arith.constant 128 : i32
      %dma_wait3A_149 = tpu.memref_slice %arg13[%dma_wait3A_148] : memref<256xf32, #tpu.memory_space<vmem>> -> memref<128xf32, #tpu.memory_space<vmem>>
      %dma_wait3A_150 = arith.constant 0 : i32
      %dma_wait3A_151 = tpu.memref_slice %arg10[%dma_wait3A_147, %dma_wait3A_150] : memref<2x128xi32, #tpu.memory_space<vmem>> -> memref<1x128xi32, #tpu.memory_space<vmem>>
      %dma_wait3A_152 = tpu.memref_squeeze %dma_wait3A_151 : memref<1x128xi32, #tpu.memory_space<vmem>> -> memref<128xi32, #tpu.memory_space<vmem>>
      %dma_wait3A_153 = arith.constant 0 : i32
      %dma_wait3A_154 = tpu.memref_slice %arg5[%dma_wait3A_153] : memref<10240xf32, #tpu.memory_space<hbm>> -> memref<10240xf32, #tpu.memory_space<hbm>>
      tpu.wait_indirect_dma semaphore(%arg17 : memref<!tpu.dma_semaphore, #tpu.memory_space<semaphore_mem>>) src(%dma_wait3A_154 : memref<10240xf32, #tpu.memory_space<hbm>>) dst(%dma_wait3A_149 : memref<128xf32, #tpu.memory_space<vmem>>)
      %parallel_loop3A = arith.constant 0 : i32
      %parallel_loop3A_155 = arith.constant 16 : i32
      %parallel_loop3A_156 = arith.constant 1 : i32
      scf.for %parallel_loop3A_162 = %parallel_loop3A to %parallel_loop3A_155 step %parallel_loop3A_156  : i32 {
        %parallel_loop3A_163 = arith.constant 16 : i32
        %parallel_loop3A_164 = arith.muli %parallel_loop3A_162, %parallel_loop3A_163 : i32
        %parallel_loop3A_165 = arith.index_cast %parallel_loop3A_164 : i32 to index
        %parallel_loop3A_166 = tpu.vector_load %arg12[%parallel_loop3A_165] {strides = array<i32>} : memref<256xf32, #tpu.memory_space<vmem>>, vector<16xf32>,
        %parallel_loop3A_167 = arith.index_cast %parallel_loop3A_164 : i32 to index
        %parallel_loop3A_168 = tpu.vector_load %arg13[%parallel_loop3A_167] {strides = array<i32>} : memref<256xf32, #tpu.memory_space<vmem>>, vector<16xf32>,
        %parallel_loop3A_169 = arith.constant 1.000000e-30 : f32
        %parallel_loop3A_170 = vector.broadcast %parallel_loop3A_169 : f32 to vector<16xf32>
        %parallel_loop3A_171 = arith.maximumf %parallel_loop3A_168, %parallel_loop3A_170 : vector<16xf32>
        %parallel_loop3A_172 = arith.divf %parallel_loop3A_166, %parallel_loop3A_171 : vector<16xf32>
        %parallel_loop3A_173 = arith.index_cast %parallel_loop3A_164 : i32 to index
        %parallel_loop3A_174 = tpu.vector_load %arg14[%parallel_loop3A_173] {strides = array<i32>} : memref<256xf32, #tpu.memory_space<vmem>>, vector<16xf32>,
        tpu.vector_store %arg14[%parallel_loop3A_173], %parallel_loop3A_172 {strides = array<i32>} : memref<256xf32, #tpu.memory_space<vmem>>, vector<16xf32>,
      } {sc.loop_unroll_factor = 8 : i64, sc.parallel_access}
      "tpu.region"() ({
        %run_scoped3A_162 = tpu.sem_alloc : memref<!tpu.dma_semaphore, #tpu.memory_space<semaphore_mem>>
        %dma_start3A_163 = tpu.memref_slice %arg7[%multiple_of3A_80] : memref<327680xf32, #tpu.memory_space<hbm>> -> memref<256xf32, #tpu.memory_space<hbm>>
        %dma_start3A_164 = tpu.memref_slice %arg7[%multiple_of3A_80] : memref<327680xf32, #tpu.memory_space<hbm>> -> memref<256xf32, #tpu.memory_space<hbm>>
        tpu.enqueue_dma source(%arg14 : memref<256xf32, #tpu.memory_space<vmem>>) target(%dma_start3A_164 : memref<256xf32, #tpu.memory_space<hbm>>) target_semaphore(%run_scoped3A_162 : memref<!tpu.dma_semaphore, #tpu.memory_space<semaphore_mem>>)
        %dma_wait3A_165 = tpu.memref_slice %arg7[%multiple_of3A_80] : memref<327680xf32, #tpu.memory_space<hbm>> -> memref<256xf32, #tpu.memory_space<hbm>>
        %dma_wait3A_166 = tpu.memref_slice %arg7[%multiple_of3A_80] : memref<327680xf32, #tpu.memory_space<hbm>> -> memref<256xf32, #tpu.memory_space<hbm>>
        tpu.wait_dma2 semaphore(%run_scoped3A_162 : memref<!tpu.dma_semaphore, #tpu.memory_space<semaphore_mem>>) src(%arg14 : memref<256xf32, #tpu.memory_space<vmem>>) dst(%dma_wait3A_166 : memref<256xf32, #tpu.memory_space<hbm>>)
        tpu.yield
      }) : () -> ()
      %parallel_loop3A_157 = arith.constant 0 : i32
      %parallel_loop3A_158 = arith.constant 256 : i32
      %parallel_loop3A_159 = arith.constant 1 : i32
      scf.for %parallel_loop3A_162 = %parallel_loop3A_157 to %parallel_loop3A_158 step %parallel_loop3A_159  : i32 {
        %parallel_loop3A_163 = vector.broadcast %parallel_loop3A_162 : i32 to vector<16xi32>
        %parallel_loop3A_164 = tpu.vector_load_idx %arg14[%parallel_loop3A_163] : memref<256xf32, #tpu.memory_space<vmem>>[vector<16xi32>], vector<16xf32>,
        %parallel_loop3A_165 = arith.index_cast %parallel_loop3A_162 : i32 to index
        %parallel_loop3A_166 = arith.constant 0 : index
        %parallel_loop3A_167 = tpu.vector_load %arg11[%parallel_loop3A_165, %parallel_loop3A_166] {strides = array<i32>} : memref<256x128xf32, #tpu.memory_space<vmem>>, vector<16xf32>,
        %parallel_loop3A_168 = arith.mulf %parallel_loop3A_167, %parallel_loop3A_164 : vector<16xf32>
        %parallel_loop3A_169 = arith.index_cast %parallel_loop3A_162 : i32 to index
        %parallel_loop3A_170 = arith.constant 0 : index
        %parallel_loop3A_171 = tpu.vector_load %arg11[%parallel_loop3A_169, %parallel_loop3A_170] {strides = array<i32>} : memref<256x128xf32, #tpu.memory_space<vmem>>, vector<16xf32>,
        tpu.vector_store %arg11[%parallel_loop3A_169, %parallel_loop3A_170], %parallel_loop3A_168 {strides = array<i32>} : memref<256x128xf32, #tpu.memory_space<vmem>>, vector<16xf32>,
        %parallel_loop3A_172 = arith.index_cast %parallel_loop3A_162 : i32 to index
        %parallel_loop3A_173 = arith.constant 16 : index
        %parallel_loop3A_174 = tpu.vector_load %arg11[%parallel_loop3A_172, %parallel_loop3A_173] {strides = array<i32>} : memref<256x128xf32, #tpu.memory_space<vmem>>, vector<16xf32>,
        %parallel_loop3A_175 = arith.mulf %parallel_loop3A_174, %parallel_loop3A_164 : vector<16xf32>
        %parallel_loop3A_176 = arith.index_cast %parallel_loop3A_162 : i32 to index
        %parallel_loop3A_177 = arith.constant 16 : index
        %parallel_loop3A_178 = tpu.vector_load %arg11[%parallel_loop3A_176, %parallel_loop3A_177] {strides = array<i32>} : memref<256x128xf32, #tpu.memory_space<vmem>>, vector<16xf32>,
        tpu.vector_store %arg11[%parallel_loop3A_176, %parallel_loop3A_177], %parallel_loop3A_175 {strides = array<i32>} : memref<256x128xf32, #tpu.memory_space<vmem>>, vector<16xf32>,
        %parallel_loop3A_179 = arith.index_cast %parallel_loop3A_162 : i32 to index
        %parallel_loop3A_180 = arith.constant 32 : index
        %parallel_loop3A_181 = tpu.vector_load %arg11[%parallel_loop3A_179, %parallel_loop3A_180] {strides = array<i32>} : memref<256x128xf32, #tpu.memory_space<vmem>>, vector<16xf32>,
        %parallel_loop3A_182 = arith.mulf %parallel_loop3A_181, %parallel_loop3A_164 : vector<16xf32>
        %parallel_loop3A_183 = arith.index_cast %parallel_loop3A_162 : i32 to index
        %parallel_loop3A_184 = arith.constant 32 : index
        %parallel_loop3A_185 = tpu.vector_load %arg11[%parallel_loop3A_183, %parallel_loop3A_184] {strides = array<i32>} : memref<256x128xf32, #tpu.memory_space<vmem>>, vector<16xf32>,
        tpu.vector_store %arg11[%parallel_loop3A_183, %parallel_loop3A_184], %parallel_loop3A_182 {strides = array<i32>} : memref<256x128xf32, #tpu.memory_space<vmem>>, vector<16xf32>,
        %parallel_loop3A_186 = arith.index_cast %parallel_loop3A_162 : i32 to index
        %parallel_loop3A_187 = arith.constant 48 : index
        %parallel_loop3A_188 = tpu.vector_load %arg11[%parallel_loop3A_186, %parallel_loop3A_187] {strides = array<i32>} : memref<256x128xf32, #tpu.memory_space<vmem>>, vector<16xf32>,
        %parallel_loop3A_189 = arith.mulf %parallel_loop3A_188, %parallel_loop3A_164 : vector<16xf32>
        %parallel_loop3A_190 = arith.index_cast %parallel_loop3A_162 : i32 to index
        %parallel_loop3A_191 = arith.constant 48 : index
        %parallel_loop3A_192 = tpu.vector_load %arg11[%parallel_loop3A_190, %parallel_loop3A_191] {strides = array<i32>} : memref<256x128xf32, #tpu.memory_space<vmem>>, vector<16xf32>,
        tpu.vector_store %arg11[%parallel_loop3A_190, %parallel_loop3A_191], %parallel_loop3A_189 {strides = array<i32>} : memref<256x128xf32, #tpu.memory_space<vmem>>, vector<16xf32>,
        %parallel_loop3A_193 = arith.index_cast %parallel_loop3A_162 : i32 to index
        %parallel_loop3A_194 = arith.constant 64 : index
        %parallel_loop3A_195 = tpu.vector_load %arg11[%parallel_loop3A_193, %parallel_loop3A_194] {strides = array<i32>} : memref<256x128xf32, #tpu.memory_space<vmem>>, vector<16xf32>,
        %parallel_loop3A_196 = arith.mulf %parallel_loop3A_195, %parallel_loop3A_164 : vector<16xf32>
        %parallel_loop3A_197 = arith.index_cast %parallel_loop3A_162 : i32 to index
        %parallel_loop3A_198 = arith.constant 64 : index
        %parallel_loop3A_199 = tpu.vector_load %arg11[%parallel_loop3A_197, %parallel_loop3A_198] {strides = array<i32>} : memref<256x128xf32, #tpu.memory_space<vmem>>, vector<16xf32>,
        tpu.vector_store %arg11[%parallel_loop3A_197, %parallel_loop3A_198], %parallel_loop3A_196 {strides = array<i32>} : memref<256x128xf32, #tpu.memory_space<vmem>>, vector<16xf32>,
        %parallel_loop3A_200 = arith.index_cast %parallel_loop3A_162 : i32 to index
        %parallel_loop3A_201 = arith.constant 80 : index
        %parallel_loop3A_202 = tpu.vector_load %arg11[%parallel_loop3A_200, %parallel_loop3A_201] {strides = array<i32>} : memref<256x128xf32, #tpu.memory_space<vmem>>, vector<16xf32>,
        %parallel_loop3A_203 = arith.mulf %parallel_loop3A_202, %parallel_loop3A_164 : vector<16xf32>
        %parallel_loop3A_204 = arith.index_cast %parallel_loop3A_162 : i32 to index
        %parallel_loop3A_205 = arith.constant 80 : index
        %parallel_loop3A_206 = tpu.vector_load %arg11[%parallel_loop3A_204, %parallel_loop3A_205] {strides = array<i32>} : memref<256x128xf32, #tpu.memory_space<vmem>>, vector<16xf32>,
        tpu.vector_store %arg11[%parallel_loop3A_204, %parallel_loop3A_205], %parallel_loop3A_203 {strides = array<i32>} : memref<256x128xf32, #tpu.memory_space<vmem>>, vector<16xf32>,
        %parallel_loop3A_207 = arith.index_cast %parallel_loop3A_162 : i32 to index
        %parallel_loop3A_208 = arith.constant 96 : index
        %parallel_loop3A_209 = tpu.vector_load %arg11[%parallel_loop3A_207, %parallel_loop3A_208] {strides = array<i32>} : memref<256x128xf32, #tpu.memory_space<vmem>>, vector<16xf32>,
        %parallel_loop3A_210 = arith.mulf %parallel_loop3A_209, %parallel_loop3A_164 : vector<16xf32>
        %parallel_loop3A_211 = arith.index_cast %parallel_loop3A_162 : i32 to index
        %parallel_loop3A_212 = arith.constant 96 : index
        %parallel_loop3A_213 = tpu.vector_load %arg11[%parallel_loop3A_211, %parallel_loop3A_212] {strides = array<i32>} : memref<256x128xf32, #tpu.memory_space<vmem>>, vector<16xf32>,
        tpu.vector_store %arg11[%parallel_loop3A_211, %parallel_loop3A_212], %parallel_loop3A_210 {strides = array<i32>} : memref<256x128xf32, #tpu.memory_space<vmem>>, vector<16xf32>,
        %parallel_loop3A_214 = arith.index_cast %parallel_loop3A_162 : i32 to index
        %parallel_loop3A_215 = arith.constant 112 : index
        %parallel_loop3A_216 = tpu.vector_load %arg11[%parallel_loop3A_214, %parallel_loop3A_215] {strides = array<i32>} : memref<256x128xf32, #tpu.memory_space<vmem>>, vector<16xf32>,
        %parallel_loop3A_217 = arith.mulf %parallel_loop3A_216, %parallel_loop3A_164 : vector<16xf32>
        %parallel_loop3A_218 = arith.index_cast %parallel_loop3A_162 : i32 to index
        %parallel_loop3A_219 = arith.constant 112 : index
        %parallel_loop3A_220 = tpu.vector_load %arg11[%parallel_loop3A_218, %parallel_loop3A_219] {strides = array<i32>} : memref<256x128xf32, #tpu.memory_space<vmem>>, vector<16xf32>,
        tpu.vector_store %arg11[%parallel_loop3A_218, %parallel_loop3A_219], %parallel_loop3A_217 {strides = array<i32>} : memref<256x128xf32, #tpu.memory_space<vmem>>, vector<16xf32>,
      } {sc.loop_unroll_factor = 16 : i64, sc.parallel_access}
      %run_scoped3A = arith.constant 0 : i32
      "tpu.region"() ({
        %run_scoped3A_162 = tpu.sem_alloc : memref<!tpu.dma_semaphore, #tpu.memory_space<semaphore_mem>>
        %dma_start3A_163 = arith.constant 0 : i32
        %dma_start3A_164 = arith.constant 0 : i32
        %dma_start3A_165 = tpu.memref_slice %arg11[%dma_start3A_163, %dma_start3A_164] : memref<256x128xf32, #tpu.memory_space<vmem>> -> memref<128x128xf32, #tpu.memory_space<vmem>>
        %dma_start3A_166 = arith.constant 0 : i32
        %dma_start3A_167 = tpu.memref_slice %arg10[%run_scoped3A, %dma_start3A_166] : memref<2x128xi32, #tpu.memory_space<vmem>> -> memref<1x128xi32, #tpu.memory_space<vmem>>
        %dma_start3A_168 = tpu.memref_squeeze %dma_start3A_167 : memref<1x128xi32, #tpu.memory_space<vmem>> -> memref<128xi32, #tpu.memory_space<vmem>>
        %dma_start3A_169 = arith.constant 0 : i32
        %dma_start3A_170 = arith.constant 0 : i32
        %dma_start3A_171 = tpu.memref_slice %arg16[%dma_start3A_169, %dma_start3A_170] : memref<10000x128xf32, #tpu.memory_space<vmem_shared>> -> memref<10000x128xf32, #tpu.memory_space<vmem_shared>>
        tpu.enqueue_indirect_dma source(%dma_start3A_165 : memref<128x128xf32, #tpu.memory_space<vmem>>) target(%dma_start3A_171 : memref<10000x128xf32, #tpu.memory_space<vmem_shared>>) offsets(%dma_start3A_168 : memref<128xi32, #tpu.memory_space<vmem>>) semaphore(%run_scoped3A_162 : memref<!tpu.dma_semaphore, #tpu.memory_space<semaphore_mem>>) {add = true}
        %dma_wait3A_172 = arith.constant 0 : i32
        %dma_wait3A_173 = arith.constant 0 : i32
        %dma_wait3A_174 = tpu.memref_slice %arg11[%dma_wait3A_172, %dma_wait3A_173] : memref<256x128xf32, #tpu.memory_space<vmem>> -> memref<128x128xf32, #tpu.memory_space<vmem>>
        %dma_wait3A_175 = arith.constant 0 : i32
        %dma_wait3A_176 = tpu.memref_slice %arg10[%run_scoped3A, %dma_wait3A_175] : memref<2x128xi32, #tpu.memory_space<vmem>> -> memref<1x128xi32, #tpu.memory_space<vmem>>
        %dma_wait3A_177 = tpu.memref_squeeze %dma_wait3A_176 : memref<1x128xi32, #tpu.memory_space<vmem>> -> memref<128xi32, #tpu.memory_space<vmem>>
        %dma_wait3A_178 = arith.constant 0 : i32
        %dma_wait3A_179 = arith.constant 0 : i32
        %dma_wait3A_180 = tpu.memref_slice %arg16[%dma_wait3A_178, %dma_wait3A_179] : memref<10000x128xf32, #tpu.memory_space<vmem_shared>> -> memref<10000x128xf32, #tpu.memory_space<vmem_shared>>
        tpu.wait_indirect_dma semaphore(%run_scoped3A_162 : memref<!tpu.dma_semaphore, #tpu.memory_space<semaphore_mem>>) src(%dma_wait3A_174 : memref<128x128xf32, #tpu.memory_space<vmem>>) dst(%dma_wait3A_180 : memref<10000x128xf32, #tpu.memory_space<vmem_shared>>)
        tpu.yield
      }) : () -> ()
      %run_scoped3A_160 = arith.constant 1 : i32
      "tpu.region"() ({
        %run_scoped3A_162 = tpu.sem_alloc : memref<!tpu.dma_semaphore, #tpu.memory_space<semaphore_mem>>
        %dma_start3A_163 = arith.constant 128 : i32
        %dma_start3A_164 = arith.constant 0 : i32
        %dma_start3A_165 = tpu.memref_slice %arg11[%dma_start3A_163, %dma_start3A_164] : memref<256x128xf32, #tpu.memory_space<vmem>> -> memref<128x128xf32, #tpu.memory_space<vmem>>
        %dma_start3A_166 = arith.constant 0 : i32
        %dma_start3A_167 = tpu.memref_slice %arg10[%run_scoped3A_160, %dma_start3A_166] : memref<2x128xi32, #tpu.memory_space<vmem>> -> memref<1x128xi32, #tpu.memory_space<vmem>>
        %dma_start3A_168 = tpu.memref_squeeze %dma_start3A_167 : memref<1x128xi32, #tpu.memory_space<vmem>> -> memref<128xi32, #tpu.memory_space<vmem>>
        %dma_start3A_169 = arith.constant 0 : i32
        %dma_start3A_170 = arith.constant 0 : i32
        %dma_start3A_171 = tpu.memref_slice %arg16[%dma_start3A_169, %dma_start3A_170] : memref<10000x128xf32, #tpu.memory_space<vmem_shared>> -> memref<10000x128xf32, #tpu.memory_space<vmem_shared>>
        tpu.enqueue_indirect_dma source(%dma_start3A_165 : memref<128x128xf32, #tpu.memory_space<vmem>>) target(%dma_start3A_171 : memref<10000x128xf32, #tpu.memory_space<vmem_shared>>) offsets(%dma_start3A_168 : memref<128xi32, #tpu.memory_space<vmem>>) semaphore(%run_scoped3A_162 : memref<!tpu.dma_semaphore, #tpu.memory_space<semaphore_mem>>) {add = true}
        %dma_wait3A_172 = arith.constant 128 : i32
        %dma_wait3A_173 = arith.constant 0 : i32
        %dma_wait3A_174 = tpu.memref_slice %arg11[%dma_wait3A_172, %dma_wait3A_173] : memref<256x128xf32, #tpu.memory_space<vmem>> -> memref<128x128xf32, #tpu.memory_space<vmem>>
        %dma_wait3A_175 = arith.constant 0 : i32
        %dma_wait3A_176 = tpu.memref_slice %arg10[%run_scoped3A_160, %dma_wait3A_175] : memref<2x128xi32, #tpu.memory_space<vmem>> -> memref<1x128xi32, #tpu.memory_space<vmem>>
        %dma_wait3A_177 = tpu.memref_squeeze %dma_wait3A_176 : memref<1x128xi32, #tpu.memory_space<vmem>> -> memref<128xi32, #tpu.memory_space<vmem>>
        %dma_wait3A_178 = arith.constant 0 : i32
        %dma_wait3A_179 = arith.constant 0 : i32
        %dma_wait3A_180 = tpu.memref_slice %arg16[%dma_wait3A_178, %dma_wait3A_179] : memref<10000x128xf32, #tpu.memory_space<vmem_shared>> -> memref<10000x128xf32, #tpu.memory_space<vmem_shared>>
        tpu.wait_indirect_dma semaphore(%run_scoped3A_162 : memref<!tpu.dma_semaphore, #tpu.memory_space<semaphore_mem>>) src(%dma_wait3A_174 : memref<128x128xf32, #tpu.memory_space<vmem>>) dst(%dma_wait3A_180 : memref<10000x128xf32, #tpu.memory_space<vmem_shared>>)
        tpu.yield
      }) : () -> ()
      %while3A_161 = arith.constant 0 : i32
      scf.yield %while3A_161 : i32
    }
    %barrier3A_56 = arith.constant 0 : index
    tpu.barrier barrier_id(%barrier3A_56)
    %mul3A_57 = arith.constant 10000 : i32
    %mul3A_58 = arith.muli %arg0, %mul3A_57 : i32
    %mul3A_59 = arith.constant 632 : i32
    %mul3A_60 = arith.muli %arg1, %mul3A_59 : i32
    %add3A_61 = arith.addi %mul3A_58, %mul3A_60 : i32
    %multiple_of3A_62 = tpu.assume_multiple %add3A_61, 8 : i32
    %lt3A_63 = arith.constant 15 : i32
    %lt3A_64 = arith.cmpi slt, %arg1, %lt3A_63 : i32
    %convert_element_type3A_65 = arith.extui %lt3A_64 : i1 to i32
    %cond3A_66 = arith.constant 0 : i32
    %cond3A_67 = arith.cmpi ne, %convert_element_type3A_65, %cond3A_66 : i32
    scf.if %cond3A_67 {
      "tpu.region"() ({
        %run_scoped3A = tpu.sem_alloc : memref<!tpu.dma_semaphore, #tpu.memory_space<semaphore_mem>>
        %dma_start3A = arith.constant 0 : i32
        %dma_start3A_73 = tpu.memref_slice %arg8[%multiple_of3A_62, %dma_start3A] : memref<20000x128xf32, #tpu.memory_space<hbm>> -> memref<632x128xf32, #tpu.memory_space<hbm>>
        %dma_start3A_74 = arith.constant 0 : i32
        %dma_start3A_75 = tpu.memref_slice %arg16[%multiple_of3A, %dma_start3A_74] : memref<10000x128xf32, #tpu.memory_space<vmem_shared>> -> memref<632x128xf32, #tpu.memory_space<vmem_shared>>
        tpu.enqueue_dma source(%dma_start3A_75 : memref<632x128xf32, #tpu.memory_space<vmem_shared>>) target(%dma_start3A_73 : memref<632x128xf32, #tpu.memory_space<hbm>>) target_semaphore(%run_scoped3A : memref<!tpu.dma_semaphore, #tpu.memory_space<semaphore_mem>>)
        %dma_wait3A = arith.constant 0 : i32
        %dma_wait3A_76 = tpu.memref_slice %arg8[%multiple_of3A_62, %dma_wait3A] : memref<20000x128xf32, #tpu.memory_space<hbm>> -> memref<632x128xf32, #tpu.memory_space<hbm>>
        %dma_wait3A_77 = arith.constant 0 : i32
        %dma_wait3A_78 = tpu.memref_slice %arg16[%multiple_of3A, %dma_wait3A_77] : memref<10000x128xf32, #tpu.memory_space<vmem_shared>> -> memref<632x128xf32, #tpu.memory_space<vmem_shared>>
        tpu.wait_dma2 semaphore(%run_scoped3A : memref<!tpu.dma_semaphore, #tpu.memory_space<semaphore_mem>>) src(%dma_wait3A_78 : memref<632x128xf32, #tpu.memory_space<vmem_shared>>) dst(%dma_wait3A_76 : memref<632x128xf32, #tpu.memory_space<hbm>>)
        tpu.yield
      }) : () -> ()
    } else {
    }
    %eq3A_68 = arith.constant 15 : i32
    %eq3A_69 = arith.cmpi eq, %arg1, %eq3A_68 : i32
    %convert_element_type3A_70 = arith.extui %eq3A_69 : i1 to i32
    %cond3A_71 = arith.constant 0 : i32
    %cond3A_72 = arith.cmpi ne, %convert_element_type3A_70, %cond3A_71 : i32
    scf.if %cond3A_72 {
      "tpu.region"() ({
        %run_scoped3A = tpu.sem_alloc : memref<!tpu.dma_semaphore, #tpu.memory_space<semaphore_mem>>
        %dma_start3A = arith.constant 0 : i32
        %dma_start3A_73 = tpu.memref_slice %arg8[%multiple_of3A_62, %dma_start3A] : memref<20000x128xf32, #tpu.memory_space<hbm>> -> memref<520x128xf32, #tpu.memory_space<hbm>>
        %dma_start3A_74 = arith.constant 0 : i32
        %dma_start3A_75 = tpu.memref_slice %arg16[%multiple_of3A, %dma_start3A_74] : memref<10000x128xf32, #tpu.memory_space<vmem_shared>> -> memref<520x128xf32, #tpu.memory_space<vmem_shared>>
        tpu.enqueue_dma source(%dma_start3A_75 : memref<520x128xf32, #tpu.memory_space<vmem_shared>>) target(%dma_start3A_73 : memref<520x128xf32, #tpu.memory_space<hbm>>) target_semaphore(%run_scoped3A : memref<!tpu.dma_semaphore, #tpu.memory_space<semaphore_mem>>)
        %dma_wait3A = arith.constant 0 : i32
        %dma_wait3A_76 = tpu.memref_slice %arg8[%multiple_of3A_62, %dma_wait3A] : memref<20000x128xf32, #tpu.memory_space<hbm>> -> memref<520x128xf32, #tpu.memory_space<hbm>>
        %dma_wait3A_77 = arith.constant 0 : i32
        %dma_wait3A_78 = tpu.memref_slice %arg16[%multiple_of3A, %dma_wait3A_77] : memref<10000x128xf32, #tpu.memory_space<vmem_shared>> -> memref<520x128xf32, #tpu.memory_space<vmem_shared>>
        tpu.wait_dma2 semaphore(%run_scoped3A : memref<!tpu.dma_semaphore, #tpu.memory_space<semaphore_mem>>) src(%dma_wait3A_78 : memref<520x128xf32, #tpu.memory_space<vmem_shared>>) dst(%dma_wait3A_76 : memref<520x128xf32, #tpu.memory_space<hbm>>)
        tpu.yield
      }) : () -> ()
    } else {
    }
    return
  }
}

module attributes {stable_mosaic.version = 14 : i64} {
  func.func @_proj_body(%arg0: memref<10000x128xf32, #tpu.memory_space<vmem>>, %arg1: memref<128x128xf32, #tpu.memory_space<vmem>>, %arg2: memref<128x128xf32, #tpu.memory_space<vmem>>, %arg3: memref<2x2500x128xi32, #tpu.memory_space<vmem>>, %arg4: memref<10000x128xf32, #tpu.memory_space<vmem>>, %arg5: memref<10000x128xf32, #tpu.memory_space<vmem>>, %arg6: memref<2560x128xi32, #tpu.memory_space<vmem>>, %arg7: memref<2560x128xi32, #tpu.memory_space<vmem>>) attributes {dimension_semantics = [], scalar_prefetch = 0 : i64, scratch_operands = 0 : i64, tpu.core_type = #tpu.core_type<tc>} {
    %get3A = arith.constant 0 : index
    %get3A_0 = arith.constant 0 : index
    %get3A_1 = vector.load %arg0[%get3A, %get3A_0] : memref<10000x128xf32, #tpu.memory_space<vmem>>, vector<10000x128xf32>
    %get3A_2 = arith.constant 0 : index
    %get3A_3 = arith.constant 0 : index
    %get3A_4 = vector.load %arg1[%get3A_2, %get3A_3] : memref<128x128xf32, #tpu.memory_space<vmem>>, vector<128x128xf32>
    %dot_general3A = arith.constant dense<0.000000e+00> : vector<10000x128xf32>
    %dot_general3A_5 = tpu.matmul %get3A_1, %get3A_4, %dot_general3A {dimension_numbers = #tpu.dot_dimension_numbers<[1], [1], [0], [0], [0, 0, 1, 0], [], []>, transpose_lhs_hint = false} : vector<10000x128xf32>, vector<128x128xf32>, vector<10000x128xf32> -> vector<10000x128xf32>
    %swap3A = arith.constant 0 : index
    %swap3A_6 = arith.constant 0 : index
    %swap3A_7 = vector.load %arg4[%swap3A, %swap3A_6] : memref<10000x128xf32, #tpu.memory_space<vmem>>, vector<10000x128xf32>
    tpu.vector_store %arg4[%swap3A, %swap3A_6], %dot_general3A_5 {strides = array<i32>} : memref<10000x128xf32, #tpu.memory_space<vmem>>, vector<10000x128xf32>,
    %get3A_8 = arith.constant 0 : index
    %get3A_9 = arith.constant 0 : index
    %get3A_10 = vector.load %arg2[%get3A_8, %get3A_9] : memref<128x128xf32, #tpu.memory_space<vmem>>, vector<128x128xf32>
    %dot_general3A_11 = arith.constant dense<0.000000e+00> : vector<10000x128xf32>
    %dot_general3A_12 = tpu.matmul %get3A_1, %get3A_10, %dot_general3A_11 {dimension_numbers = #tpu.dot_dimension_numbers<[1], [1], [0], [0], [0, 0, 1, 0], [], []>, transpose_lhs_hint = false} : vector<10000x128xf32>, vector<128x128xf32>, vector<10000x128xf32> -> vector<10000x128xf32>
    %swap3A_13 = arith.constant 0 : index
    %swap3A_14 = arith.constant 0 : index
    %swap3A_15 = vector.load %arg5[%swap3A_13, %swap3A_14] : memref<10000x128xf32, #tpu.memory_space<vmem>>, vector<10000x128xf32>
    tpu.vector_store %arg5[%swap3A_13, %swap3A_14], %dot_general3A_12 {strides = array<i32>} : memref<10000x128xf32, #tpu.memory_space<vmem>>, vector<10000x128xf32>,
    %iota3A = tpu.iota {dimensions = array<i32: 1>} : vector<60x128xi32>
    %get3A_16 = arith.constant 0 : index
    %get3A_17 = arith.constant 0 : index
    %get3A_18 = arith.constant 0 : index
    %get3A_19 = vector.load %arg3[%get3A_16, %get3A_17, %get3A_18] : memref<2x2500x128xi32, #tpu.memory_space<vmem>>, vector<1x2500x128xi32>
    %get3A_20 = vector.shape_cast %get3A_19 : vector<1x2500x128xi32> to vector<2500x128xi32>
    %concatenate3A = tpu.concatenate %get3A_20, %iota3A in 0 : vector<2500x128xi32>, vector<60x128xi32> -> vector<2560x128xi32>
    %swap3A_21 = arith.constant 0 : index
    %swap3A_22 = arith.constant 0 : index
    %swap3A_23 = vector.load %arg6[%swap3A_21, %swap3A_22] : memref<2560x128xi32, #tpu.memory_space<vmem>>, vector<2560x128xi32>
    tpu.vector_store %arg6[%swap3A_21, %swap3A_22], %concatenate3A {strides = array<i32>} : memref<2560x128xi32, #tpu.memory_space<vmem>>, vector<2560x128xi32>,
    %get3A_24 = arith.constant 1 : index
    %get3A_25 = arith.constant 0 : index
    %get3A_26 = arith.constant 0 : index
    %get3A_27 = vector.load %arg3[%get3A_24, %get3A_25, %get3A_26] : memref<2x2500x128xi32, #tpu.memory_space<vmem>>, vector<1x2500x128xi32>
    %get3A_28 = vector.shape_cast %get3A_27 : vector<1x2500x128xi32> to vector<2500x128xi32>
    %concatenate3A_29 = tpu.concatenate %get3A_28, %iota3A in 0 : vector<2500x128xi32>, vector<60x128xi32> -> vector<2560x128xi32>
    %swap3A_30 = arith.constant 0 : index
    %swap3A_31 = arith.constant 0 : index
    %swap3A_32 = vector.load %arg7[%swap3A_30, %swap3A_31] : memref<2560x128xi32, #tpu.memory_space<vmem>>, vector<2560x128xi32>
    tpu.vector_store %arg7[%swap3A_30, %swap3A_31], %concatenate3A_29 {strides = array<i32>} : memref<2560x128xi32, #tpu.memory_space<vmem>>, vector<2560x128xi32>,
    return
  }
}

module attributes {stable_mosaic.version = 14 : i64} {
  func.func @_dadd_body(%arg0: memref<80x128xf32, #tpu.memory_space<vmem>>, %arg1: memref<80x128xf32, #tpu.memory_space<vmem>>, %arg2: memref<80x128xf32, #tpu.memory_space<vmem>>) attributes {dimension_semantics = [], scalar_prefetch = 0 : i64, scratch_operands = 0 : i64, tpu.core_type = #tpu.core_type<tc>} {
    %get3A = arith.constant 0 : index
    %get3A_0 = arith.constant 0 : index
    %get3A_1 = vector.load %arg0[%get3A, %get3A_0] : memref<80x128xf32, #tpu.memory_space<vmem>>, vector<80x128xf32>
    %get3A_2 = arith.constant 0 : index
    %get3A_3 = arith.constant 0 : index
    %get3A_4 = vector.load %arg1[%get3A_2, %get3A_3] : memref<80x128xf32, #tpu.memory_space<vmem>>, vector<80x128xf32>
    %add3A = arith.addf %get3A_1, %get3A_4 : vector<80x128xf32>
    %swap3A = arith.constant 0 : index
    %swap3A_5 = arith.constant 0 : index
    %swap3A_6 = vector.load %arg2[%swap3A, %swap3A_5] : memref<80x128xf32, #tpu.memory_space<vmem>>, vector<80x128xf32>
    tpu.vector_store %arg2[%swap3A, %swap3A_5], %add3A {strides = array<i32>} : memref<80x128xf32, #tpu.memory_space<vmem>>, vector<80x128xf32>,
    return
  }
}

module attributes {stable_mosaic.version = 14 : i64} {
  func.func @_norm_body(%arg0: memref<20000x128xf32, #tpu.memory_space<vmem>>, %arg1: memref<1x128xf32, #tpu.memory_space<vmem>>, %arg2: memref<1x128xf32, #tpu.memory_space<vmem>>, %arg3: memref<1x128xf32, #tpu.memory_space<vmem>>, %arg4: memref<1x128xf32, #tpu.memory_space<vmem>>, %arg5: memref<10000x128xf32, #tpu.memory_space<vmem>>) attributes {dimension_semantics = [], scalar_prefetch = 0 : i64, scratch_operands = 0 : i64, tpu.core_type = #tpu.core_type<tc>} {
    %get3A = arith.constant 0 : index
    %get3A_0 = arith.constant 0 : index
    %get3A_1 = vector.load %arg0[%get3A, %get3A_0] : memref<20000x128xf32, #tpu.memory_space<vmem>>, vector<10000x128xf32>
    %get3A_2 = arith.constant 10000 : index
    %get3A_3 = arith.constant 0 : index
    %get3A_4 = vector.load %arg0[%get3A_2, %get3A_3] : memref<20000x128xf32, #tpu.memory_space<vmem>>, vector<10000x128xf32>
    %add3A = arith.addf %get3A_1, %get3A_4 : vector<10000x128xf32>
    %get3A_5 = arith.constant 0 : index
    %get3A_6 = arith.constant 0 : index
    %get3A_7 = vector.load %arg1[%get3A_5, %get3A_6] : memref<1x128xf32, #tpu.memory_space<vmem>>, vector<1x128xf32>
    %add3A_8 = vector.broadcast %get3A_7 : vector<1x128xf32> to vector<10000x128xf32>
    %add3A_9 = arith.addf %add3A, %add3A_8 : vector<10000x128xf32>
    %reduce_sum3A = arith.constant dense<0.000000e+00> : vector<128xf32>
    %reduce_sum3A_10 = vector.multi_reduction <add>, %add3A_9, %reduce_sum3A [0] : vector<10000x128xf32> to vector<128xf32>
    %broadcast_in_dim3A = vector.shape_cast %reduce_sum3A_10 : vector<128xf32> to vector<1x128xf32>
    %div3A = arith.constant 1.000000e+04 : f32
    %div3A_11 = vector.broadcast %div3A : f32 to vector<1x128xf32>
    %div3A_12 = arith.divf %broadcast_in_dim3A, %div3A_11 : vector<1x128xf32>
    %get3A_13 = arith.constant 0 : index
    %get3A_14 = arith.constant 0 : index
    %get3A_15 = vector.load %arg4[%get3A_13, %get3A_14] : memref<1x128xf32, #tpu.memory_space<vmem>>, vector<1x128xf32>
    %mul3A = arith.mulf %get3A_15, %div3A_12 : vector<1x128xf32>
    %sub3A = vector.broadcast %mul3A : vector<1x128xf32> to vector<10000x128xf32>
    %sub3A_16 = arith.subf %add3A_9, %sub3A : vector<10000x128xf32>
    %mul3A_17 = arith.mulf %sub3A_16, %sub3A_16 : vector<10000x128xf32>
    %reduce_sum3A_18 = arith.constant dense<0.000000e+00> : vector<128xf32>
    %reduce_sum3A_19 = vector.multi_reduction <add>, %mul3A_17, %reduce_sum3A_18 [0] : vector<10000x128xf32> to vector<128xf32>
    %broadcast_in_dim3A_20 = vector.shape_cast %reduce_sum3A_19 : vector<128xf32> to vector<1x128xf32>
    %div3A_21 = arith.constant 1.000000e+04 : f32
    %div3A_22 = vector.broadcast %div3A_21 : f32 to vector<1x128xf32>
    %div3A_23 = arith.divf %broadcast_in_dim3A_20, %div3A_22 : vector<1x128xf32>
    %add3A_24 = arith.constant 9.99999974E-6 : f32
    %add3A_25 = vector.broadcast %add3A_24 : f32 to vector<1x128xf32>
    %add3A_26 = arith.addf %div3A_23, %add3A_25 : vector<1x128xf32>
    %rsqrt3A = math.rsqrt %add3A_26 : vector<1x128xf32>
    %mul3A_27 = vector.broadcast %rsqrt3A : vector<1x128xf32> to vector<10000x128xf32>
    %mul3A_28 = arith.mulf %sub3A_16, %mul3A_27 : vector<10000x128xf32>
    %get3A_29 = arith.constant 0 : index
    %get3A_30 = arith.constant 0 : index
    %get3A_31 = vector.load %arg2[%get3A_29, %get3A_30] : memref<1x128xf32, #tpu.memory_space<vmem>>, vector<1x128xf32>
    %mul3A_32 = vector.broadcast %get3A_31 : vector<1x128xf32> to vector<10000x128xf32>
    %mul3A_33 = arith.mulf %mul3A_28, %mul3A_32 : vector<10000x128xf32>
    %get3A_34 = arith.constant 0 : index
    %get3A_35 = arith.constant 0 : index
    %get3A_36 = vector.load %arg3[%get3A_34, %get3A_35] : memref<1x128xf32, #tpu.memory_space<vmem>>, vector<1x128xf32>
    %add3A_37 = vector.broadcast %get3A_36 : vector<1x128xf32> to vector<10000x128xf32>
    %add3A_38 = arith.addf %mul3A_33, %add3A_37 : vector<10000x128xf32>
    %swap3A = arith.constant 0 : index
    %swap3A_39 = arith.constant 0 : index
    %swap3A_40 = vector.load %arg5[%swap3A, %swap3A_39] : memref<10000x128xf32, #tpu.memory_space<vmem>>, vector<10000x128xf32>
    tpu.vector_store %arg5[%swap3A, %swap3A_39], %add3A_38 {strides = array<i32>} : memref<10000x128xf32, #tpu.memory_space<vmem>>, vector<10000x128xf32>,
    return
  }
}

</mosaic_0001>

<sc_bundles>
// kernel: kernel.10.cloned.1.call-start
scs
__scs_entry_jumppad:
0x0: {  	(pc) =	sbr.rel $0x88, $3  }
0x1: {  	(tag) =	ssettag $0x0;
	lr =	simm.s32 $0x1  }
0x2: {  	[smem:$0x3F98] =	sst lr;
	_ =	strace $0xD0000000  }
0x3: {  	_ = 	snop  }
0x4: {  	_ = 	snop  }
0x5: {  	_ = 	snop  }
0x6: {  	_ = 	snop  }
0x7: {  	_ = 	snop  }
__scs_overlays_trampoline_lowered:
0x8: {  	[smem:$0x3FA7] =	sst s0  }
0x9: {  	[smem:$0x3FA8] =	sst s1  }
0xa: {  	[smem:$0x3FA9] =	sst s2  }
0xb: {  	[smem:$0x3FAA] =	sst s3  }
0xc: {  	[smem:$0x3FAB] =	sst s4  }
0xd: {  	[smem:$0x3FAC] =	sst s5  }
0xe: {  	[smem:$0x3FAD] =	sst s6  }
0xf: {  	[smem:$0x3FAE] =	sst s7  }
0x10: {  	[smem:$0x3FAF] =	sst s8  }
0x11: {  	[smem:$0x3FB0] =	sst s9;
	s0 =	simm.s32 @!p0 $0x0  }
0x12: {  	s1 =	sld [smem:$0x3F96];
	s0 =	simm.s32 @p0 $0x1  }
0x13: {  	[smem:$0x3FB1] =	sst s0;
	s0 =	simm.s32 @!p1 $0x0  }
0x14: {  	s2 =	sld [smem:$0x3F95];
	s0 =	simm.s32 @p1 $0x1  }
0x15: {  	[smem:$0x3FB2] =	sst s0;
	s0 =	simm.s32 @!p2 $0x0  }
0x16: {  	s3 =	sld [smem:$0x3FDB];
	s0 =	simm.s32 @p2 $0x1  }
0x17: {  	s4 =	simm.s32 $0x1BF5;
	[smem:$0x3FB4] =	sst s0  }
0x18: {  	s0 =	sld [smem:$0x3F97];
	_ =	swait.ge [sflag:s4], $0x0  }
0x19: {  	s7 =	sld [smem:$0x3F98]  }
0x1a: {  	s8 =	sadd.s32 $0xFFFFE003, lr  }
0x1b: {  	s9 =	sadd.s32 $0xFFFFFEF7, lr;
	s5 =	simm.s32 $0xFFFFFFFF;
	p2 =	slt.u32 s8, $0xFFFFF086  }
0x1c: {  	p1 =	slt.u32 s9, $0xF7A;
	s5 =	simm.s32 @!p2 $0x0  }
0x1d: {  	s5 =	simm.s32 @p1 $0x1;
	p0 =	seq.s32 s7, s2  }
0x1e: {  	s7 =	smul.u32 @!p0 $0xF7A, s2;
	p2 =	seq.s32 @!p0 s5, $0x0  }
0x1f: {  	s9 =	smul.u32 $0xF7A, s1;
	s8 =	simm.s32 @!p0 $0x1BF5;
	p2 =	por !p2, p0  }
0x20: {  	[sflag:s8] =	ssyncset.s32 @!p0 $0xFFFFF086;
	s6 =	sadd.s32 @!p0 s3, s7;
	s7 =	simm.s32 @!p0 $0x108  }
0x21: {  	s3 =	sadd.s32 s3, s9;
	s6 =	sadd.s32 @!p0 $0x88, s6;
	s7 =	simm.s32 @p2 $0x1082  }
0x22: {  	[simem:s7], [sflag:s8] =	dma.local @!p0 [hbm:s6], $0xF7A  }
0x23: {  	s9 =	sor.u32 $0xD0000000, s2;
	s6 =	simm.s32 $0x108;
	_ =	swait.ge @!p0 [sflag:s8], $0x0  }
0x24: {  	s3 =	sadd.s32 $0x88, s3;
	s6 =	simm.s32 @!p1 $0x1082;
	[sflag:s4] =	ssyncset.s32 $0xFFFFF086  }
0x25: {  	[simem:s6], [sflag:s4] =	dma.local [hbm:s3], $0xF7A  }
0x26: {  	[smem:$0x3F98] =	sst s1;
	(tag) =	ssettag s2;
	_ =	strace s9  }
0x27: {  	s1 =	sld [smem:$0x3FA8]  }
0x28: {  	s2 =	sld [smem:$0x3FA9]  }
0x29: {  	s4 =	sld [smem:$0x3FAB]  }
0x2a: {  	p0 =	seq.s32 s5, $0x0;
	s5 =	sld [smem:$0x3FAC]  }
0x2b: {  	s6 =	sld [smem:$0x3FAD]  }
0x2c: {  	s7 =	sld [smem:$0x3FAE]  }
0x2d: {  	s3 =	simm.s32 $0x108;
	s8 =	sld [smem:$0x3FAF]  }
0x2e: {  	s3 =	simm.s32 @!p0 $0x1082;
	s9 =	sld [smem:$0x3FB0]  }
0x2f: {  	lr =	sadd.s32 s0, s3;
	s0 =	sld [smem:$0x3FA7]  }
0x30: {  	s3 =	sld [smem:$0x3FAA]  }
0x31: {  	[smem:$0x3FB3] =	sst s10  }
0x32: {  	s10 =	sld [smem:$0x3FB1];
	_ =	sdelay $0x3  }
0x33: {  	p0 =	seq.s32 s10, $0x1;
	s10 =	sld [smem:$0x3FB3];
	_ =	sdelay $0x3  }
0x34: {  	[smem:$0x3FB3] =	sst s10  }
0x35: {  	s10 =	sld [smem:$0x3FB2];
	_ =	sdelay $0x3  }
0x36: {  	p1 =	seq.s32 s10, $0x1;
	s10 =	sld [smem:$0x3FB3];
	_ =	sdelay $0x3  }
0x37: {  	[smem:$0x3FB3] =	sst s10  }
0x38: {  	s10 =	sld [smem:$0x3FB4]  }
0x39: {  	_ = 	snop;
	(pc) =	sbr.ind lr, $3  }
0x3a: {  	_ = 	snop  }
0x3b: {  	_ = 	snop  }
0x3c: {  	p2 =	seq.s32 s10, $0x1;
	s10 =	sld [smem:$0x3FB3]  }
0x3d: {  	_ =	shalt  }
0x3e: {  	_ =	shalt  }
0x3f: {  	_ =	shalt  }
0x40: {  	_ =	shalt  }
0x41: {  	_ =	shalt  }
0x42: {  	_ =	shalt  }
0x43: {  	_ =	shalt  }
0x44: {  	_ =	shalt  }
0x45: {  	_ =	shalt  }
0x46: {  	_ =	shalt  }
0x47: {  	_ =	shalt  }
0x48: {  	_ =	shalt  }
0x49: {  	_ =	shalt  }
0x4a: {  	_ =	shalt  }
0x4b: {  	_ =	shalt  }
0x4c: {  	_ =	shalt  }
0x4d: {  	_ =	shalt  }
0x4e: {  	_ =	shalt  }
0x4f: {  	_ =	shalt  }
0x50: {  	_ =	shalt  }
0x51: {  	_ =	shalt  }
0x52: {  	_ =	shalt  }
0x53: {  	_ =	shalt  }
0x54: {  	_ =	shalt  }
0x55: {  	_ =	shalt  }
0x56: {  	_ =	shalt  }
0x57: {  	_ =	shalt  }
0x58: {  	_ =	shalt  }
0x59: {  	_ =	shalt  }
0x5a: {  	_ =	shalt  }
0x5b: {  	_ =	shalt  }
0x5c: {  	_ =	shalt  }
0x5d: {  	_ =	shalt  }
0x5e: {  	_ =	shalt  }
0x5f: {  	_ =	shalt  }
0x60: {  	_ =	shalt  }
0x61: {  	_ =	shalt  }
0x62: {  	_ =	shalt  }
0x63: {  	_ =	shalt  }
0x64: {  	_ =	shalt  }
0x65: {  	_ =	shalt  }
0x66: {  	_ =	shalt  }
0x67: {  	_ =	shalt  }
0x68: {  	_ =	shalt  }
0x69: {  	_ =	shalt  }
0x6a: {  	_ =	shalt  }
0x6b: {  	_ =	shalt  }
0x6c: {  	_ =	shalt  }
0x6d: {  	_ =	shalt  }
0x6e: {  	_ =	shalt  }
0x6f: {  	_ =	shalt  }
0x70: {  	_ =	shalt  }
0x71: {  	_ =	shalt  }
0x72: {  	_ =	shalt  }
0x73: {  	_ =	shalt  }
0x74: {  	_ =	shalt  }
0x75: {  	_ =	shalt  }
0x76: {  	_ =	shalt  }
0x77: {  	_ =	shalt  }
0x78: {  	_ =	shalt  }
0x79: {  	_ =	shalt  }
0x7a: {  	_ =	shalt  }
0x7b: {  	_ =	shalt  }
0x7c: {  	_ =	shalt  }
0x7d: {  	_ =	shalt  }
0x7e: {  	_ =	shalt  }
0x7f: {  	_ =	shalt  }
0x80: {  	_ =	shalt  }
0x81: {  	_ =	shalt  }
0x82: {  	_ =	shalt  }
0x83: {  	_ =	shalt  }
0x84: {  	_ =	shalt  }
0x85: {  	_ =	shalt  }
0x86: {  	_ =	shalt  }
0x87: {  	_ =	shalt  }
.Lfunc_end0:
.L_simem_size_0:
called_computation.1_lowered:
.L_overlay_start_0:
0x88: {  	s2 =	sld [smem:$0x3FD9]  }
0x89: {  	s3 =	sld [smem:$0x3FFE];
	_ =	sdelay $0x1  }
0x8a: {  	s1 =	srdreg.scid  }
0x8b: {  	s0 =	sand.u32 $0x1, s1  }
0x8c: {  	s14 =	sshll.u32 s0, $0xA;
	s2 =	sadd.s32 s3, s2  }
0x8d: {  	s2 =	sadd.s32 s2, s14  }
0x8e: {  	[smem:$0x3FBF] =	sst s2  }
0x8f: {  	_ = 	snop  }
0x90: {  	s2 =	sld [smem:$0x3FD0];
	_ =	sdelay $0x2  }
0x91: {  	s15 =	simm.s32 $0xA;
	s4 =	simm.s32 $0x10  }
0x92: {  	[smem:s4], [sflag:s15] =	dma.local [hbm:s2], $0x1  }
0x93: {  	_ =	swait.eq [sflag:s15], $0x1  }
0x94: {  	[sflag:s15] =	ssyncset.done $0x0  }
0x95: {  	s16 =	sld [smem:$0x10];
	[sflag:s15] =	ssyncadd.s32 $0xFFFFFFFF  }
0x96: {  	s17 =	sld [smem:$0x11];
	(tm) =	ssettm $0x1  }
0x97: {  	s18 =	sld [smem:$0x3FFB];
	_ =	sdelay $0x3  }
0x98: {  	_ =	strace s18  }
0x99: {  	s4 =	sld [smem:$0x3FFC];
	_ =	sdelay $0x3  }
0x9a: {  	_ =	strace s4  }
0x9b: {  	s4 =	sld [smem:$0x3FFD];
	_ =	sdelay $0x3  }
0x9c: {  	_ =	strace s4  }
0x9d: {  	_ =	strace $0x8FFFFFFF  }
0x9e: {  	s19 =	sld [smem:$0x3FDB];
	_ =	sdelay $0x1  }
0x9f: {  	s5 =	simm.s32 $_scs_section_size  }
0xa0: {  	s6 =	simm.s32 $_size__tile_overlayer_lowered;
	s7 =	simm.s32 $_tile_overlayer_lowered  }
0xa1: {  	s22 =	simm.s32 $0x1BFF;
	s21 =	sshll.u32 s7, $0x1;
	s4 =	sadd.s32 s5, s19  }
0xa2: {  	s8 =	simm.s32 $0x0;
	s20 =	sshll.u32 s6, $0x1;
	s6 =	sadd.s32 s21, s4  }
0xa3: {  	[timem:s8], [sflag:s22] =	dma.local [hbm:s6], s20  }
0xa4: {  	_ =	swait.ge [sflag:s22], s20  }
0xa5: {  	s5 =	ssub.s32 $0x0, s20;
	[sflag:s22] =	ssyncset.done $0x0  }
0xa6: {  	[sflag:s22] =	ssyncadd.s32 s5;
	_ =	sdelay $0x1  }
0xa7: {  	s23 =	simm.s32 $0x1B8B  }
0xa8: {  	_ =	swait.ge [sflag:s23], $0x1  }
0xa9: {  	[sflag:s23] =	ssyncset.done $0x0  }
0xaa: {  	s25 =	simm.s32 $0x1B8E;
	s24 =	sld [smem:$0x3FFE];
	[sflag:s23] =	ssyncadd.s32 $0xFFFFFFFF  }
0xab: {  	s26 =	simm.s32 $execute0_lowered;
	[smem:$0x3FD2] =	sst s25  }
0xac: {  	s6 =	sshll.u32 s26, $0x1;
	_ =	strace $0x80000049;
	[dreg:$0x1] =	wrdreg $0xFFFFFFFF  }
0xad: {  	s28 =	simm.s32 $_size_execute0_lowered;
	s4 =	sadd.s32 s4, s6;
	[dreg:$0x0] =	wrdreg $0x0  }
0xae: {  	s6 =	sshll.u32 s28, $0x1;
	[dreg:$0x2] =	wrdreg s4  }
0xaf: {  	[dreg:$0x3] =	wrdreg s6  }
0xb0: {  	[dreg:$0x4] =	wrdreg $0xC0  }
0xb1: {  	_ =	task [dreg:s8], $0x5FFFF  }
0xb2: {  	[dreg:$0x1] =	wrdreg $0xFFFFFFFF  }
0xb3: {  	[dreg:$0x0] =	wrdreg $0x60  }
0xb4: {  	[dreg:$0x2] =	wrdreg s24  }
0xb5: {  	[dreg:$0x3] =	wrdreg s17  }
0xb6: {  	[dreg:$0x4] =	wrdreg s16  }
0xb7: {  	[dreg:$0x5] =	wrdreg $0xC5000  }
0xb8: {  	[dreg:$0x6] =	wrdreg $0x9  }
0xb9: {  	_ =	task.clear_ibuf [dreg:s8], $0x7FFFF;
	_ =	strace $0x90000049  }
0xba: {  	s29 =	simm.s32 $0x9;
	_ =	strace $0x8000004B  }
0xbb: {  	_ =	swait.ge [sflag:s29], $0x1  }
0xbc: {  	[sflag:s29] =	ssyncadd.s32 $0xFFFFFFFF  }
0xbd: {  	_ =	strace $0x9000004B  }
0xbe: {  	_ =	sfence  }
0xbf: {  	s30 =	sld [smem:$0x0];
	_ =	sdelay $0x2  }
0xc0: {  	s31 =	sshll.u32 s1, $0xD;
	s1 =	sshrl.u32 s1, $0x2  }
0xc1: {  	s3 =	sand.u32 $0x4000, s31;
	s1 =	sadd.s32 s1, s30  }
0xc2: {  	s0 =	sor.u32 s3, s0;
	s1 =	sshll.u32 s1, $0x11  }
0xc3: {  	s0 =	sor.u32 s1, s0  }
0xc4: {  	s0 =	sadd.s32 $0x8F2B, s0  }
0xc5: {  	[sflag:s0] =	ssyncadd.remote.s32 $0x1  }
0xc6: {  	_ =	sfence.sel $0xFFFF  }
0xc7: {  	[dreg:$0x0] =	wrdreg $0xFFFFFFFF;
	(pc) =	sbr.abs _section_cstart, $3  }
0xc8: {  	[dreg:$0x1] =	wrdreg $0xFFFFFFFF  }
0xc9: {  	_ =	task.clear_ibuf [dreg:s8], $0x2FFFF;
	_ =	strace $0x9FFFFFFF  }
0xca: {  	(tm) =	ssettm $0x7FFFFFFF  }
0xcb: {  	_ =	shalt  }
tec
execute0_lowered:
.L_overlay_start_1:
0x0: {  	(tag) =	ssettag $0x1  }
0x1: {  	s0 =	rddreg [dreg:$0x0]  }
0x2: {  	s7 =	rddreg [dreg:$0x3]  }
0x3: {  	s2 =	simm.s32 $0x0;
	s1 =	srdreg.scid;
	s6 =	stileid.u32  }
0x4: {  	s29 =	simm.s32 $0x4200;
	s30 =	simm.s32 $0x180;
	s11 =	simm.s32 $0x0  }
0x5: {  	[smem:$0x7FF] =	sst s2;
	s1 =	sand.u32 $0x1, s1;
	s14 =	smul.u32 $0x278, s6  }
0x6: {  	s3 =	sadd.s32 $0x3000, s0;
	s4 =	sadd.s32 $0xD000, s0;
	s16 =	sadd.s32 $0x3E800, s0  }
0x7: {  	s17 =	smul.u32 $0x4F000, s6;
	_ =	strace $0x8000004A;
	[dreg:$0x5] =	wrdreg s3  }
0x8: {  	s5 =	sadd.s32 $0x17000, s0;
	s25 =	sadd.s32 $0x138400, s7;
	[dreg:$0x6] =	wrdreg s4  }
0x9: {  	s26 =	sshll.u32 s6, $0x8;
	p0 =	seq.s32 s6, $0xF;
	[dreg:$0x7] =	wrdreg s16  }
0xa: {  	s15 =	smul.u32 $0x2710, s1;
	[dreg:$0x8] =	wrdreg s5;
	s18 =	ssub.s32 $0x2, s1  }
0xb: {  	s1 =	sshll.u32 s1, $0x4;
	[dreg:$0xe] =	wrdreg s25;
	s25 =	simm.s32 $0x80  }
0xc: {  	s3 =	simm.s32 $0x8400;
	s19 =	sshrl.u32 s18, $0x1;
	s4 =	sshrl.u32 s17, $0x2  }
0xd: {  	s17 =	sand.u32 $0x300, s26;
	s26 =	simm.s32 $0x200;
	s2 =	sadd.s32 s14, s15  }
0xe: {  	s20 =	ssub.s32 s18, s19;
	s8 =	sadd.s32 s4, s7;
	s15 =	sor.u32 s1, s6  }
0xf: {  	s4 =	simm.s32 $0x0;
	s21 =	sadd.s32 $0x4000, s8;
	[dreg:$0x9] =	wrdreg s8  }
0x10: {  	s2 =	sshll.u32 s2, $0x4;
	s22 =	sadd.s32 $0x8000, s8;
	[dreg:$0xa] =	wrdreg s21  }
0x11: {  	s23 =	sadd.s32 $0xC000, s8;
	s24 =	sadd.s32 $0x10000, s8;
	[dreg:$0xb] =	wrdreg s22  }
0x12: {  	s28 =	ssub.s32 $0x501, s15;
	s31 =	smax.u32 s20, $0x1;
	[dreg:$0xc] =	wrdreg s23  }
0x13: {  	s0 =	sadd.s32 s2, s0;
	[dreg:$0xd] =	wrdreg s24;
	s19 =	sshrl.u32 s28, $0x5  }
0x14: {  	[dreg:$0x10] =	wrdreg s31;
	s22 =	simm.s32 $0x2;
	s0 =	sadd.s32 $0x48800, s0  }
0x15: {  	v0 =	vimm.f32 $0.0e+00;
	s23 =	simm.s32 $0x100;
	[dreg:$0xf] =	wrdreg s0;
	s0 =	simm.s32 $0x1  }
.LBB2_1:
0x16: {  	s2 =	simm.s32 $0x0  }
0x17: {  	s1 =	sand.u32 $0xFE00, s2  }
0x18: {  	[dreg:$0x11] =	wrdreg s4;
	s2 =	sand.u32 $0x70, s2;
	s31 =	sshrl.u32 s1, $0x2  }
0x19: {  	s1 =	simm.s32 $0x40;
	s4 =	sor.u32 s2, s31;
	s2 =	simm.s32 $0x0  }
.LBB2_2:
0x1a: {  	p1 =	sne.s32 s1, $0xFFC0  }
0x1b: {  	[tilespmem:s4+$0x8500] =	vst v0;
	s2 =	sadd.s32 $0x10, s2;
	s4 =	smov.u32 s1;
	s1 =	sadd.s32 $0x40, s1  }
.Ltmp0:
0x1c: {  	(pc) =	sbr.rel @p1 .LBB2_2-.Ltmp0, $4  }
0x1d: {  	_ = 	snop  }
0x1e: {  	s4 =	sand.u32 $0xFE00, s4  }
0x1f: {  	s5 =	sand.u32 $0x70, s2;
	s4 =	sshrl.u32 s4, $0x2  }
0x20: {  	s4 =	sor.u32 s5, s4  }
0x21: {  	[tilespmem:s4+$0x8500] =	vst v0;
	s2 =	simm.s32 $0x8500  }
0x22: {  	[spmem:s8] =	stream.linear.scatter [tilespmem:s2], [sflag:$0x2], $0x4000, $0x38;
	[tilespmem:$0x1FD80] =	vst v63  }
0x23: {  	_ =	swait.ge [sflag:s22], $0x4000  }
0x24: {  	[sflag:s22] =	ssyncset.done $0x0  }
0x25: {  	s1 =	rddreg [dreg:$0xa];
	[sflag:s22] =	ssyncadd.s32 $0xFFFFC000  }
0x26: {  	[spmem:s1] =	stream.linear.scatter [tilespmem:s2], [sflag:$0x2], $0x4000, $0x38;
	[tilespmem:$0x1FD80] =	vst v63  }
0x27: {  	_ =	swait.ge [sflag:s22], $0x4000  }
0x28: {  	[sflag:s22] =	ssyncset.done $0x0  }
0x29: {  	s28 =	rddreg [dreg:$0xb];
	[sflag:s22] =	ssyncadd.s32 $0xFFFFC000  }
0x2a: {  	[spmem:s28] =	stream.linear.scatter [tilespmem:s2], [sflag:$0x2], $0x4000, $0x38;
	[tilespmem:$0x1FD80] =	vst v63  }
0x2b: {  	_ =	swait.ge [sflag:s22], $0x4000  }
0x2c: {  	[sflag:s22] =	ssyncset.done $0x0  }
0x2d: {  	s31 =	rddreg [dreg:$0xc];
	[sflag:s22] =	ssyncadd.s32 $0xFFFFC000  }
0x2e: {  	[spmem:s31] =	stream.linear.scatter [tilespmem:s2], [sflag:$0x2], $0x4000, $0x38;
	[tilespmem:$0x1FD80] =	vst v63  }
0x2f: {  	_ =	swait.ge [sflag:s22], $0x4000  }
0x30: {  	[sflag:s22] =	ssyncset.done $0x0  }
0x31: {  	s1 =	simm.s32 @p0 $0x8500;
	s2 =	rddreg [dreg:$0xe];
	[sflag:s22] =	ssyncadd.s32 $0xFFFFC000  }
0x32: {  	[spmem:s2] =	stream.linear.scatter @p0 [tilespmem:s1], [sflag:$0x2], $0x400, $0x38;
	[tilespmem:$0x1FD80] =	vst v63  }
0x33: {  	s1 =	simm.s32 @p0 $0x2  }
0x34: {  	_ =	swait.ge @p0 [sflag:s1], $0x400  }
0x35: {  	[sflag:s1] =	ssyncset.done @p0 $0x0  }
0x36: {  	s2 =	rddreg [dreg:$0xd];
	[sflag:s1] =	ssyncadd.s32 @p0 $0xFFFFFC00;
	s1 =	simm.s32 @!p0 $0x8500  }
0x37: {  	[spmem:s2] =	stream.linear.scatter @!p0 [tilespmem:s1], [sflag:$0x2], $0x3C00, $0x38;
	[tilespmem:$0x1FD80] =	vst v63  }
0x38: {  	s1 =	simm.s32 @!p0 $0x2  }
0x39: {  	_ =	swait.ge @!p0 [sflag:s1], $0x3C00  }
0x3a: {  	[sflag:s1] =	ssyncset.done @!p0 $0x0  }
0x3b: {  	[sflag:s1] =	ssyncadd.s32 @!p0 $0xFFFFC400  }
0x3c: {  	s12 =	simm.s32 $0x0;
	[bflag:$0x0] =	sbarrier.arrive $0xFFFF  }
.LBB2_4:
0x3d: {  	s1 =	sshll.u32 s12, $0x5  }
0x3e: {  	s1 =	sor.u32 s15, s1  }
0x3f: {  	s2 =	sshll.u32 s1, $0x8  }
0x40: {  	s2 =	sand.u32 $0xFFFFFC00, s2  }
0x41: {  	s2 =	sor.u32 s17, s2  }
0x42: {  	s4 =	rddreg [dreg:$0x5];
	s2 =	sshrl.u32 s2, $0x3  }
0x43: {  	s4 =	sadd.s32 s4, s2  }
0x44: {  	[tilespmem:s11], [sflag:$0x2] =	stream.linear.gather [hbm4b:s4+s11], $0x100, $0x38;
	[tilespmem:$0x1FD80] =	vst v63  }
0x45: {  	_ =	swait.ge [sflag:s22], $0x100  }
0x46: {  	[sflag:s22] =	ssyncset.done $0x0;
	s18 =	rddreg [dreg:$0x6]  }
0x47: {  	[sflag:s22] =	ssyncadd.s32 $0xFFFFFF00;
	s2 =	sadd.s32 s18, s2  }
0x48: {  	[tilespmem:s23], [sflag:$0x2] =	stream.linear.gather [hbm4b:s2+s11], $0x100, $0x38;
	[tilespmem:$0x1FD80] =	vst v63  }
0x49: {  	s1 =	sshll.u32 s1, $0x5;
	_ =	swait.ge [sflag:s22], $0x100  }
0x4a: {  	s1 =	sand.u32 $0x1FFFFFE0, s1;
	[sflag:s22] =	ssyncset.done $0x0;
	s20 =	rddreg [dreg:$0x7]  }
0x4b: {  	s21 =	simm.s32 $0x8200;
	[sflag:s22] =	ssyncadd.s32 $0xFFFFFF00;
	s2 =	sadd.s32 s20, s1  }
0x4c: {  	[tilespmem:s21], [sflag:$0x2] =	stream.linear.gather [hbm4b:s2+s11], $0x100, $0x38;
	[tilespmem:$0x1FD80] =	vst v63  }
0x4d: {  	_ =	swait.ge [sflag:s22], $0x100  }
0x4e: {  	[sflag:s22] =	ssyncset.done $0x0  }
0x4f: {  	[sflag:s22] =	ssyncadd.s32 $0xFFFFFF00  }
0x50: {  	s24 =	rddreg [dreg:$0x2]  }
0x51: {  	[tilespmem:s26], [sflag:$0x1] =	stream.indirect.gather [hbm4b:s24+s25], $0x80, s11, s25, $0xb8;
	[tilespmem:$0x1FD80] =	vst v63  }
0x52: {  	s5 =	simm.s32 $0x8300;
	s28 =	rddreg [dreg:$0x1]  }
0x53: {  	[tilespmem:s5], [sflag:$0x1] =	stream.indirect.gather [hbm4b:s28+s25], $0x1, s23, s25, $0xb8;
	[tilespmem:$0x1FD80] =	vst v63  }
0x54: {  	_ = 	snop  }
0x55: {  	[tilespmem:s29], [sflag:$0x1] =	stream.indirect.gather [hbm4b:s24+s25], $0x80, s25, s25, $0xb8;
	[tilespmem:$0x1FD80] =	vst v63  }
0x56: {  	s31 =	simm.s32 $0x8380  }
0x57: {  	[tilespmem:s31], [sflag:$0x1] =	stream.indirect.gather [hbm4b:s28+s25], $0x1, s30, s25, $0xb8;
	[tilespmem:$0x1FD80] =	vst v63  }
0x58: {  	_ =	swait.ge [sflag:s0], $0x4000  }
0x59: {  	[sflag:s0] =	ssyncset.done $0x0  }
0x5a: {  	[sflag:s0] =	ssyncadd.s32 $0xFFFFC000  }
0x5b: {  	_ =	swait.ge [sflag:s0], $0x80  }
0x5c: {  	[sflag:s0] =	ssyncset.done $0x0  }
0x5d: {  	[sflag:s0] =	ssyncadd.s32 $0xFFFFFF80  }
0x5e: {  	_ =	swait.ge [sflag:s0], $0x4000  }
0x5f: {  	[sflag:s0] =	ssyncset.done $0x0  }
0x60: {  	[sflag:s0] =	ssyncadd.s32 $0xFFFFC000  }
0x61: {  	_ =	swait.ge [sflag:s0], $0x80  }
0x62: {  	[sflag:s0] =	ssyncset.done $0x0  }
0x63: {  	p1 =	por $0x1, $0x1;
	s2 =	simm.s32 $0x0;
	[sflag:s0] =	ssyncadd.s32 $0xFFFFFF80  }
.LBB2_5:
0x64: {  	v1 =	vld [tilespmem:s2+$0x8300]  }
0x65: {  	v2 =	vld [tilespmem:s2+$0x8310]  }
0x66: {  	v3 =	vld [tilespmem:s2+$0x8320]  }
0x67: {  	v4 =	vld [tilespmem:s2+$0x8330]  }
0x68: {  	v5 =	vld [tilespmem:s2+$0x8340]  }
0x69: {  	v1 =	vmax.f32 v1, $1.000000000e-30  }
0x6a: {  	v6 =	vld [tilespmem:s2+$0x8350];
	(erf) = vrcp.f32 v1;
	v1 =	vmax.f32 v2, $1.000000000e-30  }
0x6b: {  	v2 =	vld [tilespmem:s2+$0x8360];
	(erf) = vrcp.f32 v1;
	v1 =	vmax.f32 v3, $1.000000000e-30  }
0x6c: {  	v3 =	vld [tilespmem:s2+$0x8370];
	(erf) = vrcp.f32 v1;
	v1 =	vmax.f32 v4, $1.000000000e-30  }
0x6d: {  	(erf) = vrcp.f32 v1;
	v1 =	vmax.f32 v5, $1.000000000e-30  }
0x6e: {  	(erf) = vrcp.f32 v1  }
0x6f: {  	v1 =	vmax.f32 v6, $1.000000000e-30  }
0x70: {  	(erf) = vrcp.f32 v1;
	v1 =	vmax.f32 v2, $1.000000000e-30;
	v2 =	vld [tilespmem:s2+$0x8210]  }
0x71: {  	(erf) = vrcp.f32 v1;
	v1 =	vmax.f32 v3, $1.000000000e-30;
	v3 =	vld [tilespmem:s2+$0x8220]  }
0x72: {  	v56 =	vld [tilespmem:s2+$0x8200]  }
0x73: {  	v58 =	vld [tilespmem:s2+$0x8240];
	(erf) = vrcp.f32 v1;
	v57 =	vpop (erf)  }
0x74: {  	v1 =	vld [tilespmem:s2+$0x8230];
	v7 =	vpop (erf)  }
0x75: {  	v8 =	vpop (erf)  }
0x76: {  	v59 =	vld [tilespmem:s2+$0x8250];
	v2 =	vmul.f32 v7, v2;
	v9 =	vpop (erf);
	v3 =	vmul.f32 v8, v3  }
0x77: {  	v60 =	vld [tilespmem:s2+$0x8260];
	v4 =	vmul.f32 v57, v56;
	v62 =	vpop (erf)  }
0x78: {  	v61 =	vld [tilespmem:s2+$0x8270];
	[tilespmem:s2+$0x8420] =	vst v3;
	v3 =	vmul.f32 v62, v58  }
0x79: {  	[tilespmem:s2+$0x8400] =	vst v4;
	v1 =	vmul.f32 v9, v1  }
0x7a: {  	p2 =	por p1, p1;
	[tilespmem:s2+$0x8410] =	vst v2;
	v2 =	vpop (erf)  }
.Ltmp1:
0x7b: {  	[tilespmem:s2+$0x8430] =	vst v1;
	v63 =	vpop (erf);
	v1 =	vmul.f32 v2, v59;
	(pc) =	sbr.rel @p2 .LBB2_5-.Ltmp1, $4  }
0x7c: {  	[tilespmem:s2+$0x8440] =	vst v3;
	v2 =	vmul.f32 v63, v60;
	v3 =	vpop (erf)  }
0x7d: {  	[tilespmem:s2+$0x8450] =	vst v1;
	v1 =	vmul.f32 v3, v61  }
0x7e: {  	[tilespmem:s2+$0x8460] =	vst v2  }
0x7f: {  	p1 =	por $0x0, $0x0;
	[tilespmem:s2+$0x8470] =	vst v1;
	s2 =	simm.s32 $0x80  }
0x80: {  	s2 =	rddreg [dreg:$0x8]  }
0x81: {  	s5 =	simm.s32 $0x0;
	s1 =	sadd.s32 s2, s1  }
0x82: {  	[hbm4b:s1+s5] =	stream.linear.scatter [tilespmem:s3], [sflag:$0x2], $0x100, $0x38;
	[tilespmem:$0x1FD80] =	vst v63  }
0x83: {  	_ =	swait.ge [sflag:s22], $0x100  }
0x84: {  	s18 =	simm.s32 $0x0;
	[sflag:s22] =	ssyncset.done $0x0  }
0x85: {  	s1 =	sand.u32 $0x3FFFFF80, s18;
	[sflag:s22] =	ssyncadd.s32 $0xFFFFFF00  }
0x86: {  	v5 =	vld [tilespmem:s1+$0x200]  }
0x87: {  	v16 =	vld [tilespmem:s1+$0x210]  }
0x88: {  	s10 =	sor.u32 $0xB, s5;
	v17 =	vld [tilespmem:s1+$0x220]  }
0x89: {  	v44 =	vmov s10;
	s10 =	sshll.u32 s10, $0x7;
	v18 =	vld [tilespmem:s1+$0x230]  }
0x8a: {  	s10 =	sand.u32 $0x3FFFFF80, s10;
	v19 =	vld [tilespmem:s1+$0x240]  }
0x8b: {  	v24 =	vld [tilespmem:s10+$0x270]  }
0x8c: {  	s9 =	sor.u32 $0x1, s5;
	v53 =	vld [tilespmem:s1+$0x250]  }
0x8d: {  	v2 =	vmov s9;
	s9 =	sshll.u32 s9, $0x7;
	v55 =	vld [tilespmem:s1+$0x260]  }
0x8e: {  	v1 =	vmov s5;
	s16 =	sand.u32 $0x3FFFFF80, s9;
	v25 =	vld [tilespmem:s1+$0x270]  }
0x8f: {  	v1 =	vand.u32 $0xFFFFFFF0, v1;
	v57 =	vld [tilespmem:s16+$0x200]  }
0x90: {  	v4 =	vbroadcast v1, $0x0;
	v58 =	vld [tilespmem:s16+$0x210]  }
0x91: {  	s13 =	sor.u32 $0xF, s5;
	s4 =	sor.u32 $0x4, s5;
	v26 =	vld [tilespmem:s16+$0x220]  }
0x92: {  	s24 =	sor.u32 $0x2, s5;
	s20 =	sor.u32 $0x6, s5;
	s6 =	sor.u32 $0x7, s5;
	v3 =	vmov s13;
	v7 =	vmov s4;
	v60 =	vld [tilespmem:s16+$0x230]  }
0x93: {  	s21 =	sor.u32 $0xC, s5;
	s7 =	sor.u32 $0xE, s5;
	v8 =	vmov s24;
	v10 =	vmov s20;
	v39 =	vmov s6;
	s20 =	sshll.u32 s20, $0x7;
	v62 =	vld [tilespmem:s16+$0x240]  }
0x94: {  	s14 =	sor.u32 $0x5, s5;
	v46 =	vmov s21;
	v50 =	vmov s7;
	v1 =	vand.u32 $0xFFFFFFF1, v2;
	s20 =	sand.u32 $0x3FFFFF80, s20;
	v63 =	vld [tilespmem:s16+$0x250]  }
0x95: {  	s18 =	sor.u32 $0x3, s5;
	v2 =	vmov s14;
	v37 =	vand.u32 $0xFFFFFFF2, v8;
	v45 =	vand.u32 $0xFFFFFFFB, v44;
	v28 =	vld [tilespmem:s20+$0x230]  }
0x96: {  	v47 =	vand.u32 $0xFFFFFFFC, v46;
	v6 =	vbroadcast v1, $0x0;
	v1 =	vmov s18;
	v20 =	vld.idx.msk [tilespmem:v4+s3+$0x0], $0xffff  }
0x97: {  	s6 =	sshll.u32 s6, $0x7;
	v52 =	vand.u32 $0xFFFFFFFE, v50;
	v21 =	vbroadcast v45, $0x0;
	v1 =	vand.u32 $0xFFFFFFF3, v1;
	v29 =	vld [tilespmem:s20+$0x240]  }
0x98: {  	s9 =	sand.u32 $0x3FFFFF80, s6;
	v9 =	vbroadcast v1, $0x0;
	v1 =	vand.u32 $0xFFFFFFF4, v7;
	v7 =	vbroadcast v37, $0x0;
	v37 =	vld [tilespmem:s20+$0x250]  }
0x99: {  	v2 =	vand.u32 $0xFFFFFFF5, v2;
	v22 =	vbroadcast v47, $0x0;
	v23 =	vbroadcast v52, $0x0;
	v45 =	vld [tilespmem:s9+$0x210]  }
0x9a: {  	v2 =	vbroadcast v2, $0x0;
	v38 =	vbroadcast v1, $0x0;
	v1 =	vld.idx.msk [tilespmem:v3+s3+$0x0], $0xffff;
	v3 =	vand.u32 $0xFFFFFFF6, v10  }
0x9b: {  	v47 =	vld [tilespmem:s9+$0x220];
	v40 =	vbroadcast v3, $0x0;
	v3 =	vand.u32 $0xFFFFFFF7, v39;
	v5 =	vmul.f32 v5, v20  }
0x9c: {  	s2 =	sor.u32 $0x9, s5;
	v52 =	vld [tilespmem:s9+$0x240];
	v12 =	vbroadcast v3, $0x0;
	v16 =	vmul.f32 v16, v20  }
0x9d: {  	s28 =	sor.u32 $0x8, s5;
	s8 =	sor.u32 $0xD, s5;
	v42 =	vmov s2;
	v4 =	vld.idx.msk [tilespmem:v21+s3+$0x0], $0xffff;
	v56 =	vmul.f32 v17, v20;
	[tilespmem:s1+$0x200] =	vst v5  }
0x9e: {  	v48 =	vmov s8;
	s5 =	sor.u32 $0xA, s5;
	s31 =	sshll.u32 s8, $0x7;
	s8 =	sshll.u32 s7, $0x7;
	v10 =	vand.u32 $0xFFFFFFF9, v42;
	v6 =	vld.idx.msk [tilespmem:v6+s3+$0x0], $0xffff;
	v18 =	vmul.f32 v18, v20;
	[tilespmem:s1+$0x210] =	vst v16  }
0x9f: {  	v54 =	vmov s5;
	s6 =	sand.u32 $0x3FFFFF80, s8;
	v43 =	vbroadcast v10, $0x0;
	v10 =	vld.idx.msk [tilespmem:v22+s3+$0x0], $0xffff;
	v19 =	vmul.f32 v19, v20;
	[tilespmem:s1+$0x220] =	vst v56  }
0xa0: {  	v22 =	vand.u32 $0xFFFFFFFA, v54;
	v54 =	vld [tilespmem:s6+$0x220];
	v61 =	vmul.f32 v53, v20;
	[tilespmem:s1+$0x230] =	vst v18  }
0xa1: {  	v2 =	vld.idx.msk [tilespmem:v2+s3+$0x0], $0xffff;
	v27 =	vmul.f32 v25, v20;
	[tilespmem:s1+$0x240] =	vst v19  }
0xa2: {  	v41 =	vmov s28;
	v49 =	vand.u32 $0xFFFFFFFD, v48;
	v15 =	vld.idx.msk [tilespmem:v12+s3+$0x0], $0xffff;
	v59 =	vmul.f32 v24, v4;
	[tilespmem:s1+$0x250] =	vst v61  }
0xa3: {  	v51 =	vbroadcast v49, $0x0;
	v3 =	vand.u32 $0xFFFFFFF8, v41;
	v12 =	vld.idx.msk [tilespmem:v23+s3+$0x0], $0xffff;
	v23 =	vmul.f32 v55, v20;
	[tilespmem:s1+$0x270] =	vst v27  }
0xa4: {  	v14 =	vbroadcast v3, $0x0;
	v3 =	vld.idx.msk [tilespmem:v9+s3+$0x0], $0xffff;
	v17 =	vmul.f32 v57, v6;
	[tilespmem:s10+$0x270] =	vst v59  }
0xa5: {  	v8 =	vld.idx.msk [tilespmem:v40+s3+$0x0], $0xffff;
	v30 =	vmul.f32 v26, v6;
	[tilespmem:s1+$0x260] =	vst v23  }
0xa6: {  	v11 =	vld.idx.msk [tilespmem:v7+s3+$0x0], $0xffff;
	v32 =	vmul.f32 v60, v6;
	[tilespmem:s16+$0x200] =	vst v17  }
0xa7: {  	v22 =	vbroadcast v22, $0x0;
	v7 =	vld.idx.msk [tilespmem:v43+s3+$0x0], $0xffff;
	v34 =	vmul.f32 v62, v6;
	[tilespmem:s16+$0x220] =	vst v30  }
0xa8: {  	v43 =	vld [tilespmem:s9+$0x200];
	v36 =	vmul.f32 v63, v6;
	[tilespmem:s16+$0x230] =	vst v32  }
0xa9: {  	v9 =	vld.idx.msk [tilespmem:v51+s3+$0x0], $0xffff;
	v16 =	vmul.f32 v58, v6;
	[tilespmem:s16+$0x240] =	vst v34  }
0xaa: {  	v13 =	vld.idx.msk [tilespmem:v38+s3+$0x0], $0xffff;
	[tilespmem:s16+$0x250] =	vst v36;
	v38 =	vmul.f32 v28, v8  }
0xab: {  	v51 =	vld [tilespmem:s9+$0x230];
	[tilespmem:s16+$0x210] =	vst v16;
	v40 =	vmul.f32 v29, v8  }
0xac: {  	v55 =	vld [tilespmem:s9+$0x250];
	v23 =	vmul.f32 v37, v8;
	[tilespmem:s20+$0x230] =	vst v38  }
0xad: {  	v5 =	vld.idx.msk [tilespmem:v22+s3+$0x0], $0xffff;
	v22 =	vmul.f32 v43, v15;
	[tilespmem:s20+$0x240] =	vst v40  }
0xae: {  	v63 =	vld [tilespmem:s6+$0x230];
	v18 =	vmul.f32 v45, v15;
	[tilespmem:s20+$0x250] =	vst v23  }
0xaf: {  	v56 =	vld [tilespmem:s9+$0x260];
	v21 =	vmul.f32 v47, v15;
	[tilespmem:s9+$0x200] =	vst v22  }
0xb0: {  	s21 =	sshll.u32 s21, $0x7;
	v58 =	vld [tilespmem:s9+$0x270];
	v17 =	vmul.f32 v52, v15;
	[tilespmem:s9+$0x210] =	vst v18  }
0xb1: {  	s1 =	sand.u32 $0x3FFFFF80, s21;
	v59 =	vld [tilespmem:s16+$0x260];
	v60 =	vmul.f32 v54, v12;
	[tilespmem:s9+$0x220] =	vst v21  }
0xb2: {  	v31 =	vld [tilespmem:s1+$0x220];
	v23 =	vmul.f32 v51, v15;
	[tilespmem:s9+$0x240] =	vst v17  }
0xb3: {  	v33 =	vld [tilespmem:s1+$0x230];
	v18 =	vmul.f32 v55, v15;
	[tilespmem:s6+$0x220] =	vst v60  }
0xb4: {  	v35 =	vld [tilespmem:s1+$0x240];
	v21 =	vmul.f32 v56, v15;
	[tilespmem:s9+$0x230] =	vst v23  }
0xb5: {  	v39 =	vld [tilespmem:s1+$0x250];
	v15 =	vmul.f32 v58, v15;
	[tilespmem:s9+$0x250] =	vst v18  }
0xb6: {  	s21 =	sand.u32 $0x3FFFFF80, s31;
	v41 =	vld [tilespmem:s1+$0x260];
	v26 =	vmul.f32 v59, v6;
	[tilespmem:s9+$0x260] =	vst v21  }
0xb7: {  	v48 =	vld [tilespmem:s21+$0x250];
	v42 =	vmul.f32 v31, v10;
	[tilespmem:s9+$0x270] =	vst v15  }
0xb8: {  	s31 =	sshll.u32 s28, $0x7;
	v50 =	vld [tilespmem:s21+$0x260];
	v44 =	vmul.f32 v33, v10;
	[tilespmem:s16+$0x260] =	vst v26  }
0xb9: {  	v14 =	vld.idx.msk [tilespmem:v14+s3+$0x0], $0xffff;
	s7 =	sand.u32 $0x3FFFFF80, s31;
	v46 =	vmul.f32 v35, v10;
	[tilespmem:s1+$0x220] =	vst v42  }
0xba: {  	v61 =	vld [tilespmem:s7+$0x210];
	v49 =	vmul.f32 v39, v10;
	[tilespmem:s1+$0x230] =	vst v44  }
0xbb: {  	s4 =	sshll.u32 s4, $0x7;
	v24 =	vld [tilespmem:s6+$0x240];
	v19 =	vmul.f32 v41, v10;
	[tilespmem:s1+$0x240] =	vst v46  }
0xbc: {  	s28 =	sand.u32 $0x3FFFFF80, s4;
	v29 =	vld [tilespmem:s6+$0x270];
	v16 =	vmul.f32 v48, v9;
	[tilespmem:s1+$0x250] =	vst v49  }
0xbd: {  	v30 =	vld [tilespmem:s28+$0x220];
	v20 =	vmul.f32 v50, v9;
	[tilespmem:s1+$0x260] =	vst v19  }
0xbe: {  	v32 =	vld [tilespmem:s7+$0x200];
	v31 =	vmul.f32 v63, v12;
	[tilespmem:s21+$0x250] =	vst v16  }
0xbf: {  	v34 =	vld [tilespmem:s28+$0x240];
	v28 =	vmul.f32 v61, v14;
	[tilespmem:s21+$0x260] =	vst v20  }
0xc0: {  	v37 =	vld [tilespmem:s7+$0x230];
	v18 =	vmul.f32 v24, v12;
	[tilespmem:s6+$0x230] =	vst v31  }
0xc1: {  	v53 =	vld [tilespmem:s6+$0x210];
	v36 =	vmul.f32 v29, v12;
	[tilespmem:s7+$0x210] =	vst v28  }
0xc2: {  	v57 =	vld [tilespmem:s6+$0x250];
	s31 =	sshll.u32 s24, $0x7;
	v21 =	vmul.f32 v30, v13;
	[tilespmem:s6+$0x240] =	vst v18  }
0xc3: {  	v25 =	vld [tilespmem:s28+$0x210];
	s8 =	sand.u32 $0x3FFFFF80, s31;
	v17 =	vmul.f32 v32, v14;
	[tilespmem:s6+$0x270] =	vst v36  }
0xc4: {  	v52 =	vld [tilespmem:s8+$0x210];
	v15 =	vmul.f32 v34, v13;
	[tilespmem:s28+$0x220] =	vst v21  }
0xc5: {  	v40 =	vld [tilespmem:s7+$0x250];
	v43 =	vmul.f32 v37, v14;
	[tilespmem:s7+$0x200] =	vst v17  }
0xc6: {  	v54 =	vld [tilespmem:s20+$0x270];
	v19 =	vmul.f32 v53, v12;
	[tilespmem:s28+$0x240] =	vst v15  }
0xc7: {  	v62 =	vld [tilespmem:s28+$0x200];
	v16 =	vmul.f32 v57, v12;
	[tilespmem:s7+$0x230] =	vst v43  }
0xc8: {  	v27 =	vld [tilespmem:s6+$0x260];
	v20 =	vmul.f32 v25, v13;
	[tilespmem:s6+$0x210] =	vst v19  }
0xc9: {  	v56 =	vld [tilespmem:s21+$0x200];
	v61 =	vmul.f32 v52, v11;
	[tilespmem:s6+$0x250] =	vst v16  }
0xca: {  	v58 =	vld [tilespmem:s21+$0x210];
	v47 =	vmul.f32 v40, v14;
	[tilespmem:s28+$0x210] =	vst v20  }
0xcb: {  	v35 =	vld [tilespmem:s7+$0x220];
	v15 =	vmul.f32 v54, v8;
	[tilespmem:s8+$0x210] =	vst v61  }
0xcc: {  	s2 =	sshll.u32 s2, $0x7;
	v39 =	vld [tilespmem:s28+$0x250];
	v19 =	vmul.f32 v62, v13;
	[tilespmem:s7+$0x250] =	vst v47  }
0xcd: {  	s2 =	sand.u32 $0x3FFFFF80, s2;
	v41 =	vld [tilespmem:s7+$0x260];
	v16 =	vmul.f32 v27, v12;
	[tilespmem:s20+$0x270] =	vst v15  }
0xce: {  	v48 =	vld [tilespmem:s2+$0x210];
	v24 =	vmul.f32 v56, v9;
	[tilespmem:s28+$0x200] =	vst v19  }
0xcf: {  	v63 =	vld [tilespmem:s8+$0x230];
	v26 =	vmul.f32 v58, v9;
	[tilespmem:s6+$0x260] =	vst v16  }
0xd0: {  	v33 =	vld [tilespmem:s28+$0x230];
	v18 =	vmul.f32 v35, v14;
	[tilespmem:s21+$0x200] =	vst v24  }
0xd1: {  	v38 =	vld [tilespmem:s7+$0x240];
	v20 =	vmul.f32 v39, v13;
	[tilespmem:s21+$0x210] =	vst v26  }
0xd2: {  	v29 =	vld [tilespmem:s8+$0x260];
	v17 =	vmul.f32 v41, v14;
	[tilespmem:s7+$0x220] =	vst v18  }
0xd3: {  	v34 =	vld [tilespmem:s10+$0x200];
	v55 =	vmul.f32 v48, v7;
	[tilespmem:s28+$0x250] =	vst v20  }
0xd4: {  	v37 =	vld [tilespmem:s10+$0x210];
	v32 =	vmul.f32 v63, v11;
	[tilespmem:s7+$0x260] =	vst v17  }
0xd5: {  	v44 =	vld [tilespmem:s7+$0x270];
	v19 =	vmul.f32 v33, v13;
	[tilespmem:s2+$0x210] =	vst v55  }
0xd6: {  	v46 =	vld [tilespmem:s2+$0x200];
	v16 =	vmul.f32 v38, v14;
	[tilespmem:s8+$0x230] =	vst v32  }
0xd7: {  	v49 =	vld [tilespmem:s2+$0x220];
	v38 =	vmul.f32 v29, v11;
	[tilespmem:s28+$0x230] =	vst v19  }
0xd8: {  	v51 =	vld [tilespmem:s20+$0x210];
	v43 =	vmul.f32 v34, v4;
	[tilespmem:s7+$0x240] =	vst v16  }
0xd9: {  	v25 =	vld [tilespmem:s6+$0x200];
	v47 =	vmul.f32 v37, v4;
	[tilespmem:s8+$0x260] =	vst v38  }
0xda: {  	v42 =	vld [tilespmem:s28+$0x260];
	v14 =	vmul.f32 v44, v14;
	[tilespmem:s10+$0x200] =	vst v43  }
0xdb: {  	v45 =	vld [tilespmem:s28+$0x270];
	s9 =	sshll.u32 s18, $0x7;
	v53 =	vmul.f32 v46, v7;
	[tilespmem:s10+$0x210] =	vst v47  }
0xdc: {  	v50 =	vld [tilespmem:s8+$0x200];
	s4 =	sand.u32 $0x3FFFFF80, s9;
	v57 =	vmul.f32 v49, v7;
	[tilespmem:s7+$0x270] =	vst v14  }
0xdd: {  	v36 =	vld [tilespmem:s4+$0x220];
	v17 =	vmul.f32 v51, v8;
	[tilespmem:s2+$0x200] =	vst v53  }
0xde: {  	v21 =	vld [tilespmem:s16+$0x270];
	v12 =	vmul.f32 v25, v12;
	[tilespmem:s2+$0x220] =	vst v57  }
0xdf: {  	v60 =	vld [tilespmem:s8+$0x220];
	v19 =	vmul.f32 v42, v13;
	[tilespmem:s20+$0x210] =	vst v17  }
0xe0: {  	v62 =	vld [tilespmem:s21+$0x270];
	v13 =	vmul.f32 v45, v13;
	[tilespmem:s6+$0x200] =	vst v12  }
0xe1: {  	v27 =	vld [tilespmem:s8+$0x240];
	v16 =	vmul.f32 v50, v11;
	[tilespmem:s28+$0x260] =	vst v19  }
0xe2: {  	v56 =	vld [tilespmem:s4+$0x250];
	v45 =	vmul.f32 v36, v3;
	[tilespmem:s28+$0x270] =	vst v13  }
0xe3: {  	v61 =	vld [tilespmem:s4+$0x270];
	v6 =	vmul.f32 v21, v6;
	[tilespmem:s8+$0x200] =	vst v16  }
0xe4: {  	v59 =	vld [tilespmem:s21+$0x220];
	v14 =	vmul.f32 v60, v11;
	[tilespmem:s4+$0x220] =	vst v45  }
0xe5: {  	v28 =	vld [tilespmem:s8+$0x250];
	v30 =	vmul.f32 v62, v9;
	[tilespmem:s16+$0x270] =	vst v6  }
0xe6: {  	v31 =	vld [tilespmem:s8+$0x270];
	v35 =	vmul.f32 v27, v11;
	[tilespmem:s8+$0x220] =	vst v14  }
0xe7: {  	v39 =	vld [tilespmem:s10+$0x220];
	v18 =	vmul.f32 v56, v3;
	[tilespmem:s21+$0x270] =	vst v30  }
0xe8: {  	v48 =	vld [tilespmem:s10+$0x260];
	v23 =	vmul.f32 v61, v3;
	[tilespmem:s8+$0x240] =	vst v35  }
0xe9: {  	v33 =	vld [tilespmem:s4+$0x210];
	v13 =	vmul.f32 v59, v9;
	[tilespmem:s4+$0x250] =	vst v18  }
0xea: {  	v24 =	vld [tilespmem:s2+$0x240];
	v16 =	vmul.f32 v28, v11;
	[tilespmem:s4+$0x270] =	vst v23  }
0xeb: {  	v40 =	vld [tilespmem:s4+$0x230];
	v11 =	vmul.f32 v31, v11;
	[tilespmem:s21+$0x220] =	vst v13  }
0xec: {  	v44 =	vld [tilespmem:s20+$0x200];
	v49 =	vmul.f32 v39, v4;
	[tilespmem:s8+$0x250] =	vst v16  }
0xed: {  	v46 =	vld [tilespmem:s10+$0x250];
	v12 =	vmul.f32 v48, v4;
	[tilespmem:s8+$0x270] =	vst v11  }
0xee: {  	v51 =	vld [tilespmem:s1+$0x210];
	v41 =	vmul.f32 v33, v3;
	[tilespmem:s10+$0x220] =	vst v49  }
0xef: {  	v22 =	vld [tilespmem:s2+$0x230];
	v32 =	vmul.f32 v24, v7;
	[tilespmem:s10+$0x260] =	vst v12  }
0xf0: {  	v42 =	vld [tilespmem:s10+$0x240];
	v16 =	vmul.f32 v40, v3;
	[tilespmem:s4+$0x210] =	vst v41  }
0xf1: {  	v50 =	vld [tilespmem:s4+$0x240];
	v13 =	vmul.f32 v44, v8;
	[tilespmem:s2+$0x240] =	vst v32  }
0xf2: {  	v53 =	vld [tilespmem:s20+$0x220];
	v55 =	vmul.f32 v46, v4;
	[tilespmem:s4+$0x230] =	vst v16  }
0xf3: {  	v54 =	vld [tilespmem:s1+$0x200];
	v11 =	vmul.f32 v51, v10;
	[tilespmem:s20+$0x200] =	vst v13  }
0xf4: {  	v57 =	vld [tilespmem:s4+$0x260];
	v12 =	vmul.f32 v22, v7;
	[tilespmem:s10+$0x250] =	vst v55  }
0xf5: {  	v58 =	vld [tilespmem:s1+$0x270];
	v52 =	vmul.f32 v42, v4;
	[tilespmem:s1+$0x210] =	vst v11  }
0xf6: {  	v62 =	vld [tilespmem:s21+$0x230];
	v15 =	vmul.f32 v50, v3;
	[tilespmem:s2+$0x230] =	vst v12  }
0xf7: {  	v63 =	vld [tilespmem:s21+$0x240];
	v60 =	vmul.f32 v53, v8;
	[tilespmem:s10+$0x240] =	vst v52  }
0xf8: {  	v26 =	vld [tilespmem:s2+$0x250];
	v16 =	vmul.f32 v54, v10;
	[tilespmem:s4+$0x240] =	vst v15  }
0xf9: {  	v27 =	vld [tilespmem:s2+$0x260];
	v13 =	vmul.f32 v57, v3;
	[tilespmem:s20+$0x220] =	vst v60  }
0xfa: {  	v29 =	vld [tilespmem:s2+$0x270];
	v10 =	vmul.f32 v58, v10;
	[tilespmem:s1+$0x200] =	vst v16  }
0xfb: {  	s18 =	sshll.u32 s14, $0x7;
	v38 =	vld [tilespmem:s4+$0x200];
	v25 =	vmul.f32 v62, v9;
	[tilespmem:s4+$0x260] =	vst v13  }
0xfc: {  	s6 =	sand.u32 $0x3FFFFF80, s18;
	v59 =	vld [tilespmem:s20+$0x260];
	v9 =	vmul.f32 v63, v9;
	[tilespmem:s1+$0x270] =	vst v10  }
0xfd: {  	v20 =	vld [tilespmem:s6+$0x200];
	v11 =	vmul.f32 v26, v7;
	[tilespmem:s21+$0x230] =	vst v25  }
0xfe: {  	v31 =	vld [tilespmem:s6+$0x220];
	v35 =	vmul.f32 v27, v7;
	[tilespmem:s21+$0x240] =	vst v9  }
0xff: {  	v34 =	vld [tilespmem:s6+$0x240];
	v7 =	vmul.f32 v29, v7;
	[tilespmem:s2+$0x250] =	vst v11  }
0x100: {  	v36 =	vld [tilespmem:s6+$0x250];
	v3 =	vmul.f32 v38, v3;
	[tilespmem:s2+$0x260] =	vst v35  }
0x101: {  	s24 =	sshll.u32 s5, $0x7;
	v30 =	vld [tilespmem:s6+$0x210];
	v8 =	vmul.f32 v59, v8;
	[tilespmem:s2+$0x270] =	vst v7  }
0x102: {  	s28 =	sand.u32 $0x3FFFFF80, s24;
	v33 =	vld [tilespmem:s6+$0x230];
	v28 =	vmul.f32 v20, v2;
	[tilespmem:s4+$0x200] =	vst v3  }
0x103: {  	v48 =	vld [tilespmem:s28+$0x230];
	v39 =	vmul.f32 v31, v2;
	[tilespmem:s20+$0x260] =	vst v8  }
0x104: {  	v37 =	vld [tilespmem:s6+$0x260];
	v43 =	vmul.f32 v34, v2;
	[tilespmem:s6+$0x200] =	vst v28  }
0x105: {  	v40 =	vld [tilespmem:s6+$0x270];
	v45 =	vmul.f32 v36, v2;
	[tilespmem:s6+$0x220] =	vst v39  }
0x106: {  	v46 =	vld [tilespmem:s28+$0x210];
	v9 =	vmul.f32 v30, v2;
	[tilespmem:s6+$0x240] =	vst v43  }
0x107: {  	v44 =	vld [tilespmem:s28+$0x200];
	v41 =	vmul.f32 v33, v2;
	[tilespmem:s6+$0x250] =	vst v45  }
0x108: {  	v42 =	vld [tilespmem:s10+$0x230];
	v6 =	vmul.f32 v48, v5;
	[tilespmem:s6+$0x210] =	vst v9  }
0x109: {  	v47 =	vld [tilespmem:s28+$0x220];
	v8 =	vmul.f32 v37, v2;
	[tilespmem:s6+$0x230] =	vst v41  }
0x10a: {  	s31 =	sshll.u32 s13, $0x7;
	v50 =	vld [tilespmem:s28+$0x250];
	v2 =	vmul.f32 v40, v2;
	[tilespmem:s28+$0x230] =	vst v6  }
0x10b: {  	v49 =	vld [tilespmem:s28+$0x240];
	s1 =	sand.u32 $0x3FFFFF80, s31;
	v52 =	vmul.f32 v46, v5;
	[tilespmem:s6+$0x260] =	vst v8  }
0x10c: {  	v53 =	vld [tilespmem:s1+$0x200];
	[tilespmem:s6+$0x270] =	vst v2;
	v2 =	vmul.f32 v44, v5  }
0x10d: {  	v51 =	vld [tilespmem:s28+$0x260];
	v3 =	vmul.f32 v42, v4;
	[tilespmem:s28+$0x210] =	vst v52  }
0x10e: {  	v54 =	vld [tilespmem:s1+$0x210];
	[tilespmem:s28+$0x200] =	vst v2;
	v2 =	vmul.f32 v47, v5  }
0x10f: {  	v4 =	vmul.f32 v50, v5;
	[tilespmem:s10+$0x230] =	vst v3;
	v3 =	vld [tilespmem:s28+$0x270]  }
0x110: {  	v56 =	vld [tilespmem:s1+$0x230];
	[tilespmem:s28+$0x220] =	vst v2;
	v2 =	vmul.f32 v49, v5  }
0x111: {  	v55 =	vld [tilespmem:s1+$0x220];
	[tilespmem:s28+$0x250] =	vst v4;
	v58 =	vmul.f32 v53, v1  }
0x112: {  	v59 =	vld [tilespmem:s1+$0x250];
	[tilespmem:s28+$0x240] =	vst v2;
	v2 =	vmul.f32 v51, v5  }
0x113: {  	v57 =	vld [tilespmem:s1+$0x240];
	v60 =	vmul.f32 v54, v1;
	[tilespmem:s1+$0x200] =	vst v58  }
0x114: {  	v3 =	vmul.f32 v3, v5;
	[tilespmem:s28+$0x260] =	vst v2;
	v2 =	vld [tilespmem:s1+$0x260]  }
0x115: {  	v62 =	vmul.f32 v56, v1;
	[tilespmem:s1+$0x210] =	vst v60  }
0x116: {  	v61 =	vld [tilespmem:s1+$0x270];
	[tilespmem:s28+$0x270] =	vst v3;
	v3 =	vmul.f32 v55, v1  }
0x117: {  	v63 =	vmul.f32 v59, v1;
	[tilespmem:s1+$0x230] =	vst v62  }
0x118: {  	[tilespmem:s1+$0x220] =	vst v3;
	v3 =	vmul.f32 v57, v1  }
0x119: {  	[tilespmem:s1+$0x250] =	vst v63;
	v2 =	vmul.f32 v2, v1  }
0x11a: {  	[tilespmem:s1+$0x240] =	vst v3  }
0x11b: {  	s6 =	simm.s32 $0x10;
	v1 =	vmul.f32 v61, v1;
	[tilespmem:s1+$0x260] =	vst v2  }
.LBB2_7:
0x11c: {  	s2 =	sshll.u32 s6, $0x7  }
0x11d: {  	v2 =	vmov s6;
	s5 =	sor.u32 $0x1, s6;
	s9 =	sor.u32 $0xF, s6;
	[tilespmem:s1+$0x270] =	vst v1;
	s7 =	smov.u32 s6  }
0x11e: {  	s1 =	sor.u32 $0x5, s6;
	s8 =	sor.u32 $0xA, s6;
	v1 =	vand.u32 $0xFFFFFFF0, v2;
	s4 =	sand.u32 $0x3FFFFF80, s2;
	v2 =	vmov s5;
	v3 =	vmov s9  }
0x11f: {  	s13 =	sor.u32 $0x2, s6;
	s5 =	sshll.u32 s5, $0x7;
	s2 =	sor.u32 $0x3, s6;
	v4 =	vbroadcast v1, $0x0;
	v6 =	vld [tilespmem:s4+$0x200];
	v1 =	vand.u32 $0xFFFFFFF1, v2;
	v2 =	vmov s1  }
0x120: {  	s28 =	sshll.u32 s13, $0x7;
	s10 =	sshll.u32 s2, $0x7;
	v7 =	vld [tilespmem:s4+$0x210];
	v5 =	vbroadcast v1, $0x0;
	v1 =	vmov s2;
	s2 =	sor.u32 $0x4, s6;
	v2 =	vand.u32 $0xFFFFFFF5, v2  }
0x121: {  	s21 =	sshll.u32 s1, $0x7;
	s16 =	sshll.u32 s8, $0x7;
	v9 =	vld [tilespmem:s4+$0x220];
	v1 =	vand.u32 $0xFFFFFFF3, v1;
	v8 =	vmov s2;
	s2 =	sshll.u32 s2, $0x7;
	v2 =	vbroadcast v2, $0x0  }
0x122: {  	v11 =	vmov s13;
	s24 =	sor.u32 $0x6, s7;
	s14 =	sshll.u32 s9, $0x7;
	s13 =	sadd.s32 $0x10, s6;
	v10 =	vld [tilespmem:s4+$0x230];
	v12 =	vbroadcast v1, $0x0;
	v1 =	vand.u32 $0xFFFFFFF4, v8  }
0x123: {  	p1 =	slt.u32 s6, $0xF0;
	s31 =	sor.u32 $0x7, s7;
	v13 =	vmov s24;
	v8 =	vand.u32 $0xFFFFFFF2, v11;
	v11 =	vbroadcast v1, $0x0;
	v1 =	vld.idx.msk [tilespmem:v3+s3+$0x0], $0xffff  }
0x124: {  	s1 =	sor.u32 $0x8, s7;
	v8 =	vbroadcast v8, $0x0;
	v3 =	vand.u32 $0xFFFFFFF6, v13;
	v13 =	vmov s31;
	v16 =	vld [tilespmem:s4+$0x240]  }
0x125: {  	s6 =	sshll.u32 s1, $0x7;
	v17 =	vld.idx.msk [tilespmem:v4+s3+$0x0], $0xffff;
	v4 =	vbroadcast v3, $0x0;
	v3 =	vand.u32 $0xFFFFFFF7, v13;
	v13 =	vmov s1;
	s1 =	sor.u32 $0x9, s7  }
0x126: {  	v5 =	vld.idx.msk [tilespmem:v5+s3+$0x0], $0xffff;
	v14 =	vbroadcast v3, $0x0;
	v3 =	vand.u32 $0xFFFFFFF8, v13;
	v13 =	vmov s1;
	s1 =	sshll.u32 s1, $0x7  }
0x127: {  	v19 =	vmov s8;
	s18 =	sor.u32 $0xB, s7;
	v2 =	vld.idx.msk [tilespmem:v2+s3+$0x0], $0xffff;
	v18 =	vbroadcast v3, $0x0;
	v13 =	vand.u32 $0xFFFFFFF9, v13  }
0x128: {  	s9 =	sor.u32 $0xC, s7;
	v15 =	vmov s18;
	v3 =	vld.idx.msk [tilespmem:v12+s3+$0x0], $0xffff;
	v12 =	vbroadcast v13, $0x0  }
0x129: {  	s8 =	sor.u32 $0xD, s7;
	v20 =	vmov s9;
	v15 =	vand.u32 $0xFFFFFFFB, v15;
	v13 =	vld.idx.msk [tilespmem:v11+s3+$0x0], $0xffff  }
0x12a: {  	v21 =	vbroadcast v15, $0x0;
	v15 =	vand.u32 $0xFFFFFFFC, v20;
	v20 =	vmov s8;
	s8 =	sshll.u32 s8, $0x7;
	s7 =	sor.u32 $0xE, s7;
	v11 =	vld.idx.msk [tilespmem:v8+s3+$0x0], $0xffff  }
0x12b: {  	v22 =	vbroadcast v15, $0x0;
	v8 =	vld.idx.msk [tilespmem:v4+s3+$0x0], $0xffff;
	v4 =	vand.u32 $0xFFFFFFFD, v20;
	v20 =	vmov s7  }
0x12c: {  	v6 =	vmul.f32 v6, v17;
	v15 =	vld.idx.msk [tilespmem:v14+s3+$0x0], $0xffff;
	v23 =	vbroadcast v4, $0x0;
	v4 =	vand.u32 $0xFFFFFFFE, v20  }
0x12d: {  	s18 =	sshll.u32 s18, $0x7;
	v20 =	vmul.f32 v7, v17;
	v14 =	vld.idx.msk [tilespmem:v18+s3+$0x0], $0xffff;
	v18 =	vbroadcast v4, $0x0  }
0x12e: {  	s20 =	sand.u32 $0x3FFFFF80, s18;
	v4 =	vmul.f32 v9, v17;
	[tilespmem:s4+$0x200] =	vst v6;
	v6 =	vmul.f32 v10, v17;
	v7 =	vld.idx.msk [tilespmem:v12+s3+$0x0], $0xffff  }
0x12f: {  	v9 =	vmul.f32 v16, v17;
	[tilespmem:s4+$0x210] =	vst v20;
	v16 =	vld [tilespmem:s20+$0x270]  }
0x130: {  	[tilespmem:s4+$0x220] =	vst v4;
	v4 =	vld.idx.msk [tilespmem:v21+s3+$0x0], $0xffff  }
0x131: {  	[tilespmem:s4+$0x230] =	vst v6;
	v10 =	vld.idx.msk [tilespmem:v22+s3+$0x0], $0xffff  }
0x132: {  	[tilespmem:s4+$0x240] =	vst v9;
	v9 =	vld.idx.msk [tilespmem:v23+s3+$0x0], $0xffff  }
0x133: {  	v12 =	vld.idx.msk [tilespmem:v18+s3+$0x0], $0xffff  }
0x134: {  	v6 =	vld [tilespmem:s4+$0x250]  }
0x135: {  	v18 =	vld [tilespmem:s4+$0x260]  }
0x136: {  	v19 =	vand.u32 $0xFFFFFFFA, v19;
	s18 =	sand.u32 $0x3FFFFF80, s5;
	v16 =	vmul.f32 v16, v4;
	v20 =	vld [tilespmem:s4+$0x270]  }
0x137: {  	v19 =	vbroadcast v19, $0x0;
	v21 =	vld [tilespmem:s18+$0x200]  }
0x138: {  	v22 =	vld [tilespmem:s18+$0x210];
	[tilespmem:s20+$0x270] =	vst v16  }
0x139: {  	v6 =	vmul.f32 v6, v17;
	v16 =	vld [tilespmem:s18+$0x220]  }
0x13a: {  	v18 =	vmul.f32 v18, v17;
	v23 =	vld [tilespmem:s18+$0x230]  }
0x13b: {  	[tilespmem:s4+$0x250] =	vst v6;
	v6 =	vmul.f32 v20, v17;
	v17 =	vld [tilespmem:s18+$0x240]  }
0x13c: {  	s5 =	sshll.u32 s24, $0x7;
	[tilespmem:s4+$0x260] =	vst v18;
	v18 =	vmul.f32 v21, v5;
	v20 =	vld [tilespmem:s18+$0x250]  }
0x13d: {  	s5 =	sand.u32 $0x3FFFFF80, s5;
	[tilespmem:s4+$0x270] =	vst v6;
	v21 =	vmul.f32 v22, v5;
	v6 =	vld.idx.msk [tilespmem:v19+s3+$0x0], $0xffff  }
0x13e: {  	s4 =	sshll.u32 s9, $0x7;
	[tilespmem:s18+$0x200] =	vst v18;
	v16 =	vmul.f32 v16, v5;
	v18 =	vld [tilespmem:s5+$0x230]  }
0x13f: {  	s24 =	sand.u32 $0x3FFFFF80, s4;
	[tilespmem:s18+$0x210] =	vst v21;
	v19 =	vmul.f32 v23, v5;
	v21 =	vld [tilespmem:s5+$0x240]  }
0x140: {  	[tilespmem:s18+$0x220] =	vst v16;
	v16 =	vmul.f32 v17, v5;
	v17 =	vld [tilespmem:s24+$0x220]  }
0x141: {  	[tilespmem:s18+$0x230] =	vst v19;
	v19 =	vmul.f32 v20, v5;
	v20 =	vld [tilespmem:s24+$0x230]  }
0x142: {  	[tilespmem:s18+$0x240] =	vst v16;
	v16 =	vld [tilespmem:s24+$0x240]  }
0x143: {  	[tilespmem:s18+$0x250] =	vst v19;
	v18 =	vmul.f32 v18, v8;
	v19 =	vld [tilespmem:s5+$0x250]  }
0x144: {  	s4 =	sshll.u32 s31, $0x7;
	v21 =	vmul.f32 v21, v8;
	v22 =	vld [tilespmem:s24+$0x250]  }
0x145: {  	s9 =	sand.u32 $0x3FFFFF80, s4;
	[tilespmem:s5+$0x230] =	vst v18;
	v17 =	vmul.f32 v17, v10;
	v18 =	vld [tilespmem:s24+$0x260]  }
0x146: {  	[tilespmem:s5+$0x240] =	vst v21;
	v21 =	vld [tilespmem:s9+$0x200];
	v20 =	vmul.f32 v20, v10  }
0x147: {  	v23 =	vld [tilespmem:s9+$0x210];
	[tilespmem:s24+$0x220] =	vst v17;
	v16 =	vmul.f32 v16, v10  }
0x148: {  	s31 =	sand.u32 $0x3FFFFF80, s8;
	v17 =	vmul.f32 v19, v8;
	v19 =	vld [tilespmem:s9+$0x220];
	[tilespmem:s24+$0x230] =	vst v20  }
0x149: {  	[tilespmem:s24+$0x240] =	vst v16;
	v16 =	vmul.f32 v22, v10;
	v20 =	vld [tilespmem:s31+$0x250]  }
0x14a: {  	[tilespmem:s5+$0x250] =	vst v17;
	v17 =	vmul.f32 v18, v10;
	v18 =	vld [tilespmem:s31+$0x260]  }
0x14b: {  	s4 =	sshll.u32 s7, $0x7;
	v21 =	vmul.f32 v21, v15;
	v22 =	vld [tilespmem:s9+$0x230];
	[tilespmem:s24+$0x250] =	vst v16  }
0x14c: {  	s4 =	sand.u32 $0x3FFFFF80, s4;
	v16 =	vmul.f32 v23, v15;
	v23 =	vld [tilespmem:s9+$0x240];
	[tilespmem:s24+$0x260] =	vst v17  }
0x14d: {  	[tilespmem:s9+$0x200] =	vst v21;
	v17 =	vmul.f32 v19, v15;
	v19 =	vld [tilespmem:s4+$0x210]  }
0x14e: {  	[tilespmem:s9+$0x210] =	vst v16;
	v16 =	vmul.f32 v20, v9;
	v20 =	vld [tilespmem:s4+$0x220]  }
0x14f: {  	[tilespmem:s9+$0x220] =	vst v17;
	v17 =	vld [tilespmem:s9+$0x250];
	v18 =	vmul.f32 v18, v9  }
0x150: {  	v21 =	vmul.f32 v22, v15;
	v22 =	vld [tilespmem:s9+$0x260];
	[tilespmem:s31+$0x250] =	vst v16  }
0x151: {  	v16 =	vmul.f32 v23, v15;
	[tilespmem:s31+$0x260] =	vst v18;
	v18 =	vld [tilespmem:s4+$0x250]  }
0x152: {  	[tilespmem:s9+$0x230] =	vst v21;
	v21 =	vld [tilespmem:s9+$0x270];
	v19 =	vmul.f32 v19, v12  }
0x153: {  	s6 =	sand.u32 $0x3FFFFF80, s6;
	v23 =	vld [tilespmem:s18+$0x260];
	[tilespmem:s9+$0x240] =	vst v16;
	v16 =	vmul.f32 v20, v12  }
0x154: {  	s2 =	sand.u32 $0x3FFFFF80, s2;
	v17 =	vmul.f32 v17, v15;
	v20 =	vld [tilespmem:s6+$0x210];
	[tilespmem:s4+$0x210] =	vst v19  }
0x155: {  	v19 =	vld [tilespmem:s2+$0x200];
	v22 =	vmul.f32 v22, v15;
	[tilespmem:s4+$0x220] =	vst v16  }
0x156: {  	[tilespmem:s9+$0x250] =	vst v17;
	v16 =	vld [tilespmem:s4+$0x230];
	v17 =	vmul.f32 v18, v12  }
0x157: {  	[tilespmem:s9+$0x260] =	vst v22;
	v15 =	vmul.f32 v21, v15;
	v18 =	vld [tilespmem:s4+$0x240]  }
0x158: {  	v21 =	vmul.f32 v23, v5;
	v22 =	vld [tilespmem:s2+$0x210];
	[tilespmem:s4+$0x250] =	vst v17  }
0x159: {  	[tilespmem:s9+$0x270] =	vst v15;
	v15 =	vmul.f32 v20, v14;
	v17 =	vld [tilespmem:s4+$0x260]  }
0x15a: {  	[tilespmem:s18+$0x260] =	vst v21;
	v19 =	vmul.f32 v19, v13;
	v20 =	vld [tilespmem:s4+$0x270]  }
0x15b: {  	v21 =	vld [tilespmem:s2+$0x220];
	[tilespmem:s6+$0x210] =	vst v15;
	v15 =	vmul.f32 v16, v12  }
0x15c: {  	[tilespmem:s2+$0x200] =	vst v19;
	v16 =	vld [tilespmem:s6+$0x200];
	v18 =	vmul.f32 v18, v12  }
0x15d: {  	v19 =	vmul.f32 v22, v13;
	v22 =	vld [tilespmem:s2+$0x230];
	[tilespmem:s4+$0x230] =	vst v15  }
0x15e: {  	v15 =	vld [tilespmem:s2+$0x240];
	[tilespmem:s4+$0x240] =	vst v18;
	v17 =	vmul.f32 v17, v12  }
0x15f: {  	[tilespmem:s2+$0x210] =	vst v19;
	v18 =	vld [tilespmem:s6+$0x220];
	v19 =	vmul.f32 v20, v12  }
0x160: {  	v20 =	vmul.f32 v21, v13;
	v21 =	vld [tilespmem:s6+$0x230];
	[tilespmem:s4+$0x260] =	vst v17  }
0x161: {  	v16 =	vmul.f32 v16, v14;
	v17 =	vld [tilespmem:s6+$0x240];
	[tilespmem:s4+$0x270] =	vst v19  }
0x162: {  	[tilespmem:s2+$0x220] =	vst v20;
	v19 =	vmul.f32 v22, v13;
	v20 =	vld [tilespmem:s2+$0x250]  }
0x163: {  	v15 =	vmul.f32 v15, v13;
	[tilespmem:s6+$0x200] =	vst v16;
	v16 =	vld [tilespmem:s6+$0x250]  }
0x164: {  	[tilespmem:s2+$0x230] =	vst v19;
	v18 =	vmul.f32 v18, v14;
	v19 =	vld [tilespmem:s6+$0x260]  }
0x165: {  	[tilespmem:s2+$0x240] =	vst v15;
	v15 =	vld [tilespmem:s2+$0x260];
	v21 =	vmul.f32 v21, v14  }
0x166: {  	[tilespmem:s6+$0x220] =	vst v18;
	v17 =	vmul.f32 v17, v14;
	v18 =	vld [tilespmem:s6+$0x270]  }
0x167: {  	s1 =	sand.u32 $0x3FFFFF80, s1;
	v20 =	vmul.f32 v20, v13;
	v22 =	vld [tilespmem:s2+$0x270];
	[tilespmem:s6+$0x230] =	vst v21  }
0x168: {  	[tilespmem:s6+$0x240] =	vst v17;
	v16 =	vmul.f32 v16, v14;
	v17 =	vld [tilespmem:s1+$0x200]  }
0x169: {  	[tilespmem:s2+$0x250] =	vst v20;
	v19 =	vmul.f32 v19, v14;
	v20 =	vld [tilespmem:s1+$0x210]  }
0x16a: {  	s7 =	sand.u32 $0x3FFFFF80, s28;
	v15 =	vmul.f32 v15, v13;
	[tilespmem:s6+$0x250] =	vst v16;
	v16 =	vld [tilespmem:s1+$0x220]  }
0x16b: {  	v21 =	vld [tilespmem:s7+$0x200];
	[tilespmem:s6+$0x260] =	vst v19;
	v14 =	vmul.f32 v18, v14  }
0x16c: {  	[tilespmem:s2+$0x260] =	vst v15;
	v13 =	vmul.f32 v22, v13;
	v15 =	vld [tilespmem:s5+$0x210]  }
0x16d: {  	v18 =	vld [tilespmem:s7+$0x210];
	[tilespmem:s6+$0x270] =	vst v14;
	v14 =	vmul.f32 v17, v7  }
0x16e: {  	[tilespmem:s2+$0x270] =	vst v13;
	v13 =	vld [tilespmem:s5+$0x270];
	v17 =	vmul.f32 v20, v7  }
0x16f: {  	[tilespmem:s1+$0x200] =	vst v14;
	v14 =	vmul.f32 v16, v7;
	v16 =	vld [tilespmem:s31+$0x200]  }
0x170: {  	v19 =	vmul.f32 v21, v11;
	[tilespmem:s1+$0x210] =	vst v17;
	v17 =	vld [tilespmem:s31+$0x210]  }
0x171: {  	v15 =	vmul.f32 v15, v8;
	[tilespmem:s1+$0x220] =	vst v14;
	v14 =	vld [tilespmem:s31+$0x220]  }
0x172: {  	[tilespmem:s7+$0x200] =	vst v19;
	v18 =	vmul.f32 v18, v11;
	v19 =	vld [tilespmem:s7+$0x220]  }
0x173: {  	[tilespmem:s5+$0x210] =	vst v15;
	v13 =	vmul.f32 v13, v8;
	v15 =	vld [tilespmem:s31+$0x270]  }
0x174: {  	[tilespmem:s7+$0x210] =	vst v18;
	v18 =	vld [tilespmem:s7+$0x230];
	v16 =	vmul.f32 v16, v9  }
0x175: {  	[tilespmem:s5+$0x270] =	vst v13;
	v13 =	vmul.f32 v17, v9;
	v17 =	vld [tilespmem:s4+$0x200]  }
0x176: {  	v20 =	vld [tilespmem:s7+$0x240];
	[tilespmem:s31+$0x200] =	vst v16;
	v14 =	vmul.f32 v14, v9  }
0x177: {  	v16 =	vmul.f32 v19, v11;
	v19 =	vld [tilespmem:s7+$0x250];
	[tilespmem:s31+$0x210] =	vst v13  }
0x178: {  	v13 =	vld [tilespmem:s7+$0x260];
	[tilespmem:s31+$0x220] =	vst v14;
	v14 =	vmul.f32 v15, v9  }
0x179: {  	s2 =	sand.u32 $0x3FFFFF80, s10;
	[tilespmem:s7+$0x220] =	vst v16;
	v15 =	vmul.f32 v18, v11;
	v16 =	vld [tilespmem:s7+$0x270]  }
0x17a: {  	v18 =	vld [tilespmem:s2+$0x210];
	[tilespmem:s31+$0x270] =	vst v14;
	v12 =	vmul.f32 v17, v12  }
0x17b: {  	[tilespmem:s7+$0x230] =	vst v15;
	v14 =	vmul.f32 v20, v11;
	v15 =	vld [tilespmem:s20+$0x200]  }
0x17c: {  	v17 =	vmul.f32 v19, v11;
	v19 =	vld [tilespmem:s2+$0x220];
	[tilespmem:s4+$0x200] =	vst v12  }
0x17d: {  	[tilespmem:s7+$0x240] =	vst v14;
	v12 =	vmul.f32 v13, v11;
	v13 =	vld [tilespmem:s20+$0x210]  }
0x17e: {  	[tilespmem:s7+$0x250] =	vst v17;
	v11 =	vmul.f32 v16, v11;
	v14 =	vld [tilespmem:s20+$0x220]  }
0x17f: {  	[tilespmem:s7+$0x260] =	vst v12;
	v12 =	vmul.f32 v18, v3;
	v16 =	vld [tilespmem:s2+$0x230]  }
0x180: {  	[tilespmem:s7+$0x270] =	vst v11;
	v11 =	vmul.f32 v15, v4;
	v15 =	vld [tilespmem:s20+$0x240]  }
0x181: {  	[tilespmem:s2+$0x210] =	vst v12;
	v12 =	vmul.f32 v19, v3;
	v17 =	vld [tilespmem:s5+$0x200]  }
0x182: {  	[tilespmem:s20+$0x200] =	vst v11;
	v11 =	vmul.f32 v13, v4;
	v13 =	vld [tilespmem:s20+$0x250]  }
0x183: {  	[tilespmem:s2+$0x220] =	vst v12;
	v12 =	vmul.f32 v14, v4;
	v14 =	vld [tilespmem:s20+$0x260]  }
0x184: {  	v16 =	vmul.f32 v16, v3;
	v18 =	vld [tilespmem:s2+$0x240];
	[tilespmem:s20+$0x210] =	vst v11  }
0x185: {  	[tilespmem:s20+$0x220] =	vst v12;
	v11 =	vmul.f32 v15, v4;
	v12 =	vld [tilespmem:s24+$0x210]  }
0x186: {  	[tilespmem:s2+$0x230] =	vst v16;
	v15 =	vmul.f32 v17, v8;
	v16 =	vld [tilespmem:s5+$0x220]  }
0x187: {  	[tilespmem:s20+$0x240] =	vst v11;
	v11 =	vmul.f32 v13, v4;
	v13 =	vld [tilespmem:s24+$0x200]  }
0x188: {  	v17 =	vld [tilespmem:s2+$0x250];
	[tilespmem:s5+$0x200] =	vst v15;
	v14 =	vmul.f32 v14, v4  }
0x189: {  	v15 =	vmul.f32 v18, v3;
	v18 =	vld [tilespmem:s2+$0x260];
	[tilespmem:s20+$0x250] =	vst v11  }
0x18a: {  	[tilespmem:s20+$0x260] =	vst v14;
	v11 =	vmul.f32 v12, v10;
	v12 =	vld [tilespmem:s24+$0x270]  }
0x18b: {  	[tilespmem:s2+$0x240] =	vst v15;
	v14 =	vmul.f32 v16, v8;
	v15 =	vld [tilespmem:s5+$0x260]  }
0x18c: {  	v16 =	vld [tilespmem:s2+$0x270];
	v13 =	vmul.f32 v13, v10;
	[tilespmem:s24+$0x210] =	vst v11  }
0x18d: {  	v11 =	vmul.f32 v17, v3;
	[tilespmem:s5+$0x220] =	vst v14;
	v14 =	vld [tilespmem:s31+$0x230]  }
0x18e: {  	s4 =	sand.u32 $0x3FFFFF80, s21;
	v17 =	vmul.f32 v18, v3;
	[tilespmem:s24+$0x200] =	vst v13;
	v13 =	vld [tilespmem:s31+$0x240]  }
0x18f: {  	[tilespmem:s2+$0x250] =	vst v11;
	v11 =	vld [tilespmem:s4+$0x200];
	v10 =	vmul.f32 v12, v10  }
0x190: {  	v12 =	vld [tilespmem:s18+$0x270];
	[tilespmem:s2+$0x260] =	vst v17;
	v8 =	vmul.f32 v15, v8  }
0x191: {  	v15 =	vmul.f32 v16, v3;
	v16 =	vld [tilespmem:s1+$0x230];
	[tilespmem:s24+$0x270] =	vst v10  }
0x192: {  	[tilespmem:s5+$0x260] =	vst v8;
	v8 =	vld [tilespmem:s1+$0x240];
	v10 =	vmul.f32 v14, v9  }
0x193: {  	[tilespmem:s2+$0x270] =	vst v15;
	v14 =	vld [tilespmem:s1+$0x250];
	v9 =	vmul.f32 v13, v9  }
0x194: {  	v11 =	vmul.f32 v11, v2;
	v13 =	vld [tilespmem:s1+$0x260];
	[tilespmem:s31+$0x230] =	vst v10  }
0x195: {  	v5 =	vmul.f32 v12, v5;
	v10 =	vld [tilespmem:s1+$0x270];
	[tilespmem:s31+$0x240] =	vst v9  }
0x196: {  	[tilespmem:s4+$0x200] =	vst v11;
	v9 =	vld [tilespmem:s4+$0x210];
	v11 =	vmul.f32 v16, v7  }
0x197: {  	[tilespmem:s18+$0x270] =	vst v5;
	v5 =	vld [tilespmem:s4+$0x220];
	v8 =	vmul.f32 v8, v7  }
0x198: {  	v12 =	vld [tilespmem:s4+$0x230];
	[tilespmem:s1+$0x230] =	vst v11;
	v11 =	vmul.f32 v14, v7  }
0x199: {  	v14 =	vld [tilespmem:s4+$0x240];
	[tilespmem:s1+$0x240] =	vst v8;
	v8 =	vmul.f32 v13, v7  }
0x19a: {  	v13 =	vld [tilespmem:s4+$0x250];
	[tilespmem:s1+$0x250] =	vst v11;
	v7 =	vmul.f32 v10, v7  }
0x19b: {  	v9 =	vmul.f32 v9, v2;
	v10 =	vld [tilespmem:s4+$0x260];
	[tilespmem:s1+$0x260] =	vst v8  }
0x19c: {  	v8 =	vld [tilespmem:s2+$0x200];
	v5 =	vmul.f32 v5, v2;
	[tilespmem:s1+$0x270] =	vst v7  }
0x19d: {  	[tilespmem:s4+$0x210] =	vst v9;
	v7 =	vmul.f32 v12, v2;
	v9 =	vld [tilespmem:s4+$0x270]  }
0x19e: {  	s5 =	sand.u32 $0x3FFFFF80, s16;
	[tilespmem:s4+$0x220] =	vst v5;
	v5 =	vmul.f32 v14, v2;
	v11 =	vld [tilespmem:s20+$0x230]  }
0x19f: {  	[tilespmem:s4+$0x230] =	vst v7;
	v7 =	vmul.f32 v13, v2;
	v12 =	vld [tilespmem:s5+$0x200]  }
0x1a0: {  	[tilespmem:s4+$0x240] =	vst v5;
	v5 =	vmul.f32 v10, v2;
	v10 =	vld [tilespmem:s5+$0x210]  }
0x1a1: {  	v3 =	vmul.f32 v8, v3;
	[tilespmem:s4+$0x250] =	vst v7;
	v7 =	vld [tilespmem:s5+$0x220]  }
0x1a2: {  	[tilespmem:s4+$0x260] =	vst v5;
	v2 =	vmul.f32 v9, v2;
	v5 =	vld [tilespmem:s5+$0x230]  }
0x1a3: {  	[tilespmem:s2+$0x200] =	vst v3;
	v3 =	vld [tilespmem:s5+$0x240];
	v4 =	vmul.f32 v11, v4  }
0x1a4: {  	[tilespmem:s4+$0x270] =	vst v2;
	v2 =	vmul.f32 v12, v6;
	v8 =	vld [tilespmem:s5+$0x250]  }
0x1a5: {  	v9 =	vmul.f32 v10, v6;
	v10 =	vld [tilespmem:s5+$0x260];
	[tilespmem:s20+$0x230] =	vst v4  }
0x1a6: {  	s1 =	sand.u32 $0x3FFFFF80, s14;
	[tilespmem:s5+$0x200] =	vst v2;
	v2 =	vmul.f32 v7, v6;
	v4 =	vld [tilespmem:s5+$0x270]  }
0x1a7: {  	[tilespmem:s5+$0x210] =	vst v9;
	v5 =	vmul.f32 v5, v6;
	v7 =	vld [tilespmem:s1+$0x200]  }
0x1a8: {  	[tilespmem:s5+$0x220] =	vst v2;
	v2 =	vmul.f32 v3, v6;
	v3 =	vld [tilespmem:s1+$0x210]  }
0x1a9: {  	[tilespmem:s5+$0x230] =	vst v5;
	v5 =	vmul.f32 v8, v6;
	v8 =	vld [tilespmem:s1+$0x220]  }
0x1aa: {  	[tilespmem:s5+$0x240] =	vst v2;
	v2 =	vmul.f32 v10, v6;
	v9 =	vld [tilespmem:s1+$0x230]  }
0x1ab: {  	[tilespmem:s5+$0x250] =	vst v5;
	v4 =	vmul.f32 v4, v6;
	v5 =	vld [tilespmem:s1+$0x240]  }
0x1ac: {  	[tilespmem:s5+$0x260] =	vst v2;
	v2 =	vmul.f32 v7, v1;
	v6 =	vld [tilespmem:s1+$0x250]  }
0x1ad: {  	[tilespmem:s5+$0x270] =	vst v4;
	v3 =	vmul.f32 v3, v1;
	v4 =	vld [tilespmem:s1+$0x260]  }
0x1ae: {  	[tilespmem:s1+$0x200] =	vst v2;
	v2 =	vmul.f32 v8, v1;
	v7 =	vld [tilespmem:s1+$0x270]  }
0x1af: {  	[tilespmem:s1+$0x210] =	vst v3;
	v3 =	vmul.f32 v9, v1  }
.Ltmp2:
0x1b0: {  	[tilespmem:s1+$0x220] =	vst v2;
	v2 =	vmul.f32 v5, v1;
	(pc) =	sbr.rel @p1 .LBB2_7-.Ltmp2, $4  }
0x1b1: {  	[tilespmem:s1+$0x230] =	vst v3;
	v3 =	vmul.f32 v6, v1  }
0x1b2: {  	[tilespmem:s1+$0x240] =	vst v2;
	v2 =	vmul.f32 v4, v1  }
0x1b3: {  	[tilespmem:s1+$0x250] =	vst v3;
	v1 =	vmul.f32 v7, v1  }
0x1b4: {  	s6 =	smov.u32 s13;
	[tilespmem:s1+$0x260] =	vst v2  }
0x1b5: {  	[tilespmem:s1+$0x270] =	vst v1;
	s31 =	rddreg [dreg:$0x3]  }
0x1b6: {  	[spmem:s31] =	stream.indirect.scatter.add.f32 [tilespmem:s26], [sflag:$0x2], $0x80, s23, s25, $0xb8;
	[tilespmem:$0x1FD80] =	vst v63  }
0x1b7: {  	s12 =	sadd.s32 $0x1, s12;
	_ =	swait.ge [sflag:s22], $0x4000  }
0x1b8: {  	p1 =	sne.s32 s12, s19;
	[sflag:s22] =	ssyncset.done $0x0  }
.Ltmp3:
0x1b9: {  	[sflag:s22] =	ssyncadd.s32 $0xFFFFC000;
	(pc) =	sbr.rel @p1 .LBB2_4-.Ltmp3, $4  }
0x1ba: {  	[spmem:s31] =	stream.indirect.scatter.add.f32 [tilespmem:s29], [sflag:$0x2], $0x80, s30, s25, $0xb8;
	[tilespmem:$0x1FD80] =	vst v63  }
0x1bb: {  	_ =	swait.ge [sflag:s22], $0x4000  }
0x1bc: {  	[sflag:s22] =	ssyncset.done $0x0  }
0x1bd: {  	[sflag:s22] =	ssyncadd.s32 $0xFFFFC000  }
0x1be: {  	[bflag:$0x0] =	sbarrier.arrive $0xFFFF  }
0x1bf: {  	s8 =	rddreg [dreg:$0x9]  }
0x1c0: {  	s2 =	simm.s32 @p0 $0x1FC2;
	s4 =	rddreg [dreg:$0xf];
	s1 =	sshrl.u32 @p0 s8, $0x3  }
0x1c1: {  	[hbm:s4], [sflag:s2] =	dma.local @p0 [spmem:s1], $0x2080  }
0x1c2: {  	s1 =	simm.s32 @p0 $0x2  }
0x1c3: {  	s2 =	stileid.u32;
	_ =	swait.ge @p0 [sflag:s1], $0x2080  }
0x1c4: {  	s2 =	sshll.u32 @!p0 s2, $0x6;
	[sflag:s1] =	ssyncset.done @p0 $0x0  }
0x1c5: {  	[sflag:s1] =	ssyncadd.s32 @p0 $0xFFFFDF80;
	s1 =	sor.u32 @!p0 $0x1C02, s2;
	s2 =	sshrl.u32 @!p0 s8, $0x3  }
0x1c6: {  	[hbm:s4], [sflag:s1] =	dma.local @!p0 [spmem:s2], $0x2780  }
0x1c7: {  	s1 =	simm.s32 @!p0 $0x2  }
0x1c8: {  	_ =	swait.ge @!p0 [sflag:s1], $0x2780  }
0x1c9: {  	s28 =	rddreg [dreg:$0x11]  }
0x1ca: {  	s31 =	rddreg [dreg:$0x10];
	s4 =	sadd.s32 $0x1, s28  }
0x1cb: {  	p1 =	sne.s32 s4, s31  }
.Ltmp4:
0x1cc: {  	_ = 	snop;
	(pc) =	sbr.rel @p1 .LBB2_1-.Ltmp4, $3  }
0x1cd: {  	_ =	sdelay $0x1  }
0x1ce: {  	[sflag:s1] =	ssyncset.done @!p0 $0x0  }
0x1cf: {  	[sflag:s1] =	ssyncadd.s32 @!p0 $0xFFFFD880  }
0x1d0: {  	_ =	sfence.sel $0x180000  }
0x1d1: {  	[bflag:$0x0] =	sbarrier.arrive $0xFFFF  }
0x1d2: {  	_ =	strace $0x9000004A  }
0x1d3: {  	s0 =	stileid.u32;
	[bflag:$0x2] =	sbarrier.arrive $0xFFFF  }
0x1d4: {  	p0 =	sne.s32 s0, $0x0;
	s0 =	rddreg [dreg:$0x4]  }
0x1d5: {  	s0 =	sadd.s32 @!p0 $0x100000, s0  }
0x1d6: {  	[sflag:s0] =	ssyncadd.tile.s32 @!p0 $0x1;
	_ =	shalt  }
.Lfunc_end2:
_tile_overlayer_lowered:
.L_overlay_start_2:
0x1d7: {  	(tag) =	ssettag $0x2  }
0x1d8: {  	s0 =	rddreg [dreg:$0x0];
	s2 =	stileid.u32  }
0x1d9: {  	s1 =	rddreg [dreg:$0x1];
	p0 =	sne.s32 s2, $0x0  }
0x1da: {  	s3 =	rddreg [dreg:$0x2];
	[bflag:$0x3] =	sbarrier.arrive $0xFFFF;
	s2 =	simm.s32 @!p0 $0x1C02  }
0x1db: {  	[timem:s3], [sflag:s2] =	dma.local @!p0 [hbm:s0], s1  }
0x1dc: {  	s0 =	simm.s32 @!p0 $0x2  }
0x1dd: {  	_ =	swait.ge @!p0 [sflag:s0], s1  }
0x1de: {  	s1 =	ssub.s32 @!p0 $0x0, s1;
	[sflag:s0] =	ssyncset.done @!p0 $0x0  }
0x1df: {  	[sflag:s0] =	ssyncadd.s32 @!p0 s1  }
0x1e0: {  	[bflag:$0x3] =	sbarrier.arrive $0xFFFF  }
0x1e1: {  	_ =	shalt  }

// kernel: kernel.7.cloned.1.call-start
scs
__scs_entry_jumppad:
0x0: {  	(pc) =	sbr.rel $0x88, $3  }
0x1: {  	(tag) =	ssettag $0x0;
	lr =	simm.s32 $0x1  }
0x2: {  	[smem:$0x3F98] =	sst lr;
	_ =	strace $0xD0000000  }
0x3: {  	_ = 	snop  }
0x4: {  	_ = 	snop  }
0x5: {  	_ = 	snop  }
0x6: {  	_ = 	snop  }
0x7: {  	_ = 	snop  }
__scs_overlays_trampoline_lowered:
0x8: {  	[smem:$0x3FA7] =	sst s0  }
0x9: {  	[smem:$0x3FA8] =	sst s1  }
0xa: {  	[smem:$0x3FA9] =	sst s2  }
0xb: {  	[smem:$0x3FAA] =	sst s3  }
0xc: {  	[smem:$0x3FAB] =	sst s4  }
0xd: {  	[smem:$0x3FAC] =	sst s5  }
0xe: {  	[smem:$0x3FAD] =	sst s6  }
0xf: {  	[smem:$0x3FAE] =	sst s7  }
0x10: {  	[smem:$0x3FAF] =	sst s8  }
0x11: {  	[smem:$0x3FB0] =	sst s9;
	s0 =	simm.s32 @!p0 $0x0  }
0x12: {  	s1 =	sld [smem:$0x3F96];
	s0 =	simm.s32 @p0 $0x1  }
0x13: {  	[smem:$0x3FB1] =	sst s0;
	s0 =	simm.s32 @!p1 $0x0  }
0x14: {  	s2 =	sld [smem:$0x3F95];
	s0 =	simm.s32 @p1 $0x1  }
0x15: {  	[smem:$0x3FB2] =	sst s0;
	s0 =	simm.s32 @!p2 $0x0  }
0x16: {  	s3 =	sld [smem:$0x3FDB];
	s0 =	simm.s32 @p2 $0x1  }
0x17: {  	s4 =	simm.s32 $0x1BF5;
	[smem:$0x3FB4] =	sst s0  }
0x18: {  	s0 =	sld [smem:$0x3F97];
	_ =	swait.ge [sflag:s4], $0x0  }
0x19: {  	s7 =	sld [smem:$0x3F98]  }
0x1a: {  	s8 =	sadd.s32 $0xFFFFE003, lr  }
0x1b: {  	s9 =	sadd.s32 $0xFFFFFEF7, lr;
	s5 =	simm.s32 $0xFFFFFFFF;
	p2 =	slt.u32 s8, $0xFFFFF086  }
0x1c: {  	p1 =	slt.u32 s9, $0xF7A;
	s5 =	simm.s32 @!p2 $0x0  }
0x1d: {  	s5 =	simm.s32 @p1 $0x1;
	p0 =	seq.s32 s7, s2  }
0x1e: {  	s7 =	smul.u32 @!p0 $0xF7A, s2;
	p2 =	seq.s32 @!p0 s5, $0x0  }
0x1f: {  	s9 =	smul.u32 $0xF7A, s1;
	s8 =	simm.s32 @!p0 $0x1BF5;
	p2 =	por !p2, p0  }
0x20: {  	[sflag:s8] =	ssyncset.s32 @!p0 $0xFFFFF086;
	s6 =	sadd.s32 @!p0 s3, s7;
	s7 =	simm.s32 @!p0 $0x108  }
0x21: {  	s3 =	sadd.s32 s3, s9;
	s6 =	sadd.s32 @!p0 $0x88, s6;
	s7 =	simm.s32 @p2 $0x1082  }
0x22: {  	[simem:s7], [sflag:s8] =	dma.local @!p0 [hbm:s6], $0xF7A  }
0x23: {  	s9 =	sor.u32 $0xD0000000, s2;
	s6 =	simm.s32 $0x108;
	_ =	swait.ge @!p0 [sflag:s8], $0x0  }
0x24: {  	s3 =	sadd.s32 $0x88, s3;
	s6 =	simm.s32 @!p1 $0x1082;
	[sflag:s4] =	ssyncset.s32 $0xFFFFF086  }
0x25: {  	[simem:s6], [sflag:s4] =	dma.local [hbm:s3], $0xF7A  }
0x26: {  	[smem:$0x3F98] =	sst s1;
	(tag) =	ssettag s2;
	_ =	strace s9  }
0x27: {  	s1 =	sld [smem:$0x3FA8]  }
0x28: {  	s2 =	sld [smem:$0x3FA9]  }
0x29: {  	s4 =	sld [smem:$0x3FAB]  }
0x2a: {  	p0 =	seq.s32 s5, $0x0;
	s5 =	sld [smem:$0x3FAC]  }
0x2b: {  	s6 =	sld [smem:$0x3FAD]  }
0x2c: {  	s7 =	sld [smem:$0x3FAE]  }
0x2d: {  	s3 =	simm.s32 $0x108;
	s8 =	sld [smem:$0x3FAF]  }
0x2e: {  	s3 =	simm.s32 @!p0 $0x1082;
	s9 =	sld [smem:$0x3FB0]  }
0x2f: {  	lr =	sadd.s32 s0, s3;
	s0 =	sld [smem:$0x3FA7]  }
0x30: {  	s3 =	sld [smem:$0x3FAA]  }
0x31: {  	[smem:$0x3FB3] =	sst s10  }
0x32: {  	s10 =	sld [smem:$0x3FB1];
	_ =	sdelay $0x3  }
0x33: {  	p0 =	seq.s32 s10, $0x1;
	s10 =	sld [smem:$0x3FB3];
	_ =	sdelay $0x3  }
0x34: {  	[smem:$0x3FB3] =	sst s10  }
0x35: {  	s10 =	sld [smem:$0x3FB2];
	_ =	sdelay $0x3  }
0x36: {  	p1 =	seq.s32 s10, $0x1;
	s10 =	sld [smem:$0x3FB3];
	_ =	sdelay $0x3  }
0x37: {  	[smem:$0x3FB3] =	sst s10  }
0x38: {  	s10 =	sld [smem:$0x3FB4]  }
0x39: {  	_ = 	snop;
	(pc) =	sbr.ind lr, $3  }
0x3a: {  	_ = 	snop  }
0x3b: {  	_ = 	snop  }
0x3c: {  	p2 =	seq.s32 s10, $0x1;
	s10 =	sld [smem:$0x3FB3]  }
0x3d: {  	_ =	shalt  }
0x3e: {  	_ =	shalt  }
0x3f: {  	_ =	shalt  }
0x40: {  	_ =	shalt  }
0x41: {  	_ =	shalt  }
0x42: {  	_ =	shalt  }
0x43: {  	_ =	shalt  }
0x44: {  	_ =	shalt  }
0x45: {  	_ =	shalt  }
0x46: {  	_ =	shalt  }
0x47: {  	_ =	shalt  }
0x48: {  	_ =	shalt  }
0x49: {  	_ =	shalt  }
0x4a: {  	_ =	shalt  }
0x4b: {  	_ =	shalt  }
0x4c: {  	_ =	shalt  }
0x4d: {  	_ =	shalt  }
0x4e: {  	_ =	shalt  }
0x4f: {  	_ =	shalt  }
0x50: {  	_ =	shalt  }
0x51: {  	_ =	shalt  }
0x52: {  	_ =	shalt  }
0x53: {  	_ =	shalt  }
0x54: {  	_ =	shalt  }
0x55: {  	_ =	shalt  }
0x56: {  	_ =	shalt  }
0x57: {  	_ =	shalt  }
0x58: {  	_ =	shalt  }
0x59: {  	_ =	shalt  }
0x5a: {  	_ =	shalt  }
0x5b: {  	_ =	shalt  }
0x5c: {  	_ =	shalt  }
0x5d: {  	_ =	shalt  }
0x5e: {  	_ =	shalt  }
0x5f: {  	_ =	shalt  }
0x60: {  	_ =	shalt  }
0x61: {  	_ =	shalt  }
0x62: {  	_ =	shalt  }
0x63: {  	_ =	shalt  }
0x64: {  	_ =	shalt  }
0x65: {  	_ =	shalt  }
0x66: {  	_ =	shalt  }
0x67: {  	_ =	shalt  }
0x68: {  	_ =	shalt  }
0x69: {  	_ =	shalt  }
0x6a: {  	_ =	shalt  }
0x6b: {  	_ =	shalt  }
0x6c: {  	_ =	shalt  }
0x6d: {  	_ =	shalt  }
0x6e: {  	_ =	shalt  }
0x6f: {  	_ =	shalt  }
0x70: {  	_ =	shalt  }
0x71: {  	_ =	shalt  }
0x72: {  	_ =	shalt  }
0x73: {  	_ =	shalt  }
0x74: {  	_ =	shalt  }
0x75: {  	_ =	shalt  }
0x76: {  	_ =	shalt  }
0x77: {  	_ =	shalt  }
0x78: {  	_ =	shalt  }
0x79: {  	_ =	shalt  }
0x7a: {  	_ =	shalt  }
0x7b: {  	_ =	shalt  }
0x7c: {  	_ =	shalt  }
0x7d: {  	_ =	shalt  }
0x7e: {  	_ =	shalt  }
0x7f: {  	_ =	shalt  }
0x80: {  	_ =	shalt  }
0x81: {  	_ =	shalt  }
0x82: {  	_ =	shalt  }
0x83: {  	_ =	shalt  }
0x84: {  	_ =	shalt  }
0x85: {  	_ =	shalt  }
0x86: {  	_ =	shalt  }
0x87: {  	_ =	shalt  }
.Lfunc_end0:
.L_simem_size_0:
called_computation_lowered:
.L_overlay_start_0:
0x88: {  	s2 =	sld [smem:$0x3FD9]  }
0x89: {  	s3 =	sld [smem:$0x3FFE];
	_ =	sdelay $0x1  }
0x8a: {  	s1 =	srdreg.scid  }
0x8b: {  	s0 =	sand.u32 $0x1, s1  }
0x8c: {  	s14 =	sshll.u32 s0, $0xA;
	s2 =	sadd.s32 s3, s2  }
0x8d: {  	s2 =	sadd.s32 s2, s14  }
0x8e: {  	[smem:$0x3FBF] =	sst s2  }
0x8f: {  	_ = 	snop  }
0x90: {  	s2 =	sld [smem:$0x3FD0];
	_ =	sdelay $0x2  }
0x91: {  	s4 =	simm.s32 $0xA;
	s5 =	simm.s32 $0x10;
	s15 =	sld [smem:$0x3FC5]  }
0x92: {  	[smem:s5], [sflag:s4] =	dma.local [hbm:s2], $0x1  }
0x93: {  	_ =	swait.eq [sflag:s4], $0x1  }
0x94: {  	[sflag:s4] =	ssyncset.done $0x0  }
0x95: {  	s16 =	sld [smem:$0x10];
	[sflag:s4] =	ssyncadd.s32 $0xFFFFFFFF  }
0x96: {  	s17 =	sld [smem:$0x11];
	(tm) =	ssettm $0x1  }
0x97: {  	s18 =	sld [smem:$0x3FFB];
	_ =	sdelay $0x3  }
0x98: {  	_ =	strace s18  }
0x99: {  	s5 =	sld [smem:$0x3FFC];
	_ =	sdelay $0x3  }
0x9a: {  	_ =	strace s5  }
0x9b: {  	s5 =	sld [smem:$0x3FFD];
	_ =	sdelay $0x3  }
0x9c: {  	_ =	strace s5  }
0x9d: {  	_ =	strace $0x8FFFFFFF  }
0x9e: {  	s19 =	sld [smem:$0x3FDB];
	_ =	sdelay $0x1  }
0x9f: {  	s6 =	simm.s32 $_scs_section_size  }
0xa0: {  	s7 =	simm.s32 $_size__tile_overlayer_lowered;
	s8 =	simm.s32 $_tile_overlayer_lowered  }
0xa1: {  	s22 =	simm.s32 $0x1BFF;
	s21 =	sshll.u32 s8, $0x1;
	s5 =	sadd.s32 s6, s19  }
0xa2: {  	s9 =	simm.s32 $0x0;
	s20 =	sshll.u32 s7, $0x1;
	s7 =	sadd.s32 s21, s5  }
0xa3: {  	[timem:s9], [sflag:s22] =	dma.local [hbm:s7], s20  }
0xa4: {  	_ =	swait.ge [sflag:s22], s20  }
0xa5: {  	s6 =	ssub.s32 $0x0, s20;
	[sflag:s22] =	ssyncset.done $0x0  }
0xa6: {  	[sflag:s22] =	ssyncadd.s32 s6;
	_ =	sdelay $0x1  }
0xa7: {  	s23 =	simm.s32 $0x1B8B  }
0xa8: {  	_ =	swait.ge [sflag:s23], $0x1  }
0xa9: {  	[sflag:s23] =	ssyncset.done $0x0  }
0xaa: {  	s25 =	simm.s32 $0x1B8E;
	s24 =	sld [smem:$0x3FFE];
	[sflag:s23] =	ssyncadd.s32 $0xFFFFFFFF  }
0xab: {  	s26 =	simm.s32 $execute0_lowered;
	[smem:$0x3FD2] =	sst s25  }
0xac: {  	s7 =	sshll.u32 s26, $0x1;
	_ =	strace $0x80000046;
	[dreg:$0x1] =	wrdreg $0xFFFFFFFF  }
0xad: {  	s28 =	simm.s32 $_size_execute0_lowered;
	s5 =	sadd.s32 s5, s7;
	[dreg:$0x0] =	wrdreg $0x0  }
0xae: {  	s7 =	sshll.u32 s28, $0x1;
	[dreg:$0x2] =	wrdreg s5  }
0xaf: {  	[dreg:$0x3] =	wrdreg s7  }
0xb0: {  	[dreg:$0x4] =	wrdreg $0xC0  }
0xb1: {  	_ =	task [dreg:s9], $0x5FFFF  }
0xb2: {  	[dreg:$0x1] =	wrdreg $0xFFFFFFFF  }
0xb3: {  	[dreg:$0x0] =	wrdreg $0x60  }
0xb4: {  	[dreg:$0x2] =	wrdreg s24  }
0xb5: {  	[dreg:$0x3] =	wrdreg s16  }
0xb6: {  	[dreg:$0x4] =	wrdreg s15  }
0xb7: {  	[dreg:$0x5] =	wrdreg s17  }
0xb8: {  	[dreg:$0x6] =	wrdreg $0x154800  }
0xb9: {  	[dreg:$0x7] =	wrdreg $0x9  }
0xba: {  	_ =	task.clear_ibuf [dreg:s9], $0x8FFFF;
	_ =	strace $0x90000046  }
0xbb: {  	s29 =	simm.s32 $0x9;
	_ =	strace $0x80000048  }
0xbc: {  	_ =	swait.ge [sflag:s29], $0x1  }
0xbd: {  	[sflag:s29] =	ssyncadd.s32 $0xFFFFFFFF  }
0xbe: {  	_ =	strace $0x90000048  }
0xbf: {  	_ =	sfence  }
0xc0: {  	s30 =	sld [smem:$0x0];
	_ =	sdelay $0x2  }
0xc1: {  	s31 =	sshll.u32 s1, $0xD;
	s1 =	sshrl.u32 s1, $0x2  }
0xc2: {  	s3 =	sand.u32 $0x4000, s31;
	s1 =	sadd.s32 s1, s30  }
0xc3: {  	s0 =	sor.u32 s3, s0;
	s1 =	sshll.u32 s1, $0x11  }
0xc4: {  	s0 =	sor.u32 s1, s0  }
0xc5: {  	s0 =	sadd.s32 $0x8F2B, s0  }
0xc6: {  	[sflag:s0] =	ssyncadd.remote.s32 $0x1  }
0xc7: {  	_ =	sfence.sel $0xFFFF  }
0xc8: {  	[dreg:$0x0] =	wrdreg $0xFFFFFFFF;
	(pc) =	sbr.abs _section_cstart, $3  }
0xc9: {  	[dreg:$0x1] =	wrdreg $0xFFFFFFFF  }
0xca: {  	_ =	task.clear_ibuf [dreg:s9], $0x2FFFF;
	_ =	strace $0x9FFFFFFF  }
0xcb: {  	(tm) =	ssettm $0x7FFFFFFF  }
tec
execute0_lowered:
.L_overlay_start_1:
0x0: {  	(tag) =	ssettag $0x1  }
0x1: {  	s1 =	rddreg [dreg:$0x0]  }
0x2: {  	s0 =	rddreg [dreg:$0x1]  }
0x3: {  	s2 =	srdreg.scid;
	s3 =	rddreg [dreg:$0x3]  }
0x4: {  	s7 =	stileid.u32;
	s4 =	rddreg [dreg:$0x4];
	s15 =	simm.s32 $0x3  }
0x5: {  	s18 =	simm.s32 $0x80;
	s19 =	simm.s32 $0x5000;
	s20 =	simm.s32 $0x9000  }
0x6: {  	s21 =	simm.s32 $0xD000;
	s22 =	simm.s32 $0x11000;
	s23 =	simm.s32 $0x1  }
0x7: {  	s28 =	simm.s32 $0x15180;
	s29 =	simm.s32 $0x0;
	s2 =	sand.u32 $0x1, s2  }
0x8: {  	s12 =	smul.u32 $0x280, s7;
	s5 =	sshll.u32 s2, $0x4;
	s9 =	ssub.s32 $0x2, s2  }
0x9: {  	p0 =	seq.s32 s2, $0x1;
	s8 =	sor.u32 s7, s5;
	s5 =	simm.s32 $0x0  }
0xa: {  	s11 =	sshrl.u32 s9, $0x1;
	s7 =	sadd.s32 $0x3E800, s1;
	s25 =	sshrl.u32 s12, $0x3  }
0xb: {  	s6 =	smul.u32 $0x500, s8;
	[smem:$0x7FF] =	sst s5;
	s11 =	ssub.s32 s9, s11  }
0xc: {  	s8 =	smul.u32 $0x50, s8;
	s9 =	sadd.s32 s12, s4;
	_ =	strace $0x80000047  }
0xd: {  	s30 =	smax.u32 s11, $0x1;
	s10 =	sadd.s32 s6, s1;
	s6 =	sadd.s32 $0x17000, s1  }
0xe: {  	s1 =	sadd.s32 $0x3E200, s1;
	[dreg:$0x8] =	wrdreg s30;
	s24 =	sadd.s32 $0x3000, s10  }
0xf: {  	s3 =	smov.u32 @p0 s1;
	s26 =	sadd.s32 $0xD000, s10;
	[dreg:$0x6] =	wrdreg s24  }
0x10: {  	[dreg:$0x7] =	wrdreg s26;
	s31 =	sadd.s32 s3, s25;
	s24 =	simm.s32 $0x15080  }
0x11: {  	v0 =	vimm.f32 $0.0e+00;
	vm0 =	vcmask $0x3F3C;
	s25 =	simm.s32 $0x15100;
	s26 =	simm.s32 $0x2;
	[dreg:$0x9] =	wrdreg s31  }
.LBB2_1:
0x12: {  	[tilespmem:$0x15200] =	vst v0  }
0x13: {  	[tilespmem:$0x15210] =	vst v0  }
0x14: {  	[tilespmem:$0x15220] =	vst v0  }
0x15: {  	[tilespmem:$0x15230] =	vst v0  }
0x16: {  	[tilespmem:$0x15240] =	vst v0  }
0x17: {  	[tilespmem:$0x15250] =	vst v0  }
0x18: {  	[tilespmem:$0x15260] =	vst v0  }
0x19: {  	[tilespmem:$0x15270] =	vst v0  }
0x1a: {  	[tilespmem:$0x15280] =	vst v0  }
0x1b: {  	[tilespmem:$0x15290] =	vst v0  }
0x1c: {  	[tilespmem:$0x152A0] =	vst v0  }
0x1d: {  	[tilespmem:$0x152B0] =	vst v0  }
0x1e: {  	[tilespmem:$0x152C0] =	vst v0  }
0x1f: {  	[tilespmem:$0x152D0] =	vst v0  }
0x20: {  	[tilespmem:$0x152E0] =	vst v0  }
0x21: {  	[tilespmem:$0x152F0] =	vst v0  }
0x22: {  	[tilespmem:$0x15300] =	vst v0  }
0x23: {  	[tilespmem:$0x15310] =	vst v0  }
0x24: {  	[tilespmem:$0x15320] =	vst v0  }
0x25: {  	[tilespmem:$0x15330] =	vst v0  }
0x26: {  	[tilespmem:$0x15340] =	vst v0  }
0x27: {  	[tilespmem:$0x15350] =	vst v0  }
0x28: {  	[tilespmem:$0x15360] =	vst v0  }
0x29: {  	[tilespmem:$0x15370] =	vst v0  }
0x2a: {  	[tilespmem:$0x15380] =	vst v0  }
0x2b: {  	[tilespmem:$0x15390] =	vst v0  }
0x2c: {  	[tilespmem:$0x153A0] =	vst v0  }
0x2d: {  	[tilespmem:$0x153B0] =	vst v0  }
0x2e: {  	[tilespmem:$0x153C0] =	vst v0  }
0x2f: {  	[tilespmem:$0x153D0] =	vst v0  }
0x30: {  	[tilespmem:$0x153E0] =	vst v0  }
0x31: {  	[tilespmem:$0x153F0] =	vst v0  }
0x32: {  	[tilespmem:$0x15400] =	vst v0  }
0x33: {  	[tilespmem:$0x15410] =	vst v0  }
0x34: {  	[tilespmem:$0x15420] =	vst v0  }
0x35: {  	[tilespmem:$0x15430] =	vst v0  }
0x36: {  	[tilespmem:$0x15440] =	vst v0  }
0x37: {  	[tilespmem:$0x15450] =	vst v0  }
0x38: {  	[tilespmem:$0x15460] =	vst v0  }
0x39: {  	[tilespmem:$0x15470] =	vst v0;
	s1 =	simm.s32 $0x15200  }
0x3a: {  	[spmem:s9] =	stream.linear.scatter [tilespmem:s1], [sflag:$0x3], $0x280, $0x38;
	[tilespmem:$0x15700] =	vst v63  }
0x3b: {  	_ =	swait.ge [sflag:s15], $0x280  }
0x3c: {  	[sflag:s15] =	ssyncset.done $0x0  }
0x3d: {  	[sflag:s15] =	ssyncadd.s32 $0xFFFFFD80  }
0x3e: {  	s2 =	simm.s32 $0x15000;
	s14 =	rddreg [dreg:$0x2]  }
0x3f: {  	[tilespmem:s2], [sflag:$0x3] =	stream.linear.gather [hbm4b:s14+s5], $0x80, $0x38;
	[tilespmem:$0x15700] =	vst v63  }
0x40: {  	_ =	swait.ge [sflag:s15], $0x80  }
0x41: {  	[sflag:s15] =	ssyncset.done $0x0  }
0x42: {  	s16 =	rddreg [dreg:$0x6];
	[sflag:s15] =	ssyncadd.s32 $0xFFFFFF80  }
0x43: {  	[tilespmem:s5], [sflag:$0x3] =	stream.linear.gather [hbm4b:s16+s5], $0x2800, $0x38;
	[tilespmem:$0x15700] =	vst v63  }
0x44: {  	_ =	swait.ge [sflag:s15], $0x2800  }
0x45: {  	[sflag:s15] =	ssyncset.done $0x0  }
0x46: {  	s31 =	simm.s32 $0x2800;
	s17 =	rddreg [dreg:$0x7];
	[sflag:s15] =	ssyncadd.s32 $0xFFFFD800  }
0x47: {  	[tilespmem:s31], [sflag:$0x3] =	stream.linear.gather [hbm4b:s17+s5], $0x2800, $0x38;
	[tilespmem:$0x15700] =	vst v63  }
0x48: {  	_ =	swait.ge [sflag:s15], $0x2800  }
0x49: {  	[sflag:s15] =	ssyncset.done $0x0  }
0x4a: {  	[sflag:s15] =	ssyncadd.s32 $0xFFFFD800  }
0x4b: {  	s30 =	simm.s32 $0x0;
	[bflag:$0x0] =	sbarrier.arrive $0xFFFF  }
.LBB2_2:
0x4c: {  	s1 =	sshll.u32 s30, $0x8  }
0x4d: {  	[tilespmem:s19], [sflag:$0x1] =	stream.indirect.gather [hbm4b:s0+s18], $0x80, s1, s18, $0xb8;
	[tilespmem:$0x15700] =	vst v63  }
0x4e: {  	s3 =	sshllo.u32 s30, $0x1;
	s2 =	sadd.s32 $0x2800, s1  }
0x4f: {  	[tilespmem:s20], [sflag:$0x1] =	stream.indirect.gather [hbm4b:s6+s18], $0x80, s2, s18, $0xb8;
	[tilespmem:$0x15700] =	vst v63  }
0x50: {  	s17 =	sshll.u32 s3, $0x7  }
0x51: {  	[tilespmem:s21], [sflag:$0x2] =	stream.indirect.gather [hbm4b:s0+s18], $0x80, s17, s18, $0xb8;
	[tilespmem:$0x15700] =	vst v63  }
0x52: {  	s31 =	sadd.s32 $0x2800, s17  }
0x53: {  	[tilespmem:s22], [sflag:$0x2] =	stream.indirect.gather [hbm4b:s6+s18], $0x80, s31, s18, $0xb8;
	[tilespmem:$0x15700] =	vst v63  }
0x54: {  	_ =	swait.ge [sflag:s23], $0x4000  }
0x55: {  	[sflag:s23] =	ssyncset.done $0x0  }
0x56: {  	[sflag:s23] =	ssyncadd.s32 $0xFFFFC000  }
0x57: {  	_ =	swait.ge [sflag:s23], $0x4000  }
0x58: {  	[sflag:s23] =	ssyncset.done $0x0  }
0x59: {  	s14 =	sshll.u32 s30, $0x1;
	s16 =	simm.s32 $0x0;
	[sflag:s23] =	ssyncadd.s32 $0xFFFFC000  }
.LBB2_3:
0x5a: {  	v8 =	vld [tilespmem:$0x15000]  }
0x5b: {  	v6 =	vld [tilespmem:$0x15010]  }
0x5c: {  	v5 =	vld [tilespmem:$0x15020]  }
0x5d: {  	s1 =	sshll.u32 s16, $0x7;
	v4 =	vld [tilespmem:$0x15030]  }
0x5e: {  	v1 =	vld [tilespmem:s1+$0x5000]  }
0x5f: {  	v2 =	vld [tilespmem:s1+$0x9000]  }
0x60: {  	v3 =	vld [tilespmem:s1+$0x5010]  }
0x61: {  	v7 =	vld [tilespmem:s1+$0x9010]  }
0x62: {  	v9 =	vld [tilespmem:s1+$0x5020]  }
0x63: {  	v10 =	vld [tilespmem:s1+$0x9020]  }
0x64: {  	v11 =	vld [tilespmem:s1+$0x5030]  }
0x65: {  	v12 =	vld [tilespmem:s1+$0x9030]  }
0x66: {  	v13 =	vld [tilespmem:s1+$0x5040]  }
0x67: {  	v14 =	vld [tilespmem:s1+$0x9040]  }
0x68: {  	v16 =	vld [tilespmem:s1+$0x5050]  }
0x69: {  	v24 =	vld [tilespmem:s1+$0x9050]  }
0x6a: {  	v25 =	vld [tilespmem:s1+$0x5060]  }
0x6b: {  	v27 =	vld [tilespmem:s1+$0x9060]  }
0x6c: {  	s10 =	sor.u32 $0x1, s16;
	v28 =	vld [tilespmem:s1+$0x5070]  }
0x6d: {  	v31 =	vld [tilespmem:s1+$0x9070];
	s12 =	sshll.u32 s10, $0x7  }
0x6e: {  	v32 =	vld [tilespmem:s12+$0x5000]  }
0x6f: {  	v33 =	vld [tilespmem:s12+$0x9000]  }
0x70: {  	v35 =	vld [tilespmem:s12+$0x5010]  }
0x71: {  	v20 =	vld [tilespmem:s12+$0x9010]  }
0x72: {  	v38 =	vld [tilespmem:s12+$0x5020]  }
0x73: {  	v40 =	vld [tilespmem:s12+$0x5030]  }
0x74: {  	v43 =	vld [tilespmem:s12+$0x9030]  }
0x75: {  	v39 =	vld [tilespmem:s12+$0x9020];
	v1 =	vadd.f32 v2, v1  }
0x76: {  	v44 =	vld [tilespmem:s12+$0x5040];
	v7 =	vadd.f32 v7, v3;
	v9 =	vadd.f32 v10, v9  }
0x77: {  	v46 =	vld [tilespmem:s12+$0x9040];
	v11 =	vadd.f32 v12, v11;
	v13 =	vadd.f32 v14, v13  }
0x78: {  	v48 =	vld [tilespmem:s12+$0x5050];
	v10 =	vadd.f32 v27, v25;
	v12 =	vadd.f32 v33, v32  }
0x79: {  	v22 =	vld [tilespmem:s12+$0x9050];
	v14 =	vadd.f32 v43, v40;
	v15 =	vmul.f32 $2.000000030e-01, v1;
	v17 =	vmul.f32 $2.000000030e-01, v7  }
0x7a: {  	v51 =	vld [tilespmem:s12+$0x5060];
	vm1 =	vgt.f32 v1, $0.0e+00;
	v26 =	vmul.f32 $2.000000030e-01, v9;
	v30 =	vmul.f32 $2.000000030e-01, v11  }
0x7b: {  	v53 =	vld [tilespmem:s12+$0x9060];
	v34 =	vmul.f32 $2.000000030e-01, v13;
	v42 =	vmul.f32 $2.000000030e-01, v10;
	v1 =	vsel vm1, v1, v15  }
0x7c: {  	s1 =	sor.u32 $0x2, s16;
	v55 =	vld [tilespmem:s12+$0x5070];
	v15 =	vadd.f32 v24, v16;
	v16 =	vadd.f32 v20, v35;
	v1 =	vmul.f32 v1, v8  }
0x7d: {  	s11 =	sshll.u32 s1, $0x7;
	v61 =	vld [tilespmem:s12+$0x9070];
	v21 =	vmul.f32 $2.000000030e-01, v12;
	v52 =	vmul.f32 $2.000000030e-01, v14;
	vm1 =	vgt.f32 v7, $0.0e+00  }
0x7e: {  	v57 =	vld [tilespmem:s11+$0x5000];
	v37 =	vmul.f32 $2.000000030e-01, v15;
	v47 =	vmul.f32 $2.000000030e-01, v16;
	v18 =	vadd.f32 $0.0e+00, v1  }
0x7f: {  	v59 =	vld [tilespmem:s11+$0x9000];
	v1 =	vsel vm1, v7, v17;
	vm1 =	vgt.f32 v9, $0.0e+00;
	v17 =	vadd.f32 v39, v38  }
0x80: {  	v62 =	vld [tilespmem:s11+$0x5010];
	v19 =	vmul.f32 v1, v6;
	v7 =	vsel vm1, v9, v26;
	vm1 =	vgt.f32 v11, $0.0e+00  }
0x81: {  	v3 =	vld [tilespmem:$0x15050];
	v9 =	vadd.f32 v31, v28;
	v7 =	vmul.f32 v7, v5;
	v11 =	vsel vm1, v11, v30  }
0x82: {  	v23 =	vld [tilespmem:s11+$0x9010];
	vm1 =	vgt.f32 v13, $0.0e+00;
	v50 =	vmul.f32 $2.000000030e-01, v17;
	v29 =	vadd.f32 v19, v18  }
0x83: {  	v1 =	vld [tilespmem:$0x15060];
	v11 =	vmul.f32 v11, v4;
	v36 =	vsel vm1, v13, v34;
	vm1 =	vgt.f32 v15, $0.0e+00  }
0x84: {  	v2 =	vld [tilespmem:$0x15040];
	v18 =	vadd.f32 v22, v48;
	v63 =	vmul.f32 $2.000000030e-01, v9;
	v13 =	vsel vm1, v15, v37  }
0x85: {  	v25 =	vld [tilespmem:s11+$0x5020];
	vm1 =	vgt.f32 v10, $0.0e+00;
	v15 =	vadd.f32 v53, v51;
	v7 =	vadd.f32 v7, v29  }
0x86: {  	v32 =	vld [tilespmem:s11+$0x5040];
	v41 =	vmul.f32 v13, v3;
	v45 =	vsel vm1, v10, v42;
	vm1 =	vgt.f32 v12, $0.0e+00  }
0x87: {  	v35 =	vld [tilespmem:s11+$0x5050];
	v10 =	vadd.f32 v46, v44;
	v60 =	vmul.f32 $2.000000030e-01, v18;
	v12 =	vsel vm1, v12, v21  }
0x88: {  	v26 =	vld [tilespmem:s11+$0x9020];
	v49 =	vmul.f32 v45, v1;
	vm1 =	vgt.f32 v16, $0.0e+00;
	v27 =	vmul.f32 $2.000000030e-01, v15  }
0x89: {  	v37 =	vld [tilespmem:s11+$0x9050];
	v7 =	vadd.f32 v11, v7;
	v11 =	vmul.f32 v36, v2;
	v12 =	vmul.f32 v12, v8  }
0x8a: {  	s17 =	sor.u32 $0x3, s16;
	v30 =	vld [tilespmem:s11+$0x9030];
	v13 =	vsel vm1, v16, v47;
	vm1 =	vgt.f32 v17, $0.0e+00;
	v56 =	vmul.f32 $2.000000030e-01, v10  }
0x8b: {  	s13 =	sshll.u32 s17, $0x7;
	v34 =	vld [tilespmem:s11+$0x9040];
	v13 =	vmul.f32 v13, v6;
	v16 =	vsel vm1, v17, v50;
	vm1 =	vgt.f32 v14, $0.0e+00  }
0x8c: {  	v53 =	vld [tilespmem:s13+$0x9020];
	v7 =	vadd.f32 v11, v7;
	v12 =	vadd.f32 $0.0e+00, v12;
	v54 =	vmul.f32 v16, v5  }
0x8d: {  	v29 =	vld [tilespmem:s11+$0x5030];
	v14 =	vsel vm1, v14, v52;
	vm1 =	vgt.f32 v10, $0.0e+00;
	v16 =	vadd.f32 v61, v55  }
0x8e: {  	v44 =	vld [tilespmem:s11+$0x5060];
	v51 =	vadd.f32 v37, v35;
	v58 =	vmul.f32 v14, v4;
	v10 =	vsel vm1, v10, v56  }
0x8f: {  	v52 =	vld [tilespmem:s13+$0x5020];
	vm1 =	vgt.f32 v18, $0.0e+00;
	v14 =	vadd.f32 v59, v57;
	v11 =	vadd.f32 v41, v7  }
0x90: {  	v35 =	vld [tilespmem:s13+$0x9060];
	v12 =	vadd.f32 v13, v12;
	v10 =	vmul.f32 v10, v2;
	v17 =	vsel vm1, v18, v60  }
0x91: {  	v56 =	vld [tilespmem:s11+$0x9060];
	vm1 =	vgt.f32 v9, $0.0e+00;
	v13 =	vadd.f32 v23, v62;
	v31 =	vmul.f32 $2.000000030e-01, v16  }
0x92: {  	v7 =	vld [tilespmem:$0x15070];
	v18 =	vadd.f32 v34, v32;
	v55 =	vmul.f32 $2.000000030e-01, v51;
	v24 =	vmul.f32 v17, v3  }
0x93: {  	v9 =	vsel vm1, v9, v63;
	v17 =	vadd.f32 v26, v25;
	v25 =	vld [tilespmem:s13+$0x5060];
	v12 =	vadd.f32 v54, v12  }
0x94: {  	vm1 =	vgt.f32 v15, $0.0e+00;
	v28 =	vmul.f32 $2.000000030e-01, v14;
	v11 =	vadd.f32 v49, v11  }
0x95: {  	v33 =	vmul.f32 $2.000000030e-01, v13;
	v50 =	vmul.f32 $2.000000030e-01, v18;
	v12 =	vadd.f32 v58, v12  }
0x96: {  	v38 =	vld [tilespmem:s13+$0x5000];
	v36 =	vmul.f32 $2.000000030e-01, v17;
	v19 =	vadd.f32 v53, v52;
	v62 =	vadd.f32 v56, v44  }
0x97: {  	v48 =	vld [tilespmem:s13+$0x9010];
	v9 =	vmul.f32 v9, v7;
	v10 =	vadd.f32 v10, v12;
	v12 =	vsel vm1, v15, v27  }
0x98: {  	v41 =	vld [tilespmem:s13+$0x9000];
	vm1 =	vgt.f32 v14, $0.0e+00;
	v15 =	vadd.f32 v30, v29;
	v20 =	vadd.f32 v35, v25  }
0x99: {  	v60 =	vld [tilespmem:s11+$0x5070];
	v14 =	vsel vm1, v14, v28;
	vm1 =	vgt.f32 v16, $0.0e+00;
	v12 =	vmul.f32 v12, v1  }
0x9a: {  	v32 =	vld [tilespmem:s11+$0x9070];
	v11 =	vadd.f32 v9, v11;
	v9 =	vmov s10;
	v28 =	vmul.f32 $2.000000030e-01, v19  }
0x9b: {  	v29 =	vld [tilespmem:s13+$0x5050];
	v10 =	vadd.f32 v24, v10;
	v14 =	vmul.f32 v14, v8;
	v16 =	vsel vm1, v16, v31  }
0x9c: {  	v30 =	vld [tilespmem:s13+$0x9050];
	vm1 =	vgt.f32 v13, $0.0e+00;
	v43 =	vmul.f32 $2.000000030e-01, v15;
	v31 =	vmul.f32 $2.000000030e-01, v62  }
0x9d: {  	v61 =	vld [tilespmem:s13+$0x5040];
	v9 =	vand.u32 $0xFFFFFFF1, v9;
	v13 =	vsel vm1, v13, v33;
	vm1 =	vgt.f32 v17, $0.0e+00  }
0x9e: {  	v63 =	vld [tilespmem:s13+$0x9040];
	v39 =	vmul.f32 v16, v7;
	v9 =	vbroadcast v9, $0x0;
	v14 =	vadd.f32 $0.0e+00, v14  }
0x9f: {  	v58 =	vld [tilespmem:s13+$0x9030];
	v13 =	vmul.f32 v13, v6;
	v10 =	vadd.f32 v12, v10;
	v40 =	vsel vm1, v17, v36  }
0xa0: {  	s10 =	sor.u32 $0x4, s16;
	v24 =	vld [tilespmem:s13+$0x5030];
	vm1 =	vgt.f32 v15, $0.0e+00;
	v17 =	vadd.f32 v41, v38;
	v42 =	vmul.f32 v40, v5  }
0xa1: {  	v45 =	vld [tilespmem:s13+$0x5010];
	s12 =	sshll.u32 s10, $0x7;
	v47 =	vsel vm1, v15, v43;
	v38 =	vadd.f32 v30, v29;
	v40 =	vadd.f32 v32, v60  }
0xa2: {  	v41 =	vld [tilespmem:s12+$0x9000];
	vm1 =	vgt.f32 v18, $0.0e+00;
	v13 =	vadd.f32 v13, v14;
	v10 =	vadd.f32 v39, v10  }
0xa3: {  	v32 =	vld [tilespmem:s12+$0x9060];
	v49 =	vmul.f32 v47, v4;
	v54 =	vsel vm1, v18, v50;
	vm1 =	vgt.f32 v51, $0.0e+00  }
0xa4: {  	v57 =	vmul.f32 $2.000000030e-01, v17;
	v18 =	vadd.f32 v63, v61;
	v39 =	vld [tilespmem:s12+$0x5000];
	v14 =	vmul.f32 v54, v2  }
0xa5: {  	v50 =	vld [tilespmem:s12+$0x5020];
	v15 =	vsel vm1, v51, v55;
	vm1 =	vgt.f32 v17, $0.0e+00;
	v16 =	vadd.f32 v58, v24  }
0xa6: {  	v63 =	vld [tilespmem:s12+$0x5060];
	v43 =	vmul.f32 $2.000000030e-01, v38;
	v46 =	vadd.f32 v42, v13;
	v13 =	vadd.f32 v48, v45  }
0xa7: {  	v51 =	vld [tilespmem:s12+$0x9020];
	v59 =	vmul.f32 v15, v3;
	v17 =	vsel vm1, v17, v57;
	v37 =	vmul.f32 $2.000000030e-01, v18  }
0xa8: {  	v47 =	vld [tilespmem:s12+$0x9010];
	v17 =	vmul.f32 v17, v8;
	v34 =	vmul.f32 $2.000000030e-01, v16;
	v12 =	vadd.f32 v49, v46  }
0xa9: {  	v45 =	vld [tilespmem:s12+$0x5010];
	v21 =	vmul.f32 $2.000000030e-01, v13;
	vm1 =	vgt.f32 v13, $0.0e+00;
	v46 =	vmul.f32 $2.000000030e-01, v40  }
0xaa: {  	v49 =	vmul.f32 $2.000000030e-01, v20;
	v17 =	vadd.f32 $0.0e+00, v17;
	v15 =	vadd.f32 v41, v39  }
0xab: {  	v44 =	vld [tilespmem:s13+$0x9070];
	v22 =	vadd.f32 v32, v63;
	v12 =	vadd.f32 v14, v12;
	v13 =	vsel vm1, v13, v21  }
0xac: {  	v36 =	vld [tilespmem:s13+$0x5070];
	vm1 =	vgt.f32 v19, $0.0e+00;
	v21 =	vadd.f32 v51, v50;
	v13 =	vmul.f32 v13, v6  }
0xad: {  	v19 =	vsel vm1, v19, v28;
	vm1 =	vgt.f32 v62, $0.0e+00;
	v54 =	vmul.f32 $2.000000030e-01, v15  }
0xae: {  	s11 =	sor.u32 $0x5, s16;
	v53 =	vld [tilespmem:s12+$0x5030];
	v56 =	vadd.f32 v47, v45;
	v50 =	vmul.f32 $2.000000030e-01, v22;
	v12 =	vadd.f32 v59, v12  }
0xaf: {  	s13 =	sshll.u32 s11, $0x7;
	v60 =	vld [tilespmem:s12+$0x5050];
	v33 =	vmul.f32 v19, v5;
	v14 =	vsel vm1, v62, v31;
	vm1 =	vgt.f32 v16, $0.0e+00  }
0xb0: {  	v26 =	vld [tilespmem:s13+$0x9010];
	v62 =	vmul.f32 $2.000000030e-01, v21;
	v13 =	vadd.f32 v13, v17;
	v14 =	vmul.f32 v14, v1  }
0xb1: {  	v55 =	vld [tilespmem:s12+$0x9030];
	v16 =	vsel vm1, v16, v34;
	vm1 =	vgt.f32 v18, $0.0e+00;
	v17 =	vadd.f32 v44, v36  }
0xb2: {  	v29 =	vld [tilespmem:s13+$0x9060];
	v23 =	vmul.f32 $2.000000030e-01, v56;
	v16 =	vmul.f32 v16, v4;
	v42 =	vsel vm1, v18, v37  }
0xb3: {  	v34 =	vld [tilespmem:s13+$0x5000];
	vm1 =	vgt.f32 v38, $0.0e+00;
	v13 =	vadd.f32 v33, v13;
	v12 =	vadd.f32 v14, v12  }
0xb4: {  	v36 =	vld [tilespmem:s13+$0x9000];
	v18 =	vsel vm1, v38, v43;
	vm1 =	vgt.f32 v40, $0.0e+00;
	v58 =	vmul.f32 $2.000000030e-01, v17  }
0xb5: {  	v30 =	vld [tilespmem:s13+$0x5070];
	v48 =	vmul.f32 v18, v3;
	v14 =	vsel vm1, v40, v46;
	vm1 =	vgt.f32 v20, $0.0e+00  }
0xb6: {  	v61 =	vld [tilespmem:s12+$0x9050];
	v18 =	vadd.f32 v55, v53;
	v13 =	vadd.f32 v16, v13;
	v16 =	vmul.f32 v42, v2  }
0xb7: {  	v57 =	vld [tilespmem:s12+$0x5040];
	v14 =	vmul.f32 v14, v7;
	v52 =	vsel vm1, v20, v49;
	vm1 =	vgt.f32 v15, $0.0e+00  }
0xb8: {  	v59 =	vld [tilespmem:s12+$0x9040];
	v20 =	vmul.f32 v52, v1;
	v15 =	vsel vm1, v15, v54;
	vm1 =	vgt.f32 v17, $0.0e+00  }
0xb9: {  	v32 =	vld [tilespmem:s13+$0x9070];
	v33 =	vmul.f32 $2.000000030e-01, v18;
	v19 =	vadd.f32 v36, v34;
	v13 =	vadd.f32 v16, v13  }
0xba: {  	v51 =	vld [tilespmem:s13+$0x5040];
	v17 =	vsel vm1, v17, v58;
	v15 =	vmul.f32 v15, v8;
	vm1 =	vgt.f32 v56, $0.0e+00  }
0xbb: {  	v28 =	vld [tilespmem:s13+$0x5020];
	v16 =	vadd.f32 v48, v13;
	v13 =	vadd.f32 v14, v12;
	v12 =	vsel vm1, v56, v23  }
0xbc: {  	v40 =	vld [tilespmem:s13+$0x5010];
	v15 =	vadd.f32 $0.0e+00, v15;
	vm1 =	vgt.f32 v21, $0.0e+00;
	v12 =	vmul.f32 v12, v6  }
0xbd: {  	v53 =	vld [tilespmem:s13+$0x9040];
	v17 =	vmul.f32 v17, v7;
	v14 =	vadd.f32 v59, v57;
	v21 =	vsel vm1, v21, v62  }
0xbe: {  	v42 =	vld [tilespmem:s13+$0x9020];
	vm1 =	vgt.f32 v18, $0.0e+00;
	v35 =	vmul.f32 v21, v5;
	v12 =	vadd.f32 v12, v15  }
0xbf: {  	v47 =	vld [tilespmem:s13+$0x5030];
	v46 =	vmul.f32 $2.000000030e-01, v19;
	v18 =	vsel vm1, v18, v33;
	v37 =	vmul.f32 $2.000000030e-01, v14  }
0xc0: {  	v49 =	vld [tilespmem:s13+$0x9030];
	vm1 =	vgt.f32 v14, $0.0e+00;
	v39 =	vmul.f32 v18, v4;
	v12 =	vadd.f32 v35, v12  }
0xc1: {  	v54 =	vld [tilespmem:s13+$0x5050];
	v48 =	vadd.f32 v26, v40;
	v16 =	vadd.f32 v20, v16;
	v14 =	vsel vm1, v14, v37  }
0xc2: {  	v56 =	vld [tilespmem:s13+$0x9050];
	v20 =	vadd.f32 v61, v60;
	v27 =	vmul.f32 v14, v2;
	v12 =	vadd.f32 v39, v12  }
0xc3: {  	v57 =	vld [tilespmem:s13+$0x5060];
	v52 =	vmul.f32 $2.000000030e-01, v48;
	v21 =	vadd.f32 v42, v28;
	v61 =	vadd.f32 v53, v51  }
0xc4: {  	v45 =	vld [tilespmem:s12+$0x9070];
	v15 =	vmov s1;
	v43 =	vadd.f32 v27, v12;
	v12 =	vmov s17;
	s17 =	sor.u32 $0x6, s16  }
0xc5: {  	v38 =	vld [tilespmem:s12+$0x5070];
	v18 =	vadd.f32 v49, v47;
	v41 =	vmul.f32 $2.000000030e-01, v20;
	vm1 =	vgt.f32 v20, $0.0e+00;
	s1 =	sshll.u32 s17, $0x7  }
0xc6: {  	v55 =	vmul.f32 $2.000000030e-01, v21;
	v31 =	vmul.f32 $2.000000030e-01, v61;
	v15 =	vand.u32 $0xFFFFFFF2, v15;
	v62 =	vld [tilespmem:s1+$0x5000]  }
0xc7: {  	v14 =	vadd.f32 v17, v16;
	v60 =	vmul.f32 $2.000000030e-01, v18;
	v23 =	vadd.f32 v56, v54;
	v63 =	vld [tilespmem:s1+$0x9000]  }
0xc8: {  	v25 =	vadd.f32 v29, v57;
	v20 =	vsel vm1, v20, v41;
	vm1 =	vgt.f32 v19, $0.0e+00;
	v33 =	vld [tilespmem:s1+$0x5010]  }
0xc9: {  	v15 =	vbroadcast v15, $0x0;
	v44 =	vmul.f32 v20, v3;
	v19 =	vsel vm1, v19, v46;
	v36 =	vld [tilespmem:s1+$0x9010]  }
0xca: {  	vm1 =	vgt.f32 v22, $0.0e+00;
	v20 =	vadd.f32 v45, v38;
	v35 =	vmul.f32 $2.000000030e-01, v23;
	v37 =	vld [tilespmem:s1+$0x5020]  }
0xcb: {  	v19 =	vmul.f32 v19, v8;
	v22 =	vsel vm1, v22, v50;
	vm1 =	vgt.f32 v48, $0.0e+00;
	v39 =	vld [tilespmem:s1+$0x9020]  }
0xcc: {  	v41 =	vmul.f32 $2.000000030e-01, v25;
	v17 =	vsel vm1, v48, v52;
	vm1 =	vgt.f32 v21, $0.0e+00;
	v42 =	vld [tilespmem:s1+$0x5030]  }
0xcd: {  	v58 =	vmul.f32 $2.000000030e-01, v20;
	v22 =	vmul.f32 v22, v1;
	v19 =	vadd.f32 $0.0e+00, v19;
	v45 =	vld [tilespmem:s1+$0x9030]  }
0xce: {  	v17 =	vmul.f32 v17, v6;
	v21 =	vsel vm1, v21, v55;
	vm1 =	vgt.f32 v20, $0.0e+00;
	v46 =	vld [tilespmem:s1+$0x5040]  }
0xcf: {  	v16 =	vadd.f32 v44, v43;
	v59 =	vmul.f32 v21, v5;
	v20 =	vsel vm1, v20, v58;
	v48 =	vld [tilespmem:s1+$0x9040]  }
0xd0: {  	vm1 =	vgt.f32 v18, $0.0e+00;
	v43 =	vadd.f32 v32, v30;
	v50 =	vld [tilespmem:s1+$0x5050];
	v17 =	vadd.f32 v17, v19  }
0xd1: {  	v51 =	vld [tilespmem:s1+$0x9050];
	v18 =	vsel vm1, v18, v60;
	v20 =	vmul.f32 v20, v7;
	vm1 =	vgt.f32 v61, $0.0e+00  }
0xd2: {  	v53 =	vld [tilespmem:s1+$0x5060];
	v18 =	vmul.f32 v18, v4;
	v16 =	vadd.f32 v22, v16;
	v34 =	vsel vm1, v61, v31  }
0xd3: {  	v54 =	vld [tilespmem:s1+$0x9060];
	vm1 =	vgt.f32 v23, $0.0e+00;
	v47 =	vmul.f32 $2.000000030e-01, v43;
	v17 =	vadd.f32 v59, v17  }
0xd4: {  	v38 =	vsel vm1, v23, v35;
	vm1 =	vgt.f32 v25, $0.0e+00;
	v16 =	vadd.f32 v20, v16  }
0xd5: {  	v60 =	vld [tilespmem:s1+$0x9070];
	v40 =	vmul.f32 v38, v3;
	v17 =	vadd.f32 v18, v17;
	v19 =	vadd.f32 v63, v62  }
0xd6: {  	s12 =	sor.u32 $0x7, s16;
	v31 =	vld [tilespmem:s1+$0x5070];
	v20 =	vsel vm1, v25, v41;
	v22 =	vadd.f32 v36, v33;
	v21 =	vadd.f32 v39, v37  }
0xd7: {  	s13 =	sshll.u32 s12, $0x7;
	v18 =	vmul.f32 v34, v2;
	v23 =	vadd.f32 v45, v42;
	v24 =	vadd.f32 v48, v46  }
0xd8: {  	v20 =	vmul.f32 v20, v1;
	v61 =	vadd.f32 v51, v50;
	v62 =	vld [tilespmem:s13+$0x5010];
	v29 =	vadd.f32 v54, v53  }
0xd9: {  	v36 =	vld [tilespmem:s13+$0x9010];
	v17 =	vadd.f32 v18, v17;
	v44 =	vmul.f32 $2.000000030e-01, v19;
	v49 =	vmul.f32 $2.000000030e-01, v22  }
0xda: {  	v56 =	vld [tilespmem:s13+$0x5000];
	vm1 =	vgt.f32 v19, $0.0e+00;
	v52 =	vmul.f32 $2.000000030e-01, v21;
	v55 =	vmul.f32 $2.000000030e-01, v23  }
0xdb: {  	v59 =	vld [tilespmem:s13+$0x9000];
	v63 =	vmul.f32 $2.000000030e-01, v24;
	v37 =	vmul.f32 $2.000000030e-01, v61;
	v27 =	vadd.f32 v60, v31  }
0xdc: {  	v38 =	vld [tilespmem:s13+$0x5020];
	v17 =	vadd.f32 v40, v17;
	v19 =	vsel vm1, v19, v44;
	vm1 =	vgt.f32 v43, $0.0e+00  }
0xdd: {  	v41 =	vld [tilespmem:s13+$0x5030];
	v40 =	vmul.f32 $2.000000030e-01, v29;
	v44 =	vmul.f32 $2.000000030e-01, v27;
	v18 =	vsel vm1, v43, v47  }
0xde: {  	v39 =	vld [tilespmem:s13+$0x9020];
	v19 =	vmul.f32 v19, v8;
	vm1 =	vgt.f32 v22, $0.0e+00;
	v25 =	vadd.f32 v36, v62  }
0xdf: {  	v33 =	vld [tilespmem:s13+$0x9030];
	v22 =	vsel vm1, v22, v49;
	vm1 =	vgt.f32 v21, $0.0e+00;
	v17 =	vadd.f32 v20, v17  }
0xe0: {  	v45 =	vld [tilespmem:s13+$0x9040];
	v57 =	vmul.f32 v18, v7;
	v18 =	vmov s10;
	v19 =	vadd.f32 $0.0e+00, v19  }
0xe1: {  	v43 =	vld [tilespmem:s13+$0x5040];
	v22 =	vmul.f32 v22, v6;
	v21 =	vsel vm1, v21, v52;
	vm1 =	vgt.f32 v23, $0.0e+00  }
0xe2: {  	v48 =	vld [tilespmem:s13+$0x9050];
	v46 =	vmul.f32 $2.000000030e-01, v25;
	v21 =	vmul.f32 v21, v5;
	v58 =	vsel vm1, v23, v55  }
0xe3: {  	v50 =	vld [tilespmem:s13+$0x5060];
	vm1 =	vgt.f32 v24, $0.0e+00;
	v23 =	vadd.f32 v39, v38;
	v19 =	vadd.f32 v22, v19  }
0xe4: {  	v34 =	vld [tilespmem:s13+$0x9060];
	v32 =	vmul.f32 v58, v4;
	v24 =	vsel vm1, v24, v63;
	vm1 =	vgt.f32 v61, $0.0e+00  }
0xe5: {  	v53 =	vld [tilespmem:s13+$0x9070];
	v22 =	vadd.f32 v59, v56;
	v24 =	vmul.f32 v24, v2;
	v20 =	vsel vm1, v61, v37  }
0xe6: {  	s1 =	sor.u32 $0x8, s16;
	v47 =	vld [tilespmem:s13+$0x5050];
	vm1 =	vgt.f32 v29, $0.0e+00;
	v49 =	vmul.f32 $2.000000030e-01, v23;
	v28 =	vadd.f32 v45, v43  }
0xe7: {  	v52 =	vld [tilespmem:s13+$0x5070];
	v21 =	vadd.f32 v21, v19;
	v19 =	vadd.f32 v57, v17;
	v17 =	vmov s11;
	s11 =	sshll.u32 s1, $0x7  }
0xe8: {  	v42 =	vmul.f32 $2.000000030e-01, v22;
	v26 =	vsel vm1, v29, v40;
	vm1 =	vgt.f32 v22, $0.0e+00;
	v55 =	vld [tilespmem:s11+$0x5000]  }
0xe9: {  	v20 =	vmul.f32 v20, v3;
	v40 =	vadd.f32 v34, v50;
	v54 =	vmul.f32 $2.000000030e-01, v28;
	v57 =	vld [tilespmem:s11+$0x9000]  }
0xea: {  	v35 =	vld [tilespmem:s11+$0x5010];
	v61 =	vmul.f32 v26, v1;
	v21 =	vadd.f32 v32, v21;
	v22 =	vsel vm1, v22, v42  }
0xeb: {  	v60 =	vld [tilespmem:s11+$0x9010];
	vm1 =	vgt.f32 v27, $0.0e+00;
	v32 =	vadd.f32 v33, v41;
	v43 =	vmul.f32 $2.000000030e-01, v40  }
0xec: {  	v63 =	vld [tilespmem:s11+$0x5020];
	v22 =	vmul.f32 v22, v8;
	v21 =	vadd.f32 v24, v21;
	v24 =	vsel vm1, v27, v44  }
0xed: {  	v50 =	vld [tilespmem:s11+$0x5050];
	vm1 =	vgt.f32 v25, $0.0e+00;
	v51 =	vmul.f32 $2.000000030e-01, v32;
	v27 =	vadd.f32 v48, v47  }
0xee: {  	v37 =	vld [tilespmem:s11+$0x9060];
	v25 =	vsel vm1, v25, v46;
	v22 =	vadd.f32 $0.0e+00, v22;
	vm1 =	vgt.f32 v23, $0.0e+00  }
0xef: {  	v38 =	vld [tilespmem:s11+$0x5070];
	v24 =	vmul.f32 v24, v7;
	v25 =	vmul.f32 v25, v6;
	v23 =	vsel vm1, v23, v49  }
0xf0: {  	v41 =	vld [tilespmem:s11+$0x9020];
	vm1 =	vgt.f32 v32, $0.0e+00;
	v58 =	vmul.f32 $2.000000030e-01, v27;
	v20 =	vadd.f32 v20, v21  }
0xf1: {  	v42 =	vld [tilespmem:s11+$0x5030];
	v30 =	vadd.f32 v57, v55;
	v47 =	vadd.f32 v60, v35;
	v23 =	vmul.f32 v23, v5  }
0xf2: {  	v44 =	vld [tilespmem:s11+$0x9030];
	v31 =	vsel vm1, v32, v51;
	vm1 =	vgt.f32 v28, $0.0e+00;
	v22 =	vadd.f32 v25, v22  }
0xf3: {  	v48 =	vld [tilespmem:s11+$0x9040];
	v56 =	vmul.f32 v31, v4;
	v28 =	vsel vm1, v28, v54;
	vm1 =	vgt.f32 v27, $0.0e+00  }
0xf4: {  	v46 =	vld [tilespmem:s11+$0x5040];
	v21 =	vadd.f32 v61, v20;
	v20 =	vmov s17;
	v45 =	vmul.f32 $2.000000030e-01, v30  }
0xf5: {  	v51 =	vld [tilespmem:s11+$0x9050];
	v25 =	vadd.f32 v53, v52;
	v36 =	vmul.f32 $2.000000030e-01, v47;
	s17 =	sor.u32 $0x9, s16;
	v59 =	vmul.f32 v28, v2  }
0xf6: {  	v52 =	vld [tilespmem:s11+$0x5060];
	v62 =	vsel vm1, v27, v58;
	vm1 =	vgt.f32 v40, $0.0e+00;
	v27 =	vadd.f32 v41, v63;
	s13 =	sshll.u32 s17, $0x7  }
0xf7: {  	v31 =	vadd.f32 v44, v42;
	v22 =	vadd.f32 v23, v22;
	v39 =	vmul.f32 v62, v3;
	v54 =	vld [tilespmem:s13+$0x5000]  }
0xf8: {  	v23 =	vsel vm1, v40, v43;
	vm1 =	vgt.f32 v30, $0.0e+00;
	v49 =	vmul.f32 $2.000000030e-01, v25;
	v60 =	vld [tilespmem:s13+$0x5010]  }
0xf9: {  	v40 =	vld [tilespmem:s13+$0x5020];
	v29 =	vsel vm1, v30, v45;
	vm1 =	vgt.f32 v25, $0.0e+00;
	v23 =	vmul.f32 v23, v1  }
0xfa: {  	v41 =	vld [tilespmem:s13+$0x9020];
	v53 =	vmul.f32 $2.000000030e-01, v27;
	v58 =	vmul.f32 $2.000000030e-01, v31;
	v22 =	vadd.f32 v56, v22  }
0xfb: {  	v43 =	vld [tilespmem:s11+$0x9070];
	v29 =	vmul.f32 v29, v8;
	v25 =	vsel vm1, v25, v49;
	vm1 =	vgt.f32 v47, $0.0e+00  }
0xfc: {  	v63 =	vld [tilespmem:s13+$0x9010];
	v32 =	vadd.f32 v51, v50;
	v26 =	vsel vm1, v47, v36;
	vm1 =	vgt.f32 v27, $0.0e+00  }
0xfd: {  	v45 =	vld [tilespmem:s13+$0x5030];
	v25 =	vmul.f32 v25, v7;
	v51 =	vadd.f32 v37, v52;
	v22 =	vadd.f32 v59, v22  }
0xfe: {  	v56 =	vld [tilespmem:s13+$0x9000];
	v29 =	vadd.f32 $0.0e+00, v29;
	v26 =	vmul.f32 v26, v6;
	v55 =	vsel vm1, v27, v53  }
0xff: {  	v50 =	vld [tilespmem:s13+$0x9040];
	vm1 =	vgt.f32 v31, $0.0e+00;
	v59 =	vadd.f32 v48, v46;
	v42 =	vmul.f32 $2.000000030e-01, v32  }
0x100: {  	v52 =	vld [tilespmem:s13+$0x5050];
	v57 =	vmul.f32 v55, v5;
	v33 =	vadd.f32 v41, v40;
	v41 =	vadd.f32 v43, v38  }
0x101: {  	v46 =	vld [tilespmem:s13+$0x9030];
	v62 =	vsel vm1, v31, v58;
	v22 =	vadd.f32 v39, v22;
	v26 =	vadd.f32 v26, v29  }
0x102: {  	v48 =	vld [tilespmem:s13+$0x5040];
	v36 =	vmul.f32 v62, v4;
	v39 =	vmul.f32 $2.000000030e-01, v59;
	vm1 =	vgt.f32 v59, $0.0e+00  }
0x103: {  	v55 =	vld [tilespmem:s13+$0x5060];
	v27 =	vadd.f32 v56, v54;
	v53 =	vmul.f32 $2.000000030e-01, v33;
	v23 =	vadd.f32 v23, v22  }
0x104: {  	v54 =	vld [tilespmem:s13+$0x9050];
	v56 =	vmul.f32 $2.000000030e-01, v51;
	v22 =	vadd.f32 v24, v21;
	v61 =	vadd.f32 v57, v26  }
0x105: {  	v21 =	vmov s12;
	v24 =	vsel vm1, v59, v39;
	vm1 =	vgt.f32 v32, $0.0e+00;
	v57 =	vld [tilespmem:s13+$0x9060]  }
0x106: {  	s10 =	sor.u32 $0xA, s16;
	v26 =	vadd.f32 v63, v60;
	v39 =	vld [tilespmem:s13+$0x5070];
	v24 =	vmul.f32 v24, v2;
	v44 =	vmul.f32 $2.000000030e-01, v27  }
0x107: {  	v60 =	vld [tilespmem:s13+$0x9070];
	s13 =	sshll.u32 s10, $0x7;
	v29 =	vsel vm1, v32, v42;
	vm1 =	vgt.f32 v27, $0.0e+00;
	v28 =	vadd.f32 v46, v45  }
0x108: {  	v62 =	vld [tilespmem:s13+$0x5000];
	v23 =	vadd.f32 v25, v23;
	v25 =	vadd.f32 v36, v61;
	v47 =	vmul.f32 v29, v3  }
0x109: {  	v40 =	vld [tilespmem:s13+$0x9000];
	v49 =	vmul.f32 $2.000000030e-01, v26;
	v29 =	vadd.f32 v50, v48;
	v48 =	vmul.f32 $2.000000030e-01, v41  }
0x10a: {  	v42 =	vld [tilespmem:s13+$0x5010];
	v27 =	vsel vm1, v27, v44;
	vm1 =	vgt.f32 v26, $0.0e+00;
	v59 =	vmul.f32 $2.000000030e-01, v28  }
0x10b: {  	v45 =	vld [tilespmem:s13+$0x9010];
	v24 =	vadd.f32 v24, v25;
	v27 =	vmul.f32 v27, v8;
	v26 =	vsel vm1, v26, v49  }
0x10c: {  	vm1 =	vgt.f32 v33, $0.0e+00;
	v63 =	vmul.f32 $2.000000030e-01, v29;
	v30 =	vadd.f32 v54, v52;
	v49 =	vld [tilespmem:s13+$0x9020]  }
0x10d: {  	v52 =	vld [tilespmem:s13+$0x5030];
	v26 =	vmul.f32 v26, v6;
	v32 =	vsel vm1, v33, v53;
	v46 =	vadd.f32 v57, v55  }
0x10e: {  	vm1 =	vgt.f32 v51, $0.0e+00;
	v53 =	vld [tilespmem:s13+$0x9030];
	v33 =	vadd.f32 v60, v39;
	v24 =	vadd.f32 v47, v24  }
0x10f: {  	v55 =	vld [tilespmem:s13+$0x5040];
	v27 =	vadd.f32 $0.0e+00, v27;
	v58 =	vmul.f32 v32, v5;
	v25 =	vsel vm1, v51, v56  }
0x110: {  	v60 =	vld [tilespmem:s13+$0x9050];
	vm1 =	vgt.f32 v28, $0.0e+00;
	v44 =	vmul.f32 $2.000000030e-01, v30;
	v57 =	vadd.f32 v45, v42  }
0x111: {  	v47 =	vld [tilespmem:s13+$0x5020];
	v25 =	vmul.f32 v25, v1;
	v61 =	vsel vm1, v28, v59;
	vm1 =	vgt.f32 v29, $0.0e+00  }
0x112: {  	v56 =	vld [tilespmem:s13+$0x9040];
	v51 =	vmul.f32 $2.000000030e-01, v46;
	v28 =	vadd.f32 v40, v62;
	v59 =	vmul.f32 $2.000000030e-01, v33  }
0x113: {  	v45 =	vld [tilespmem:s13+$0x5070];
	v26 =	vadd.f32 v26, v27;
	v27 =	vmul.f32 v61, v4;
	v43 =	vsel vm1, v29, v63  }
0x114: {  	v62 =	vld [tilespmem:s13+$0x5060];
	vm1 =	vgt.f32 v30, $0.0e+00;
	v61 =	vmul.f32 $2.000000030e-01, v57;
	v24 =	vadd.f32 v25, v24  }
0x115: {  	v63 =	vld [tilespmem:s13+$0x9060];
	v29 =	vsel vm1, v30, v44;
	vm1 =	vgt.f32 v41, $0.0e+00;
	v34 =	vmul.f32 $2.000000030e-01, v28  }
0x116: {  	s11 =	sor.u32 $0xB, s16;
	v26 =	vadd.f32 v58, v26;
	v25 =	vsel vm1, v41, v48;
	vm1 =	vgt.f32 v46, $0.0e+00;
	v58 =	vld [tilespmem:s13+$0x5050]  }
0x117: {  	v50 =	vmul.f32 v29, v3;
	v30 =	vadd.f32 v53, v52;
	v54 =	vsel vm1, v46, v51;
	v46 =	vld [tilespmem:s13+$0x9070];
	s13 =	sshll.u32 s11, $0x7  }
0x118: {  	v25 =	vmul.f32 v25, v7;
	v26 =	vadd.f32 v27, v26;
	v27 =	vmul.f32 v43, v2;
	v40 =	vld [tilespmem:s13+$0x5020]  }
0x119: {  	vm1 =	vgt.f32 v28, $0.0e+00;
	v36 =	vadd.f32 v49, v47;
	v29 =	vadd.f32 v56, v55;
	v41 =	vld [tilespmem:s13+$0x9020]  }
0x11a: {  	v28 =	vsel vm1, v28, v34;
	vm1 =	vgt.f32 v33, $0.0e+00;
	v53 =	vld [tilespmem:s13+$0x5010];
	v26 =	vadd.f32 v27, v26  }
0x11b: {  	v48 =	vmul.f32 $2.000000030e-01, v30;
	v55 =	vld [tilespmem:s13+$0x9010];
	v24 =	vadd.f32 v25, v24;
	v28 =	vmul.f32 v28, v8  }
0x11c: {  	v27 =	vmul.f32 v54, v1;
	v31 =	vadd.f32 v60, v58;
	v26 =	vadd.f32 v50, v26  }
0x11d: {  	v44 =	vmul.f32 $2.000000030e-01, v36;
	v52 =	vmul.f32 $2.000000030e-01, v29;
	v28 =	vadd.f32 $0.0e+00, v28  }
0x11e: {  	v49 =	vld [tilespmem:s13+$0x5000];
	v56 =	vmul.f32 $2.000000030e-01, v31;
	v40 =	vadd.f32 v41, v40;
	v26 =	vadd.f32 v27, v26  }
0x11f: {  	v51 =	vld [tilespmem:s13+$0x9000];
	v27 =	vsel vm1, v33, v59;
	vm1 =	vgt.f32 v57, $0.0e+00;
	v33 =	vadd.f32 v63, v62  }
0x120: {  	v43 =	vld [tilespmem:s13+$0x9070];
	v62 =	vadd.f32 v55, v53;
	v25 =	vsel vm1, v57, v61;
	v27 =	vmul.f32 v27, v7  }
0x121: {  	v59 =	vld [tilespmem:s13+$0x9030];
	vm1 =	vgt.f32 v36, $0.0e+00;
	v53 =	vmul.f32 $2.000000030e-01, v40;
	v25 =	vmul.f32 v25, v6  }
0x122: {  	v63 =	vld [tilespmem:s13+$0x9040];
	v34 =	vsel vm1, v36, v44;
	vm1 =	vgt.f32 v30, $0.0e+00;
	v42 =	vmul.f32 $2.000000030e-01, v62  }
0x123: {  	v55 =	vld [tilespmem:s13+$0x5070];
	v50 =	vmul.f32 v34, v5;
	v30 =	vsel vm1, v30, v48;
	vm1 =	vgt.f32 v29, $0.0e+00  }
0x124: {  	v57 =	vld [tilespmem:s13+$0x5030];
	v34 =	vadd.f32 v51, v49;
	v27 =	vadd.f32 v27, v26;
	v26 =	vmov s17  }
0x125: {  	v61 =	vld [tilespmem:s13+$0x5040];
	v48 =	vmul.f32 $2.000000030e-01, v33;
	v51 =	vadd.f32 v46, v45;
	v25 =	vadd.f32 v25, v28  }
0x126: {  	v54 =	vmul.f32 v30, v4;
	v29 =	vsel vm1, v29, v52;
	vm1 =	vgt.f32 v31, $0.0e+00  }
0x127: {  	v49 =	vld [tilespmem:s13+$0x5050];
	v29 =	vmul.f32 v29, v2;
	v31 =	vsel vm1, v31, v56;
	v60 =	vmul.f32 $2.000000030e-01, v34  }
0x128: {  	v52 =	vld [tilespmem:s13+$0x5060];
	vm1 =	vgt.f32 v34, $0.0e+00;
	v56 =	vmul.f32 $2.000000030e-01, v51;
	v25 =	vadd.f32 v50, v25  }
0x129: {  	s12 =	sor.u32 $0xC, s16;
	v35 =	vadd.f32 v43, v55;
	v58 =	vmul.f32 v31, v3;
	v50 =	vld [tilespmem:s13+$0x9050];
	v31 =	vadd.f32 v59, v57  }
0x12a: {  	v30 =	vadd.f32 v63, v61;
	v47 =	vsel vm1, v34, v60;
	v28 =	vadd.f32 v54, v25;
	v54 =	vld [tilespmem:s13+$0x9060];
	s13 =	sshll.u32 s12, $0x7  }
0x12b: {  	vm1 =	vgt.f32 v33, $0.0e+00;
	v25 =	vmov s1;
	v32 =	vmul.f32 v47, v8;
	v44 =	vld [tilespmem:s13+$0x5000]  }
0x12c: {  	v33 =	vsel vm1, v33, v48;
	vm1 =	vgt.f32 v62, $0.0e+00;
	v61 =	vmul.f32 $2.000000030e-01, v30;
	v59 =	vld [tilespmem:s13+$0x9000]  }
0x12d: {  	v33 =	vmul.f32 v33, v1;
	v60 =	vld [tilespmem:s13+$0x5010];
	v28 =	vadd.f32 v29, v28;
	v29 =	vsel vm1, v62, v42  }
0x12e: {  	v45 =	vld [tilespmem:s13+$0x5020];
	v32 =	vadd.f32 $0.0e+00, v32;
	vm1 =	vgt.f32 v40, $0.0e+00;
	v29 =	vmul.f32 v29, v6  }
0x12f: {  	v47 =	vld [tilespmem:s13+$0x9020];
	v39 =	vsel vm1, v40, v53;
	vm1 =	vgt.f32 v51, $0.0e+00;
	v36 =	vadd.f32 v50, v49  }
0x130: {  	v48 =	vld [tilespmem:s13+$0x5030];
	v28 =	vadd.f32 v58, v28;
	v57 =	vmul.f32 v39, v5;
	v58 =	vmul.f32 $2.000000030e-01, v31  }
0x131: {  	v62 =	vld [tilespmem:s13+$0x9010];
	v34 =	vsel vm1, v51, v56;
	vm1 =	vgt.f32 v31, $0.0e+00;
	v29 =	vadd.f32 v29, v32  }
0x132: {  	v55 =	vld [tilespmem:s13+$0x9040];
	v63 =	vmul.f32 v34, v7;
	v46 =	vmul.f32 $2.000000030e-01, v36;
	v38 =	vadd.f32 v54, v52  }
0x133: {  	v53 =	vld [tilespmem:s13+$0x5040];
	v31 =	vsel vm1, v31, v58;
	v28 =	vadd.f32 v33, v28;
	v49 =	vadd.f32 v59, v44  }
0x134: {  	v41 =	vld [tilespmem:s13+$0x5070];
	vm1 =	vgt.f32 v30, $0.0e+00;
	v34 =	vadd.f32 v47, v45;
	v29 =	vadd.f32 v57, v29  }
0x135: {  	v50 =	vld [tilespmem:s13+$0x9030];
	v31 =	vmul.f32 v31, v4;
	v30 =	vsel vm1, v30, v61;
	vm1 =	vgt.f32 v36, $0.0e+00  }
0x136: {  	v56 =	vld [tilespmem:s13+$0x5050];
	v52 =	vmul.f32 $2.000000030e-01, v38;
	v32 =	vadd.f32 v62, v60;
	v57 =	vmul.f32 $2.000000030e-01, v35  }
0x137: {  	v58 =	vld [tilespmem:s13+$0x9050];
	v30 =	vmul.f32 v30, v2;
	v28 =	vadd.f32 v63, v28;
	v54 =	vmul.f32 $2.000000030e-01, v49  }
0x138: {  	v44 =	vld [tilespmem:s13+$0x9070];
	v61 =	vmul.f32 $2.000000030e-01, v34;
	v37 =	vadd.f32 v55, v53;
	v29 =	vadd.f32 v31, v29  }
0x139: {  	s17 =	sor.u32 $0xD, s16;
	v39 =	vld [tilespmem:s13+$0x5060];
	v31 =	vsel vm1, v36, v46;
	vm1 =	vgt.f32 v38, $0.0e+00;
	v59 =	vmul.f32 $2.000000030e-01, v32  }
0x13a: {  	v60 =	vld [tilespmem:s13+$0x9060];
	s13 =	sshll.u32 s17, $0x7;
	v36 =	vadd.f32 v50, v48;
	v51 =	vmul.f32 v31, v3;
	v31 =	vsel vm1, v38, v52  }
0x13b: {  	v63 =	vld [tilespmem:s13+$0x5000];
	vm1 =	vgt.f32 v49, $0.0e+00;
	v50 =	vmul.f32 $2.000000030e-01, v37;
	v29 =	vadd.f32 v30, v29  }
0x13c: {  	v45 =	vld [tilespmem:s13+$0x5010];
	v33 =	vsel vm1, v49, v54;
	vm1 =	vgt.f32 v35, $0.0e+00;
	v62 =	vmul.f32 $2.000000030e-01, v36  }
0x13d: {  	v40 =	vld [tilespmem:s13+$0x5060];
	v31 =	vmul.f32 v31, v1;
	v38 =	vadd.f32 v58, v56;
	v41 =	vadd.f32 v44, v41  }
0x13e: {  	v52 =	vld [tilespmem:s13+$0x9010];
	v30 =	vsel vm1, v35, v57;
	v33 =	vmul.f32 v33, v8;
	vm1 =	vgt.f32 v32, $0.0e+00  }
0x13f: {  	v49 =	vld [tilespmem:s13+$0x9000];
	v35 =	vadd.f32 v60, v39;
	v29 =	vadd.f32 v51, v29;
	v32 =	vsel vm1, v32, v59  }
0x140: {  	v54 =	vld [tilespmem:s13+$0x5020];
	vm1 =	vgt.f32 v34, $0.0e+00;
	v30 =	vmul.f32 v30, v7;
	v58 =	vmul.f32 $2.000000030e-01, v38  }
0x141: {  	v56 =	vld [tilespmem:s13+$0x9020];
	v33 =	vadd.f32 $0.0e+00, v33;
	v34 =	vsel vm1, v34, v61;
	vm1 =	vgt.f32 v36, $0.0e+00  }
0x142: {  	v46 =	vld [tilespmem:s13+$0x5040];
	v32 =	vmul.f32 v32, v6;
	v48 =	vmul.f32 v34, v5;
	v36 =	vsel vm1, v36, v62  }
0x143: {  	v57 =	vld [tilespmem:s13+$0x5030];
	vm1 =	vgt.f32 v37, $0.0e+00;
	v31 =	vadd.f32 v31, v29;
	v29 =	vmov s10  }
0x144: {  	v59 =	vld [tilespmem:s13+$0x9030];
	v62 =	vmul.f32 $2.000000030e-01, v35;
	v32 =	vadd.f32 v32, v33;
	v51 =	vmul.f32 v36, v4  }
0x145: {  	v61 =	vld [tilespmem:s13+$0x9040];
	v53 =	vsel vm1, v37, v50;
	v34 =	vadd.f32 v49, v63;
	vm1 =	vgt.f32 v38, $0.0e+00  }
0x146: {  	v43 =	vld [tilespmem:s13+$0x5070];
	v36 =	vadd.f32 v52, v45;
	v37 =	vadd.f32 v56, v54;
	v55 =	vmul.f32 v53, v2  }
0x147: {  	s1 =	sor.u32 $0xE, s16;
	v63 =	vld [tilespmem:s13+$0x5050];
	v31 =	vadd.f32 v30, v31;
	v30 =	vmov s11;
	v33 =	vsel vm1, v38, v58  }
0x148: {  	s11 =	sshll.u32 s1, $0x7;
	v32 =	vadd.f32 v48, v32;
	v60 =	vmul.f32 $2.000000030e-01, v34;
	vm1 =	vgt.f32 v34, $0.0e+00;
	v48 =	vld [tilespmem:s13+$0x9050]  }
0x149: {  	v33 =	vmul.f32 v33, v3;
	v47 =	vmul.f32 $2.000000030e-01, v36;
	v42 =	vadd.f32 v59, v57;
	v52 =	vld [tilespmem:s11+$0x5000]  }
0x14a: {  	v56 =	vld [tilespmem:s11+$0x5010];
	v57 =	vmul.f32 $2.000000030e-01, v41;
	v38 =	vadd.f32 v61, v46;
	v32 =	vadd.f32 v51, v32  }
0x14b: {  	v58 =	vld [tilespmem:s11+$0x9010];
	v34 =	vsel vm1, v34, v60;
	vm1 =	vgt.f32 v35, $0.0e+00;
	v51 =	vmul.f32 $2.000000030e-01, v37  }
0x14c: {  	v45 =	vld [tilespmem:s11+$0x5030];
	v54 =	vmul.f32 $2.000000030e-01, v42;
	v34 =	vmul.f32 v34, v8;
	v35 =	vsel vm1, v35, v62  }
0x14d: {  	v61 =	vld [tilespmem:s11+$0x5020];
	vm1 =	vgt.f32 v36, $0.0e+00;
	v60 =	vmul.f32 $2.000000030e-01, v38;
	v32 =	vadd.f32 v55, v32  }
0x14e: {  	v50 =	vsel vm1, v36, v47;
	v36 =	vld [tilespmem:s13+$0x9060];
	v35 =	vmul.f32 v35, v1;
	vm1 =	vgt.f32 v37, $0.0e+00  }
0x14f: {  	v55 =	vld [tilespmem:s11+$0x9000];
	v49 =	vadd.f32 $0.0e+00, v34;
	v34 =	vmul.f32 v50, v6;
	v53 =	vsel vm1, v37, v51  }
0x150: {  	v47 =	vld [tilespmem:s11+$0x9030];
	vm1 =	vgt.f32 v42, $0.0e+00;
	v39 =	vadd.f32 v48, v63;
	v46 =	vadd.f32 v58, v56  }
0x151: {  	v63 =	vld [tilespmem:s11+$0x9020];
	v32 =	vadd.f32 v33, v32;
	v37 =	vsel vm1, v42, v54;
	vm1 =	vgt.f32 v41, $0.0e+00  }
0x152: {  	v56 =	vld [tilespmem:s11+$0x5050];
	v42 =	vand.u32 $0xFFFFFFF6, v20;
	v33 =	vadd.f32 v34, v49;
	v34 =	vmul.f32 v53, v5  }
0x153: {  	v58 =	vld [tilespmem:s11+$0x9050];
	v59 =	vmul.f32 v37, v4;
	v41 =	vsel vm1, v41, v57;
	vm1 =	vgt.f32 v38, $0.0e+00  }
0x154: {  	v50 =	vld [tilespmem:s11+$0x9040];
	v51 =	vmul.f32 $2.000000030e-01, v39;
	v35 =	vadd.f32 v35, v32;
	v62 =	vsel vm1, v38, v60  }
0x155: {  	v54 =	vld [tilespmem:s11+$0x5040];
	vm1 =	vgt.f32 v39, $0.0e+00;
	v41 =	vmul.f32 v41, v7;
	v33 =	vadd.f32 v34, v33  }
0x156: {  	v49 =	vld [tilespmem:s13+$0x9070];
	v37 =	vmul.f32 v62, v2;
	v44 =	vadd.f32 v55, v52;
	v36 =	vadd.f32 v36, v40  }
0x157: {  	v52 =	vsel vm1, v39, v51;
	v45 =	vadd.f32 v47, v45;
	v34 =	vadd.f32 v63, v61  }
0x158: {  	(xrf2) =	vadd.scan.msk.f32 $0xffff, v11;
	v55 =	vmul.f32 $2.000000030e-01, v46;
	v40 =	vadd.f32 v58, v56;
	v11 =	vadd.f32 v41, v35  }
0x159: {  	v60 =	vld [tilespmem:s11+$0x5060];
	v41 =	vand.u32 $0xFFFFFFF5, v17;
	v33 =	vadd.f32 v59, v33;
	v53 =	vmul.f32 $2.000000030e-01, v44  }
0x15a: {  	s10 =	sor.u32 $0xF, s16;
	v51 =	vld [tilespmem:s11+$0x9060];
	vm1 =	vgt.f32 v44, $0.0e+00;
	v59 =	vmul.f32 $2.000000030e-01, v36;
	v39 =	vadd.f32 v50, v54  }
0x15b: {  	s13 =	sshll.u32 s10, $0x7;
	v54 =	vmul.f32 $2.000000030e-01, v45;
	v43 =	vadd.f32 v49, v43;
	v61 =	vmul.f32 $2.000000030e-01, v34  }
0x15c: {  	v62 =	vld [tilespmem:s13+$0x5000];
	v33 =	vadd.f32 v37, v33;
	v38 =	vsel vm1, v44, v53;
	vm1 =	vgt.f32 v46, $0.0e+00  }
0x15d: {  	v49 =	vld [tilespmem:s13+$0x9000];
	v37 =	vmul.f32 v52, v3;
	v38 =	vmul.f32 v38, v8;
	v57 =	vsel vm1, v46, v55  }
0x15e: {  	v52 =	vld [tilespmem:s13+$0x5010];
	vm1 =	vgt.f32 v36, $0.0e+00;
	v63 =	vmul.f32 $2.000000030e-01, v43;
	v55 =	vmul.f32 $2.000000030e-01, v39  }
0x15f: {  	v53 =	vld [tilespmem:s13+$0x9010];
	v56 =	vadd.f32 v51, v60;
	v44 =	vmul.f32 v57, v6;
	v33 =	vadd.f32 v37, v33  }
0x160: {  	v36 =	vsel vm1, v36, v59;
	vm1 =	vgt.f32 v34, $0.0e+00;
	v57 =	vmul.f32 $2.000000030e-01, v40  }
0x161: {  	v38 =	vadd.f32 $0.0e+00, v38;
	v34 =	vsel vm1, v34, v61;
	v36 =	vmul.f32 v36, v1  }
0x162: {  	vm1 =	vgt.f32 v43, $0.0e+00;
	v58 =	vmul.f32 $2.000000030e-01, v56;
	v34 =	vmul.f32 v34, v5  }
0x163: {  	v43 =	vsel vm1, v43, v63;
	v37 =	vadd.f32 v49, v62;
	v38 =	vadd.f32 v44, v38  }
0x164: {  	v59 =	vld [tilespmem:s13+$0x5020];
	vm1 =	vgt.f32 v45, $0.0e+00;
	v44 =	vadd.f32 v53, v52;
	v33 =	vadd.f32 v36, v33  }
0x165: {  	v61 =	vld [tilespmem:s13+$0x9020];
	v60 =	vmul.f32 $2.000000030e-01, v37;
	v34 =	vadd.f32 v34, v38;
	v38 =	vsel vm1, v45, v54  }
0x166: {  	v47 =	vld [tilespmem:s11+$0x5070];
	vm1 =	vgt.f32 v39, $0.0e+00;
	v62 =	vmul.f32 $2.000000030e-01, v44;
	v54 =	vmov s16  }
0x167: {  	v51 =	vld [tilespmem:s13+$0x9030];
	v39 =	vsel vm1, v39, v55;
	vm1 =	vgt.f32 v40, $0.0e+00;
	v38 =	vmul.f32 v38, v4  }
0x168: {  	v63 =	vld [tilespmem:s13+$0x5030];
	v40 =	vsel vm1, v40, v57;
	vm1 =	vgt.f32 v56, $0.0e+00;
	v57 =	vmul.f32 v39, v2  }
0x169: {  	v53 =	vld [tilespmem:s13+$0x5040];
	v39 =	vand.u32 $0xFFFFFFF4, v18;
	v45 =	vsel vm1, v56, v58;
	vm1 =	vgt.f32 v37, $0.0e+00  }
0x16a: {  	v55 =	vld [tilespmem:s13+$0x9040];
	v34 =	vadd.f32 v38, v34;
	v56 =	vand.u32 $0xFFFFFFF0, v54;
	v58 =	vadd.f32 v61, v59  }
0x16b: {  	v49 =	vld [tilespmem:s11+$0x9070];
	v38 =	vand.u32 $0xFFFFFFF3, v12;
	v37 =	vsel vm1, v37, v60;
	vm1 =	vgt.f32 v44, $0.0e+00  }
0x16c: {  	(xrf2) =	vadd.scan.msk.f32 $0xffff, v10;
	v59 =	vld [tilespmem:s13+$0x5050];
	v10 =	vbroadcast v56, $0x0;
	v52 =	vsel vm1, v44, v62;
	v8 =	vmul.f32 v37, v8  }
0x16d: {  	v60 =	vld [tilespmem:s13+$0x9050];
	v34 =	vadd.f32 v57, v34;
	v61 =	vmul.f32 $2.000000030e-01, v58;
	vm1 =	vgt.f32 v58, $0.0e+00  }
0x16e: {  	v46 =	vld [tilespmem:s13+$0x9060];
	v62 =	vadd.f32 v51, v63;
	v44 =	vand.u32 $0xFFFFFFF7, v21;
	v6 =	vmul.f32 v52, v6  }
0x16f: {  	(xrf2) =	vadd.scan.msk.f32 $0xffff, v13;
	v63 =	vld [tilespmem:s13+$0x5060];
	v36 =	vadd.f32 v55, v53;
	v8 =	vadd.f32 $0.0e+00, v8;
	v35 =	vsel vm1, v58, v61  }
0x170: {  	v48 =	vmul.f32 $2.000000030e-01, v62;
	vm1 =	vgt.f32 v62, $0.0e+00;
	v61 =	vadd.f32 v49, v47  }
0x171: {  	v5 =	vmul.f32 v35, v5;
	v51 =	vmul.f32 $2.000000030e-01, v36;
	v6 =	vadd.f32 v6, v8  }
0x172: {  	v13 =	vadd.f32 v60, v59;
	v50 =	vsel vm1, v62, v48;
	vm1 =	vgt.f32 v36, $0.0e+00  }
0x173: {  	v56 =	vld [tilespmem:s13+$0x9070];
	v60 =	vmul.f32 v40, v3;
	v4 =	vmul.f32 v50, v4;
	v5 =	vadd.f32 v5, v6  }
0x174: {  	v55 =	vld [tilespmem:s13+$0x5070];
	v8 =	vsel vm1, v36, v51;
	v54 =	vadd.f32 v46, v63;
	v53 =	vmul.f32 $2.000000030e-01, v13  }
0x175: {  	vm1 =	vgt.f32 v13, $0.0e+00;
	v2 =	vmul.f32 v8, v2;
	v4 =	vadd.f32 v4, v5  }
0x176: {  	v52, _, _ =	vpop (xrf2);
	(xrf2) =	vadd.scan.msk.f32 $0xffff, v14;
	v40 =	vbroadcast v39, $0x0;
	v62 =	vmul.f32 $2.000000030e-01, v54;
	v57 =	vsel vm1, v13, v53  }
0x177: {  	[tilespmem:v10+s24+$0x0] =	vst.idx.msk vm0, v52;
	vm1 =	vgt.f32 v54, $0.0e+00;
	v3 =	vmul.f32 v57, v3;
	v2 =	vadd.f32 v2, v4  }
0x178: {  	v58, _, _ =	vpop (xrf2);
	(xrf2) =	vadd.scan.msk.f32 $0xffff, v16;
	v63 =	vadd.f32 v60, v34;
	v34 =	vmul.f32 v45, v1;
	v14 =	vsel vm1, v54, v62  }
0x179: {  	v59, _, _ =	vpop (xrf2);
	(xrf2) =	vadd.scan.msk.f32 $0xffff, v19;
	v37 =	vadd.f32 v56, v55;
	v1 =	vmul.f32 v14, v1;
	v2 =	vadd.f32 v3, v2  }
0x17a: {  	[tilespmem:v9+s24+$0x0] =	vst.idx.msk vm0, v58;
	v9 =	vbroadcast v41, $0x0;
	(xrf2) =	vadd.scan.msk.f32 $0xffff, v22;
	v3 =	vmul.f32 $2.000000030e-01, v61  }
0x17b: {  	(xrf2) =	vadd.scan.msk.f32 $0xffff, v23;
	vm1 =	vgt.f32 v61, $0.0e+00;
	v1 =	vadd.f32 v1, v2;
	v2 =	vmul.f32 $2.000000030e-01, v37  }
0x17c: {  	v8 =	vbroadcast v38, $0x0;
	(xrf2) =	vadd.scan.msk.f32 $0xffff, v24;
	v3 =	vsel vm1, v61, v3;
	vm1 =	vgt.f32 v37, $0.0e+00  }
0x17d: {  	[tilespmem:v15+s24+$0x0] =	vst.idx.msk vm0, v59;
	v15 =	vmul.f32 v43, v7;
	(xrf2) =	vadd.scan.msk.f32 $0xffff, v27;
	v2 =	vsel vm1, v37, v2  }
0x17e: {  	v4 =	vadd.f32 v34, v63;
	(xrf2) =	vadd.scan.msk.f32 $0xffff, v28;
	v3 =	vmul.f32 v3, v7;
	v2 =	vmul.f32 v2, v7  }
0x17f: {  	v10 =	vbroadcast v44, $0x0;
	v43 =	vbroadcast v42, $0x0;
	v6 =	vadd.f32 v15, v33;
	(xrf2) =	vadd.scan.msk.f32 $0xffff, v31  }
0x180: {  	v45 =	vand.u32 $0xFFFFFFF8, v25;
	(xrf2) =	vadd.scan.msk.f32 $0xffff, v11;
	v3 =	vadd.f32 v3, v4;
	v1 =	vadd.f32 v2, v1  }
0x181: {  	v32 =	vmov s12;
	v47 =	vand.u32 $0xFFFFFFF9, v26;
	v46, _, _ =	vpop (xrf2);
	(xrf2) =	vadd.scan.msk.f32 $0xffff, v6;
	v2 =	vbroadcast v45, $0x0  }
0x182: {  	v49 =	vand.u32 $0xFFFFFFFA, v29;
	[tilespmem:v8+s24+$0x0] =	vst.idx.msk vm0, v46;
	v48, _, _ =	vpop (xrf2);
	(xrf2) =	vadd.scan.msk.f32 $0xffff, v3;
	v3 =	vbroadcast v47, $0x0  }
0x183: {  	v51 =	vbroadcast v49, $0x0;
	v52 =	vand.u32 $0xFFFFFFFB, v30;
	[tilespmem:v40+s24+$0x0] =	vst.idx.msk vm0, v48;
	v50, _, _ =	vpop (xrf2);
	(xrf2) =	vadd.scan.msk.f32 $0xffff, v1  }
0x184: {  	v55 =	vand.u32 $0xFFFFFFFC, v32;
	v53 =	vmov s17;
	v54 =	vbroadcast v52, $0x0;
	[tilespmem:v9+s24+$0x0] =	vst.idx.msk vm0, v50;
	v1, _, _ =	vpop (xrf2)  }
0x185: {  	v58 =	vmov s1;
	v57 =	vand.u32 $0xFFFFFFFD, v53;
	v56, _, _ =	vpop (xrf2);
	[tilespmem:v43+s24+$0x0] =	vst.idx.msk vm0, v1;
	v1 =	vbroadcast v55, $0x0  }
0x186: {  	v6 =	vbroadcast v57, $0x0;
	v7 =	vand.u32 $0xFFFFFFFE, v58;
	v59, _, _ =	vpop (xrf2);
	[tilespmem:v10+s24+$0x0] =	vst.idx.msk vm0, v56  }
0x187: {  	v60, _, _ =	vpop (xrf2);
	[tilespmem:v2+s24+$0x0] =	vst.idx.msk vm0, v59;
	v2 =	vbroadcast v7, $0x0  }
0x188: {  	v61, _, _ =	vpop (xrf2);
	[tilespmem:v3+s24+$0x0] =	vst.idx.msk vm0, v60  }
0x189: {  	p0 =	slt.u32 s16, $0x70;
	v62 =	vmov s10;
	v3, _, _ =	vpop (xrf2);
	[tilespmem:v51+s24+$0x0] =	vst.idx.msk vm0, v61  }
.Ltmp0:
0x18a: {  	v63, _, _ =	vpop (xrf2);
	[tilespmem:v54+s24+$0x0] =	vst.idx.msk vm0, v3;
	(pc) =	sbr.rel @p0 .LBB2_3-.Ltmp0, $4  }
0x18b: {  	v3, _, _ =	vpop (xrf2);
	[tilespmem:v1+s24+$0x0] =	vst.idx.msk vm0, v63  }
0x18c: {  	v1, _, _ =	vpop (xrf2);
	[tilespmem:v6+s24+$0x0] =	vst.idx.msk vm0, v3  }
0x18d: {  	s17 =	sadd.s32 $0x10, s16;
	[tilespmem:v2+s24+$0x0] =	vst.idx.msk vm0, v1;
	v1, _, _ =	vpop (xrf2)  }
0x18e: {  	s16 =	smov.u32 s17;
	[tilespmem:v62+s24+$0x0] =	vst.idx.msk vm0, v1  }
0x18f: {  	v1 =	vld [tilespmem:$0x15080]  }
0x190: {  	v2 =	vld [tilespmem:$0x15090]  }
0x191: {  	v3 =	vld [tilespmem:$0x150A0]  }
0x192: {  	v4 =	vld [tilespmem:$0x150B0]  }
0x193: {  	v5 =	vld [tilespmem:$0x150C0]  }
0x194: {  	v6 =	vld [tilespmem:$0x150D0];
	v1 =	vmul.f32 $1.442695020e+00, v1  }
0x195: {  	v7 =	vld [tilespmem:$0x150E0];
	v2 =	vmul.f32 $1.442695020e+00, v2  }
0x196: {  	(erf) = vpow2.f32 v1;
	v1 =	vmul.f32 $1.442695020e+00, v3;
	v3 =	vld [tilespmem:$0x150F0]  }
0x197: {  	(erf) = vpow2.f32 v2;
	v2 =	vmul.f32 $1.442695020e+00, v4  }
0x198: {  	(erf) = vpow2.f32 v1;
	v1 =	vmul.f32 $1.442695020e+00, v5  }
0x199: {  	(erf) = vpow2.f32 v2;
	v2 =	vmul.f32 $1.442695020e+00, v6  }
0x19a: {  	(erf) = vpow2.f32 v1;
	v1 =	vmul.f32 $1.442695020e+00, v7  }
0x19b: {  	(erf) = vpow2.f32 v2;
	v2 =	vmul.f32 $1.442695020e+00, v3  }
0x19c: {  	(erf) = vpow2.f32 v1  }
0x19d: {  	(erf) = vpow2.f32 v2  }
0x19e: {  	s1 =	sadd.s32 s8, s14  }
0x19f: {  	p0 =	slt.u32 s1, $0x9C4;
	v1 =	vpop (erf)  }
0x1a0: {  	v2 =	vpop (erf);
	v1 =	vpsel !p0, $0x0, v1  }
0x1a1: {  	v3 =	vpop (erf);
	[tilespmem:$0x15100] =	vst v1;
	v1 =	vpsel !p0, $0x0, v2  }
0x1a2: {  	v2 =	vpop (erf);
	[tilespmem:$0x15110] =	vst v1;
	v1 =	vpsel !p0, $0x0, v3  }
0x1a3: {  	v3 =	vpop (erf);
	[tilespmem:$0x15120] =	vst v1;
	v1 =	vpsel !p0, $0x0, v2  }
0x1a4: {  	v2 =	vpop (erf);
	[tilespmem:$0x15130] =	vst v1;
	v1 =	vpsel !p0, $0x0, v3  }
0x1a5: {  	v3 =	vpop (erf);
	[tilespmem:$0x15140] =	vst v1;
	v1 =	vpsel !p0, $0x0, v2  }
0x1a6: {  	[tilespmem:$0x15150] =	vst v1;
	v1 =	vpsel !p0, $0x0, v3;
	v2 =	vpop (erf)  }
0x1a7: {  	s1 =	sshll.u32 s1, $0x4;
	[tilespmem:$0x15160] =	vst v1;
	v1 =	vpsel !p0, $0x0, v2  }
0x1a8: {  	s14 =	simm.s32 $0x0;
	s1 =	sadd.s32 s7, s1;
	[tilespmem:$0x15170] =	vst v1  }
0x1a9: {  	[hbm4b:s1+s14] =	stream.linear.scatter [tilespmem:s25], [sflag:$0x3], $0x80, $0x38;
	[tilespmem:$0x15700] =	vst v63  }
0x1aa: {  	_ =	swait.ge [sflag:s15], $0x80  }
0x1ab: {  	[sflag:s15] =	ssyncset.done $0x0  }
0x1ac: {  	[sflag:s15] =	ssyncadd.s32 $0xFFFFFF80  }
0x1ad: {  	[spmem:s4] =	stream.indirect.scatter.add.f32 [tilespmem:s25], [sflag:$0x3], $0x1, s2, s18, $0xb8;
	[tilespmem:$0x15700] =	vst v63  }
0x1ae: {  	_ =	swait.ge [sflag:s15], $0x80  }
0x1af: {  	[sflag:s15] =	ssyncset.done $0x0  }
0x1b0: {  	[sflag:s15] =	ssyncadd.s32 $0xFFFFFF80  }
0x1b1: {  	_ =	swait.ge [sflag:s26], $0x4000  }
0x1b2: {  	[sflag:s26] =	ssyncset.done $0x0  }
0x1b3: {  	[sflag:s26] =	ssyncadd.s32 $0xFFFFC000  }
0x1b4: {  	_ =	swait.ge [sflag:s26], $0x4000  }
0x1b5: {  	[sflag:s26] =	ssyncset.done $0x0  }
0x1b6: {  	[sflag:s26] =	ssyncadd.s32 $0xFFFFC000  }
.LBB2_5:
0x1b7: {  	v8 =	vld [tilespmem:$0x15000]  }
0x1b8: {  	v6 =	vld [tilespmem:$0x15010]  }
0x1b9: {  	v5 =	vld [tilespmem:$0x15020]  }
0x1ba: {  	s1 =	sshll.u32 s14, $0x7;
	v4 =	vld [tilespmem:$0x15030]  }
0x1bb: {  	v1 =	vld [tilespmem:s1+$0xD000]  }
0x1bc: {  	v2 =	vld [tilespmem:s1+$0x11000]  }
0x1bd: {  	v3 =	vld [tilespmem:s1+$0xD010]  }
0x1be: {  	v7 =	vld [tilespmem:s1+$0x11010]  }
0x1bf: {  	v9 =	vld [tilespmem:s1+$0xD020]  }
0x1c0: {  	v10 =	vld [tilespmem:s1+$0x11020]  }
0x1c1: {  	v11 =	vld [tilespmem:s1+$0xD030]  }
0x1c2: {  	v12 =	vld [tilespmem:s1+$0x11030]  }
0x1c3: {  	v13 =	vld [tilespmem:s1+$0xD040]  }
0x1c4: {  	v14 =	vld [tilespmem:s1+$0x11040]  }
0x1c5: {  	v16 =	vld [tilespmem:s1+$0xD050]  }
0x1c6: {  	v24 =	vld [tilespmem:s1+$0x11050]  }
0x1c7: {  	v25 =	vld [tilespmem:s1+$0xD060]  }
0x1c8: {  	v27 =	vld [tilespmem:s1+$0x11060]  }
0x1c9: {  	s2 =	sor.u32 $0x1, s14;
	v28 =	vld [tilespmem:s1+$0xD070]  }
0x1ca: {  	v31 =	vld [tilespmem:s1+$0x11070];
	s10 =	sshll.u32 s2, $0x7  }
0x1cb: {  	v32 =	vld [tilespmem:s10+$0xD000]  }
0x1cc: {  	v33 =	vld [tilespmem:s10+$0x11000]  }
0x1cd: {  	v35 =	vld [tilespmem:s10+$0xD010]  }
0x1ce: {  	v20 =	vld [tilespmem:s10+$0x11010]  }
0x1cf: {  	v38 =	vld [tilespmem:s10+$0xD020]  }
0x1d0: {  	v40 =	vld [tilespmem:s10+$0xD030]  }
0x1d1: {  	v43 =	vld [tilespmem:s10+$0x11030]  }
0x1d2: {  	v39 =	vld [tilespmem:s10+$0x11020];
	v1 =	vadd.f32 v2, v1  }
0x1d3: {  	v44 =	vld [tilespmem:s10+$0xD040];
	v7 =	vadd.f32 v7, v3;
	v9 =	vadd.f32 v10, v9  }
0x1d4: {  	v46 =	vld [tilespmem:s10+$0x11040];
	v11 =	vadd.f32 v12, v11;
	v13 =	vadd.f32 v14, v13  }
0x1d5: {  	v48 =	vld [tilespmem:s10+$0xD050];
	v10 =	vadd.f32 v27, v25;
	v12 =	vadd.f32 v33, v32  }
0x1d6: {  	v22 =	vld [tilespmem:s10+$0x11050];
	v14 =	vadd.f32 v43, v40;
	v15 =	vmul.f32 $2.000000030e-01, v1;
	v17 =	vmul.f32 $2.000000030e-01, v7  }
0x1d7: {  	v51 =	vld [tilespmem:s10+$0xD060];
	vm1 =	vgt.f32 v1, $0.0e+00;
	v26 =	vmul.f32 $2.000000030e-01, v9;
	v30 =	vmul.f32 $2.000000030e-01, v11  }
0x1d8: {  	v53 =	vld [tilespmem:s10+$0x11060];
	v34 =	vmul.f32 $2.000000030e-01, v13;
	v42 =	vmul.f32 $2.000000030e-01, v10;
	v1 =	vsel vm1, v1, v15  }
0x1d9: {  	s1 =	sor.u32 $0x2, s14;
	v55 =	vld [tilespmem:s10+$0xD070];
	v15 =	vadd.f32 v24, v16;
	v16 =	vadd.f32 v20, v35;
	v1 =	vmul.f32 v1, v8  }
0x1da: {  	s11 =	sshll.u32 s1, $0x7;
	v61 =	vld [tilespmem:s10+$0x11070];
	v21 =	vmul.f32 $2.000000030e-01, v12;
	v52 =	vmul.f32 $2.000000030e-01, v14;
	vm1 =	vgt.f32 v7, $0.0e+00  }
0x1db: {  	v57 =	vld [tilespmem:s11+$0xD000];
	v37 =	vmul.f32 $2.000000030e-01, v15;
	v47 =	vmul.f32 $2.000000030e-01, v16;
	v18 =	vadd.f32 $0.0e+00, v1  }
0x1dc: {  	v59 =	vld [tilespmem:s11+$0x11000];
	v1 =	vsel vm1, v7, v17;
	vm1 =	vgt.f32 v9, $0.0e+00;
	v17 =	vadd.f32 v39, v38  }
0x1dd: {  	v62 =	vld [tilespmem:s11+$0xD010];
	v19 =	vmul.f32 v1, v6;
	v7 =	vsel vm1, v9, v26;
	vm1 =	vgt.f32 v11, $0.0e+00  }
0x1de: {  	v3 =	vld [tilespmem:$0x15050];
	v9 =	vadd.f32 v31, v28;
	v7 =	vmul.f32 v7, v5;
	v11 =	vsel vm1, v11, v30  }
0x1df: {  	v23 =	vld [tilespmem:s11+$0x11010];
	vm1 =	vgt.f32 v13, $0.0e+00;
	v50 =	vmul.f32 $2.000000030e-01, v17;
	v29 =	vadd.f32 v19, v18  }
0x1e0: {  	v1 =	vld [tilespmem:$0x15060];
	v11 =	vmul.f32 v11, v4;
	v36 =	vsel vm1, v13, v34;
	vm1 =	vgt.f32 v15, $0.0e+00  }
0x1e1: {  	v2 =	vld [tilespmem:$0x15040];
	v18 =	vadd.f32 v22, v48;
	v63 =	vmul.f32 $2.000000030e-01, v9;
	v13 =	vsel vm1, v15, v37  }
0x1e2: {  	v25 =	vld [tilespmem:s11+$0xD020];
	vm1 =	vgt.f32 v10, $0.0e+00;
	v15 =	vadd.f32 v53, v51;
	v7 =	vadd.f32 v7, v29  }
0x1e3: {  	v32 =	vld [tilespmem:s11+$0xD040];
	v41 =	vmul.f32 v13, v3;
	v45 =	vsel vm1, v10, v42;
	vm1 =	vgt.f32 v12, $0.0e+00  }
0x1e4: {  	v35 =	vld [tilespmem:s11+$0xD050];
	v10 =	vadd.f32 v46, v44;
	v60 =	vmul.f32 $2.000000030e-01, v18;
	v12 =	vsel vm1, v12, v21  }
0x1e5: {  	v26 =	vld [tilespmem:s11+$0x11020];
	v49 =	vmul.f32 v45, v1;
	vm1 =	vgt.f32 v16, $0.0e+00;
	v27 =	vmul.f32 $2.000000030e-01, v15  }
0x1e6: {  	v37 =	vld [tilespmem:s11+$0x11050];
	v7 =	vadd.f32 v11, v7;
	v11 =	vmul.f32 v36, v2;
	v12 =	vmul.f32 v12, v8  }
0x1e7: {  	s16 =	sor.u32 $0x3, s14;
	v30 =	vld [tilespmem:s11+$0x11030];
	v13 =	vsel vm1, v16, v47;
	vm1 =	vgt.f32 v17, $0.0e+00;
	v56 =	vmul.f32 $2.000000030e-01, v10  }
0x1e8: {  	s13 =	sshll.u32 s16, $0x7;
	v34 =	vld [tilespmem:s11+$0x11040];
	v13 =	vmul.f32 v13, v6;
	v16 =	vsel vm1, v17, v50;
	vm1 =	vgt.f32 v14, $0.0e+00  }
0x1e9: {  	v53 =	vld [tilespmem:s13+$0x11020];
	v7 =	vadd.f32 v11, v7;
	v12 =	vadd.f32 $0.0e+00, v12;
	v54 =	vmul.f32 v16, v5  }
0x1ea: {  	v29 =	vld [tilespmem:s11+$0xD030];
	v14 =	vsel vm1, v14, v52;
	vm1 =	vgt.f32 v10, $0.0e+00;
	v16 =	vadd.f32 v61, v55  }
0x1eb: {  	v44 =	vld [tilespmem:s11+$0xD060];
	v51 =	vadd.f32 v37, v35;
	v58 =	vmul.f32 v14, v4;
	v10 =	vsel vm1, v10, v56  }
0x1ec: {  	v52 =	vld [tilespmem:s13+$0xD020];
	vm1 =	vgt.f32 v18, $0.0e+00;
	v14 =	vadd.f32 v59, v57;
	v11 =	vadd.f32 v41, v7  }
0x1ed: {  	v35 =	vld [tilespmem:s13+$0x11060];
	v12 =	vadd.f32 v13, v12;
	v10 =	vmul.f32 v10, v2;
	v17 =	vsel vm1, v18, v60  }
0x1ee: {  	v56 =	vld [tilespmem:s11+$0x11060];
	vm1 =	vgt.f32 v9, $0.0e+00;
	v13 =	vadd.f32 v23, v62;
	v31 =	vmul.f32 $2.000000030e-01, v16  }
0x1ef: {  	v7 =	vld [tilespmem:$0x15070];
	v18 =	vadd.f32 v34, v32;
	v55 =	vmul.f32 $2.000000030e-01, v51;
	v24 =	vmul.f32 v17, v3  }
0x1f0: {  	v9 =	vsel vm1, v9, v63;
	v17 =	vadd.f32 v26, v25;
	v25 =	vld [tilespmem:s13+$0xD060];
	v12 =	vadd.f32 v54, v12  }
0x1f1: {  	vm1 =	vgt.f32 v15, $0.0e+00;
	v28 =	vmul.f32 $2.000000030e-01, v14;
	v11 =	vadd.f32 v49, v11  }
0x1f2: {  	v33 =	vmul.f32 $2.000000030e-01, v13;
	v50 =	vmul.f32 $2.000000030e-01, v18;
	v12 =	vadd.f32 v58, v12  }
0x1f3: {  	v38 =	vld [tilespmem:s13+$0xD000];
	v36 =	vmul.f32 $2.000000030e-01, v17;
	v19 =	vadd.f32 v53, v52;
	v62 =	vadd.f32 v56, v44  }
0x1f4: {  	v48 =	vld [tilespmem:s13+$0x11010];
	v9 =	vmul.f32 v9, v7;
	v10 =	vadd.f32 v10, v12;
	v12 =	vsel vm1, v15, v27  }
0x1f5: {  	v41 =	vld [tilespmem:s13+$0x11000];
	vm1 =	vgt.f32 v14, $0.0e+00;
	v15 =	vadd.f32 v30, v29;
	v20 =	vadd.f32 v35, v25  }
0x1f6: {  	v60 =	vld [tilespmem:s11+$0xD070];
	v14 =	vsel vm1, v14, v28;
	vm1 =	vgt.f32 v16, $0.0e+00;
	v12 =	vmul.f32 v12, v1  }
0x1f7: {  	v32 =	vld [tilespmem:s11+$0x11070];
	v11 =	vadd.f32 v9, v11;
	v9 =	vmov s2;
	v28 =	vmul.f32 $2.000000030e-01, v19  }
0x1f8: {  	v29 =	vld [tilespmem:s13+$0xD050];
	v10 =	vadd.f32 v24, v10;
	v14 =	vmul.f32 v14, v8;
	v16 =	vsel vm1, v16, v31  }
0x1f9: {  	v30 =	vld [tilespmem:s13+$0x11050];
	vm1 =	vgt.f32 v13, $0.0e+00;
	v43 =	vmul.f32 $2.000000030e-01, v15;
	v31 =	vmul.f32 $2.000000030e-01, v62  }
0x1fa: {  	v61 =	vld [tilespmem:s13+$0xD040];
	v9 =	vand.u32 $0xFFFFFFF1, v9;
	v13 =	vsel vm1, v13, v33;
	vm1 =	vgt.f32 v17, $0.0e+00  }
0x1fb: {  	v63 =	vld [tilespmem:s13+$0x11040];
	v39 =	vmul.f32 v16, v7;
	v9 =	vbroadcast v9, $0x0;
	v14 =	vadd.f32 $0.0e+00, v14  }
0x1fc: {  	v58 =	vld [tilespmem:s13+$0x11030];
	v13 =	vmul.f32 v13, v6;
	v10 =	vadd.f32 v12, v10;
	v40 =	vsel vm1, v17, v36  }
0x1fd: {  	s2 =	sor.u32 $0x4, s14;
	v24 =	vld [tilespmem:s13+$0xD030];
	vm1 =	vgt.f32 v15, $0.0e+00;
	v17 =	vadd.f32 v41, v38;
	v42 =	vmul.f32 v40, v5  }
0x1fe: {  	v45 =	vld [tilespmem:s13+$0xD010];
	s12 =	sshll.u32 s2, $0x7;
	v47 =	vsel vm1, v15, v43;
	v38 =	vadd.f32 v30, v29;
	v40 =	vadd.f32 v32, v60  }
0x1ff: {  	v41 =	vld [tilespmem:s12+$0x11000];
	vm1 =	vgt.f32 v18, $0.0e+00;
	v13 =	vadd.f32 v13, v14;
	v10 =	vadd.f32 v39, v10  }
0x200: {  	v32 =	vld [tilespmem:s12+$0x11060];
	v49 =	vmul.f32 v47, v4;
	v54 =	vsel vm1, v18, v50;
	vm1 =	vgt.f32 v51, $0.0e+00  }
0x201: {  	v57 =	vmul.f32 $2.000000030e-01, v17;
	v18 =	vadd.f32 v63, v61;
	v39 =	vld [tilespmem:s12+$0xD000];
	v14 =	vmul.f32 v54, v2  }
0x202: {  	v50 =	vld [tilespmem:s12+$0xD020];
	v15 =	vsel vm1, v51, v55;
	vm1 =	vgt.f32 v17, $0.0e+00;
	v16 =	vadd.f32 v58, v24  }
0x203: {  	v63 =	vld [tilespmem:s12+$0xD060];
	v43 =	vmul.f32 $2.000000030e-01, v38;
	v46 =	vadd.f32 v42, v13;
	v13 =	vadd.f32 v48, v45  }
0x204: {  	v51 =	vld [tilespmem:s12+$0x11020];
	v59 =	vmul.f32 v15, v3;
	v17 =	vsel vm1, v17, v57;
	v37 =	vmul.f32 $2.000000030e-01, v18  }
0x205: {  	v47 =	vld [tilespmem:s12+$0x11010];
	v17 =	vmul.f32 v17, v8;
	v34 =	vmul.f32 $2.000000030e-01, v16;
	v12 =	vadd.f32 v49, v46  }
0x206: {  	v45 =	vld [tilespmem:s12+$0xD010];
	v21 =	vmul.f32 $2.000000030e-01, v13;
	vm1 =	vgt.f32 v13, $0.0e+00;
	v46 =	vmul.f32 $2.000000030e-01, v40  }
0x207: {  	v49 =	vmul.f32 $2.000000030e-01, v20;
	v17 =	vadd.f32 $0.0e+00, v17;
	v15 =	vadd.f32 v41, v39  }
0x208: {  	s11 =	sor.u32 $0x5, s14;
	v44 =	vld [tilespmem:s13+$0x11070];
	v22 =	vadd.f32 v32, v63;
	v12 =	vadd.f32 v14, v12;
	v13 =	vsel vm1, v13, v21  }
0x209: {  	s17 =	sshll.u32 s11, $0x7;
	v36 =	vld [tilespmem:s13+$0xD070];
	vm1 =	vgt.f32 v19, $0.0e+00;
	v21 =	vadd.f32 v51, v50;
	v13 =	vmul.f32 v13, v6  }
0x20a: {  	v26 =	vld [tilespmem:s17+$0x11010];
	v19 =	vsel vm1, v19, v28;
	vm1 =	vgt.f32 v62, $0.0e+00;
	v54 =	vmul.f32 $2.000000030e-01, v15  }
0x20b: {  	v53 =	vld [tilespmem:s12+$0xD030];
	v56 =	vadd.f32 v47, v45;
	v50 =	vmul.f32 $2.000000030e-01, v22;
	v12 =	vadd.f32 v59, v12  }
0x20c: {  	v60 =	vld [tilespmem:s12+$0xD050];
	v33 =	vmul.f32 v19, v5;
	v14 =	vsel vm1, v62, v31;
	vm1 =	vgt.f32 v16, $0.0e+00  }
0x20d: {  	v29 =	vld [tilespmem:s17+$0x11060];
	v62 =	vmul.f32 $2.000000030e-01, v21;
	v13 =	vadd.f32 v13, v17;
	v14 =	vmul.f32 v14, v1  }
0x20e: {  	v55 =	vld [tilespmem:s12+$0x11030];
	v16 =	vsel vm1, v16, v34;
	vm1 =	vgt.f32 v18, $0.0e+00;
	v17 =	vadd.f32 v44, v36  }
0x20f: {  	v30 =	vld [tilespmem:s17+$0xD070];
	v23 =	vmul.f32 $2.000000030e-01, v56;
	v16 =	vmul.f32 v16, v4;
	v42 =	vsel vm1, v18, v37  }
0x210: {  	v34 =	vld [tilespmem:s17+$0xD000];
	vm1 =	vgt.f32 v38, $0.0e+00;
	v13 =	vadd.f32 v33, v13;
	v12 =	vadd.f32 v14, v12  }
0x211: {  	v36 =	vld [tilespmem:s17+$0x11000];
	v18 =	vsel vm1, v38, v43;
	vm1 =	vgt.f32 v40, $0.0e+00;
	v58 =	vmul.f32 $2.000000030e-01, v17  }
0x212: {  	v61 =	vld [tilespmem:s12+$0x11050];
	v48 =	vmul.f32 v18, v3;
	v14 =	vsel vm1, v40, v46;
	vm1 =	vgt.f32 v20, $0.0e+00  }
0x213: {  	v57 =	vld [tilespmem:s12+$0xD040];
	v18 =	vadd.f32 v55, v53;
	v13 =	vadd.f32 v16, v13;
	v16 =	vmul.f32 v42, v2  }
0x214: {  	v32 =	vld [tilespmem:s17+$0x11070];
	v14 =	vmul.f32 v14, v7;
	v52 =	vsel vm1, v20, v49;
	vm1 =	vgt.f32 v15, $0.0e+00  }
0x215: {  	v59 =	vld [tilespmem:s12+$0x11040];
	v20 =	vmul.f32 v52, v1;
	v15 =	vsel vm1, v15, v54;
	vm1 =	vgt.f32 v17, $0.0e+00  }
0x216: {  	v51 =	vld [tilespmem:s17+$0xD040];
	v33 =	vmul.f32 $2.000000030e-01, v18;
	v19 =	vadd.f32 v36, v34;
	v13 =	vadd.f32 v16, v13  }
0x217: {  	v28 =	vld [tilespmem:s17+$0xD020];
	v17 =	vsel vm1, v17, v58;
	v15 =	vmul.f32 v15, v8;
	vm1 =	vgt.f32 v56, $0.0e+00  }
0x218: {  	v45 =	vld [tilespmem:s12+$0x11070];
	v16 =	vadd.f32 v48, v13;
	v13 =	vadd.f32 v14, v12;
	v12 =	vsel vm1, v56, v23  }
0x219: {  	v40 =	vld [tilespmem:s17+$0xD010];
	v15 =	vadd.f32 $0.0e+00, v15;
	vm1 =	vgt.f32 v21, $0.0e+00;
	v12 =	vmul.f32 v12, v6  }
0x21a: {  	v53 =	vld [tilespmem:s17+$0x11040];
	v17 =	vmul.f32 v17, v7;
	v14 =	vadd.f32 v59, v57;
	v21 =	vsel vm1, v21, v62  }
0x21b: {  	v42 =	vld [tilespmem:s17+$0x11020];
	vm1 =	vgt.f32 v18, $0.0e+00;
	v35 =	vmul.f32 v21, v5;
	v12 =	vadd.f32 v12, v15  }
0x21c: {  	v47 =	vld [tilespmem:s17+$0xD030];
	v46 =	vmul.f32 $2.000000030e-01, v19;
	v18 =	vsel vm1, v18, v33;
	v37 =	vmul.f32 $2.000000030e-01, v14  }
0x21d: {  	v49 =	vld [tilespmem:s17+$0x11030];
	vm1 =	vgt.f32 v14, $0.0e+00;
	v39 =	vmul.f32 v18, v4;
	v12 =	vadd.f32 v35, v12  }
0x21e: {  	v54 =	vld [tilespmem:s17+$0xD050];
	v48 =	vadd.f32 v26, v40;
	v16 =	vadd.f32 v20, v16;
	v14 =	vsel vm1, v14, v37  }
0x21f: {  	v56 =	vld [tilespmem:s17+$0x11050];
	v20 =	vadd.f32 v61, v60;
	v27 =	vmul.f32 v14, v2;
	v12 =	vadd.f32 v39, v12  }
0x220: {  	s10 =	sor.u32 $0x6, s14;
	v57 =	vld [tilespmem:s17+$0xD060];
	v52 =	vmul.f32 $2.000000030e-01, v48;
	v21 =	vadd.f32 v42, v28;
	v61 =	vadd.f32 v53, v51  }
0x221: {  	v38 =	vld [tilespmem:s12+$0xD070];
	v15 =	vmov s1;
	v43 =	vadd.f32 v27, v12;
	v12 =	vmov s16;
	s16 =	sshll.u32 s10, $0x7  }
0x222: {  	v18 =	vadd.f32 v49, v47;
	v41 =	vmul.f32 $2.000000030e-01, v20;
	vm1 =	vgt.f32 v20, $0.0e+00;
	v62 =	vld [tilespmem:s16+$0xD000]  }
0x223: {  	v55 =	vmul.f32 $2.000000030e-01, v21;
	v31 =	vmul.f32 $2.000000030e-01, v61;
	v15 =	vand.u32 $0xFFFFFFF2, v15;
	v63 =	vld [tilespmem:s16+$0x11000]  }
0x224: {  	v14 =	vadd.f32 v17, v16;
	v60 =	vmul.f32 $2.000000030e-01, v18;
	v23 =	vadd.f32 v56, v54;
	v33 =	vld [tilespmem:s16+$0xD010]  }
0x225: {  	v25 =	vadd.f32 v29, v57;
	v20 =	vsel vm1, v20, v41;
	vm1 =	vgt.f32 v19, $0.0e+00;
	v36 =	vld [tilespmem:s16+$0x11010]  }
0x226: {  	v15 =	vbroadcast v15, $0x0;
	v44 =	vmul.f32 v20, v3;
	v19 =	vsel vm1, v19, v46;
	v37 =	vld [tilespmem:s16+$0xD020]  }
0x227: {  	vm1 =	vgt.f32 v22, $0.0e+00;
	v20 =	vadd.f32 v45, v38;
	v35 =	vmul.f32 $2.000000030e-01, v23;
	v39 =	vld [tilespmem:s16+$0x11020]  }
0x228: {  	v19 =	vmul.f32 v19, v8;
	v22 =	vsel vm1, v22, v50;
	vm1 =	vgt.f32 v48, $0.0e+00;
	v42 =	vld [tilespmem:s16+$0xD030]  }
0x229: {  	v41 =	vmul.f32 $2.000000030e-01, v25;
	v17 =	vsel vm1, v48, v52;
	vm1 =	vgt.f32 v21, $0.0e+00;
	v45 =	vld [tilespmem:s16+$0x11030]  }
0x22a: {  	v58 =	vmul.f32 $2.000000030e-01, v20;
	v22 =	vmul.f32 v22, v1;
	v19 =	vadd.f32 $0.0e+00, v19;
	v46 =	vld [tilespmem:s16+$0xD040]  }
0x22b: {  	v17 =	vmul.f32 v17, v6;
	v21 =	vsel vm1, v21, v55;
	vm1 =	vgt.f32 v20, $0.0e+00;
	v48 =	vld [tilespmem:s16+$0x11040]  }
0x22c: {  	v50 =	vld [tilespmem:s16+$0xD050];
	v16 =	vadd.f32 v44, v43;
	v59 =	vmul.f32 v21, v5;
	v20 =	vsel vm1, v20, v58  }
0x22d: {  	v51 =	vld [tilespmem:s16+$0x11050];
	vm1 =	vgt.f32 v18, $0.0e+00;
	v43 =	vadd.f32 v32, v30;
	v17 =	vadd.f32 v17, v19  }
0x22e: {  	v53 =	vld [tilespmem:s16+$0xD060];
	v18 =	vsel vm1, v18, v60;
	v20 =	vmul.f32 v20, v7;
	vm1 =	vgt.f32 v61, $0.0e+00  }
0x22f: {  	v54 =	vld [tilespmem:s16+$0x11060];
	v18 =	vmul.f32 v18, v4;
	v16 =	vadd.f32 v22, v16;
	v34 =	vsel vm1, v61, v31  }
0x230: {  	vm1 =	vgt.f32 v23, $0.0e+00;
	v47 =	vmul.f32 $2.000000030e-01, v43;
	v17 =	vadd.f32 v59, v17  }
0x231: {  	v38 =	vsel vm1, v23, v35;
	v16 =	vadd.f32 v20, v16;
	v19 =	vadd.f32 v63, v62  }
0x232: {  	v60 =	vld [tilespmem:s16+$0x11070];
	vm1 =	vgt.f32 v25, $0.0e+00;
	v22 =	vadd.f32 v36, v33;
	v21 =	vadd.f32 v39, v37  }
0x233: {  	s12 =	sor.u32 $0x7, s14;
	v31 =	vld [tilespmem:s16+$0xD070];
	v40 =	vmul.f32 v38, v3;
	v23 =	vadd.f32 v45, v42;
	v24 =	vadd.f32 v48, v46  }
0x234: {  	s17 =	sshll.u32 s12, $0x7;
	v20 =	vsel vm1, v25, v41;
	v61 =	vadd.f32 v51, v50;
	v29 =	vadd.f32 v54, v53  }
0x235: {  	v62 =	vld [tilespmem:s17+$0xD010];
	v17 =	vadd.f32 v18, v17;
	v18 =	vmul.f32 v34, v2;
	v20 =	vmul.f32 v20, v1  }
0x236: {  	v36 =	vld [tilespmem:s17+$0x11010];
	v44 =	vmul.f32 $2.000000030e-01, v19;
	vm1 =	vgt.f32 v19, $0.0e+00;
	v49 =	vmul.f32 $2.000000030e-01, v22  }
0x237: {  	v52 =	vmul.f32 $2.000000030e-01, v21;
	v55 =	vmul.f32 $2.000000030e-01, v23;
	v17 =	vadd.f32 v18, v17  }
0x238: {  	v56 =	vld [tilespmem:s17+$0xD000];
	v63 =	vmul.f32 $2.000000030e-01, v24;
	v37 =	vmul.f32 $2.000000030e-01, v61;
	v27 =	vadd.f32 v60, v31  }
0x239: {  	v59 =	vld [tilespmem:s17+$0x11000];
	v19 =	vsel vm1, v19, v44;
	vm1 =	vgt.f32 v43, $0.0e+00;
	v17 =	vadd.f32 v40, v17  }
0x23a: {  	s1 =	sor.u32 $0x8, s14;
	v38 =	vld [tilespmem:s17+$0xD020];
	v18 =	vsel vm1, v43, v47;
	v19 =	vmul.f32 v19, v8;
	vm1 =	vgt.f32 v22, $0.0e+00  }
0x23b: {  	s16 =	sshll.u32 s1, $0x7;
	v39 =	vld [tilespmem:s17+$0x11020];
	v40 =	vmul.f32 $2.000000030e-01, v29;
	v25 =	vadd.f32 v36, v62;
	v44 =	vmul.f32 $2.000000030e-01, v27  }
0x23c: {  	v35 =	vld [tilespmem:s16+$0xD010];
	v22 =	vsel vm1, v22, v49;
	vm1 =	vgt.f32 v21, $0.0e+00;
	v57 =	vmul.f32 v18, v7  }
0x23d: {  	v45 =	vld [tilespmem:s17+$0x11040];
	v18 =	vmov s2;
	v19 =	vadd.f32 $0.0e+00, v19;
	v22 =	vmul.f32 v22, v6  }
0x23e: {  	v43 =	vld [tilespmem:s17+$0xD040];
	v21 =	vsel vm1, v21, v52;
	vm1 =	vgt.f32 v23, $0.0e+00;
	v17 =	vadd.f32 v20, v17  }
0x23f: {  	v41 =	vld [tilespmem:s17+$0xD030];
	v46 =	vmul.f32 $2.000000030e-01, v25;
	v21 =	vmul.f32 v21, v5;
	v58 =	vsel vm1, v23, v55  }
0x240: {  	v50 =	vld [tilespmem:s17+$0xD060];
	vm1 =	vgt.f32 v24, $0.0e+00;
	v23 =	vadd.f32 v39, v38;
	v19 =	vadd.f32 v22, v19  }
0x241: {  	v34 =	vld [tilespmem:s17+$0x11060];
	v32 =	vmul.f32 v58, v4;
	v24 =	vsel vm1, v24, v63;
	vm1 =	vgt.f32 v61, $0.0e+00  }
0x242: {  	v33 =	vld [tilespmem:s17+$0x11030];
	v22 =	vadd.f32 v59, v56;
	v24 =	vmul.f32 v24, v2;
	v20 =	vsel vm1, v61, v37  }
0x243: {  	v48 =	vld [tilespmem:s17+$0x11050];
	vm1 =	vgt.f32 v29, $0.0e+00;
	v49 =	vmul.f32 $2.000000030e-01, v23;
	v28 =	vadd.f32 v45, v43  }
0x244: {  	v60 =	vld [tilespmem:s16+$0x11010];
	v21 =	vadd.f32 v21, v19;
	v19 =	vadd.f32 v57, v17;
	v17 =	vmov s11  }
0x245: {  	v47 =	vld [tilespmem:s17+$0xD050];
	v42 =	vmul.f32 $2.000000030e-01, v22;
	v26 =	vsel vm1, v29, v40;
	vm1 =	vgt.f32 v22, $0.0e+00  }
0x246: {  	v55 =	vld [tilespmem:s16+$0xD000];
	v20 =	vmul.f32 v20, v3;
	v40 =	vadd.f32 v34, v50;
	v54 =	vmul.f32 $2.000000030e-01, v28  }
0x247: {  	v57 =	vld [tilespmem:s16+$0x11000];
	v61 =	vmul.f32 v26, v1;
	v21 =	vadd.f32 v32, v21;
	v22 =	vsel vm1, v22, v42  }
0x248: {  	vm1 =	vgt.f32 v27, $0.0e+00;
	v32 =	vadd.f32 v33, v41;
	v43 =	vmul.f32 $2.000000030e-01, v40  }
0x249: {  	v53 =	vld [tilespmem:s17+$0x11070];
	v22 =	vmul.f32 v22, v8;
	v21 =	vadd.f32 v24, v21;
	v24 =	vsel vm1, v27, v44  }
0x24a: {  	v52 =	vld [tilespmem:s17+$0xD070];
	vm1 =	vgt.f32 v25, $0.0e+00;
	v51 =	vmul.f32 $2.000000030e-01, v32;
	v27 =	vadd.f32 v48, v47  }
0x24b: {  	v38 =	vld [tilespmem:s16+$0xD070];
	v47 =	vadd.f32 v60, v35;
	v25 =	vsel vm1, v25, v46;
	v22 =	vadd.f32 $0.0e+00, v22  }
0x24c: {  	v63 =	vld [tilespmem:s16+$0xD020];
	vm1 =	vgt.f32 v23, $0.0e+00;
	v24 =	vmul.f32 v24, v7;
	v30 =	vadd.f32 v57, v55  }
0x24d: {  	v41 =	vld [tilespmem:s16+$0x11020];
	v25 =	vmul.f32 v25, v6;
	v23 =	vsel vm1, v23, v49;
	vm1 =	vgt.f32 v32, $0.0e+00  }
0x24e: {  	v42 =	vld [tilespmem:s16+$0xD030];
	v58 =	vmul.f32 $2.000000030e-01, v27;
	v20 =	vadd.f32 v20, v21;
	v36 =	vmul.f32 $2.000000030e-01, v47  }
0x24f: {  	v44 =	vld [tilespmem:s16+$0x11030];
	v23 =	vmul.f32 v23, v5;
	v31 =	vsel vm1, v32, v51;
	vm1 =	vgt.f32 v28, $0.0e+00  }
0x250: {  	v37 =	vld [tilespmem:s16+$0x11060];
	v45 =	vmul.f32 $2.000000030e-01, v30;
	v22 =	vadd.f32 v25, v22;
	v56 =	vmul.f32 v31, v4  }
0x251: {  	v50 =	vld [tilespmem:s16+$0xD050];
	v28 =	vsel vm1, v28, v54;
	vm1 =	vgt.f32 v27, $0.0e+00;
	v21 =	vadd.f32 v61, v20  }
0x252: {  	v48 =	vld [tilespmem:s16+$0x11040];
	v20 =	vmov s10;
	v25 =	vadd.f32 v53, v52;
	v59 =	vmul.f32 v28, v2  }
0x253: {  	v46 =	vld [tilespmem:s16+$0xD040];
	v62 =	vsel vm1, v27, v58;
	vm1 =	vgt.f32 v40, $0.0e+00;
	v27 =	vadd.f32 v41, v63  }
0x254: {  	s2 =	sor.u32 $0x9, s14;
	v51 =	vld [tilespmem:s16+$0x11050];
	v31 =	vadd.f32 v44, v42;
	v22 =	vadd.f32 v23, v22;
	v39 =	vmul.f32 v62, v3  }
0x255: {  	s17 =	sshll.u32 s2, $0x7;
	v52 =	vld [tilespmem:s16+$0xD060];
	v23 =	vsel vm1, v40, v43;
	vm1 =	vgt.f32 v30, $0.0e+00;
	v49 =	vmul.f32 $2.000000030e-01, v25  }
0x256: {  	v41 =	vld [tilespmem:s17+$0x11020];
	v29 =	vsel vm1, v30, v45;
	vm1 =	vgt.f32 v25, $0.0e+00;
	v23 =	vmul.f32 v23, v1  }
0x257: {  	v40 =	vld [tilespmem:s17+$0xD020];
	v53 =	vmul.f32 $2.000000030e-01, v27;
	v58 =	vmul.f32 $2.000000030e-01, v31;
	v22 =	vadd.f32 v56, v22  }
0x258: {  	v43 =	vld [tilespmem:s16+$0x11070];
	v29 =	vmul.f32 v29, v8;
	v25 =	vsel vm1, v25, v49;
	vm1 =	vgt.f32 v47, $0.0e+00  }
0x259: {  	v60 =	vld [tilespmem:s17+$0xD010];
	v32 =	vadd.f32 v51, v50;
	v26 =	vsel vm1, v47, v36;
	vm1 =	vgt.f32 v27, $0.0e+00  }
0x25a: {  	v54 =	vld [tilespmem:s17+$0xD000];
	v25 =	vmul.f32 v25, v7;
	v51 =	vadd.f32 v37, v52;
	v22 =	vadd.f32 v59, v22  }
0x25b: {  	v56 =	vld [tilespmem:s17+$0x11000];
	v29 =	vadd.f32 $0.0e+00, v29;
	v26 =	vmul.f32 v26, v6;
	v55 =	vsel vm1, v27, v53  }
0x25c: {  	v63 =	vld [tilespmem:s17+$0x11010];
	vm1 =	vgt.f32 v31, $0.0e+00;
	v59 =	vadd.f32 v48, v46;
	v42 =	vmul.f32 $2.000000030e-01, v32  }
0x25d: {  	v45 =	vld [tilespmem:s17+$0xD030];
	v57 =	vmul.f32 v55, v5;
	v33 =	vadd.f32 v41, v40;
	v41 =	vadd.f32 v43, v38  }
0x25e: {  	v50 =	vld [tilespmem:s17+$0x11040];
	v62 =	vsel vm1, v31, v58;
	v22 =	vadd.f32 v39, v22;
	v26 =	vadd.f32 v26, v29  }
0x25f: {  	v46 =	vld [tilespmem:s17+$0x11030];
	v36 =	vmul.f32 v62, v4;
	v39 =	vmul.f32 $2.000000030e-01, v59;
	vm1 =	vgt.f32 v59, $0.0e+00  }
0x260: {  	v52 =	vld [tilespmem:s17+$0xD050];
	v27 =	vadd.f32 v56, v54;
	v53 =	vmul.f32 $2.000000030e-01, v33;
	v23 =	vadd.f32 v23, v22  }
0x261: {  	v48 =	vld [tilespmem:s17+$0xD040];
	v56 =	vmul.f32 $2.000000030e-01, v51;
	v22 =	vadd.f32 v24, v21;
	v61 =	vadd.f32 v57, v26  }
0x262: {  	v55 =	vld [tilespmem:s17+$0xD060];
	v21 =	vmov s12;
	v24 =	vsel vm1, v59, v39;
	vm1 =	vgt.f32 v32, $0.0e+00  }
0x263: {  	v54 =	vld [tilespmem:s17+$0x11050];
	v26 =	vadd.f32 v63, v60;
	v24 =	vmul.f32 v24, v2;
	v44 =	vmul.f32 $2.000000030e-01, v27  }
0x264: {  	v57 =	vld [tilespmem:s17+$0x11060];
	v29 =	vsel vm1, v32, v42;
	vm1 =	vgt.f32 v27, $0.0e+00;
	v28 =	vadd.f32 v46, v45  }
0x265: {  	s10 =	sor.u32 $0xA, s14;
	v39 =	vld [tilespmem:s17+$0xD070];
	v23 =	vadd.f32 v25, v23;
	v25 =	vadd.f32 v36, v61;
	v47 =	vmul.f32 v29, v3  }
0x266: {  	s16 =	sshll.u32 s10, $0x7;
	v60 =	vld [tilespmem:s17+$0x11070];
	v49 =	vmul.f32 $2.000000030e-01, v26;
	v29 =	vadd.f32 v50, v48;
	v48 =	vmul.f32 $2.000000030e-01, v41  }
0x267: {  	v42 =	vld [tilespmem:s16+$0xD010];
	v27 =	vsel vm1, v27, v44;
	vm1 =	vgt.f32 v26, $0.0e+00;
	v59 =	vmul.f32 $2.000000030e-01, v28  }
0x268: {  	v45 =	vld [tilespmem:s16+$0x11010];
	v24 =	vadd.f32 v24, v25;
	v27 =	vmul.f32 v27, v8;
	v26 =	vsel vm1, v26, v49  }
0x269: {  	v40 =	vld [tilespmem:s16+$0x11000];
	vm1 =	vgt.f32 v33, $0.0e+00;
	v63 =	vmul.f32 $2.000000030e-01, v29;
	v30 =	vadd.f32 v54, v52  }
0x26a: {  	v62 =	vld [tilespmem:s16+$0xD000];
	v26 =	vmul.f32 v26, v6;
	v32 =	vsel vm1, v33, v53;
	v46 =	vadd.f32 v57, v55  }
0x26b: {  	v49 =	vld [tilespmem:s16+$0x11020];
	vm1 =	vgt.f32 v51, $0.0e+00;
	v33 =	vadd.f32 v60, v39;
	v24 =	vadd.f32 v47, v24  }
0x26c: {  	v52 =	vld [tilespmem:s16+$0xD030];
	v27 =	vadd.f32 $0.0e+00, v27;
	v58 =	vmul.f32 v32, v5;
	v25 =	vsel vm1, v51, v56  }
0x26d: {  	v53 =	vld [tilespmem:s16+$0x11030];
	vm1 =	vgt.f32 v28, $0.0e+00;
	v44 =	vmul.f32 $2.000000030e-01, v30;
	v57 =	vadd.f32 v45, v42  }
0x26e: {  	v55 =	vld [tilespmem:s16+$0xD040];
	v25 =	vmul.f32 v25, v1;
	v61 =	vsel vm1, v28, v59;
	vm1 =	vgt.f32 v29, $0.0e+00  }
0x26f: {  	v60 =	vld [tilespmem:s16+$0x11050];
	v51 =	vmul.f32 $2.000000030e-01, v46;
	v28 =	vadd.f32 v40, v62;
	v59 =	vmul.f32 $2.000000030e-01, v33  }
0x270: {  	v47 =	vld [tilespmem:s16+$0xD020];
	v26 =	vadd.f32 v26, v27;
	v27 =	vmul.f32 v61, v4;
	v43 =	vsel vm1, v29, v63  }
0x271: {  	s11 =	sor.u32 $0xB, s14;
	v56 =	vld [tilespmem:s16+$0x11040];
	vm1 =	vgt.f32 v30, $0.0e+00;
	v61 =	vmul.f32 $2.000000030e-01, v57;
	v24 =	vadd.f32 v25, v24  }
0x272: {  	s17 =	sshll.u32 s11, $0x7;
	v62 =	vld [tilespmem:s16+$0xD060];
	v29 =	vsel vm1, v30, v44;
	vm1 =	vgt.f32 v41, $0.0e+00;
	v34 =	vmul.f32 $2.000000030e-01, v28  }
0x273: {  	v40 =	vld [tilespmem:s17+$0xD020];
	v26 =	vadd.f32 v58, v26;
	v50 =	vmul.f32 v29, v3;
	v25 =	vsel vm1, v41, v48  }
0x274: {  	vm1 =	vgt.f32 v46, $0.0e+00;
	v58 =	vld [tilespmem:s16+$0xD050];
	v30 =	vadd.f32 v53, v52;
	v25 =	vmul.f32 v25, v7  }
0x275: {  	v63 =	vld [tilespmem:s16+$0x11060];
	v54 =	vsel vm1, v46, v51;
	v26 =	vadd.f32 v27, v26;
	v27 =	vmul.f32 v43, v2  }
0x276: {  	v41 =	vld [tilespmem:s17+$0x11020];
	vm1 =	vgt.f32 v28, $0.0e+00;
	v36 =	vadd.f32 v49, v47;
	v29 =	vadd.f32 v56, v55  }
0x277: {  	v53 =	vld [tilespmem:s17+$0xD010];
	v28 =	vsel vm1, v28, v34;
	vm1 =	vgt.f32 v33, $0.0e+00;
	v26 =	vadd.f32 v27, v26  }
0x278: {  	v55 =	vld [tilespmem:s17+$0x11010];
	v48 =	vmul.f32 $2.000000030e-01, v30;
	v24 =	vadd.f32 v25, v24;
	v28 =	vmul.f32 v28, v8  }
0x279: {  	v45 =	vld [tilespmem:s16+$0xD070];
	v27 =	vmul.f32 v54, v1;
	v31 =	vadd.f32 v60, v58;
	v26 =	vadd.f32 v50, v26  }
0x27a: {  	v46 =	vld [tilespmem:s16+$0x11070];
	v44 =	vmul.f32 $2.000000030e-01, v36;
	v52 =	vmul.f32 $2.000000030e-01, v29;
	v28 =	vadd.f32 $0.0e+00, v28  }
0x27b: {  	v49 =	vld [tilespmem:s17+$0xD000];
	v40 =	vadd.f32 v41, v40;
	v56 =	vmul.f32 $2.000000030e-01, v31;
	v26 =	vadd.f32 v27, v26  }
0x27c: {  	v51 =	vld [tilespmem:s17+$0x11000];
	v27 =	vsel vm1, v33, v59;
	vm1 =	vgt.f32 v57, $0.0e+00;
	v33 =	vadd.f32 v63, v62  }
0x27d: {  	v43 =	vld [tilespmem:s17+$0x11070];
	v62 =	vadd.f32 v55, v53;
	v53 =	vmul.f32 $2.000000030e-01, v40;
	v25 =	vsel vm1, v57, v61  }
0x27e: {  	v59 =	vld [tilespmem:s17+$0x11030];
	vm1 =	vgt.f32 v36, $0.0e+00;
	v27 =	vmul.f32 v27, v7;
	v25 =	vmul.f32 v25, v6  }
0x27f: {  	v63 =	vld [tilespmem:s17+$0x11040];
	v34 =	vsel vm1, v36, v44;
	vm1 =	vgt.f32 v30, $0.0e+00;
	v42 =	vmul.f32 $2.000000030e-01, v62  }
0x280: {  	v55 =	vld [tilespmem:s17+$0xD070];
	v50 =	vmul.f32 v34, v5;
	v30 =	vsel vm1, v30, v48;
	vm1 =	vgt.f32 v29, $0.0e+00  }
0x281: {  	s12 =	sor.u32 $0xC, s14;
	v57 =	vld [tilespmem:s17+$0xD030];
	v34 =	vadd.f32 v51, v49;
	v27 =	vadd.f32 v27, v26;
	v26 =	vmov s2  }
0x282: {  	s13 =	sshll.u32 s12, $0x7;
	v61 =	vld [tilespmem:s17+$0xD040];
	v48 =	vmul.f32 $2.000000030e-01, v33;
	v51 =	vadd.f32 v46, v45;
	v25 =	vadd.f32 v25, v28  }
0x283: {  	v41 =	vld [tilespmem:s13+$0xD070];
	v54 =	vmul.f32 v30, v4;
	v29 =	vsel vm1, v29, v52;
	vm1 =	vgt.f32 v31, $0.0e+00  }
0x284: {  	v44 =	vld [tilespmem:s13+$0xD000];
	v29 =	vmul.f32 v29, v2;
	v31 =	vsel vm1, v31, v56;
	v60 =	vmul.f32 $2.000000030e-01, v34  }
0x285: {  	v49 =	vld [tilespmem:s17+$0xD050];
	vm1 =	vgt.f32 v34, $0.0e+00;
	v56 =	vmul.f32 $2.000000030e-01, v51;
	v35 =	vadd.f32 v43, v55  }
0x286: {  	v45 =	vld [tilespmem:s13+$0xD020];
	v25 =	vadd.f32 v50, v25;
	v58 =	vmul.f32 v31, v3;
	v31 =	vadd.f32 v59, v57  }
0x287: {  	v50 =	vld [tilespmem:s17+$0x11050];
	v30 =	vadd.f32 v63, v61;
	v47 =	vsel vm1, v34, v60;
	vm1 =	vgt.f32 v33, $0.0e+00  }
0x288: {  	v59 =	vld [tilespmem:s13+$0x11000];
	v28 =	vadd.f32 v54, v25;
	v25 =	vmov s1;
	v32 =	vmul.f32 v47, v8  }
0x289: {  	v52 =	vld [tilespmem:s17+$0xD060];
	v33 =	vsel vm1, v33, v48;
	vm1 =	vgt.f32 v62, $0.0e+00;
	v61 =	vmul.f32 $2.000000030e-01, v30  }
0x28a: {  	v54 =	vld [tilespmem:s17+$0x11060];
	v33 =	vmul.f32 v33, v1;
	v28 =	vadd.f32 v29, v28;
	v29 =	vsel vm1, v62, v42  }
0x28b: {  	v47 =	vld [tilespmem:s13+$0x11020];
	v32 =	vadd.f32 $0.0e+00, v32;
	vm1 =	vgt.f32 v40, $0.0e+00;
	v29 =	vmul.f32 v29, v6  }
0x28c: {  	v55 =	vld [tilespmem:s13+$0x11040];
	v39 =	vsel vm1, v40, v53;
	vm1 =	vgt.f32 v51, $0.0e+00;
	v36 =	vadd.f32 v50, v49  }
0x28d: {  	v60 =	vld [tilespmem:s13+$0xD010];
	v49 =	vadd.f32 v59, v44;
	v28 =	vadd.f32 v58, v28;
	v57 =	vmul.f32 v39, v5  }
0x28e: {  	v62 =	vld [tilespmem:s13+$0x11010];
	v58 =	vmul.f32 $2.000000030e-01, v31;
	v34 =	vsel vm1, v51, v56;
	vm1 =	vgt.f32 v31, $0.0e+00  }
0x28f: {  	v53 =	vld [tilespmem:s13+$0xD040];
	v29 =	vadd.f32 v29, v32;
	v63 =	vmul.f32 v34, v7;
	v46 =	vmul.f32 $2.000000030e-01, v36  }
0x290: {  	v44 =	vld [tilespmem:s13+$0x11070];
	v38 =	vadd.f32 v54, v52;
	v54 =	vmul.f32 $2.000000030e-01, v49;
	v34 =	vadd.f32 v47, v45  }
0x291: {  	v48 =	vld [tilespmem:s13+$0xD030];
	v31 =	vsel vm1, v31, v58;
	v28 =	vadd.f32 v33, v28;
	vm1 =	vgt.f32 v30, $0.0e+00  }
0x292: {  	v50 =	vld [tilespmem:s13+$0x11030];
	v29 =	vadd.f32 v57, v29;
	v31 =	vmul.f32 v31, v4;
	v30 =	vsel vm1, v30, v61  }
0x293: {  	vm1 =	vgt.f32 v36, $0.0e+00;
	v52 =	vmul.f32 $2.000000030e-01, v38;
	v32 =	vadd.f32 v62, v60  }
0x294: {  	v56 =	vld [tilespmem:s13+$0xD050];
	v57 =	vmul.f32 $2.000000030e-01, v35;
	v61 =	vmul.f32 $2.000000030e-01, v34;
	v28 =	vadd.f32 v63, v28  }
0x295: {  	v58 =	vld [tilespmem:s13+$0x11050];
	v30 =	vmul.f32 v30, v2;
	v37 =	vadd.f32 v55, v53;
	v41 =	vadd.f32 v44, v41  }
0x296: {  	s2 =	sor.u32 $0xD, s14;
	v39 =	vld [tilespmem:s13+$0xD060];
	v29 =	vadd.f32 v31, v29;
	v31 =	vsel vm1, v36, v46;
	vm1 =	vgt.f32 v38, $0.0e+00  }
0x297: {  	s16 =	sshll.u32 s2, $0x7;
	v60 =	vld [tilespmem:s13+$0x11060];
	v59 =	vmul.f32 $2.000000030e-01, v32;
	v36 =	vadd.f32 v50, v48;
	v51 =	vmul.f32 v31, v3  }
0x298: {  	v43 =	vld [tilespmem:s16+$0xD070];
	v31 =	vsel vm1, v38, v52;
	vm1 =	vgt.f32 v49, $0.0e+00;
	v50 =	vmul.f32 $2.000000030e-01, v37  }
0x299: {  	v45 =	vld [tilespmem:s16+$0xD010];
	v29 =	vadd.f32 v30, v29;
	v33 =	vsel vm1, v49, v54;
	vm1 =	vgt.f32 v35, $0.0e+00  }
0x29a: {  	v63 =	vld [tilespmem:s16+$0xD000];
	v62 =	vmul.f32 $2.000000030e-01, v36;
	v31 =	vmul.f32 v31, v1;
	v38 =	vadd.f32 v58, v56  }
0x29b: {  	v52 =	vld [tilespmem:s16+$0x11010];
	v30 =	vsel vm1, v35, v57;
	v33 =	vmul.f32 v33, v8;
	vm1 =	vgt.f32 v32, $0.0e+00  }
0x29c: {  	v49 =	vld [tilespmem:s16+$0x11000];
	v35 =	vadd.f32 v60, v39;
	v29 =	vadd.f32 v51, v29;
	v32 =	vsel vm1, v32, v59  }
0x29d: {  	v54 =	vld [tilespmem:s16+$0xD020];
	vm1 =	vgt.f32 v34, $0.0e+00;
	v30 =	vmul.f32 v30, v7;
	v58 =	vmul.f32 $2.000000030e-01, v38  }
0x29e: {  	v56 =	vld [tilespmem:s16+$0x11020];
	v33 =	vadd.f32 $0.0e+00, v33;
	v34 =	vsel vm1, v34, v61;
	vm1 =	vgt.f32 v36, $0.0e+00  }
0x29f: {  	v46 =	vld [tilespmem:s16+$0xD040];
	v32 =	vmul.f32 v32, v6;
	v48 =	vmul.f32 v34, v5;
	v36 =	vsel vm1, v36, v62  }
0x2a0: {  	v57 =	vld [tilespmem:s16+$0xD030];
	vm1 =	vgt.f32 v37, $0.0e+00;
	v31 =	vadd.f32 v31, v29;
	v29 =	vmov s10  }
0x2a1: {  	v59 =	vld [tilespmem:s16+$0x11030];
	v62 =	vmul.f32 $2.000000030e-01, v35;
	v32 =	vadd.f32 v32, v33;
	v51 =	vmul.f32 v36, v4  }
0x2a2: {  	v61 =	vld [tilespmem:s16+$0x11040];
	v53 =	vsel vm1, v37, v50;
	v34 =	vadd.f32 v49, v63;
	vm1 =	vgt.f32 v38, $0.0e+00  }
0x2a3: {  	s17 =	sor.u32 $0xE, s14;
	v40 =	vld [tilespmem:s16+$0xD060];
	v36 =	vadd.f32 v52, v45;
	v37 =	vadd.f32 v56, v54;
	v55 =	vmul.f32 v53, v2  }
0x2a4: {  	s10 =	sshll.u32 s17, $0x7;
	v63 =	vld [tilespmem:s16+$0xD050];
	v31 =	vadd.f32 v30, v31;
	v30 =	vmov s11;
	v33 =	vsel vm1, v38, v58  }
0x2a5: {  	v52 =	vld [tilespmem:s10+$0xD000];
	v32 =	vadd.f32 v48, v32;
	v60 =	vmul.f32 $2.000000030e-01, v34;
	vm1 =	vgt.f32 v34, $0.0e+00  }
0x2a6: {  	v56 =	vld [tilespmem:s10+$0xD010];
	v33 =	vmul.f32 v33, v3;
	v47 =	vmul.f32 $2.000000030e-01, v36;
	v42 =	vadd.f32 v59, v57  }
0x2a7: {  	v58 =	vld [tilespmem:s10+$0x11010];
	v57 =	vmul.f32 $2.000000030e-01, v41;
	v38 =	vadd.f32 v61, v46;
	v32 =	vadd.f32 v51, v32  }
0x2a8: {  	v48 =	vld [tilespmem:s16+$0x11050];
	v34 =	vsel vm1, v34, v60;
	vm1 =	vgt.f32 v35, $0.0e+00;
	v51 =	vmul.f32 $2.000000030e-01, v37  }
0x2a9: {  	v45 =	vld [tilespmem:s10+$0xD030];
	v54 =	vmul.f32 $2.000000030e-01, v42;
	v34 =	vmul.f32 v34, v8;
	v35 =	vsel vm1, v35, v62  }
0x2aa: {  	v61 =	vld [tilespmem:s10+$0xD020];
	vm1 =	vgt.f32 v36, $0.0e+00;
	v60 =	vmul.f32 $2.000000030e-01, v38;
	v32 =	vadd.f32 v55, v32  }
0x2ab: {  	v50 =	vsel vm1, v36, v47;
	v36 =	vld [tilespmem:s16+$0x11060];
	v35 =	vmul.f32 v35, v1;
	vm1 =	vgt.f32 v37, $0.0e+00  }
0x2ac: {  	v55 =	vld [tilespmem:s10+$0x11000];
	v46 =	vadd.f32 v58, v56;
	v49 =	vadd.f32 $0.0e+00, v34;
	v34 =	vmul.f32 v50, v6  }
0x2ad: {  	v47 =	vld [tilespmem:s10+$0x11030];
	v53 =	vsel vm1, v37, v51;
	vm1 =	vgt.f32 v42, $0.0e+00;
	v39 =	vadd.f32 v48, v63  }
0x2ae: {  	v56 =	vld [tilespmem:s10+$0xD050];
	v32 =	vadd.f32 v33, v32;
	v37 =	vsel vm1, v42, v54;
	vm1 =	vgt.f32 v41, $0.0e+00  }
0x2af: {  	v58 =	vld [tilespmem:s10+$0x11050];
	v42 =	vand.u32 $0xFFFFFFF6, v20;
	v33 =	vadd.f32 v34, v49;
	v34 =	vmul.f32 v53, v5  }
0x2b0: {  	v63 =	vld [tilespmem:s10+$0x11020];
	v59 =	vmul.f32 v37, v4;
	v41 =	vsel vm1, v41, v57;
	vm1 =	vgt.f32 v38, $0.0e+00  }
0x2b1: {  	v50 =	vld [tilespmem:s10+$0x11040];
	v51 =	vmul.f32 $2.000000030e-01, v39;
	v35 =	vadd.f32 v35, v32;
	v62 =	vsel vm1, v38, v60  }
0x2b2: {  	v54 =	vld [tilespmem:s10+$0xD040];
	vm1 =	vgt.f32 v39, $0.0e+00;
	v41 =	vmul.f32 v41, v7;
	v33 =	vadd.f32 v34, v33  }
0x2b3: {  	v49 =	vld [tilespmem:s16+$0x11070];
	v37 =	vmul.f32 v62, v2;
	v44 =	vadd.f32 v55, v52;
	v36 =	vadd.f32 v36, v40  }
0x2b4: {  	v52 =	vsel vm1, v39, v51;
	v45 =	vadd.f32 v47, v45;
	v40 =	vadd.f32 v58, v56  }
0x2b5: {  	(xrf2) =	vadd.scan.msk.f32 $0xffff, v11;
	v55 =	vmul.f32 $2.000000030e-01, v46;
	v34 =	vadd.f32 v63, v61;
	v11 =	vadd.f32 v41, v35  }
0x2b6: {  	v60 =	vld [tilespmem:s10+$0xD060];
	v41 =	vand.u32 $0xFFFFFFF5, v17;
	v33 =	vadd.f32 v59, v33;
	v53 =	vmul.f32 $2.000000030e-01, v44  }
0x2b7: {  	s13 =	sor.u32 $0xF, s14;
	v51 =	vld [tilespmem:s10+$0x11060];
	vm1 =	vgt.f32 v44, $0.0e+00;
	v59 =	vmul.f32 $2.000000030e-01, v36;
	v39 =	vadd.f32 v50, v54  }
0x2b8: {  	s16 =	sshll.u32 s13, $0x7;
	v54 =	vmul.f32 $2.000000030e-01, v45;
	v43 =	vadd.f32 v49, v43;
	v61 =	vmul.f32 $2.000000030e-01, v34  }
0x2b9: {  	v62 =	vld [tilespmem:s16+$0xD000];
	v33 =	vadd.f32 v37, v33;
	v38 =	vsel vm1, v44, v53;
	vm1 =	vgt.f32 v46, $0.0e+00  }
0x2ba: {  	v49 =	vld [tilespmem:s16+$0x11000];
	v37 =	vmul.f32 v52, v3;
	v38 =	vmul.f32 v38, v8;
	v57 =	vsel vm1, v46, v55  }
0x2bb: {  	v52 =	vld [tilespmem:s16+$0xD010];
	vm1 =	vgt.f32 v36, $0.0e+00;
	v63 =	vmul.f32 $2.000000030e-01, v43;
	v55 =	vmul.f32 $2.000000030e-01, v39  }
0x2bc: {  	v53 =	vld [tilespmem:s16+$0x11010];
	v56 =	vadd.f32 v51, v60;
	v44 =	vmul.f32 v57, v6;
	v33 =	vadd.f32 v37, v33  }
0x2bd: {  	v36 =	vsel vm1, v36, v59;
	vm1 =	vgt.f32 v34, $0.0e+00;
	v57 =	vmul.f32 $2.000000030e-01, v40  }
0x2be: {  	v38 =	vadd.f32 $0.0e+00, v38;
	v34 =	vsel vm1, v34, v61;
	v36 =	vmul.f32 v36, v1  }
0x2bf: {  	vm1 =	vgt.f32 v43, $0.0e+00;
	v58 =	vmul.f32 $2.000000030e-01, v56;
	v34 =	vmul.f32 v34, v5  }
0x2c0: {  	v43 =	vsel vm1, v43, v63;
	v37 =	vadd.f32 v49, v62;
	v38 =	vadd.f32 v44, v38  }
0x2c1: {  	v59 =	vld [tilespmem:s16+$0xD020];
	vm1 =	vgt.f32 v45, $0.0e+00;
	v44 =	vadd.f32 v53, v52;
	v33 =	vadd.f32 v36, v33  }
0x2c2: {  	v61 =	vld [tilespmem:s16+$0x11020];
	v60 =	vmul.f32 $2.000000030e-01, v37;
	v34 =	vadd.f32 v34, v38;
	v38 =	vsel vm1, v45, v54  }
0x2c3: {  	v47 =	vld [tilespmem:s10+$0xD070];
	vm1 =	vgt.f32 v39, $0.0e+00;
	v62 =	vmul.f32 $2.000000030e-01, v44;
	v54 =	vmov s14  }
0x2c4: {  	v51 =	vld [tilespmem:s16+$0x11030];
	v39 =	vsel vm1, v39, v55;
	vm1 =	vgt.f32 v40, $0.0e+00;
	v38 =	vmul.f32 v38, v4  }
0x2c5: {  	v63 =	vld [tilespmem:s16+$0xD030];
	v40 =	vsel vm1, v40, v57;
	vm1 =	vgt.f32 v56, $0.0e+00;
	v57 =	vmul.f32 v39, v2  }
0x2c6: {  	v53 =	vld [tilespmem:s16+$0xD040];
	v39 =	vand.u32 $0xFFFFFFF4, v18;
	v45 =	vsel vm1, v56, v58;
	vm1 =	vgt.f32 v37, $0.0e+00  }
0x2c7: {  	v55 =	vld [tilespmem:s16+$0x11040];
	v34 =	vadd.f32 v38, v34;
	v56 =	vand.u32 $0xFFFFFFF0, v54;
	v58 =	vadd.f32 v61, v59  }
0x2c8: {  	v49 =	vld [tilespmem:s10+$0x11070];
	v38 =	vand.u32 $0xFFFFFFF3, v12;
	v37 =	vsel vm1, v37, v60;
	vm1 =	vgt.f32 v44, $0.0e+00  }
0x2c9: {  	(xrf2) =	vadd.scan.msk.f32 $0xffff, v10;
	v59 =	vld [tilespmem:s16+$0xD050];
	v10 =	vbroadcast v56, $0x0;
	v52 =	vsel vm1, v44, v62;
	v8 =	vmul.f32 v37, v8  }
0x2ca: {  	v60 =	vld [tilespmem:s16+$0x11050];
	v34 =	vadd.f32 v57, v34;
	v61 =	vmul.f32 $2.000000030e-01, v58;
	vm1 =	vgt.f32 v58, $0.0e+00  }
0x2cb: {  	v46 =	vld [tilespmem:s16+$0x11060];
	v62 =	vadd.f32 v51, v63;
	v44 =	vand.u32 $0xFFFFFFF7, v21;
	v6 =	vmul.f32 v52, v6  }
0x2cc: {  	(xrf2) =	vadd.scan.msk.f32 $0xffff, v13;
	v63 =	vld [tilespmem:s16+$0xD060];
	v36 =	vadd.f32 v55, v53;
	v8 =	vadd.f32 $0.0e+00, v8;
	v35 =	vsel vm1, v58, v61  }
0x2cd: {  	v48 =	vmul.f32 $2.000000030e-01, v62;
	vm1 =	vgt.f32 v62, $0.0e+00;
	v61 =	vadd.f32 v49, v47  }
0x2ce: {  	v5 =	vmul.f32 v35, v5;
	v51 =	vmul.f32 $2.000000030e-01, v36;
	v6 =	vadd.f32 v6, v8  }
0x2cf: {  	v13 =	vadd.f32 v60, v59;
	v50 =	vsel vm1, v62, v48;
	vm1 =	vgt.f32 v36, $0.0e+00  }
0x2d0: {  	v56 =	vld [tilespmem:s16+$0x11070];
	v60 =	vmul.f32 v40, v3;
	v4 =	vmul.f32 v50, v4;
	v5 =	vadd.f32 v5, v6  }
0x2d1: {  	v55 =	vld [tilespmem:s16+$0xD070];
	v8 =	vsel vm1, v36, v51;
	v54 =	vadd.f32 v46, v63;
	v53 =	vmul.f32 $2.000000030e-01, v13  }
0x2d2: {  	vm1 =	vgt.f32 v13, $0.0e+00;
	v2 =	vmul.f32 v8, v2;
	v4 =	vadd.f32 v4, v5  }
0x2d3: {  	v52, _, _ =	vpop (xrf2);
	(xrf2) =	vadd.scan.msk.f32 $0xffff, v14;
	v40 =	vbroadcast v39, $0x0;
	v62 =	vmul.f32 $2.000000030e-01, v54;
	v57 =	vsel vm1, v13, v53  }
0x2d4: {  	[tilespmem:v10+s24+$0x0] =	vst.idx.msk vm0, v52;
	vm1 =	vgt.f32 v54, $0.0e+00;
	v3 =	vmul.f32 v57, v3;
	v2 =	vadd.f32 v2, v4  }
0x2d5: {  	v58, _, _ =	vpop (xrf2);
	(xrf2) =	vadd.scan.msk.f32 $0xffff, v16;
	v63 =	vadd.f32 v60, v34;
	v34 =	vmul.f32 v45, v1;
	v14 =	vsel vm1, v54, v62  }
0x2d6: {  	v59, _, _ =	vpop (xrf2);
	(xrf2) =	vadd.scan.msk.f32 $0xffff, v19;
	v37 =	vadd.f32 v56, v55;
	v1 =	vmul.f32 v14, v1;
	v2 =	vadd.f32 v3, v2  }
0x2d7: {  	[tilespmem:v9+s24+$0x0] =	vst.idx.msk vm0, v58;
	v9 =	vbroadcast v41, $0x0;
	(xrf2) =	vadd.scan.msk.f32 $0xffff, v22;
	v3 =	vmul.f32 $2.000000030e-01, v61  }
0x2d8: {  	(xrf2) =	vadd.scan.msk.f32 $0xffff, v23;
	vm1 =	vgt.f32 v61, $0.0e+00;
	v1 =	vadd.f32 v1, v2;
	v2 =	vmul.f32 $2.000000030e-01, v37  }
0x2d9: {  	v8 =	vbroadcast v38, $0x0;
	(xrf2) =	vadd.scan.msk.f32 $0xffff, v24;
	v3 =	vsel vm1, v61, v3;
	vm1 =	vgt.f32 v37, $0.0e+00  }
0x2da: {  	[tilespmem:v15+s24+$0x0] =	vst.idx.msk vm0, v59;
	v15 =	vmul.f32 v43, v7;
	(xrf2) =	vadd.scan.msk.f32 $0xffff, v27;
	v2 =	vsel vm1, v37, v2  }
0x2db: {  	v4 =	vadd.f32 v34, v63;
	(xrf2) =	vadd.scan.msk.f32 $0xffff, v28;
	v3 =	vmul.f32 v3, v7;
	v2 =	vmul.f32 v2, v7  }
0x2dc: {  	v10 =	vbroadcast v44, $0x0;
	v43 =	vbroadcast v42, $0x0;
	v6 =	vadd.f32 v15, v33;
	(xrf2) =	vadd.scan.msk.f32 $0xffff, v31  }
0x2dd: {  	v45 =	vand.u32 $0xFFFFFFF8, v25;
	(xrf2) =	vadd.scan.msk.f32 $0xffff, v11;
	v3 =	vadd.f32 v3, v4;
	v1 =	vadd.f32 v2, v1  }
0x2de: {  	v32 =	vmov s12;
	v47 =	vand.u32 $0xFFFFFFF9, v26;
	v46, _, _ =	vpop (xrf2);
	(xrf2) =	vadd.scan.msk.f32 $0xffff, v6;
	v2 =	vbroadcast v45, $0x0  }
0x2df: {  	v49 =	vand.u32 $0xFFFFFFFA, v29;
	[tilespmem:v8+s24+$0x0] =	vst.idx.msk vm0, v46;
	v48, _, _ =	vpop (xrf2);
	(xrf2) =	vadd.scan.msk.f32 $0xffff, v3;
	v3 =	vbroadcast v47, $0x0  }
0x2e0: {  	v51 =	vbroadcast v49, $0x0;
	v52 =	vand.u32 $0xFFFFFFFB, v30;
	[tilespmem:v40+s24+$0x0] =	vst.idx.msk vm0, v48;
	v50, _, _ =	vpop (xrf2);
	(xrf2) =	vadd.scan.msk.f32 $0xffff, v1  }
0x2e1: {  	v55 =	vand.u32 $0xFFFFFFFC, v32;
	v53 =	vmov s2;
	v54 =	vbroadcast v52, $0x0;
	[tilespmem:v9+s24+$0x0] =	vst.idx.msk vm0, v50;
	v1, _, _ =	vpop (xrf2)  }
0x2e2: {  	v58 =	vmov s17;
	v57 =	vand.u32 $0xFFFFFFFD, v53;
	v56, _, _ =	vpop (xrf2);
	[tilespmem:v43+s24+$0x0] =	vst.idx.msk vm0, v1;
	v1 =	vbroadcast v55, $0x0  }
0x2e3: {  	v6 =	vbroadcast v57, $0x0;
	v7 =	vand.u32 $0xFFFFFFFE, v58;
	v59, _, _ =	vpop (xrf2);
	[tilespmem:v10+s24+$0x0] =	vst.idx.msk vm0, v56  }
0x2e4: {  	v60, _, _ =	vpop (xrf2);
	[tilespmem:v2+s24+$0x0] =	vst.idx.msk vm0, v59;
	v2 =	vbroadcast v7, $0x0  }
0x2e5: {  	v61, _, _ =	vpop (xrf2);
	[tilespmem:v3+s24+$0x0] =	vst.idx.msk vm0, v60  }
0x2e6: {  	p0 =	slt.u32 s14, $0x70;
	v62 =	vmov s13;
	v3, _, _ =	vpop (xrf2);
	[tilespmem:v51+s24+$0x0] =	vst.idx.msk vm0, v61  }
.Ltmp1:
0x2e7: {  	v63, _, _ =	vpop (xrf2);
	[tilespmem:v54+s24+$0x0] =	vst.idx.msk vm0, v3;
	(pc) =	sbr.rel @p0 .LBB2_5-.Ltmp1, $4  }
0x2e8: {  	v3, _, _ =	vpop (xrf2);
	[tilespmem:v1+s24+$0x0] =	vst.idx.msk vm0, v63  }
0x2e9: {  	v1, _, _ =	vpop (xrf2);
	[tilespmem:v6+s24+$0x0] =	vst.idx.msk vm0, v3  }
0x2ea: {  	s17 =	sadd.s32 $0x10, s14;
	[tilespmem:v2+s24+$0x0] =	vst.idx.msk vm0, v1;
	v1, _, _ =	vpop (xrf2)  }
0x2eb: {  	s14 =	smov.u32 s17;
	[tilespmem:v62+s24+$0x0] =	vst.idx.msk vm0, v1  }
0x2ec: {  	v1 =	vld [tilespmem:$0x15080]  }
0x2ed: {  	v2 =	vld [tilespmem:$0x15090]  }
0x2ee: {  	v3 =	vld [tilespmem:$0x150A0]  }
0x2ef: {  	v4 =	vld [tilespmem:$0x150B0]  }
0x2f0: {  	v5 =	vld [tilespmem:$0x150C0]  }
0x2f1: {  	v6 =	vld [tilespmem:$0x150D0];
	v1 =	vmul.f32 $1.442695020e+00, v1  }
0x2f2: {  	v7 =	vld [tilespmem:$0x150E0];
	v2 =	vmul.f32 $1.442695020e+00, v2  }
0x2f3: {  	(erf) = vpow2.f32 v1;
	v1 =	vmul.f32 $1.442695020e+00, v3;
	v3 =	vld [tilespmem:$0x150F0]  }
0x2f4: {  	(erf) = vpow2.f32 v2;
	v2 =	vmul.f32 $1.442695020e+00, v4  }
0x2f5: {  	(erf) = vpow2.f32 v1;
	v1 =	vmul.f32 $1.442695020e+00, v5  }
0x2f6: {  	(erf) = vpow2.f32 v2;
	v2 =	vmul.f32 $1.442695020e+00, v6  }
0x2f7: {  	(erf) = vpow2.f32 v1;
	v1 =	vmul.f32 $1.442695020e+00, v7  }
0x2f8: {  	(erf) = vpow2.f32 v2;
	v2 =	vmul.f32 $1.442695020e+00, v3  }
0x2f9: {  	(erf) = vpow2.f32 v1  }
0x2fa: {  	(erf) = vpow2.f32 v2  }
0x2fb: {  	s1 =	sadd.s32 s8, s3  }
0x2fc: {  	p0 =	slt.u32 s1, $0x9C4;
	v1 =	vpop (erf)  }
0x2fd: {  	v2 =	vpop (erf);
	v1 =	vpsel !p0, $0x0, v1  }
0x2fe: {  	v3 =	vpop (erf);
	[tilespmem:$0x15180] =	vst v1;
	v1 =	vpsel !p0, $0x0, v2  }
0x2ff: {  	v2 =	vpop (erf);
	[tilespmem:$0x15190] =	vst v1;
	v1 =	vpsel !p0, $0x0, v3  }
0x300: {  	v3 =	vpop (erf);
	[tilespmem:$0x151A0] =	vst v1;
	v1 =	vpsel !p0, $0x0, v2  }
0x301: {  	v2 =	vpop (erf);
	[tilespmem:$0x151B0] =	vst v1;
	v1 =	vpsel !p0, $0x0, v3  }
0x302: {  	v3 =	vpop (erf);
	[tilespmem:$0x151C0] =	vst v1;
	v1 =	vpsel !p0, $0x0, v2  }
0x303: {  	s1 =	sshll.u32 s1, $0x4;
	[tilespmem:$0x151D0] =	vst v1;
	v1 =	vpsel !p0, $0x0, v3;
	v2 =	vpop (erf)  }
0x304: {  	s1 =	sand.u32 $0x1FFFFFF0, s1;
	[tilespmem:$0x151E0] =	vst v1;
	v1 =	vpsel !p0, $0x0, v2  }
0x305: {  	s1 =	sadd.s32 s7, s1;
	[tilespmem:$0x151F0] =	vst v1  }
0x306: {  	[hbm4b:s1+s5] =	stream.linear.scatter [tilespmem:s28], [sflag:$0x3], $0x80, $0x38;
	[tilespmem:$0x15700] =	vst v63  }
0x307: {  	s30 =	sadd.s32 $0x1, s30;
	_ =	swait.ge [sflag:s15], $0x80  }
0x308: {  	p0 =	sne.s32 s30, $0x28;
	[sflag:s15] =	ssyncset.done $0x0  }
.Ltmp2:
0x309: {  	[sflag:s15] =	ssyncadd.s32 $0xFFFFFF80;
	(pc) =	sbr.rel @p0 .LBB2_2-.Ltmp2, $4  }
0x30a: {  	[spmem:s4] =	stream.indirect.scatter.add.f32 [tilespmem:s28], [sflag:$0x3], $0x1, s31, s18, $0xb8;
	[tilespmem:$0x15700] =	vst v63  }
0x30b: {  	_ =	swait.ge [sflag:s15], $0x80  }
0x30c: {  	[sflag:s15] =	ssyncset.done $0x0  }
0x30d: {  	[sflag:s15] =	ssyncadd.s32 $0xFFFFFF80  }
0x30e: {  	s1 =	stileid.u32  }
0x30f: {  	[bflag:$0x0] =	sbarrier.arrive $0xFFFF;
	s1 =	sshll.u32 s1, $0x6  }
0x310: {  	s2 =	sshrl.u32 s9, $0x3;
	s3 =	rddreg [dreg:$0x9];
	s1 =	sor.u32 $0x1C03, s1  }
0x311: {  	[hbm:s3], [sflag:s1] =	dma.local [spmem:s2], $0x50  }
0x312: {  	_ =	swait.ge [sflag:s15], $0x50  }
0x313: {  	s29 =	sadd.s32 $0x1, s29;
	s31 =	rddreg [dreg:$0x8]  }
0x314: {  	p0 =	sne.s32 s29, s31  }
.Ltmp3:
0x315: {  	_ = 	snop;
	(pc) =	sbr.rel @p0 .LBB2_1-.Ltmp3, $3  }
0x316: {  	_ =	sdelay $0x1  }
0x317: {  	[sflag:s15] =	ssyncset.done $0x0  }
0x318: {  	[sflag:s15] =	ssyncadd.s32 $0xFFFFFFB0  }
0x319: {  	_ =	sfence.sel $0x180000  }
0x31a: {  	[bflag:$0x0] =	sbarrier.arrive $0xFFFF  }
0x31b: {  	_ =	strace $0x90000047  }
0x31c: {  	s0 =	stileid.u32;
	[bflag:$0x2] =	sbarrier.arrive $0xFFFF  }
0x31d: {  	p0 =	sne.s32 s0, $0x0;
	s0 =	rddreg [dreg:$0x5]  }
0x31e: {  	s0 =	sadd.s32 @!p0 $0x100000, s0  }
0x31f: {  	[sflag:s0] =	ssyncadd.tile.s32 @!p0 $0x1;
	_ =	shalt  }
.Lfunc_end2:
_tile_overlayer_lowered:
.L_overlay_start_2:
0x320: {  	(tag) =	ssettag $0x2  }
0x321: {  	s0 =	rddreg [dreg:$0x0];
	s2 =	stileid.u32  }
0x322: {  	s1 =	rddreg [dreg:$0x1];
	p0 =	sne.s32 s2, $0x0  }
0x323: {  	s3 =	rddreg [dreg:$0x2];
	[bflag:$0x3] =	sbarrier.arrive $0xFFFF;
	s2 =	simm.s32 @!p0 $0x1C03  }
0x324: {  	[timem:s3], [sflag:s2] =	dma.local @!p0 [hbm:s0], s1  }
0x325: {  	s0 =	simm.s32 @!p0 $0x3  }
0x326: {  	_ =	swait.ge @!p0 [sflag:s0], s1  }
0x327: {  	s1 =	ssub.s32 @!p0 $0x0, s1;
	[sflag:s0] =	ssyncset.done @!p0 $0x0  }
0x328: {  	[sflag:s0] =	ssyncadd.s32 @!p0 s1  }
0x329: {  	[bflag:$0x3] =	sbarrier.arrive $0xFFFF  }
0x32a: {  	_ =	shalt  }

</sc_bundles>
